<compile_context>
chip_gen: v7x
topology: tpu7x:2x2x1
jax: 0.10.2.dev20260603
libtpu: 0.0.44.dev20260713+nightly
codegen_flags: <defaults>
</compile_context>

<pallas_src>
import numpy as np
import jax
import jax.numpy as jnp
from jax import lax
from jax.experimental import pallas as pl
from jax.experimental.pallas import tpu as pltpu
from jax.experimental.pallas import tpu_sc as plsc

_RADII = np.array([
    0.2, 0.31, 0.28, 1.28, 0.96, 0.84, 0.76, 0.71, 0.66, 0.57,
    0.58, 1.66, 1.41, 1.21, 1.11, 1.07, 1.05, 1.02, 1.06, 2.03,
    1.76, 1.70, 1.60, 1.53, 1.39, 1.39, 1.32, 1.26, 1.24, 1.32,
    1.22, 1.22, 1.20, 1.19, 1.20, 1.20, 1.16, 2.20, 1.95, 1.90,
    1.75, 1.64, 1.54, 1.47, 1.46, 1.42, 1.39, 1.45, 1.44, 1.42,
    1.39, 1.39, 1.38, 1.39, 1.40, 2.44, 2.15, 2.07, 2.04, 2.03,
    2.01, 1.99, 1.98, 1.98, 1.96, 1.94, 1.92, 1.92, 1.89, 1.90,
    1.87, 1.87, 1.75, 1.70, 1.62, 1.51, 1.44, 1.41, 1.36, 1.36,
    1.32, 1.45, 1.46, 1.48, 1.40, 1.50, 1.50, 2.60, 2.21, 2.15,
    2.06, 2.00, 1.96, 1.90, 1.87, 1.80, 1.69, 0.2, 0.2, 0.2,
    0.2, 0.2, 0.2, 0.2, 0.2, 0.2, 0.2, 0.2, 0.2, 0.2,
    0.2, 0.2, 0.2, 0.2, 0.2, 0.2, 0.2, 0.2, 0.2], dtype=np.float32)

_Q = np.float32(0.9183)
_P = np.float32(4.5791)
_A = np.float32(1.0805)
_LN2 = np.float32(0.6931471805599453)

_LN1P = [np.float32(c) for c in (
    2.4139036325365737e-09, 0.9999996692323803, -0.4999887596399388,
    0.33316691900963746, -0.2486582066539632, 0.193376371107157,
    -0.1451764592055529, 0.0947037960697186, -0.04713346543609073,
    0.015145372355873089, -0.00228806042676267)]

_N_NODES = 100000
_N_ELEM = 10
_E = 6400000
_NC, _NS, _L = 2, 16, 16
_NW = _NC * _NS
_A_NODES = 400
_A_G = _A_NODES // _L
_A_CH = _N_NODES // _A_NODES
_A_IT = 16
_EPT = _E // _NW
_B_CH = 100
_B_N = _EPT // _B_CH
_B_G = _B_N // _L


def _ln(v):
    bits = plsc.bitcast(v, jnp.int32)
    ex = (bits >> 23) - 127
    m = plsc.bitcast((bits & 0x007FFFFF) | 0x3F800000, jnp.float32)
    t = m - np.float32(1.0)
    p = t * np.float32(0.0) + _LN1P[10]
    for k in range(9, -1, -1):
        p = p * t + _LN1P[k]
    return ex.astype(jnp.float32) * _LN2 + p


def _sc_body(x_hbm, attrs_hbm, edge_hbm, radii_hbm, anum_hbm,
             out_hbm,
             radii_v, anum_v, radelem_v, attrs_v, radch_v, table_sh, table_v,
             s_v, r_v, xx_v, o_v, sem_s, sem_r, sem_x, sem_o):
    cid = lax.axis_index("c")
    sid = lax.axis_index("s")
    iota = lax.iota(jnp.int32, _L)

    pltpu.sync_copy(radii_hbm, radii_v)
    pltpu.sync_copy(anum_hbm, anum_v)
    radelem_v[...] = plsc.load_gather(radii_v, [anum_v[...]])

    def a_chunk(i, carry):
        c = i * _NS + sid

        @pl.when(c < _A_CH)
        def _do():
            pltpu.sync_copy(
                attrs_hbm.at[pl.ds(c * _A_NODES * _N_ELEM, _A_NODES * _N_ELEM)],
                attrs_v)

            @plsc.parallel_loop(0, _A_G, unroll=2)
            def a_group(g):
                rows = (g * _L + iota) * _N_ELEM
                mx = plsc.load_gather(attrs_v, [rows])
                am = jnp.zeros((_L,), jnp.int32)
                for j in range(1, _N_ELEM):
                    val = plsc.load_gather(attrs_v, [rows + j])
                    upd = val > mx
                    mx = jnp.where(upd, val, mx)
                    am = jnp.where(upd, j, am)
                radch_v[pl.ds(g * _L, _L)] = plsc.load_gather(radelem_v, [am])

            pltpu.sync_copy(radch_v, table_sh.at[pl.ds(c * _A_NODES, _A_NODES)])

        return carry

    lax.fori_loop(0, _A_IT, a_chunk, 0)
    plsc.subcore_barrier()
    pltpu.sync_copy(table_sh, table_v)

    ebase = (cid * _NS + sid) * _EPT

    def in_descs(c, b):
        off = ebase + c * _B_N
        dst = pl.ds(b * _B_N, _B_N)
        return (
            (edge_hbm.at[pl.ds(off, _B_N)], s_v.at[dst], sem_s.at[b]),
            (edge_hbm.at[pl.ds(_E + off, _B_N)], r_v.at[dst], sem_r.at[b]),
            (x_hbm.at[pl.ds(off, _B_N)], xx_v.at[dst], sem_x.at[b]),
        )

    def out_desc(c, b):
        off = ebase + c * _B_N
        return (o_v.at[pl.ds(b * _B_N, _B_N)], out_hbm.at[pl.ds(off, _B_N)],
                sem_o.at[b])

    def start_in(c, b):
        for src, dst, sem in in_descs(c, b):
            pltpu.async_copy(src, dst, sem)

    def compute(c, b):
        bo = b * _B_N

        @plsc.parallel_loop(0, _B_G, unroll=8)
        def b_group(g):
            sl = pl.ds(bo + g * _L, _L)
            ru = plsc.load_gather(table_v, [s_v[sl]])
            rw = plsc.load_gather(table_v, [r_v[sl]])
            r0 = np.float32(0.5) * (ru + rw)
            u = _ln(xx_v[sl] / r0)
            u = jnp.minimum(jnp.maximum(u, np.float32(-18.0)), np.float32(18.0))
            e1 = jnp.exp(_Q * u)
            e2 = jnp.exp((_Q - _P) * u)
            d = np.float32(1.0) + e2
            o_v[sl] = d / (d + _A * e1)

    start_in(0, 0)

    @pl.loop(0, _B_CH, step=2)
    def b_pair(c0):
        for b in (0, 1):
            c = c0 + b

            @pl.when(c + 1 < _B_CH)
            def _prefetch():
                start_in(c + 1, 1 - b)

            for src, dst, sem in in_descs(c, b):
                pltpu.make_async_copy(src, dst, sem).wait()

            @pl.when(c >= 2)
            def _drain_out():
                src, dst, sem = out_desc(c - 2, b)
                pltpu.make_async_copy(src, dst, sem).wait()

            compute(c, b)
            src, dst, sem = out_desc(c, b)
            pltpu.async_copy(src, dst, sem)

    for c, b in ((_B_CH - 2, 0), (_B_CH - 1, 1)):
        src, dst, sem = out_desc(c, b)
        pltpu.make_async_copy(src, dst, sem).wait()


def kernel(x, node_attrs, edge_index, atomic_numbers):
    radii128 = jnp.pad(jnp.asarray(_RADII), (0, 128 - _RADII.shape[0]))
    anum16 = jnp.pad(atomic_numbers, (0, 16 - _N_ELEM))
    x_flat = x.reshape(_E)
    attrs_flat = node_attrs.reshape(_N_NODES * _N_ELEM)
    edge_flat = edge_index.reshape(2 * _E)

    mesh = plsc.VectorSubcoreMesh(core_axis_name="c", subcore_axis_name="s")
    f = pl.kernel(
        _sc_body,
        out_type=jax.ShapeDtypeStruct((_E,), jnp.float32),
        mesh=mesh,
        compiler_params=pltpu.CompilerParams(needs_layout_passes=False),
        scratch_types=[
            pltpu.VMEM((128,), jnp.float32),
            pltpu.VMEM((16,), jnp.int32),
            pltpu.VMEM((16,), jnp.float32),
            pltpu.VMEM((_A_NODES * _N_ELEM,), jnp.float32),
            pltpu.VMEM((_A_NODES,), jnp.float32),
            pltpu.VMEM_SHARED((_N_NODES,), jnp.float32),
            pltpu.VMEM((_N_NODES,), jnp.float32),
            pltpu.VMEM((2 * _B_N,), jnp.int32),
            pltpu.VMEM((2 * _B_N,), jnp.int32),
            pltpu.VMEM((2 * _B_N,), jnp.float32),
            pltpu.VMEM((2 * _B_N,), jnp.float32),
            pltpu.SemaphoreType.DMA((2,)),
            pltpu.SemaphoreType.DMA((2,)),
            pltpu.SemaphoreType.DMA((2,)),
            pltpu.SemaphoreType.DMA((2,)),
        ],
    )
    return f(x_flat, attrs_flat, edge_flat, radii128, anum16).reshape(_E, 1)

# --- scband reference (transcript-rebuilt; emitter-appended) ---
"""Pipeline reference for scband-agnesi-transform-57045755625868 (READ-ONLY COPY).

The authoritative reference and input builder live on the scoring server;
editing this copy changes nothing except your own understanding.
"""

import jax, jax.numpy as jnp
import numpy as np

# ase.data.covalent_radii (Cordero et al.), length 119, missing = 0.2
COVALENT_RADII = jnp.array([
    0.2, 0.31, 0.28, 1.28, 0.96, 0.84, 0.76, 0.71, 0.66, 0.57,
    0.58, 1.66, 1.41, 1.21, 1.11, 1.07, 1.05, 1.02, 1.06, 2.03,
    1.76, 1.70, 1.60, 1.53, 1.39, 1.39, 1.32, 1.26, 1.24, 1.32,
    1.22, 1.22, 1.20, 1.19, 1.20, 1.20, 1.16, 2.20, 1.95, 1.90,
    1.75, 1.64, 1.54, 1.47, 1.46, 1.42, 1.39, 1.45, 1.44, 1.42,
    1.39, 1.39, 1.38, 1.39, 1.40, 2.44, 2.15, 2.07, 2.04, 2.03,
    2.01, 1.99, 1.98, 1.98, 1.96, 1.94, 1.92, 1.92, 1.89, 1.90,
    1.87, 1.87, 1.75, 1.70, 1.62, 1.51, 1.44, 1.41, 1.36, 1.36,
    1.32, 1.45, 1.46, 1.48, 1.40, 1.50, 1.50, 2.60, 2.21, 2.15,
    2.06, 2.00, 1.96, 1.90, 1.87, 1.80, 1.69, 0.2, 0.2, 0.2,
    0.2, 0.2, 0.2, 0.2, 0.2, 0.2, 0.2, 0.2, 0.2, 0.2,
    0.2, 0.2, 0.2, 0.2, 0.2, 0.2, 0.2, 0.2, 0.2], dtype=jnp.float32)

Q = jnp.float32(0.9183)
P = jnp.float32(4.5791)
A = jnp.float32(1.0805)

N_NODES = 100000
N_EDGES = 6400000
N_ELEM = 10


def setup_inputs(seed: int = 0) -> dict:
    key = jax.random.key(seed)
    k1, k2, k3, k4 = jax.random.split(key, 4)
    x = jax.random.uniform(k1, (N_EDGES, 1), dtype=jnp.float32)
    node_attrs = jax.random.uniform(k2, (N_NODES, N_ELEM), dtype=jnp.float32)
    edge_index = jax.random.randint(k3, (2, N_EDGES), 0, N_NODES, dtype=jnp.int32)
    atomic_numbers = jax.random.randint(k4, (N_ELEM,), 0, 90, dtype=jnp.int32)
    return {"x": x, "node_attrs": node_attrs, "edge_index": edge_index, "atomic_numbers": atomic_numbers}


def reference(x, node_attrs, edge_index, atomic_numbers):
    sender = edge_index[0]
    receiver = edge_index[1]
    node_atomic_numbers = jnp.take(atomic_numbers, jnp.argmax(node_attrs, axis=1), axis=0)[:, None]
    Z_u = jnp.take(node_atomic_numbers, sender, axis=0)
    Z_v = jnp.take(node_atomic_numbers, receiver, axis=0)
    r_0 = 0.5 * (COVALENT_RADII[Z_u] + COVALENT_RADII[Z_v])
    ratio = x / r_0
    return (1.0 + A * ratio ** Q / (1.0 + ratio ** (Q - P))) ** (-1)

if __name__ == "__main__":
    import jax
    _d = setup_inputs()
    print(jax.jit(kernel)(*tuple(_d.values())))

</pallas_src>

<mosaic_0001>
#map = affine_map<(d0, d1) -> (0)>
module attributes {stable_mosaic.version = 14 : i64} {
  func.func @_sc_body(%arg0: i32, %arg1: i32, %arg2: memref<6400000xf32, #tpu.memory_space<hbm>>, %arg3: memref<1000000xf32, #tpu.memory_space<hbm>>, %arg4: memref<12800000xi32, #tpu.memory_space<hbm>>, %arg5: memref<128xf32, #tpu.memory_space<hbm>>, %arg6: memref<16xi32, #tpu.memory_space<hbm>>, %arg7: memref<6400000xf32, #tpu.memory_space<hbm>>, %arg8: memref<128xf32, #tpu.memory_space<vmem>>, %arg9: memref<16xi32, #tpu.memory_space<vmem>>, %arg10: memref<16xf32, #tpu.memory_space<vmem>>, %arg11: memref<4000xf32, #tpu.memory_space<vmem>>, %arg12: memref<400xf32, #tpu.memory_space<vmem>>, %arg13: memref<100000xf32, #tpu.memory_space<vmem_shared>>, %arg14: memref<100000xf32, #tpu.memory_space<vmem>>, %arg15: memref<4000xi32, #tpu.memory_space<vmem>>, %arg16: memref<4000xi32, #tpu.memory_space<vmem>>, %arg17: memref<4000xf32, #tpu.memory_space<vmem>>, %arg18: memref<4000xf32, #tpu.memory_space<vmem>>, %arg19: memref<2x!tpu.dma_semaphore, #tpu.memory_space<semaphore_mem>>, %arg20: memref<2x!tpu.dma_semaphore, #tpu.memory_space<semaphore_mem>>, %arg21: memref<2x!tpu.dma_semaphore, #tpu.memory_space<semaphore_mem>>, %arg22: memref<2x!tpu.dma_semaphore, #tpu.memory_space<semaphore_mem>>) attributes {dimension_semantics = [#tpu.dimension_semantics<core_parallel>, #tpu.dimension_semantics<subcore_parallel>], iteration_bounds = array<i64: 2, 16>, scalar_prefetch = 0 : i64, scratch_operands = 15 : i64, tpu.core_type = #tpu.core_type<sc_vector_subcore>, window_params = [{transform_indices = #map}, {transform_indices = #map}, {transform_indices = #map}, {transform_indices = #map}, {transform_indices = #map}, {transform_indices = #map}]} {
    %iota3A = tpu.iota {dimensions = array<i32: 0>} : vector<16xi32>
    "tpu.region"() ({
      %run_scoped3A = tpu.sem_alloc : memref<!tpu.dma_semaphore, #tpu.memory_space<semaphore_mem>>
      tpu.enqueue_dma source(%arg5 : memref<128xf32, #tpu.memory_space<hbm>>) target(%arg8 : memref<128xf32, #tpu.memory_space<vmem>>) target_semaphore(%run_scoped3A : memref<!tpu.dma_semaphore, #tpu.memory_space<semaphore_mem>>)
      tpu.wait_dma2 semaphore(%run_scoped3A : memref<!tpu.dma_semaphore, #tpu.memory_space<semaphore_mem>>) src(%arg5 : memref<128xf32, #tpu.memory_space<hbm>>) dst(%arg8 : memref<128xf32, #tpu.memory_space<vmem>>)
      tpu.yield
    }) : () -> ()
    "tpu.region"() ({
      %run_scoped3A = tpu.sem_alloc : memref<!tpu.dma_semaphore, #tpu.memory_space<semaphore_mem>>
      tpu.enqueue_dma source(%arg6 : memref<16xi32, #tpu.memory_space<hbm>>) target(%arg9 : memref<16xi32, #tpu.memory_space<vmem>>) target_semaphore(%run_scoped3A : memref<!tpu.dma_semaphore, #tpu.memory_space<semaphore_mem>>)
      tpu.wait_dma2 semaphore(%run_scoped3A : memref<!tpu.dma_semaphore, #tpu.memory_space<semaphore_mem>>) src(%arg6 : memref<16xi32, #tpu.memory_space<hbm>>) dst(%arg9 : memref<16xi32, #tpu.memory_space<vmem>>)
      tpu.yield
    }) : () -> ()
    %get3A = arith.constant 0 : index
    %get3A_0 = tpu.vector_load %arg9[%get3A] {strides = array<i32>} : memref<16xi32, #tpu.memory_space<vmem>>, vector<16xi32>,
    %gather3A = tpu.vector_load_idx %arg8[%get3A_0] : memref<128xf32, #tpu.memory_space<vmem>>[vector<16xi32>], vector<16xf32>,
    %swap3A = arith.constant 0 : index
    %swap3A_1 = tpu.vector_load %arg10[%swap3A] {strides = array<i32>} : memref<16xf32, #tpu.memory_space<vmem>>, vector<16xf32>,
    tpu.vector_store %arg10[%swap3A], %gather3A {strides = array<i32>} : memref<16xf32, #tpu.memory_space<vmem>>, vector<16xf32>,
    %scan3A = arith.constant 0 : i32
    %scan3A_2 = arith.constant 0 : i32
    %scan3A_3 = arith.constant 16 : i32
    %scan3A_4 = arith.addi %scan3A_2, %scan3A_3 : i32
    %scan3A_5 = arith.constant 1 : i32
    scf.for %scan3A_66 = %scan3A_2 to %scan3A_4 step %scan3A_5  : i32 {
      %mul3A_67 = arith.constant 16 : i32
      %mul3A_68 = arith.muli %scan3A_66, %mul3A_67 : i32
      %add3A_69 = arith.addi %mul3A_68, %arg1 : i32
      %lt3A = arith.constant 250 : i32
      %lt3A_70 = arith.cmpi slt, %add3A_69, %lt3A : i32
      %convert_element_type3A = arith.extui %lt3A_70 : i1 to i32
      %cond3A = arith.constant 0 : i32
      %cond3A_71 = arith.cmpi ne, %convert_element_type3A, %cond3A : i32
      scf.if %cond3A_71 {
        %mul3A_72 = arith.constant 400 : i32
        %mul3A_73 = arith.muli %add3A_69, %mul3A_72 : i32
        %mul3A_74 = arith.constant 10 : i32
        %mul3A_75 = arith.muli %mul3A_73, %mul3A_74 : i32
        "tpu.region"() ({
          %run_scoped3A = tpu.sem_alloc : memref<!tpu.dma_semaphore, #tpu.memory_space<semaphore_mem>>
          %dma_start3A_80 = tpu.memref_slice %arg3[%mul3A_75] : memref<1000000xf32, #tpu.memory_space<hbm>> -> memref<4000xf32, #tpu.memory_space<hbm>>
          %dma_start3A_81 = tpu.memref_slice %arg3[%mul3A_75] : memref<1000000xf32, #tpu.memory_space<hbm>> -> memref<4000xf32, #tpu.memory_space<hbm>>
          tpu.enqueue_dma source(%dma_start3A_81 : memref<4000xf32, #tpu.memory_space<hbm>>) target(%arg11 : memref<4000xf32, #tpu.memory_space<vmem>>) target_semaphore(%run_scoped3A : memref<!tpu.dma_semaphore, #tpu.memory_space<semaphore_mem>>)
          %dma_wait3A_82 = tpu.memref_slice %arg3[%mul3A_75] : memref<1000000xf32, #tpu.memory_space<hbm>> -> memref<4000xf32, #tpu.memory_space<hbm>>
          %dma_wait3A_83 = tpu.memref_slice %arg3[%mul3A_75] : memref<1000000xf32, #tpu.memory_space<hbm>> -> memref<4000xf32, #tpu.memory_space<hbm>>
          tpu.wait_dma2 semaphore(%run_scoped3A : memref<!tpu.dma_semaphore, #tpu.memory_space<semaphore_mem>>) src(%dma_wait3A_83 : memref<4000xf32, #tpu.memory_space<hbm>>) dst(%arg11 : memref<4000xf32, #tpu.memory_space<vmem>>)
          tpu.yield
        }) : () -> ()
        %parallel_loop3A = arith.constant 0 : i32
        %parallel_loop3A_76 = arith.constant 25 : i32
        %parallel_loop3A_77 = arith.constant 1 : i32
        scf.for %parallel_loop3A_80 = %parallel_loop3A to %parallel_loop3A_76 step %parallel_loop3A_77  : i32 {
          %parallel_loop3A_81 = arith.constant 16 : i32
          %parallel_loop3A_82 = arith.muli %parallel_loop3A_80, %parallel_loop3A_81 : i32
          %parallel_loop3A_83 = vector.broadcast %parallel_loop3A_82 : i32 to vector<16xi32>
          %parallel_loop3A_84 = arith.addi %parallel_loop3A_83, %iota3A : vector<16xi32>
          %parallel_loop3A_85 = arith.constant 10 : i32
          %parallel_loop3A_86 = vector.broadcast %parallel_loop3A_85 : i32 to vector<16xi32>
          %parallel_loop3A_87 = arith.muli %parallel_loop3A_84, %parallel_loop3A_86 : vector<16xi32>
          %parallel_loop3A_88 = tpu.vector_load_idx %arg11[%parallel_loop3A_87] : memref<4000xf32, #tpu.memory_space<vmem>>[vector<16xi32>], vector<16xf32>,
          %parallel_loop3A_89 = arith.constant 0 : i32
          %parallel_loop3A_90 = vector.broadcast %parallel_loop3A_89 : i32 to vector<16xi32>
          %parallel_loop3A_91 = arith.constant 1 : i32
          %parallel_loop3A_92 = vector.broadcast %parallel_loop3A_91 : i32 to vector<16xi32>
          %parallel_loop3A_93 = arith.addi %parallel_loop3A_87, %parallel_loop3A_92 : vector<16xi32>
          %parallel_loop3A_94 = tpu.vector_load_idx %arg11[%parallel_loop3A_93] : memref<4000xf32, #tpu.memory_space<vmem>>[vector<16xi32>], vector<16xf32>,
          %parallel_loop3A_95 = arith.cmpf ogt, %parallel_loop3A_94, %parallel_loop3A_88 : vector<16xf32>
          %parallel_loop3A_96 = arith.select %parallel_loop3A_95, %parallel_loop3A_94, %parallel_loop3A_88 : vector<16xi1>, vector<16xf32>
          %parallel_loop3A_97 = arith.constant 1 : i32
          %parallel_loop3A_98 = vector.broadcast %parallel_loop3A_97 : i32 to vector<16xi32>
          %parallel_loop3A_99 = arith.select %parallel_loop3A_95, %parallel_loop3A_98, %parallel_loop3A_90 : vector<16xi1>, vector<16xi32>
          %parallel_loop3A_100 = arith.constant 2 : i32
          %parallel_loop3A_101 = vector.broadcast %parallel_loop3A_100 : i32 to vector<16xi32>
          %parallel_loop3A_102 = arith.addi %parallel_loop3A_87, %parallel_loop3A_101 : vector<16xi32>
          %parallel_loop3A_103 = tpu.vector_load_idx %arg11[%parallel_loop3A_102] : memref<4000xf32, #tpu.memory_space<vmem>>[vector<16xi32>], vector<16xf32>,
          %parallel_loop3A_104 = arith.cmpf ogt, %parallel_loop3A_103, %parallel_loop3A_96 : vector<16xf32>
          %parallel_loop3A_105 = arith.select %parallel_loop3A_104, %parallel_loop3A_103, %parallel_loop3A_96 : vector<16xi1>, vector<16xf32>
          %parallel_loop3A_106 = arith.constant 2 : i32
          %parallel_loop3A_107 = vector.broadcast %parallel_loop3A_106 : i32 to vector<16xi32>
          %parallel_loop3A_108 = arith.select %parallel_loop3A_104, %parallel_loop3A_107, %parallel_loop3A_99 : vector<16xi1>, vector<16xi32>
          %parallel_loop3A_109 = arith.constant 3 : i32
          %parallel_loop3A_110 = vector.broadcast %parallel_loop3A_109 : i32 to vector<16xi32>
          %parallel_loop3A_111 = arith.addi %parallel_loop3A_87, %parallel_loop3A_110 : vector<16xi32>
          %parallel_loop3A_112 = tpu.vector_load_idx %arg11[%parallel_loop3A_111] : memref<4000xf32, #tpu.memory_space<vmem>>[vector<16xi32>], vector<16xf32>,
          %parallel_loop3A_113 = arith.cmpf ogt, %parallel_loop3A_112, %parallel_loop3A_105 : vector<16xf32>
          %parallel_loop3A_114 = arith.select %parallel_loop3A_113, %parallel_loop3A_112, %parallel_loop3A_105 : vector<16xi1>, vector<16xf32>
          %parallel_loop3A_115 = arith.constant 3 : i32
          %parallel_loop3A_116 = vector.broadcast %parallel_loop3A_115 : i32 to vector<16xi32>
          %parallel_loop3A_117 = arith.select %parallel_loop3A_113, %parallel_loop3A_116, %parallel_loop3A_108 : vector<16xi1>, vector<16xi32>
          %parallel_loop3A_118 = arith.constant 4 : i32
          %parallel_loop3A_119 = vector.broadcast %parallel_loop3A_118 : i32 to vector<16xi32>
          %parallel_loop3A_120 = arith.addi %parallel_loop3A_87, %parallel_loop3A_119 : vector<16xi32>
          %parallel_loop3A_121 = tpu.vector_load_idx %arg11[%parallel_loop3A_120] : memref<4000xf32, #tpu.memory_space<vmem>>[vector<16xi32>], vector<16xf32>,
          %parallel_loop3A_122 = arith.cmpf ogt, %parallel_loop3A_121, %parallel_loop3A_114 : vector<16xf32>
          %parallel_loop3A_123 = arith.select %parallel_loop3A_122, %parallel_loop3A_121, %parallel_loop3A_114 : vector<16xi1>, vector<16xf32>
          %parallel_loop3A_124 = arith.constant 4 : i32
          %parallel_loop3A_125 = vector.broadcast %parallel_loop3A_124 : i32 to vector<16xi32>
          %parallel_loop3A_126 = arith.select %parallel_loop3A_122, %parallel_loop3A_125, %parallel_loop3A_117 : vector<16xi1>, vector<16xi32>
          %parallel_loop3A_127 = arith.constant 5 : i32
          %parallel_loop3A_128 = vector.broadcast %parallel_loop3A_127 : i32 to vector<16xi32>
          %parallel_loop3A_129 = arith.addi %parallel_loop3A_87, %parallel_loop3A_128 : vector<16xi32>
          %parallel_loop3A_130 = tpu.vector_load_idx %arg11[%parallel_loop3A_129] : memref<4000xf32, #tpu.memory_space<vmem>>[vector<16xi32>], vector<16xf32>,
          %parallel_loop3A_131 = arith.cmpf ogt, %parallel_loop3A_130, %parallel_loop3A_123 : vector<16xf32>
          %parallel_loop3A_132 = arith.select %parallel_loop3A_131, %parallel_loop3A_130, %parallel_loop3A_123 : vector<16xi1>, vector<16xf32>
          %parallel_loop3A_133 = arith.constant 5 : i32
          %parallel_loop3A_134 = vector.broadcast %parallel_loop3A_133 : i32 to vector<16xi32>
          %parallel_loop3A_135 = arith.select %parallel_loop3A_131, %parallel_loop3A_134, %parallel_loop3A_126 : vector<16xi1>, vector<16xi32>
          %parallel_loop3A_136 = arith.constant 6 : i32
          %parallel_loop3A_137 = vector.broadcast %parallel_loop3A_136 : i32 to vector<16xi32>
          %parallel_loop3A_138 = arith.addi %parallel_loop3A_87, %parallel_loop3A_137 : vector<16xi32>
          %parallel_loop3A_139 = tpu.vector_load_idx %arg11[%parallel_loop3A_138] : memref<4000xf32, #tpu.memory_space<vmem>>[vector<16xi32>], vector<16xf32>,
          %parallel_loop3A_140 = arith.cmpf ogt, %parallel_loop3A_139, %parallel_loop3A_132 : vector<16xf32>
          %parallel_loop3A_141 = arith.select %parallel_loop3A_140, %parallel_loop3A_139, %parallel_loop3A_132 : vector<16xi1>, vector<16xf32>
          %parallel_loop3A_142 = arith.constant 6 : i32
          %parallel_loop3A_143 = vector.broadcast %parallel_loop3A_142 : i32 to vector<16xi32>
          %parallel_loop3A_144 = arith.select %parallel_loop3A_140, %parallel_loop3A_143, %parallel_loop3A_135 : vector<16xi1>, vector<16xi32>
          %parallel_loop3A_145 = arith.constant 7 : i32
          %parallel_loop3A_146 = vector.broadcast %parallel_loop3A_145 : i32 to vector<16xi32>
          %parallel_loop3A_147 = arith.addi %parallel_loop3A_87, %parallel_loop3A_146 : vector<16xi32>
          %parallel_loop3A_148 = tpu.vector_load_idx %arg11[%parallel_loop3A_147] : memref<4000xf32, #tpu.memory_space<vmem>>[vector<16xi32>], vector<16xf32>,
          %parallel_loop3A_149 = arith.cmpf ogt, %parallel_loop3A_148, %parallel_loop3A_141 : vector<16xf32>
          %parallel_loop3A_150 = arith.select %parallel_loop3A_149, %parallel_loop3A_148, %parallel_loop3A_141 : vector<16xi1>, vector<16xf32>
          %parallel_loop3A_151 = arith.constant 7 : i32
          %parallel_loop3A_152 = vector.broadcast %parallel_loop3A_151 : i32 to vector<16xi32>
          %parallel_loop3A_153 = arith.select %parallel_loop3A_149, %parallel_loop3A_152, %parallel_loop3A_144 : vector<16xi1>, vector<16xi32>
          %parallel_loop3A_154 = arith.constant 8 : i32
          %parallel_loop3A_155 = vector.broadcast %parallel_loop3A_154 : i32 to vector<16xi32>
          %parallel_loop3A_156 = arith.addi %parallel_loop3A_87, %parallel_loop3A_155 : vector<16xi32>
          %parallel_loop3A_157 = tpu.vector_load_idx %arg11[%parallel_loop3A_156] : memref<4000xf32, #tpu.memory_space<vmem>>[vector<16xi32>], vector<16xf32>,
          %parallel_loop3A_158 = arith.cmpf ogt, %parallel_loop3A_157, %parallel_loop3A_150 : vector<16xf32>
          %parallel_loop3A_159 = arith.select %parallel_loop3A_158, %parallel_loop3A_157, %parallel_loop3A_150 : vector<16xi1>, vector<16xf32>
          %parallel_loop3A_160 = arith.constant 8 : i32
          %parallel_loop3A_161 = vector.broadcast %parallel_loop3A_160 : i32 to vector<16xi32>
          %parallel_loop3A_162 = arith.select %parallel_loop3A_158, %parallel_loop3A_161, %parallel_loop3A_153 : vector<16xi1>, vector<16xi32>
          %parallel_loop3A_163 = arith.constant 9 : i32
          %parallel_loop3A_164 = vector.broadcast %parallel_loop3A_163 : i32 to vector<16xi32>
          %parallel_loop3A_165 = arith.addi %parallel_loop3A_87, %parallel_loop3A_164 : vector<16xi32>
          %parallel_loop3A_166 = tpu.vector_load_idx %arg11[%parallel_loop3A_165] : memref<4000xf32, #tpu.memory_space<vmem>>[vector<16xi32>], vector<16xf32>,
          %parallel_loop3A_167 = arith.cmpf ogt, %parallel_loop3A_166, %parallel_loop3A_159 : vector<16xf32>
          %parallel_loop3A_168 = arith.select %parallel_loop3A_167, %parallel_loop3A_166, %parallel_loop3A_159 : vector<16xi1>, vector<16xf32>
          %parallel_loop3A_169 = arith.constant 9 : i32
          %parallel_loop3A_170 = vector.broadcast %parallel_loop3A_169 : i32 to vector<16xi32>
          %parallel_loop3A_171 = arith.select %parallel_loop3A_167, %parallel_loop3A_170, %parallel_loop3A_162 : vector<16xi1>, vector<16xi32>
          %parallel_loop3A_172 = tpu.vector_load_idx %arg10[%parallel_loop3A_171] : memref<16xf32, #tpu.memory_space<vmem>>[vector<16xi32>], vector<16xf32>,
          %parallel_loop3A_173 = arith.constant 16 : i32
          %parallel_loop3A_174 = arith.muli %parallel_loop3A_80, %parallel_loop3A_173 : i32
          %parallel_loop3A_175 = arith.index_cast %parallel_loop3A_174 : i32 to index
          %parallel_loop3A_176 = tpu.vector_load %arg12[%parallel_loop3A_175] {strides = array<i32>} : memref<400xf32, #tpu.memory_space<vmem>>, vector<16xf32>,
          tpu.vector_store %arg12[%parallel_loop3A_175], %parallel_loop3A_172 {strides = array<i32>} : memref<400xf32, #tpu.memory_space<vmem>>, vector<16xf32>,
        } {sc.loop_unroll_factor = 2 : i64, sc.parallel_access}
        %mul3A_78 = arith.constant 400 : i32
        %mul3A_79 = arith.muli %add3A_69, %mul3A_78 : i32
        "tpu.region"() ({
          %run_scoped3A = tpu.sem_alloc : memref<!tpu.dma_semaphore, #tpu.memory_space<semaphore_mem>>
          %dma_start3A_80 = tpu.memref_slice %arg13[%mul3A_79] : memref<100000xf32, #tpu.memory_space<vmem_shared>> -> memref<400xf32, #tpu.memory_space<vmem_shared>>
          %dma_start3A_81 = tpu.memref_slice %arg13[%mul3A_79] : memref<100000xf32, #tpu.memory_space<vmem_shared>> -> memref<400xf32, #tpu.memory_space<vmem_shared>>
          tpu.enqueue_dma source(%arg12 : memref<400xf32, #tpu.memory_space<vmem>>) target(%dma_start3A_81 : memref<400xf32, #tpu.memory_space<vmem_shared>>) target_semaphore(%run_scoped3A : memref<!tpu.dma_semaphore, #tpu.memory_space<semaphore_mem>>)
          %dma_wait3A_82 = tpu.memref_slice %arg13[%mul3A_79] : memref<100000xf32, #tpu.memory_space<vmem_shared>> -> memref<400xf32, #tpu.memory_space<vmem_shared>>
          %dma_wait3A_83 = tpu.memref_slice %arg13[%mul3A_79] : memref<100000xf32, #tpu.memory_space<vmem_shared>> -> memref<400xf32, #tpu.memory_space<vmem_shared>>
          tpu.wait_dma2 semaphore(%run_scoped3A : memref<!tpu.dma_semaphore, #tpu.memory_space<semaphore_mem>>) src(%arg12 : memref<400xf32, #tpu.memory_space<vmem>>) dst(%dma_wait3A_83 : memref<400xf32, #tpu.memory_space<vmem_shared>>)
          tpu.yield
        }) : () -> ()
      } else {
      }
    }
    %scan3A_6 = arith.constant 16 : i32
    %barrier3A = arith.constant 0 : index
    tpu.barrier barrier_id(%barrier3A)
    "tpu.region"() ({
      %run_scoped3A = tpu.sem_alloc : memref<!tpu.dma_semaphore, #tpu.memory_space<semaphore_mem>>
      tpu.enqueue_dma source(%arg13 : memref<100000xf32, #tpu.memory_space<vmem_shared>>) target(%arg14 : memref<100000xf32, #tpu.memory_space<vmem>>) target_semaphore(%run_scoped3A : memref<!tpu.dma_semaphore, #tpu.memory_space<semaphore_mem>>)
      tpu.wait_dma2 semaphore(%run_scoped3A : memref<!tpu.dma_semaphore, #tpu.memory_space<semaphore_mem>>) src(%arg13 : memref<100000xf32, #tpu.memory_space<vmem_shared>>) dst(%arg14 : memref<100000xf32, #tpu.memory_space<vmem>>)
      tpu.yield
    }) : () -> ()
    %mul3A = arith.constant 16 : i32
    %mul3A_7 = arith.muli %arg0, %mul3A : i32
    %add3A = arith.addi %mul3A_7, %arg1 : i32
    %mul3A_8 = arith.constant 200000 : i32
    %mul3A_9 = arith.muli %add3A, %mul3A_8 : i32
    %add3A_10 = arith.constant 0 : i32
    %add3A_11 = arith.addi %mul3A_9, %add3A_10 : i32
    %add3A_12 = arith.constant 6400000 : i32
    %add3A_13 = arith.addi %add3A_12, %add3A_11 : i32
    %dma_start3A = arith.constant 0 : i32
    %dma_start3A_14 = arith.constant 0 : i32
    %dma_start3A_15 = tpu.memref_slice %arg15[%dma_start3A_14] : memref<4000xi32, #tpu.memory_space<vmem>> -> memref<2000xi32, #tpu.memory_space<vmem>>
    %dma_start3A_16 = tpu.memref_slice %arg4[%add3A_11] : memref<12800000xi32, #tpu.memory_space<hbm>> -> memref<2000xi32, #tpu.memory_space<hbm>>
    %dma_start3A_17 = tpu.memref_slice %arg19[%dma_start3A] : memref<2x!tpu.dma_semaphore, #tpu.memory_space<semaphore_mem>> -> memref<1x!tpu.dma_semaphore, #tpu.memory_space<semaphore_mem>>
    %dma_start3A_18 = tpu.memref_squeeze %dma_start3A_17 : memref<1x!tpu.dma_semaphore, #tpu.memory_space<semaphore_mem>> -> memref<!tpu.dma_semaphore, #tpu.memory_space<semaphore_mem>>
    %dma_start3A_19 = arith.constant 0 : i32
    %dma_start3A_20 = tpu.memref_slice %arg15[%dma_start3A_19] : memref<4000xi32, #tpu.memory_space<vmem>> -> memref<2000xi32, #tpu.memory_space<vmem>>
    %dma_start3A_21 = tpu.memref_slice %arg4[%add3A_11] : memref<12800000xi32, #tpu.memory_space<hbm>> -> memref<2000xi32, #tpu.memory_space<hbm>>
    tpu.enqueue_dma source(%dma_start3A_21 : memref<2000xi32, #tpu.memory_space<hbm>>) target(%dma_start3A_20 : memref<2000xi32, #tpu.memory_space<vmem>>) target_semaphore(%dma_start3A_18 : memref<!tpu.dma_semaphore, #tpu.memory_space<semaphore_mem>>)
    %dma_start3A_22 = arith.constant 0 : i32
    %dma_start3A_23 = arith.constant 0 : i32
    %dma_start3A_24 = tpu.memref_slice %arg16[%dma_start3A_23] : memref<4000xi32, #tpu.memory_space<vmem>> -> memref<2000xi32, #tpu.memory_space<vmem>>
    %dma_start3A_25 = tpu.memref_slice %arg4[%add3A_13] : memref<12800000xi32, #tpu.memory_space<hbm>> -> memref<2000xi32, #tpu.memory_space<hbm>>
    %dma_start3A_26 = tpu.memref_slice %arg20[%dma_start3A_22] : memref<2x!tpu.dma_semaphore, #tpu.memory_space<semaphore_mem>> -> memref<1x!tpu.dma_semaphore, #tpu.memory_space<semaphore_mem>>
    %dma_start3A_27 = tpu.memref_squeeze %dma_start3A_26 : memref<1x!tpu.dma_semaphore, #tpu.memory_space<semaphore_mem>> -> memref<!tpu.dma_semaphore, #tpu.memory_space<semaphore_mem>>
    %dma_start3A_28 = arith.constant 0 : i32
    %dma_start3A_29 = tpu.memref_slice %arg16[%dma_start3A_28] : memref<4000xi32, #tpu.memory_space<vmem>> -> memref<2000xi32, #tpu.memory_space<vmem>>
    %dma_start3A_30 = tpu.memref_slice %arg4[%add3A_13] : memref<12800000xi32, #tpu.memory_space<hbm>> -> memref<2000xi32, #tpu.memory_space<hbm>>
    tpu.enqueue_dma source(%dma_start3A_30 : memref<2000xi32, #tpu.memory_space<hbm>>) target(%dma_start3A_29 : memref<2000xi32, #tpu.memory_space<vmem>>) target_semaphore(%dma_start3A_27 : memref<!tpu.dma_semaphore, #tpu.memory_space<semaphore_mem>>)
    %dma_start3A_31 = arith.constant 0 : i32
    %dma_start3A_32 = arith.constant 0 : i32
    %dma_start3A_33 = tpu.memref_slice %arg17[%dma_start3A_32] : memref<4000xf32, #tpu.memory_space<vmem>> -> memref<2000xf32, #tpu.memory_space<vmem>>
    %dma_start3A_34 = tpu.memref_slice %arg2[%add3A_11] : memref<6400000xf32, #tpu.memory_space<hbm>> -> memref<2000xf32, #tpu.memory_space<hbm>>
    %dma_start3A_35 = tpu.memref_slice %arg21[%dma_start3A_31] : memref<2x!tpu.dma_semaphore, #tpu.memory_space<semaphore_mem>> -> memref<1x!tpu.dma_semaphore, #tpu.memory_space<semaphore_mem>>
    %dma_start3A_36 = tpu.memref_squeeze %dma_start3A_35 : memref<1x!tpu.dma_semaphore, #tpu.memory_space<semaphore_mem>> -> memref<!tpu.dma_semaphore, #tpu.memory_space<semaphore_mem>>
    %dma_start3A_37 = arith.constant 0 : i32
    %dma_start3A_38 = tpu.memref_slice %arg17[%dma_start3A_37] : memref<4000xf32, #tpu.memory_space<vmem>> -> memref<2000xf32, #tpu.memory_space<vmem>>
    %dma_start3A_39 = tpu.memref_slice %arg2[%add3A_11] : memref<6400000xf32, #tpu.memory_space<hbm>> -> memref<2000xf32, #tpu.memory_space<hbm>>
    tpu.enqueue_dma source(%dma_start3A_39 : memref<2000xf32, #tpu.memory_space<hbm>>) target(%dma_start3A_38 : memref<2000xf32, #tpu.memory_space<vmem>>) target_semaphore(%dma_start3A_36 : memref<!tpu.dma_semaphore, #tpu.memory_space<semaphore_mem>>)
    %scan3A_40 = arith.constant 0 : i32
    %scan3A_41 = arith.constant 50 : i32
    %scan3A_42 = arith.addi %scan3A_40, %scan3A_41 : i32
    %scan3A_43 = arith.constant 1 : i32
    scf.for %scan3A_66 = %scan3A_40 to %scan3A_42 step %scan3A_43  : i32 {
      %mul3A_67 = arith.constant 2 : i32
      %mul3A_68 = arith.muli %scan3A_66, %mul3A_67 : i32
      %add3A_69 = arith.constant 0 : i32
      %add3A_70 = arith.addi %add3A_69, %mul3A_68 : i32
      %add3A_71 = arith.constant 0 : i32
      %add3A_72 = arith.addi %add3A_70, %add3A_71 : i32
      %add3A_73 = arith.constant 1 : i32
      %add3A_74 = arith.addi %add3A_72, %add3A_73 : i32
      %lt3A = arith.constant 100 : i32
      %lt3A_75 = arith.cmpi slt, %add3A_74, %lt3A : i32
      %convert_element_type3A = arith.extui %lt3A_75 : i1 to i32
      %cond3A = arith.constant 0 : i32
      %cond3A_76 = arith.cmpi ne, %convert_element_type3A, %cond3A : i32
      scf.if %cond3A_76 {
        %add3A_188 = arith.constant 1 : i32
        %add3A_189 = arith.addi %add3A_72, %add3A_188 : i32
        %mul3A_190 = arith.constant 2000 : i32
        %mul3A_191 = arith.muli %add3A_189, %mul3A_190 : i32
        %add3A_192 = arith.addi %mul3A_9, %mul3A_191 : i32
        %add3A_193 = arith.constant 6400000 : i32
        %add3A_194 = arith.addi %add3A_193, %add3A_192 : i32
        %dma_start3A_195 = arith.constant 1 : i32
        %dma_start3A_196 = arith.constant 2000 : i32
        %dma_start3A_197 = tpu.memref_slice %arg15[%dma_start3A_196] : memref<4000xi32, #tpu.memory_space<vmem>> -> memref<2000xi32, #tpu.memory_space<vmem>>
        %dma_start3A_198 = tpu.memref_slice %arg4[%add3A_192] : memref<12800000xi32, #tpu.memory_space<hbm>> -> memref<2000xi32, #tpu.memory_space<hbm>>
        %dma_start3A_199 = tpu.memref_slice %arg19[%dma_start3A_195] : memref<2x!tpu.dma_semaphore, #tpu.memory_space<semaphore_mem>> -> memref<1x!tpu.dma_semaphore, #tpu.memory_space<semaphore_mem>>
        %dma_start3A_200 = tpu.memref_squeeze %dma_start3A_199 : memref<1x!tpu.dma_semaphore, #tpu.memory_space<semaphore_mem>> -> memref<!tpu.dma_semaphore, #tpu.memory_space<semaphore_mem>>
        %dma_start3A_201 = arith.constant 2000 : i32
        %dma_start3A_202 = tpu.memref_slice %arg15[%dma_start3A_201] : memref<4000xi32, #tpu.memory_space<vmem>> -> memref<2000xi32, #tpu.memory_space<vmem>>
        %dma_start3A_203 = tpu.memref_slice %arg4[%add3A_192] : memref<12800000xi32, #tpu.memory_space<hbm>> -> memref<2000xi32, #tpu.memory_space<hbm>>
        tpu.enqueue_dma source(%dma_start3A_203 : memref<2000xi32, #tpu.memory_space<hbm>>) target(%dma_start3A_202 : memref<2000xi32, #tpu.memory_space<vmem>>) target_semaphore(%dma_start3A_200 : memref<!tpu.dma_semaphore, #tpu.memory_space<semaphore_mem>>)
        %dma_start3A_204 = arith.constant 1 : i32
        %dma_start3A_205 = arith.constant 2000 : i32
        %dma_start3A_206 = tpu.memref_slice %arg16[%dma_start3A_205] : memref<4000xi32, #tpu.memory_space<vmem>> -> memref<2000xi32, #tpu.memory_space<vmem>>
        %dma_start3A_207 = tpu.memref_slice %arg4[%add3A_194] : memref<12800000xi32, #tpu.memory_space<hbm>> -> memref<2000xi32, #tpu.memory_space<hbm>>
        %dma_start3A_208 = tpu.memref_slice %arg20[%dma_start3A_204] : memref<2x!tpu.dma_semaphore, #tpu.memory_space<semaphore_mem>> -> memref<1x!tpu.dma_semaphore, #tpu.memory_space<semaphore_mem>>
        %dma_start3A_209 = tpu.memref_squeeze %dma_start3A_208 : memref<1x!tpu.dma_semaphore, #tpu.memory_space<semaphore_mem>> -> memref<!tpu.dma_semaphore, #tpu.memory_space<semaphore_mem>>
        %dma_start3A_210 = arith.constant 2000 : i32
        %dma_start3A_211 = tpu.memref_slice %arg16[%dma_start3A_210] : memref<4000xi32, #tpu.memory_space<vmem>> -> memref<2000xi32, #tpu.memory_space<vmem>>
        %dma_start3A_212 = tpu.memref_slice %arg4[%add3A_194] : memref<12800000xi32, #tpu.memory_space<hbm>> -> memref<2000xi32, #tpu.memory_space<hbm>>
        tpu.enqueue_dma source(%dma_start3A_212 : memref<2000xi32, #tpu.memory_space<hbm>>) target(%dma_start3A_211 : memref<2000xi32, #tpu.memory_space<vmem>>) target_semaphore(%dma_start3A_209 : memref<!tpu.dma_semaphore, #tpu.memory_space<semaphore_mem>>)
        %dma_start3A_213 = arith.constant 1 : i32
        %dma_start3A_214 = arith.constant 2000 : i32
        %dma_start3A_215 = tpu.memref_slice %arg17[%dma_start3A_214] : memref<4000xf32, #tpu.memory_space<vmem>> -> memref<2000xf32, #tpu.memory_space<vmem>>
        %dma_start3A_216 = tpu.memref_slice %arg2[%add3A_192] : memref<6400000xf32, #tpu.memory_space<hbm>> -> memref<2000xf32, #tpu.memory_space<hbm>>
        %dma_start3A_217 = tpu.memref_slice %arg21[%dma_start3A_213] : memref<2x!tpu.dma_semaphore, #tpu.memory_space<semaphore_mem>> -> memref<1x!tpu.dma_semaphore, #tpu.memory_space<semaphore_mem>>
        %dma_start3A_218 = tpu.memref_squeeze %dma_start3A_217 : memref<1x!tpu.dma_semaphore, #tpu.memory_space<semaphore_mem>> -> memref<!tpu.dma_semaphore, #tpu.memory_space<semaphore_mem>>
        %dma_start3A_219 = arith.constant 2000 : i32
        %dma_start3A_220 = tpu.memref_slice %arg17[%dma_start3A_219] : memref<4000xf32, #tpu.memory_space<vmem>> -> memref<2000xf32, #tpu.memory_space<vmem>>
        %dma_start3A_221 = tpu.memref_slice %arg2[%add3A_192] : memref<6400000xf32, #tpu.memory_space<hbm>> -> memref<2000xf32, #tpu.memory_space<hbm>>
        tpu.enqueue_dma source(%dma_start3A_221 : memref<2000xf32, #tpu.memory_space<hbm>>) target(%dma_start3A_220 : memref<2000xf32, #tpu.memory_space<vmem>>) target_semaphore(%dma_start3A_218 : memref<!tpu.dma_semaphore, #tpu.memory_space<semaphore_mem>>)
      } else {
      }
      %mul3A_77 = arith.constant 2000 : i32
      %mul3A_78 = arith.muli %add3A_72, %mul3A_77 : i32
      %add3A_79 = arith.addi %mul3A_9, %mul3A_78 : i32
      %add3A_80 = arith.constant 6400000 : i32
      %add3A_81 = arith.addi %add3A_80, %add3A_79 : i32
      %dma_wait3A_82 = arith.constant 0 : i32
      %dma_wait3A_83 = arith.constant 0 : i32
      %dma_wait3A_84 = tpu.memref_slice %arg15[%dma_wait3A_83] : memref<4000xi32, #tpu.memory_space<vmem>> -> memref<2000xi32, #tpu.memory_space<vmem>>
      %dma_wait3A_85 = tpu.memref_slice %arg4[%add3A_79] : memref<12800000xi32, #tpu.memory_space<hbm>> -> memref<2000xi32, #tpu.memory_space<hbm>>
      %dma_wait3A_86 = tpu.memref_slice %arg19[%dma_wait3A_82] : memref<2x!tpu.dma_semaphore, #tpu.memory_space<semaphore_mem>> -> memref<1x!tpu.dma_semaphore, #tpu.memory_space<semaphore_mem>>
      %dma_wait3A_87 = tpu.memref_squeeze %dma_wait3A_86 : memref<1x!tpu.dma_semaphore, #tpu.memory_space<semaphore_mem>> -> memref<!tpu.dma_semaphore, #tpu.memory_space<semaphore_mem>>
      %dma_wait3A_88 = arith.constant 0 : i32
      %dma_wait3A_89 = tpu.memref_slice %arg15[%dma_wait3A_88] : memref<4000xi32, #tpu.memory_space<vmem>> -> memref<2000xi32, #tpu.memory_space<vmem>>
      %dma_wait3A_90 = tpu.memref_slice %arg4[%add3A_79] : memref<12800000xi32, #tpu.memory_space<hbm>> -> memref<2000xi32, #tpu.memory_space<hbm>>
      tpu.wait_dma2 semaphore(%dma_wait3A_87 : memref<!tpu.dma_semaphore, #tpu.memory_space<semaphore_mem>>) src(%dma_wait3A_90 : memref<2000xi32, #tpu.memory_space<hbm>>) dst(%dma_wait3A_89 : memref<2000xi32, #tpu.memory_space<vmem>>)
      %dma_wait3A_91 = arith.constant 0 : i32
      %dma_wait3A_92 = arith.constant 0 : i32
      %dma_wait3A_93 = tpu.memref_slice %arg16[%dma_wait3A_92] : memref<4000xi32, #tpu.memory_space<vmem>> -> memref<2000xi32, #tpu.memory_space<vmem>>
      %dma_wait3A_94 = tpu.memref_slice %arg4[%add3A_81] : memref<12800000xi32, #tpu.memory_space<hbm>> -> memref<2000xi32, #tpu.memory_space<hbm>>
      %dma_wait3A_95 = tpu.memref_slice %arg20[%dma_wait3A_91] : memref<2x!tpu.dma_semaphore, #tpu.memory_space<semaphore_mem>> -> memref<1x!tpu.dma_semaphore, #tpu.memory_space<semaphore_mem>>
      %dma_wait3A_96 = tpu.memref_squeeze %dma_wait3A_95 : memref<1x!tpu.dma_semaphore, #tpu.memory_space<semaphore_mem>> -> memref<!tpu.dma_semaphore, #tpu.memory_space<semaphore_mem>>
      %dma_wait3A_97 = arith.constant 0 : i32
      %dma_wait3A_98 = tpu.memref_slice %arg16[%dma_wait3A_97] : memref<4000xi32, #tpu.memory_space<vmem>> -> memref<2000xi32, #tpu.memory_space<vmem>>
      %dma_wait3A_99 = tpu.memref_slice %arg4[%add3A_81] : memref<12800000xi32, #tpu.memory_space<hbm>> -> memref<2000xi32, #tpu.memory_space<hbm>>
      tpu.wait_dma2 semaphore(%dma_wait3A_96 : memref<!tpu.dma_semaphore, #tpu.memory_space<semaphore_mem>>) src(%dma_wait3A_99 : memref<2000xi32, #tpu.memory_space<hbm>>) dst(%dma_wait3A_98 : memref<2000xi32, #tpu.memory_space<vmem>>)
      %dma_wait3A_100 = arith.constant 0 : i32
      %dma_wait3A_101 = arith.constant 0 : i32
      %dma_wait3A_102 = tpu.memref_slice %arg17[%dma_wait3A_101] : memref<4000xf32, #tpu.memory_space<vmem>> -> memref<2000xf32, #tpu.memory_space<vmem>>
      %dma_wait3A_103 = tpu.memref_slice %arg2[%add3A_79] : memref<6400000xf32, #tpu.memory_space<hbm>> -> memref<2000xf32, #tpu.memory_space<hbm>>
      %dma_wait3A_104 = tpu.memref_slice %arg21[%dma_wait3A_100] : memref<2x!tpu.dma_semaphore, #tpu.memory_space<semaphore_mem>> -> memref<1x!tpu.dma_semaphore, #tpu.memory_space<semaphore_mem>>
      %dma_wait3A_105 = tpu.memref_squeeze %dma_wait3A_104 : memref<1x!tpu.dma_semaphore, #tpu.memory_space<semaphore_mem>> -> memref<!tpu.dma_semaphore, #tpu.memory_space<semaphore_mem>>
      %dma_wait3A_106 = arith.constant 0 : i32
      %dma_wait3A_107 = tpu.memref_slice %arg17[%dma_wait3A_106] : memref<4000xf32, #tpu.memory_space<vmem>> -> memref<2000xf32, #tpu.memory_space<vmem>>
      %dma_wait3A_108 = tpu.memref_slice %arg2[%add3A_79] : memref<6400000xf32, #tpu.memory_space<hbm>> -> memref<2000xf32, #tpu.memory_space<hbm>>
      tpu.wait_dma2 semaphore(%dma_wait3A_105 : memref<!tpu.dma_semaphore, #tpu.memory_space<semaphore_mem>>) src(%dma_wait3A_108 : memref<2000xf32, #tpu.memory_space<hbm>>) dst(%dma_wait3A_107 : memref<2000xf32, #tpu.memory_space<vmem>>)
      %ge3A = arith.constant 2 : i32
      %ge3A_109 = arith.cmpi sge, %add3A_72, %ge3A : i32
      %convert_element_type3A_110 = arith.extui %ge3A_109 : i1 to i32
      %cond3A_111 = arith.constant 0 : i32
      %cond3A_112 = arith.cmpi ne, %convert_element_type3A_110, %cond3A_111 : i32
      scf.if %cond3A_112 {
        %sub3A = arith.constant 2 : i32
        %sub3A_188 = arith.subi %add3A_72, %sub3A : i32
        %mul3A_189 = arith.constant 2000 : i32
        %mul3A_190 = arith.muli %sub3A_188, %mul3A_189 : i32
        %add3A_191 = arith.addi %mul3A_9, %mul3A_190 : i32
        %dma_wait3A_192 = arith.constant 0 : i32
        %dma_wait3A_193 = arith.constant 0 : i32
        %dma_wait3A_194 = tpu.memref_slice %arg18[%dma_wait3A_193] : memref<4000xf32, #tpu.memory_space<vmem>> -> memref<2000xf32, #tpu.memory_space<vmem>>
        %dma_wait3A_195 = tpu.memref_slice %arg7[%add3A_191] : memref<6400000xf32, #tpu.memory_space<hbm>> -> memref<2000xf32, #tpu.memory_space<hbm>>
        %dma_wait3A_196 = tpu.memref_slice %arg22[%dma_wait3A_192] : memref<2x!tpu.dma_semaphore, #tpu.memory_space<semaphore_mem>> -> memref<1x!tpu.dma_semaphore, #tpu.memory_space<semaphore_mem>>
        %dma_wait3A_197 = tpu.memref_squeeze %dma_wait3A_196 : memref<1x!tpu.dma_semaphore, #tpu.memory_space<semaphore_mem>> -> memref<!tpu.dma_semaphore, #tpu.memory_space<semaphore_mem>>
        %dma_wait3A_198 = tpu.memref_slice %arg7[%add3A_191] : memref<6400000xf32, #tpu.memory_space<hbm>> -> memref<2000xf32, #tpu.memory_space<hbm>>
        %dma_wait3A_199 = arith.constant 0 : i32
        %dma_wait3A_200 = tpu.memref_slice %arg18[%dma_wait3A_199] : memref<4000xf32, #tpu.memory_space<vmem>> -> memref<2000xf32, #tpu.memory_space<vmem>>
        tpu.wait_dma2 semaphore(%dma_wait3A_197 : memref<!tpu.dma_semaphore, #tpu.memory_space<semaphore_mem>>) src(%dma_wait3A_200 : memref<2000xf32, #tpu.memory_space<vmem>>) dst(%dma_wait3A_198 : memref<2000xf32, #tpu.memory_space<hbm>>)
      } else {
      }
      %parallel_loop3A = arith.constant 0 : i32
      %parallel_loop3A_113 = arith.constant 125 : i32
      %parallel_loop3A_114 = arith.constant 1 : i32
      scf.for %parallel_loop3A_188 = %parallel_loop3A to %parallel_loop3A_113 step %parallel_loop3A_114  : i32 {
        %parallel_loop3A_189 = arith.constant 16 : i32
        %parallel_loop3A_190 = arith.muli %parallel_loop3A_188, %parallel_loop3A_189 : i32
        %parallel_loop3A_191 = arith.constant 0 : i32
        %parallel_loop3A_192 = arith.addi %parallel_loop3A_191, %parallel_loop3A_190 : i32
        %parallel_loop3A_193 = arith.index_cast %parallel_loop3A_192 : i32 to index
        %parallel_loop3A_194 = tpu.vector_load %arg15[%parallel_loop3A_193] {strides = array<i32>} : memref<4000xi32, #tpu.memory_space<vmem>>, vector<16xi32>,
        %parallel_loop3A_195 = tpu.vector_load_idx %arg14[%parallel_loop3A_194] : memref<100000xf32, #tpu.memory_space<vmem>>[vector<16xi32>], vector<16xf32>,
        %parallel_loop3A_196 = arith.index_cast %parallel_loop3A_192 : i32 to index
        %parallel_loop3A_197 = tpu.vector_load %arg16[%parallel_loop3A_196] {strides = array<i32>} : memref<4000xi32, #tpu.memory_space<vmem>>, vector<16xi32>,
        %parallel_loop3A_198 = tpu.vector_load_idx %arg14[%parallel_loop3A_197] : memref<100000xf32, #tpu.memory_space<vmem>>[vector<16xi32>], vector<16xf32>,
        %parallel_loop3A_199 = arith.addf %parallel_loop3A_195, %parallel_loop3A_198 : vector<16xf32>
        %parallel_loop3A_200 = arith.constant 5.000000e-01 : f32
        %parallel_loop3A_201 = vector.broadcast %parallel_loop3A_200 : f32 to vector<16xf32>
        %parallel_loop3A_202 = arith.mulf %parallel_loop3A_201, %parallel_loop3A_199 : vector<16xf32>
        %parallel_loop3A_203 = arith.index_cast %parallel_loop3A_192 : i32 to index
        %parallel_loop3A_204 = tpu.vector_load %arg17[%parallel_loop3A_203] {strides = array<i32>} : memref<4000xf32, #tpu.memory_space<vmem>>, vector<16xf32>,
        %parallel_loop3A_205 = arith.divf %parallel_loop3A_204, %parallel_loop3A_202 : vector<16xf32>
        %parallel_loop3A_206 = vector.bitcast %parallel_loop3A_205 : vector<16xf32> to vector<16xi32>
        %parallel_loop3A_207 = arith.constant 23 : i32
        %parallel_loop3A_208 = vector.broadcast %parallel_loop3A_207 : i32 to vector<16xi32>
        %parallel_loop3A_209 = arith.shrsi %parallel_loop3A_206, %parallel_loop3A_208 : vector<16xi32>
        %parallel_loop3A_210 = arith.constant 127 : i32
        %parallel_loop3A_211 = vector.broadcast %parallel_loop3A_210 : i32 to vector<16xi32>
        %parallel_loop3A_212 = arith.subi %parallel_loop3A_209, %parallel_loop3A_211 : vector<16xi32>
        %parallel_loop3A_213 = arith.constant 8388607 : i32
        %parallel_loop3A_214 = vector.broadcast %parallel_loop3A_213 : i32 to vector<16xi32>
        %parallel_loop3A_215 = arith.andi %parallel_loop3A_206, %parallel_loop3A_214 : vector<16xi32>
        %parallel_loop3A_216 = arith.constant 1065353216 : i32
        %parallel_loop3A_217 = vector.broadcast %parallel_loop3A_216 : i32 to vector<16xi32>
        %parallel_loop3A_218 = arith.ori %parallel_loop3A_215, %parallel_loop3A_217 : vector<16xi32>
        %parallel_loop3A_219 = vector.bitcast %parallel_loop3A_218 : vector<16xi32> to vector<16xf32>
        %parallel_loop3A_220 = arith.constant 1.000000e+00 : f32
        %parallel_loop3A_221 = vector.broadcast %parallel_loop3A_220 : f32 to vector<16xf32>
        %parallel_loop3A_222 = arith.subf %parallel_loop3A_219, %parallel_loop3A_221 : vector<16xf32>
        %parallel_loop3A_223 = arith.constant 0.000000e+00 : f32
        %parallel_loop3A_224 = vector.broadcast %parallel_loop3A_223 : f32 to vector<16xf32>
        %parallel_loop3A_225 = arith.mulf %parallel_loop3A_222, %parallel_loop3A_224 : vector<16xf32>
        %parallel_loop3A_226 = arith.constant -0.0022880605 : f32
        %parallel_loop3A_227 = vector.broadcast %parallel_loop3A_226 : f32 to vector<16xf32>
        %parallel_loop3A_228 = arith.addf %parallel_loop3A_225, %parallel_loop3A_227 : vector<16xf32>
        %parallel_loop3A_229 = arith.mulf %parallel_loop3A_228, %parallel_loop3A_222 : vector<16xf32>
        %parallel_loop3A_230 = arith.constant 0.0151453726 : f32
        %parallel_loop3A_231 = vector.broadcast %parallel_loop3A_230 : f32 to vector<16xf32>
        %parallel_loop3A_232 = arith.addf %parallel_loop3A_229, %parallel_loop3A_231 : vector<16xf32>
        %parallel_loop3A_233 = arith.mulf %parallel_loop3A_232, %parallel_loop3A_222 : vector<16xf32>
        %parallel_loop3A_234 = arith.constant -0.0471334644 : f32
        %parallel_loop3A_235 = vector.broadcast %parallel_loop3A_234 : f32 to vector<16xf32>
        %parallel_loop3A_236 = arith.addf %parallel_loop3A_233, %parallel_loop3A_235 : vector<16xf32>
        %parallel_loop3A_237 = arith.mulf %parallel_loop3A_236, %parallel_loop3A_222 : vector<16xf32>
        %parallel_loop3A_238 = arith.constant 0.0947037935 : f32
        %parallel_loop3A_239 = vector.broadcast %parallel_loop3A_238 : f32 to vector<16xf32>
        %parallel_loop3A_240 = arith.addf %parallel_loop3A_237, %parallel_loop3A_239 : vector<16xf32>
        %parallel_loop3A_241 = arith.mulf %parallel_loop3A_240, %parallel_loop3A_222 : vector<16xf32>
        %parallel_loop3A_242 = arith.constant -0.145176455 : f32
        %parallel_loop3A_243 = vector.broadcast %parallel_loop3A_242 : f32 to vector<16xf32>
        %parallel_loop3A_244 = arith.addf %parallel_loop3A_241, %parallel_loop3A_243 : vector<16xf32>
        %parallel_loop3A_245 = arith.mulf %parallel_loop3A_244, %parallel_loop3A_222 : vector<16xf32>
        %parallel_loop3A_246 = arith.constant 0.193376377 : f32
        %parallel_loop3A_247 = vector.broadcast %parallel_loop3A_246 : f32 to vector<16xf32>
        %parallel_loop3A_248 = arith.addf %parallel_loop3A_245, %parallel_loop3A_247 : vector<16xf32>
        %parallel_loop3A_249 = arith.mulf %parallel_loop3A_248, %parallel_loop3A_222 : vector<16xf32>
        %parallel_loop3A_250 = arith.constant -0.24865821 : f32
        %parallel_loop3A_251 = vector.broadcast %parallel_loop3A_250 : f32 to vector<16xf32>
        %parallel_loop3A_252 = arith.addf %parallel_loop3A_249, %parallel_loop3A_251 : vector<16xf32>
        %parallel_loop3A_253 = arith.mulf %parallel_loop3A_252, %parallel_loop3A_222 : vector<16xf32>
        %parallel_loop3A_254 = arith.constant 0.333166927 : f32
        %parallel_loop3A_255 = vector.broadcast %parallel_loop3A_254 : f32 to vector<16xf32>
        %parallel_loop3A_256 = arith.addf %parallel_loop3A_253, %parallel_loop3A_255 : vector<16xf32>
        %parallel_loop3A_257 = arith.mulf %parallel_loop3A_256, %parallel_loop3A_222 : vector<16xf32>
        %parallel_loop3A_258 = arith.constant -0.499988765 : f32
        %parallel_loop3A_259 = vector.broadcast %parallel_loop3A_258 : f32 to vector<16xf32>
        %parallel_loop3A_260 = arith.addf %parallel_loop3A_257, %parallel_loop3A_259 : vector<16xf32>
        %parallel_loop3A_261 = arith.mulf %parallel_loop3A_260, %parallel_loop3A_222 : vector<16xf32>
        %parallel_loop3A_262 = arith.constant 0.999999642 : f32
        %parallel_loop3A_263 = vector.broadcast %parallel_loop3A_262 : f32 to vector<16xf32>
        %parallel_loop3A_264 = arith.addf %parallel_loop3A_261, %parallel_loop3A_263 : vector<16xf32>
        %parallel_loop3A_265 = arith.mulf %parallel_loop3A_264, %parallel_loop3A_222 : vector<16xf32>
        %parallel_loop3A_266 = arith.constant 2.41390374E-9 : f32
        %parallel_loop3A_267 = vector.broadcast %parallel_loop3A_266 : f32 to vector<16xf32>
        %parallel_loop3A_268 = arith.addf %parallel_loop3A_265, %parallel_loop3A_267 : vector<16xf32>
        %parallel_loop3A_269 = arith.sitofp %parallel_loop3A_212 : vector<16xi32> to vector<16xf32>
        %parallel_loop3A_270 = arith.constant 0.693147182 : f32
        %parallel_loop3A_271 = vector.broadcast %parallel_loop3A_270 : f32 to vector<16xf32>
        %parallel_loop3A_272 = arith.mulf %parallel_loop3A_269, %parallel_loop3A_271 : vector<16xf32>
        %parallel_loop3A_273 = arith.addf %parallel_loop3A_272, %parallel_loop3A_268 : vector<16xf32>
        %parallel_loop3A_274 = arith.constant -1.800000e+01 : f32
        %parallel_loop3A_275 = vector.broadcast %parallel_loop3A_274 : f32 to vector<16xf32>
        %parallel_loop3A_276 = arith.maximumf %parallel_loop3A_273, %parallel_loop3A_275 : vector<16xf32>
        %parallel_loop3A_277 = arith.constant 1.800000e+01 : f32
        %parallel_loop3A_278 = vector.broadcast %parallel_loop3A_277 : f32 to vector<16xf32>
        %parallel_loop3A_279 = arith.minimumf %parallel_loop3A_276, %parallel_loop3A_278 : vector<16xf32>
        %parallel_loop3A_280 = arith.constant 0.918299973 : f32
        %parallel_loop3A_281 = vector.broadcast %parallel_loop3A_280 : f32 to vector<16xf32>
        %parallel_loop3A_282 = arith.mulf %parallel_loop3A_281, %parallel_loop3A_279 : vector<16xf32>
        %parallel_loop3A_283 = math.exp %parallel_loop3A_282 : vector<16xf32>
        %parallel_loop3A_284 = arith.constant -3.66080022 : f32
        %parallel_loop3A_285 = vector.broadcast %parallel_loop3A_284 : f32 to vector<16xf32>
        %parallel_loop3A_286 = arith.mulf %parallel_loop3A_285, %parallel_loop3A_279 : vector<16xf32>
        %parallel_loop3A_287 = math.exp %parallel_loop3A_286 : vector<16xf32>
        %parallel_loop3A_288 = arith.constant 1.000000e+00 : f32
        %parallel_loop3A_289 = vector.broadcast %parallel_loop3A_288 : f32 to vector<16xf32>
        %parallel_loop3A_290 = arith.addf %parallel_loop3A_289, %parallel_loop3A_287 : vector<16xf32>
        %parallel_loop3A_291 = arith.constant 1.080500e+00 : f32
        %parallel_loop3A_292 = vector.broadcast %parallel_loop3A_291 : f32 to vector<16xf32>
        %parallel_loop3A_293 = arith.mulf %parallel_loop3A_292, %parallel_loop3A_283 : vector<16xf32>
        %parallel_loop3A_294 = arith.addf %parallel_loop3A_290, %parallel_loop3A_293 : vector<16xf32>
        %parallel_loop3A_295 = arith.divf %parallel_loop3A_290, %parallel_loop3A_294 : vector<16xf32>
        %parallel_loop3A_296 = arith.index_cast %parallel_loop3A_192 : i32 to index
        %parallel_loop3A_297 = tpu.vector_load %arg18[%parallel_loop3A_296] {strides = array<i32>} : memref<4000xf32, #tpu.memory_space<vmem>>, vector<16xf32>,
        tpu.vector_store %arg18[%parallel_loop3A_296], %parallel_loop3A_295 {strides = array<i32>} : memref<4000xf32, #tpu.memory_space<vmem>>, vector<16xf32>,
      } {sc.loop_unroll_factor = 8 : i64, sc.parallel_access}
      %mul3A_115 = arith.constant 2000 : i32
      %mul3A_116 = arith.muli %add3A_72, %mul3A_115 : i32
      %add3A_117 = arith.addi %mul3A_9, %mul3A_116 : i32
      %dma_start3A_118 = arith.constant 0 : i32
      %dma_start3A_119 = arith.constant 0 : i32
      %dma_start3A_120 = tpu.memref_slice %arg18[%dma_start3A_119] : memref<4000xf32, #tpu.memory_space<vmem>> -> memref<2000xf32, #tpu.memory_space<vmem>>
      %dma_start3A_121 = tpu.memref_slice %arg7[%add3A_117] : memref<6400000xf32, #tpu.memory_space<hbm>> -> memref<2000xf32, #tpu.memory_space<hbm>>
      %dma_start3A_122 = tpu.memref_slice %arg22[%dma_start3A_118] : memref<2x!tpu.dma_semaphore, #tpu.memory_space<semaphore_mem>> -> memref<1x!tpu.dma_semaphore, #tpu.memory_space<semaphore_mem>>
      %dma_start3A_123 = tpu.memref_squeeze %dma_start3A_122 : memref<1x!tpu.dma_semaphore, #tpu.memory_space<semaphore_mem>> -> memref<!tpu.dma_semaphore, #tpu.memory_space<semaphore_mem>>
      %dma_start3A_124 = tpu.memref_slice %arg7[%add3A_117] : memref<6400000xf32, #tpu.memory_space<hbm>> -> memref<2000xf32, #tpu.memory_space<hbm>>
      %dma_start3A_125 = arith.constant 0 : i32
      %dma_start3A_126 = tpu.memref_slice %arg18[%dma_start3A_125] : memref<4000xf32, #tpu.memory_space<vmem>> -> memref<2000xf32, #tpu.memory_space<vmem>>
      tpu.enqueue_dma source(%dma_start3A_126 : memref<2000xf32, #tpu.memory_space<vmem>>) target(%dma_start3A_124 : memref<2000xf32, #tpu.memory_space<hbm>>) target_semaphore(%dma_start3A_123 : memref<!tpu.dma_semaphore, #tpu.memory_space<semaphore_mem>>)
      %add3A_127 = arith.constant 1 : i32
      %add3A_128 = arith.addi %add3A_70, %add3A_127 : i32
      %add3A_129 = arith.constant 1 : i32
      %add3A_130 = arith.addi %add3A_128, %add3A_129 : i32
      %lt3A_131 = arith.constant 100 : i32
      %lt3A_132 = arith.cmpi slt, %add3A_130, %lt3A_131 : i32
      %convert_element_type3A_133 = arith.extui %lt3A_132 : i1 to i32
      %cond3A_134 = arith.constant 0 : i32
      %cond3A_135 = arith.cmpi ne, %convert_element_type3A_133, %cond3A_134 : i32
      scf.if %cond3A_135 {
        %add3A_188 = arith.constant 1 : i32
        %add3A_189 = arith.addi %add3A_128, %add3A_188 : i32
        %mul3A_190 = arith.constant 2000 : i32
        %mul3A_191 = arith.muli %add3A_189, %mul3A_190 : i32
        %add3A_192 = arith.addi %mul3A_9, %mul3A_191 : i32
        %add3A_193 = arith.constant 6400000 : i32
        %add3A_194 = arith.addi %add3A_193, %add3A_192 : i32
        %dma_start3A_195 = arith.constant 0 : i32
        %dma_start3A_196 = arith.constant 0 : i32
        %dma_start3A_197 = tpu.memref_slice %arg15[%dma_start3A_196] : memref<4000xi32, #tpu.memory_space<vmem>> -> memref<2000xi32, #tpu.memory_space<vmem>>
        %dma_start3A_198 = tpu.memref_slice %arg4[%add3A_192] : memref<12800000xi32, #tpu.memory_space<hbm>> -> memref<2000xi32, #tpu.memory_space<hbm>>
        %dma_start3A_199 = tpu.memref_slice %arg19[%dma_start3A_195] : memref<2x!tpu.dma_semaphore, #tpu.memory_space<semaphore_mem>> -> memref<1x!tpu.dma_semaphore, #tpu.memory_space<semaphore_mem>>
        %dma_start3A_200 = tpu.memref_squeeze %dma_start3A_199 : memref<1x!tpu.dma_semaphore, #tpu.memory_space<semaphore_mem>> -> memref<!tpu.dma_semaphore, #tpu.memory_space<semaphore_mem>>
        %dma_start3A_201 = arith.constant 0 : i32
        %dma_start3A_202 = tpu.memref_slice %arg15[%dma_start3A_201] : memref<4000xi32, #tpu.memory_space<vmem>> -> memref<2000xi32, #tpu.memory_space<vmem>>
        %dma_start3A_203 = tpu.memref_slice %arg4[%add3A_192] : memref<12800000xi32, #tpu.memory_space<hbm>> -> memref<2000xi32, #tpu.memory_space<hbm>>
        tpu.enqueue_dma source(%dma_start3A_203 : memref<2000xi32, #tpu.memory_space<hbm>>) target(%dma_start3A_202 : memref<2000xi32, #tpu.memory_space<vmem>>) target_semaphore(%dma_start3A_200 : memref<!tpu.dma_semaphore, #tpu.memory_space<semaphore_mem>>)
        %dma_start3A_204 = arith.constant 0 : i32
        %dma_start3A_205 = arith.constant 0 : i32
        %dma_start3A_206 = tpu.memref_slice %arg16[%dma_start3A_205] : memref<4000xi32, #tpu.memory_space<vmem>> -> memref<2000xi32, #tpu.memory_space<vmem>>
        %dma_start3A_207 = tpu.memref_slice %arg4[%add3A_194] : memref<12800000xi32, #tpu.memory_space<hbm>> -> memref<2000xi32, #tpu.memory_space<hbm>>
        %dma_start3A_208 = tpu.memref_slice %arg20[%dma_start3A_204] : memref<2x!tpu.dma_semaphore, #tpu.memory_space<semaphore_mem>> -> memref<1x!tpu.dma_semaphore, #tpu.memory_space<semaphore_mem>>
        %dma_start3A_209 = tpu.memref_squeeze %dma_start3A_208 : memref<1x!tpu.dma_semaphore, #tpu.memory_space<semaphore_mem>> -> memref<!tpu.dma_semaphore, #tpu.memory_space<semaphore_mem>>
        %dma_start3A_210 = arith.constant 0 : i32
        %dma_start3A_211 = tpu.memref_slice %arg16[%dma_start3A_210] : memref<4000xi32, #tpu.memory_space<vmem>> -> memref<2000xi32, #tpu.memory_space<vmem>>
        %dma_start3A_212 = tpu.memref_slice %arg4[%add3A_194] : memref<12800000xi32, #tpu.memory_space<hbm>> -> memref<2000xi32, #tpu.memory_space<hbm>>
        tpu.enqueue_dma source(%dma_start3A_212 : memref<2000xi32, #tpu.memory_space<hbm>>) target(%dma_start3A_211 : memref<2000xi32, #tpu.memory_space<vmem>>) target_semaphore(%dma_start3A_209 : memref<!tpu.dma_semaphore, #tpu.memory_space<semaphore_mem>>)
        %dma_start3A_213 = arith.constant 0 : i32
        %dma_start3A_214 = arith.constant 0 : i32
        %dma_start3A_215 = tpu.memref_slice %arg17[%dma_start3A_214] : memref<4000xf32, #tpu.memory_space<vmem>> -> memref<2000xf32, #tpu.memory_space<vmem>>
        %dma_start3A_216 = tpu.memref_slice %arg2[%add3A_192] : memref<6400000xf32, #tpu.memory_space<hbm>> -> memref<2000xf32, #tpu.memory_space<hbm>>
        %dma_start3A_217 = tpu.memref_slice %arg21[%dma_start3A_213] : memref<2x!tpu.dma_semaphore, #tpu.memory_space<semaphore_mem>> -> memref<1x!tpu.dma_semaphore, #tpu.memory_space<semaphore_mem>>
        %dma_start3A_218 = tpu.memref_squeeze %dma_start3A_217 : memref<1x!tpu.dma_semaphore, #tpu.memory_space<semaphore_mem>> -> memref<!tpu.dma_semaphore, #tpu.memory_space<semaphore_mem>>
        %dma_start3A_219 = arith.constant 0 : i32
        %dma_start3A_220 = tpu.memref_slice %arg17[%dma_start3A_219] : memref<4000xf32, #tpu.memory_space<vmem>> -> memref<2000xf32, #tpu.memory_space<vmem>>
        %dma_start3A_221 = tpu.memref_slice %arg2[%add3A_192] : memref<6400000xf32, #tpu.memory_space<hbm>> -> memref<2000xf32, #tpu.memory_space<hbm>>
        tpu.enqueue_dma source(%dma_start3A_221 : memref<2000xf32, #tpu.memory_space<hbm>>) target(%dma_start3A_220 : memref<2000xf32, #tpu.memory_space<vmem>>) target_semaphore(%dma_start3A_218 : memref<!tpu.dma_semaphore, #tpu.memory_space<semaphore_mem>>)
      } else {
      }
      %mul3A_136 = arith.constant 2000 : i32
      %mul3A_137 = arith.muli %add3A_128, %mul3A_136 : i32
      %add3A_138 = arith.addi %mul3A_9, %mul3A_137 : i32
      %add3A_139 = arith.constant 6400000 : i32
      %add3A_140 = arith.addi %add3A_139, %add3A_138 : i32
      %dma_wait3A_141 = arith.constant 1 : i32
      %dma_wait3A_142 = arith.constant 2000 : i32
      %dma_wait3A_143 = tpu.memref_slice %arg15[%dma_wait3A_142] : memref<4000xi32, #tpu.memory_space<vmem>> -> memref<2000xi32, #tpu.memory_space<vmem>>
      %dma_wait3A_144 = tpu.memref_slice %arg4[%add3A_138] : memref<12800000xi32, #tpu.memory_space<hbm>> -> memref<2000xi32, #tpu.memory_space<hbm>>
      %dma_wait3A_145 = tpu.memref_slice %arg19[%dma_wait3A_141] : memref<2x!tpu.dma_semaphore, #tpu.memory_space<semaphore_mem>> -> memref<1x!tpu.dma_semaphore, #tpu.memory_space<semaphore_mem>>
      %dma_wait3A_146 = tpu.memref_squeeze %dma_wait3A_145 : memref<1x!tpu.dma_semaphore, #tpu.memory_space<semaphore_mem>> -> memref<!tpu.dma_semaphore, #tpu.memory_space<semaphore_mem>>
      %dma_wait3A_147 = arith.constant 2000 : i32
      %dma_wait3A_148 = tpu.memref_slice %arg15[%dma_wait3A_147] : memref<4000xi32, #tpu.memory_space<vmem>> -> memref<2000xi32, #tpu.memory_space<vmem>>
      %dma_wait3A_149 = tpu.memref_slice %arg4[%add3A_138] : memref<12800000xi32, #tpu.memory_space<hbm>> -> memref<2000xi32, #tpu.memory_space<hbm>>
      tpu.wait_dma2 semaphore(%dma_wait3A_146 : memref<!tpu.dma_semaphore, #tpu.memory_space<semaphore_mem>>) src(%dma_wait3A_149 : memref<2000xi32, #tpu.memory_space<hbm>>) dst(%dma_wait3A_148 : memref<2000xi32, #tpu.memory_space<vmem>>)
      %dma_wait3A_150 = arith.constant 1 : i32
      %dma_wait3A_151 = arith.constant 2000 : i32
      %dma_wait3A_152 = tpu.memref_slice %arg16[%dma_wait3A_151] : memref<4000xi32, #tpu.memory_space<vmem>> -> memref<2000xi32, #tpu.memory_space<vmem>>
      %dma_wait3A_153 = tpu.memref_slice %arg4[%add3A_140] : memref<12800000xi32, #tpu.memory_space<hbm>> -> memref<2000xi32, #tpu.memory_space<hbm>>
      %dma_wait3A_154 = tpu.memref_slice %arg20[%dma_wait3A_150] : memref<2x!tpu.dma_semaphore, #tpu.memory_space<semaphore_mem>> -> memref<1x!tpu.dma_semaphore, #tpu.memory_space<semaphore_mem>>
      %dma_wait3A_155 = tpu.memref_squeeze %dma_wait3A_154 : memref<1x!tpu.dma_semaphore, #tpu.memory_space<semaphore_mem>> -> memref<!tpu.dma_semaphore, #tpu.memory_space<semaphore_mem>>
      %dma_wait3A_156 = arith.constant 2000 : i32
      %dma_wait3A_157 = tpu.memref_slice %arg16[%dma_wait3A_156] : memref<4000xi32, #tpu.memory_space<vmem>> -> memref<2000xi32, #tpu.memory_space<vmem>>
      %dma_wait3A_158 = tpu.memref_slice %arg4[%add3A_140] : memref<12800000xi32, #tpu.memory_space<hbm>> -> memref<2000xi32, #tpu.memory_space<hbm>>
      tpu.wait_dma2 semaphore(%dma_wait3A_155 : memref<!tpu.dma_semaphore, #tpu.memory_space<semaphore_mem>>) src(%dma_wait3A_158 : memref<2000xi32, #tpu.memory_space<hbm>>) dst(%dma_wait3A_157 : memref<2000xi32, #tpu.memory_space<vmem>>)
      %dma_wait3A_159 = arith.constant 1 : i32
      %dma_wait3A_160 = arith.constant 2000 : i32
      %dma_wait3A_161 = tpu.memref_slice %arg17[%dma_wait3A_160] : memref<4000xf32, #tpu.memory_space<vmem>> -> memref<2000xf32, #tpu.memory_space<vmem>>
      %dma_wait3A_162 = tpu.memref_slice %arg2[%add3A_138] : memref<6400000xf32, #tpu.memory_space<hbm>> -> memref<2000xf32, #tpu.memory_space<hbm>>
      %dma_wait3A_163 = tpu.memref_slice %arg21[%dma_wait3A_159] : memref<2x!tpu.dma_semaphore, #tpu.memory_space<semaphore_mem>> -> memref<1x!tpu.dma_semaphore, #tpu.memory_space<semaphore_mem>>
      %dma_wait3A_164 = tpu.memref_squeeze %dma_wait3A_163 : memref<1x!tpu.dma_semaphore, #tpu.memory_space<semaphore_mem>> -> memref<!tpu.dma_semaphore, #tpu.memory_space<semaphore_mem>>
      %dma_wait3A_165 = arith.constant 2000 : i32
      %dma_wait3A_166 = tpu.memref_slice %arg17[%dma_wait3A_165] : memref<4000xf32, #tpu.memory_space<vmem>> -> memref<2000xf32, #tpu.memory_space<vmem>>
      %dma_wait3A_167 = tpu.memref_slice %arg2[%add3A_138] : memref<6400000xf32, #tpu.memory_space<hbm>> -> memref<2000xf32, #tpu.memory_space<hbm>>
      tpu.wait_dma2 semaphore(%dma_wait3A_164 : memref<!tpu.dma_semaphore, #tpu.memory_space<semaphore_mem>>) src(%dma_wait3A_167 : memref<2000xf32, #tpu.memory_space<hbm>>) dst(%dma_wait3A_166 : memref<2000xf32, #tpu.memory_space<vmem>>)
      %ge3A_168 = arith.constant 2 : i32
      %ge3A_169 = arith.cmpi sge, %add3A_128, %ge3A_168 : i32
      %convert_element_type3A_170 = arith.extui %ge3A_169 : i1 to i32
      %cond3A_171 = arith.constant 0 : i32
      %cond3A_172 = arith.cmpi ne, %convert_element_type3A_170, %cond3A_171 : i32
      scf.if %cond3A_172 {
        %sub3A = arith.constant 2 : i32
        %sub3A_188 = arith.subi %add3A_128, %sub3A : i32
        %mul3A_189 = arith.constant 2000 : i32
        %mul3A_190 = arith.muli %sub3A_188, %mul3A_189 : i32
        %add3A_191 = arith.addi %mul3A_9, %mul3A_190 : i32
        %dma_wait3A_192 = arith.constant 1 : i32
        %dma_wait3A_193 = arith.constant 2000 : i32
        %dma_wait3A_194 = tpu.memref_slice %arg18[%dma_wait3A_193] : memref<4000xf32, #tpu.memory_space<vmem>> -> memref<2000xf32, #tpu.memory_space<vmem>>
        %dma_wait3A_195 = tpu.memref_slice %arg7[%add3A_191] : memref<6400000xf32, #tpu.memory_space<hbm>> -> memref<2000xf32, #tpu.memory_space<hbm>>
        %dma_wait3A_196 = tpu.memref_slice %arg22[%dma_wait3A_192] : memref<2x!tpu.dma_semaphore, #tpu.memory_space<semaphore_mem>> -> memref<1x!tpu.dma_semaphore, #tpu.memory_space<semaphore_mem>>
        %dma_wait3A_197 = tpu.memref_squeeze %dma_wait3A_196 : memref<1x!tpu.dma_semaphore, #tpu.memory_space<semaphore_mem>> -> memref<!tpu.dma_semaphore, #tpu.memory_space<semaphore_mem>>
        %dma_wait3A_198 = tpu.memref_slice %arg7[%add3A_191] : memref<6400000xf32, #tpu.memory_space<hbm>> -> memref<2000xf32, #tpu.memory_space<hbm>>
        %dma_wait3A_199 = arith.constant 2000 : i32
        %dma_wait3A_200 = tpu.memref_slice %arg18[%dma_wait3A_199] : memref<4000xf32, #tpu.memory_space<vmem>> -> memref<2000xf32, #tpu.memory_space<vmem>>
        tpu.wait_dma2 semaphore(%dma_wait3A_197 : memref<!tpu.dma_semaphore, #tpu.memory_space<semaphore_mem>>) src(%dma_wait3A_200 : memref<2000xf32, #tpu.memory_space<vmem>>) dst(%dma_wait3A_198 : memref<2000xf32, #tpu.memory_space<hbm>>)
      } else {
      }
      %parallel_loop3A_173 = arith.constant 0 : i32
      %parallel_loop3A_174 = arith.constant 125 : i32
      %parallel_loop3A_175 = arith.constant 1 : i32
      scf.for %parallel_loop3A_188 = %parallel_loop3A_173 to %parallel_loop3A_174 step %parallel_loop3A_175  : i32 {
        %parallel_loop3A_189 = arith.constant 16 : i32
        %parallel_loop3A_190 = arith.muli %parallel_loop3A_188, %parallel_loop3A_189 : i32
        %parallel_loop3A_191 = arith.constant 2000 : i32
        %parallel_loop3A_192 = arith.addi %parallel_loop3A_191, %parallel_loop3A_190 : i32
        %parallel_loop3A_193 = arith.index_cast %parallel_loop3A_192 : i32 to index
        %parallel_loop3A_194 = tpu.vector_load %arg15[%parallel_loop3A_193] {strides = array<i32>} : memref<4000xi32, #tpu.memory_space<vmem>>, vector<16xi32>,
        %parallel_loop3A_195 = tpu.vector_load_idx %arg14[%parallel_loop3A_194] : memref<100000xf32, #tpu.memory_space<vmem>>[vector<16xi32>], vector<16xf32>,
        %parallel_loop3A_196 = arith.index_cast %parallel_loop3A_192 : i32 to index
        %parallel_loop3A_197 = tpu.vector_load %arg16[%parallel_loop3A_196] {strides = array<i32>} : memref<4000xi32, #tpu.memory_space<vmem>>, vector<16xi32>,
        %parallel_loop3A_198 = tpu.vector_load_idx %arg14[%parallel_loop3A_197] : memref<100000xf32, #tpu.memory_space<vmem>>[vector<16xi32>], vector<16xf32>,
        %parallel_loop3A_199 = arith.addf %parallel_loop3A_195, %parallel_loop3A_198 : vector<16xf32>
        %parallel_loop3A_200 = arith.constant 5.000000e-01 : f32
        %parallel_loop3A_201 = vector.broadcast %parallel_loop3A_200 : f32 to vector<16xf32>
        %parallel_loop3A_202 = arith.mulf %parallel_loop3A_201, %parallel_loop3A_199 : vector<16xf32>
        %parallel_loop3A_203 = arith.index_cast %parallel_loop3A_192 : i32 to index
        %parallel_loop3A_204 = tpu.vector_load %arg17[%parallel_loop3A_203] {strides = array<i32>} : memref<4000xf32, #tpu.memory_space<vmem>>, vector<16xf32>,
        %parallel_loop3A_205 = arith.divf %parallel_loop3A_204, %parallel_loop3A_202 : vector<16xf32>
        %parallel_loop3A_206 = vector.bitcast %parallel_loop3A_205 : vector<16xf32> to vector<16xi32>
        %parallel_loop3A_207 = arith.constant 23 : i32
        %parallel_loop3A_208 = vector.broadcast %parallel_loop3A_207 : i32 to vector<16xi32>
        %parallel_loop3A_209 = arith.shrsi %parallel_loop3A_206, %parallel_loop3A_208 : vector<16xi32>
        %parallel_loop3A_210 = arith.constant 127 : i32
        %parallel_loop3A_211 = vector.broadcast %parallel_loop3A_210 : i32 to vector<16xi32>
        %parallel_loop3A_212 = arith.subi %parallel_loop3A_209, %parallel_loop3A_211 : vector<16xi32>
        %parallel_loop3A_213 = arith.constant 8388607 : i32
        %parallel_loop3A_214 = vector.broadcast %parallel_loop3A_213 : i32 to vector<16xi32>
        %parallel_loop3A_215 = arith.andi %parallel_loop3A_206, %parallel_loop3A_214 : vector<16xi32>
        %parallel_loop3A_216 = arith.constant 1065353216 : i32
        %parallel_loop3A_217 = vector.broadcast %parallel_loop3A_216 : i32 to vector<16xi32>
        %parallel_loop3A_218 = arith.ori %parallel_loop3A_215, %parallel_loop3A_217 : vector<16xi32>
        %parallel_loop3A_219 = vector.bitcast %parallel_loop3A_218 : vector<16xi32> to vector<16xf32>
        %parallel_loop3A_220 = arith.constant 1.000000e+00 : f32
        %parallel_loop3A_221 = vector.broadcast %parallel_loop3A_220 : f32 to vector<16xf32>
        %parallel_loop3A_222 = arith.subf %parallel_loop3A_219, %parallel_loop3A_221 : vector<16xf32>
        %parallel_loop3A_223 = arith.constant 0.000000e+00 : f32
        %parallel_loop3A_224 = vector.broadcast %parallel_loop3A_223 : f32 to vector<16xf32>
        %parallel_loop3A_225 = arith.mulf %parallel_loop3A_222, %parallel_loop3A_224 : vector<16xf32>
        %parallel_loop3A_226 = arith.constant -0.0022880605 : f32
        %parallel_loop3A_227 = vector.broadcast %parallel_loop3A_226 : f32 to vector<16xf32>
        %parallel_loop3A_228 = arith.addf %parallel_loop3A_225, %parallel_loop3A_227 : vector<16xf32>
        %parallel_loop3A_229 = arith.mulf %parallel_loop3A_228, %parallel_loop3A_222 : vector<16xf32>
        %parallel_loop3A_230 = arith.constant 0.0151453726 : f32
        %parallel_loop3A_231 = vector.broadcast %parallel_loop3A_230 : f32 to vector<16xf32>
        %parallel_loop3A_232 = arith.addf %parallel_loop3A_229, %parallel_loop3A_231 : vector<16xf32>
        %parallel_loop3A_233 = arith.mulf %parallel_loop3A_232, %parallel_loop3A_222 : vector<16xf32>
        %parallel_loop3A_234 = arith.constant -0.0471334644 : f32
        %parallel_loop3A_235 = vector.broadcast %parallel_loop3A_234 : f32 to vector<16xf32>
        %parallel_loop3A_236 = arith.addf %parallel_loop3A_233, %parallel_loop3A_235 : vector<16xf32>
        %parallel_loop3A_237 = arith.mulf %parallel_loop3A_236, %parallel_loop3A_222 : vector<16xf32>
        %parallel_loop3A_238 = arith.constant 0.0947037935 : f32
        %parallel_loop3A_239 = vector.broadcast %parallel_loop3A_238 : f32 to vector<16xf32>
        %parallel_loop3A_240 = arith.addf %parallel_loop3A_237, %parallel_loop3A_239 : vector<16xf32>
        %parallel_loop3A_241 = arith.mulf %parallel_loop3A_240, %parallel_loop3A_222 : vector<16xf32>
        %parallel_loop3A_242 = arith.constant -0.145176455 : f32
        %parallel_loop3A_243 = vector.broadcast %parallel_loop3A_242 : f32 to vector<16xf32>
        %parallel_loop3A_244 = arith.addf %parallel_loop3A_241, %parallel_loop3A_243 : vector<16xf32>
        %parallel_loop3A_245 = arith.mulf %parallel_loop3A_244, %parallel_loop3A_222 : vector<16xf32>
        %parallel_loop3A_246 = arith.constant 0.193376377 : f32
        %parallel_loop3A_247 = vector.broadcast %parallel_loop3A_246 : f32 to vector<16xf32>
        %parallel_loop3A_248 = arith.addf %parallel_loop3A_245, %parallel_loop3A_247 : vector<16xf32>
        %parallel_loop3A_249 = arith.mulf %parallel_loop3A_248, %parallel_loop3A_222 : vector<16xf32>
        %parallel_loop3A_250 = arith.constant -0.24865821 : f32
        %parallel_loop3A_251 = vector.broadcast %parallel_loop3A_250 : f32 to vector<16xf32>
        %parallel_loop3A_252 = arith.addf %parallel_loop3A_249, %parallel_loop3A_251 : vector<16xf32>
        %parallel_loop3A_253 = arith.mulf %parallel_loop3A_252, %parallel_loop3A_222 : vector<16xf32>
        %parallel_loop3A_254 = arith.constant 0.333166927 : f32
        %parallel_loop3A_255 = vector.broadcast %parallel_loop3A_254 : f32 to vector<16xf32>
        %parallel_loop3A_256 = arith.addf %parallel_loop3A_253, %parallel_loop3A_255 : vector<16xf32>
        %parallel_loop3A_257 = arith.mulf %parallel_loop3A_256, %parallel_loop3A_222 : vector<16xf32>
        %parallel_loop3A_258 = arith.constant -0.499988765 : f32
        %parallel_loop3A_259 = vector.broadcast %parallel_loop3A_258 : f32 to vector<16xf32>
        %parallel_loop3A_260 = arith.addf %parallel_loop3A_257, %parallel_loop3A_259 : vector<16xf32>
        %parallel_loop3A_261 = arith.mulf %parallel_loop3A_260, %parallel_loop3A_222 : vector<16xf32>
        %parallel_loop3A_262 = arith.constant 0.999999642 : f32
        %parallel_loop3A_263 = vector.broadcast %parallel_loop3A_262 : f32 to vector<16xf32>
        %parallel_loop3A_264 = arith.addf %parallel_loop3A_261, %parallel_loop3A_263 : vector<16xf32>
        %parallel_loop3A_265 = arith.mulf %parallel_loop3A_264, %parallel_loop3A_222 : vector<16xf32>
        %parallel_loop3A_266 = arith.constant 2.41390374E-9 : f32
        %parallel_loop3A_267 = vector.broadcast %parallel_loop3A_266 : f32 to vector<16xf32>
        %parallel_loop3A_268 = arith.addf %parallel_loop3A_265, %parallel_loop3A_267 : vector<16xf32>
        %parallel_loop3A_269 = arith.sitofp %parallel_loop3A_212 : vector<16xi32> to vector<16xf32>
        %parallel_loop3A_270 = arith.constant 0.693147182 : f32
        %parallel_loop3A_271 = vector.broadcast %parallel_loop3A_270 : f32 to vector<16xf32>
        %parallel_loop3A_272 = arith.mulf %parallel_loop3A_269, %parallel_loop3A_271 : vector<16xf32>
        %parallel_loop3A_273 = arith.addf %parallel_loop3A_272, %parallel_loop3A_268 : vector<16xf32>
        %parallel_loop3A_274 = arith.constant -1.800000e+01 : f32
        %parallel_loop3A_275 = vector.broadcast %parallel_loop3A_274 : f32 to vector<16xf32>
        %parallel_loop3A_276 = arith.maximumf %parallel_loop3A_273, %parallel_loop3A_275 : vector<16xf32>
        %parallel_loop3A_277 = arith.constant 1.800000e+01 : f32
        %parallel_loop3A_278 = vector.broadcast %parallel_loop3A_277 : f32 to vector<16xf32>
        %parallel_loop3A_279 = arith.minimumf %parallel_loop3A_276, %parallel_loop3A_278 : vector<16xf32>
        %parallel_loop3A_280 = arith.constant 0.918299973 : f32
        %parallel_loop3A_281 = vector.broadcast %parallel_loop3A_280 : f32 to vector<16xf32>
        %parallel_loop3A_282 = arith.mulf %parallel_loop3A_281, %parallel_loop3A_279 : vector<16xf32>
        %parallel_loop3A_283 = math.exp %parallel_loop3A_282 : vector<16xf32>
        %parallel_loop3A_284 = arith.constant -3.66080022 : f32
        %parallel_loop3A_285 = vector.broadcast %parallel_loop3A_284 : f32 to vector<16xf32>
        %parallel_loop3A_286 = arith.mulf %parallel_loop3A_285, %parallel_loop3A_279 : vector<16xf32>
        %parallel_loop3A_287 = math.exp %parallel_loop3A_286 : vector<16xf32>
        %parallel_loop3A_288 = arith.constant 1.000000e+00 : f32
        %parallel_loop3A_289 = vector.broadcast %parallel_loop3A_288 : f32 to vector<16xf32>
        %parallel_loop3A_290 = arith.addf %parallel_loop3A_289, %parallel_loop3A_287 : vector<16xf32>
        %parallel_loop3A_291 = arith.constant 1.080500e+00 : f32
        %parallel_loop3A_292 = vector.broadcast %parallel_loop3A_291 : f32 to vector<16xf32>
        %parallel_loop3A_293 = arith.mulf %parallel_loop3A_292, %parallel_loop3A_283 : vector<16xf32>
        %parallel_loop3A_294 = arith.addf %parallel_loop3A_290, %parallel_loop3A_293 : vector<16xf32>
        %parallel_loop3A_295 = arith.divf %parallel_loop3A_290, %parallel_loop3A_294 : vector<16xf32>
        %parallel_loop3A_296 = arith.index_cast %parallel_loop3A_192 : i32 to index
        %parallel_loop3A_297 = tpu.vector_load %arg18[%parallel_loop3A_296] {strides = array<i32>} : memref<4000xf32, #tpu.memory_space<vmem>>, vector<16xf32>,
        tpu.vector_store %arg18[%parallel_loop3A_296], %parallel_loop3A_295 {strides = array<i32>} : memref<4000xf32, #tpu.memory_space<vmem>>, vector<16xf32>,
      } {sc.loop_unroll_factor = 8 : i64, sc.parallel_access}
      %mul3A_176 = arith.constant 2000 : i32
      %mul3A_177 = arith.muli %add3A_128, %mul3A_176 : i32
      %add3A_178 = arith.addi %mul3A_9, %mul3A_177 : i32
      %dma_start3A_179 = arith.constant 1 : i32
      %dma_start3A_180 = arith.constant 2000 : i32
      %dma_start3A_181 = tpu.memref_slice %arg18[%dma_start3A_180] : memref<4000xf32, #tpu.memory_space<vmem>> -> memref<2000xf32, #tpu.memory_space<vmem>>
      %dma_start3A_182 = tpu.memref_slice %arg7[%add3A_178] : memref<6400000xf32, #tpu.memory_space<hbm>> -> memref<2000xf32, #tpu.memory_space<hbm>>
      %dma_start3A_183 = tpu.memref_slice %arg22[%dma_start3A_179] : memref<2x!tpu.dma_semaphore, #tpu.memory_space<semaphore_mem>> -> memref<1x!tpu.dma_semaphore, #tpu.memory_space<semaphore_mem>>
      %dma_start3A_184 = tpu.memref_squeeze %dma_start3A_183 : memref<1x!tpu.dma_semaphore, #tpu.memory_space<semaphore_mem>> -> memref<!tpu.dma_semaphore, #tpu.memory_space<semaphore_mem>>
      %dma_start3A_185 = tpu.memref_slice %arg7[%add3A_178] : memref<6400000xf32, #tpu.memory_space<hbm>> -> memref<2000xf32, #tpu.memory_space<hbm>>
      %dma_start3A_186 = arith.constant 2000 : i32
      %dma_start3A_187 = tpu.memref_slice %arg18[%dma_start3A_186] : memref<4000xf32, #tpu.memory_space<vmem>> -> memref<2000xf32, #tpu.memory_space<vmem>>
      tpu.enqueue_dma source(%dma_start3A_187 : memref<2000xf32, #tpu.memory_space<vmem>>) target(%dma_start3A_185 : memref<2000xf32, #tpu.memory_space<hbm>>) target_semaphore(%dma_start3A_184 : memref<!tpu.dma_semaphore, #tpu.memory_space<semaphore_mem>>)
    }
    %scan3A_44 = arith.constant 50 : i32
    %add3A_45 = arith.constant 196000 : i32
    %add3A_46 = arith.addi %mul3A_9, %add3A_45 : i32
    %dma_wait3A = arith.constant 0 : i32
    %dma_wait3A_47 = arith.constant 0 : i32
    %dma_wait3A_48 = tpu.memref_slice %arg18[%dma_wait3A_47] : memref<4000xf32, #tpu.memory_space<vmem>> -> memref<2000xf32, #tpu.memory_space<vmem>>
    %dma_wait3A_49 = tpu.memref_slice %arg7[%add3A_46] : memref<6400000xf32, #tpu.memory_space<hbm>> -> memref<2000xf32, #tpu.memory_space<hbm>>
    %dma_wait3A_50 = tpu.memref_slice %arg22[%dma_wait3A] : memref<2x!tpu.dma_semaphore, #tpu.memory_space<semaphore_mem>> -> memref<1x!tpu.dma_semaphore, #tpu.memory_space<semaphore_mem>>
    %dma_wait3A_51 = tpu.memref_squeeze %dma_wait3A_50 : memref<1x!tpu.dma_semaphore, #tpu.memory_space<semaphore_mem>> -> memref<!tpu.dma_semaphore, #tpu.memory_space<semaphore_mem>>
    %dma_wait3A_52 = tpu.memref_slice %arg7[%add3A_46] : memref<6400000xf32, #tpu.memory_space<hbm>> -> memref<2000xf32, #tpu.memory_space<hbm>>
    %dma_wait3A_53 = arith.constant 0 : i32
    %dma_wait3A_54 = tpu.memref_slice %arg18[%dma_wait3A_53] : memref<4000xf32, #tpu.memory_space<vmem>> -> memref<2000xf32, #tpu.memory_space<vmem>>
    tpu.wait_dma2 semaphore(%dma_wait3A_51 : memref<!tpu.dma_semaphore, #tpu.memory_space<semaphore_mem>>) src(%dma_wait3A_54 : memref<2000xf32, #tpu.memory_space<vmem>>) dst(%dma_wait3A_52 : memref<2000xf32, #tpu.memory_space<hbm>>)
    %add3A_55 = arith.constant 198000 : i32
    %add3A_56 = arith.addi %mul3A_9, %add3A_55 : i32
    %dma_wait3A_57 = arith.constant 1 : i32
    %dma_wait3A_58 = arith.constant 2000 : i32
    %dma_wait3A_59 = tpu.memref_slice %arg18[%dma_wait3A_58] : memref<4000xf32, #tpu.memory_space<vmem>> -> memref<2000xf32, #tpu.memory_space<vmem>>
    %dma_wait3A_60 = tpu.memref_slice %arg7[%add3A_56] : memref<6400000xf32, #tpu.memory_space<hbm>> -> memref<2000xf32, #tpu.memory_space<hbm>>
    %dma_wait3A_61 = tpu.memref_slice %arg22[%dma_wait3A_57] : memref<2x!tpu.dma_semaphore, #tpu.memory_space<semaphore_mem>> -> memref<1x!tpu.dma_semaphore, #tpu.memory_space<semaphore_mem>>
    %dma_wait3A_62 = tpu.memref_squeeze %dma_wait3A_61 : memref<1x!tpu.dma_semaphore, #tpu.memory_space<semaphore_mem>> -> memref<!tpu.dma_semaphore, #tpu.memory_space<semaphore_mem>>
    %dma_wait3A_63 = tpu.memref_slice %arg7[%add3A_56] : memref<6400000xf32, #tpu.memory_space<hbm>> -> memref<2000xf32, #tpu.memory_space<hbm>>
    %dma_wait3A_64 = arith.constant 2000 : i32
    %dma_wait3A_65 = tpu.memref_slice %arg18[%dma_wait3A_64] : memref<4000xf32, #tpu.memory_space<vmem>> -> memref<2000xf32, #tpu.memory_space<vmem>>
    tpu.wait_dma2 semaphore(%dma_wait3A_62 : memref<!tpu.dma_semaphore, #tpu.memory_space<semaphore_mem>>) src(%dma_wait3A_65 : memref<2000xf32, #tpu.memory_space<vmem>>) dst(%dma_wait3A_63 : memref<2000xf32, #tpu.memory_space<hbm>>)
    return
  }
}

</mosaic_0001>

<sc_bundles>
// kernel: kernel.3.cloned.1.call-start
scs
__scs_entry_jumppad:
0x0: {  	(pc) =	sbr.rel $0x88, $3  }
0x1: {  	(tag) =	ssettag $0x0;
	lr =	simm.s32 $0x1  }
0x2: {  	[smem:$0x3F9D] =	sst lr;
	_ =	strace $0xD0000000  }
0x3: {  	_ = 	snop  }
0x4: {  	_ = 	snop  }
0x5: {  	_ = 	snop  }
0x6: {  	_ = 	snop  }
0x7: {  	_ = 	snop  }
__scs_overlays_trampoline_lowered:
0x8: {  	[smem:$0x3FAC] =	sst s0  }
0x9: {  	[smem:$0x3FAD] =	sst s1  }
0xa: {  	[smem:$0x3FAE] =	sst s2  }
0xb: {  	[smem:$0x3FAF] =	sst s3  }
0xc: {  	[smem:$0x3FB0] =	sst s4  }
0xd: {  	[smem:$0x3FB1] =	sst s5  }
0xe: {  	[smem:$0x3FB2] =	sst s6  }
0xf: {  	[smem:$0x3FB3] =	sst s7  }
0x10: {  	[smem:$0x3FB4] =	sst s8  }
0x11: {  	[smem:$0x3FB5] =	sst s9;
	s0 =	simm.s32 @!p0 $0x0  }
0x12: {  	s1 =	sld [smem:$0x3F9B];
	s0 =	simm.s32 @p0 $0x1  }
0x13: {  	[smem:$0x3FB6] =	sst s0;
	s0 =	simm.s32 @!p1 $0x0  }
0x14: {  	s2 =	sld [smem:$0x3F9A];
	s0 =	simm.s32 @p1 $0x1  }
0x15: {  	[smem:$0x3FB7] =	sst s0;
	s0 =	simm.s32 @!p2 $0x0  }
0x16: {  	s3 =	sld [smem:$0x3FDB];
	s0 =	simm.s32 @p2 $0x1  }
0x17: {  	s4 =	simm.s32 $0x1BF5;
	[smem:$0x3FB9] =	sst s0  }
0x18: {  	s0 =	sld [smem:$0x3F9C];
	_ =	swait.ge [sflag:s4], $0x0  }
0x19: {  	s7 =	sld [smem:$0x3F9D]  }
0x1a: {  	s8 =	sadd.s32 $0xFFFFE003, lr  }
0x1b: {  	s9 =	sadd.s32 $0xFFFFFEF7, lr;
	s5 =	simm.s32 $0xFFFFFFFF;
	p2 =	slt.u32 s8, $0xFFFFF086  }
0x1c: {  	p1 =	slt.u32 s9, $0xF7A;
	s5 =	simm.s32 @!p2 $0x0  }
0x1d: {  	s5 =	simm.s32 @p1 $0x1;
	p0 =	seq.s32 s7, s2  }
0x1e: {  	s7 =	smul.u32 @!p0 $0xF7A, s2;
	p2 =	seq.s32 @!p0 s5, $0x0  }
0x1f: {  	s9 =	smul.u32 $0xF7A, s1;
	s8 =	simm.s32 @!p0 $0x1BF5;
	p2 =	por !p2, p0  }
0x20: {  	[sflag:s8] =	ssyncset.s32 @!p0 $0xFFFFF086;
	s6 =	sadd.s32 @!p0 s3, s7;
	s7 =	simm.s32 @!p0 $0x108  }
0x21: {  	s3 =	sadd.s32 s3, s9;
	s6 =	sadd.s32 @!p0 $0x88, s6;
	s7 =	simm.s32 @p2 $0x1082  }
0x22: {  	[simem:s7], [sflag:s8] =	dma.local @!p0 [hbm:s6], $0xF7A  }
0x23: {  	s9 =	sor.u32 $0xD0000000, s2;
	s6 =	simm.s32 $0x108;
	_ =	swait.ge @!p0 [sflag:s8], $0x0  }
0x24: {  	s3 =	sadd.s32 $0x88, s3;
	s6 =	simm.s32 @!p1 $0x1082;
	[sflag:s4] =	ssyncset.s32 $0xFFFFF086  }
0x25: {  	[simem:s6], [sflag:s4] =	dma.local [hbm:s3], $0xF7A  }
0x26: {  	[smem:$0x3F9D] =	sst s1;
	(tag) =	ssettag s2;
	_ =	strace s9  }
0x27: {  	s1 =	sld [smem:$0x3FAD]  }
0x28: {  	s2 =	sld [smem:$0x3FAE]  }
0x29: {  	s4 =	sld [smem:$0x3FB0]  }
0x2a: {  	p0 =	seq.s32 s5, $0x0;
	s5 =	sld [smem:$0x3FB1]  }
0x2b: {  	s6 =	sld [smem:$0x3FB2]  }
0x2c: {  	s7 =	sld [smem:$0x3FB3]  }
0x2d: {  	s3 =	simm.s32 $0x108;
	s8 =	sld [smem:$0x3FB4]  }
0x2e: {  	s3 =	simm.s32 @!p0 $0x1082;
	s9 =	sld [smem:$0x3FB5]  }
0x2f: {  	lr =	sadd.s32 s0, s3;
	s0 =	sld [smem:$0x3FAC]  }
0x30: {  	s3 =	sld [smem:$0x3FAF]  }
0x31: {  	[smem:$0x3FB8] =	sst s10  }
0x32: {  	s10 =	sld [smem:$0x3FB6];
	_ =	sdelay $0x3  }
0x33: {  	p0 =	seq.s32 s10, $0x1;
	s10 =	sld [smem:$0x3FB8];
	_ =	sdelay $0x3  }
0x34: {  	[smem:$0x3FB8] =	sst s10  }
0x35: {  	s10 =	sld [smem:$0x3FB7];
	_ =	sdelay $0x3  }
0x36: {  	p1 =	seq.s32 s10, $0x1;
	s10 =	sld [smem:$0x3FB8];
	_ =	sdelay $0x3  }
0x37: {  	[smem:$0x3FB8] =	sst s10  }
0x38: {  	s10 =	sld [smem:$0x3FB9]  }
0x39: {  	_ = 	snop;
	(pc) =	sbr.ind lr, $3  }
0x3a: {  	_ = 	snop  }
0x3b: {  	_ = 	snop  }
0x3c: {  	p2 =	seq.s32 s10, $0x1;
	s10 =	sld [smem:$0x3FB8]  }
0x3d: {  	_ =	shalt  }
0x3e: {  	_ =	shalt  }
0x3f: {  	_ =	shalt  }
0x40: {  	_ =	shalt  }
0x41: {  	_ =	shalt  }
0x42: {  	_ =	shalt  }
0x43: {  	_ =	shalt  }
0x44: {  	_ =	shalt  }
0x45: {  	_ =	shalt  }
0x46: {  	_ =	shalt  }
0x47: {  	_ =	shalt  }
0x48: {  	_ =	shalt  }
0x49: {  	_ =	shalt  }
0x4a: {  	_ =	shalt  }
0x4b: {  	_ =	shalt  }
0x4c: {  	_ =	shalt  }
0x4d: {  	_ =	shalt  }
0x4e: {  	_ =	shalt  }
0x4f: {  	_ =	shalt  }
0x50: {  	_ =	shalt  }
0x51: {  	_ =	shalt  }
0x52: {  	_ =	shalt  }
0x53: {  	_ =	shalt  }
0x54: {  	_ =	shalt  }
0x55: {  	_ =	shalt  }
0x56: {  	_ =	shalt  }
0x57: {  	_ =	shalt  }
0x58: {  	_ =	shalt  }
0x59: {  	_ =	shalt  }
0x5a: {  	_ =	shalt  }
0x5b: {  	_ =	shalt  }
0x5c: {  	_ =	shalt  }
0x5d: {  	_ =	shalt  }
0x5e: {  	_ =	shalt  }
0x5f: {  	_ =	shalt  }
0x60: {  	_ =	shalt  }
0x61: {  	_ =	shalt  }
0x62: {  	_ =	shalt  }
0x63: {  	_ =	shalt  }
0x64: {  	_ =	shalt  }
0x65: {  	_ =	shalt  }
0x66: {  	_ =	shalt  }
0x67: {  	_ =	shalt  }
0x68: {  	_ =	shalt  }
0x69: {  	_ =	shalt  }
0x6a: {  	_ =	shalt  }
0x6b: {  	_ =	shalt  }
0x6c: {  	_ =	shalt  }
0x6d: {  	_ =	shalt  }
0x6e: {  	_ =	shalt  }
0x6f: {  	_ =	shalt  }
0x70: {  	_ =	shalt  }
0x71: {  	_ =	shalt  }
0x72: {  	_ =	shalt  }
0x73: {  	_ =	shalt  }
0x74: {  	_ =	shalt  }
0x75: {  	_ =	shalt  }
0x76: {  	_ =	shalt  }
0x77: {  	_ =	shalt  }
0x78: {  	_ =	shalt  }
0x79: {  	_ =	shalt  }
0x7a: {  	_ =	shalt  }
0x7b: {  	_ =	shalt  }
0x7c: {  	_ =	shalt  }
0x7d: {  	_ =	shalt  }
0x7e: {  	_ =	shalt  }
0x7f: {  	_ =	shalt  }
0x80: {  	_ =	shalt  }
0x81: {  	_ =	shalt  }
0x82: {  	_ =	shalt  }
0x83: {  	_ =	shalt  }
0x84: {  	_ =	shalt  }
0x85: {  	_ =	shalt  }
0x86: {  	_ =	shalt  }
0x87: {  	_ =	shalt  }
.Lfunc_end0:
.L_simem_size_0:
called_computation.1_lowered:
.L_overlay_start_0:
0x88: {  	s2 =	sld [smem:$0x3FD9]  }
0x89: {  	s3 =	sld [smem:$0x3FFE];
	_ =	sdelay $0x1  }
0x8a: {  	s1 =	srdreg.scid  }
0x8b: {  	s0 =	sand.u32 $0x1, s1  }
0x8c: {  	s17 =	sshll.u32 s0, $0xA;
	s2 =	sadd.s32 s3, s2  }
0x8d: {  	s2 =	sadd.s32 s2, s17  }
0x8e: {  	[smem:$0x3FC4] =	sst s2  }
0x8f: {  	_ = 	snop  }
0x90: {  	s2 =	sld [smem:$0x3FC9]  }
0x91: {  	s18 =	sld [smem:$0x3FD0];
	(tm) =	ssettm $0x1  }
0x92: {  	s4 =	sld [smem:$0x3FFB];
	_ =	sdelay $0x3  }
0x93: {  	_ =	strace s4  }
0x94: {  	s4 =	sld [smem:$0x3FFC];
	_ =	sdelay $0x3  }
0x95: {  	_ =	strace s4  }
0x96: {  	s4 =	sld [smem:$0x3FFD];
	_ =	sdelay $0x3  }
0x97: {  	_ =	strace s4  }
0x98: {  	_ =	strace $0x8FFFFFFF  }
0x99: {  	s19 =	sld [smem:$0x3FDB];
	_ =	sdelay $0x1  }
0x9a: {  	s5 =	simm.s32 $_scs_section_size  }
0x9b: {  	s6 =	simm.s32 $_size__tile_overlayer_lowered;
	s7 =	simm.s32 $_tile_overlayer_lowered  }
0x9c: {  	s22 =	simm.s32 $0x1BFF;
	s21 =	sshll.u32 s7, $0x1;
	s4 =	sadd.s32 s5, s19  }
0x9d: {  	s8 =	simm.s32 $0x0;
	s20 =	sshll.u32 s6, $0x1;
	s6 =	sadd.s32 s21, s4  }
0x9e: {  	[timem:s8], [sflag:s22] =	dma.local [hbm:s6], s20  }
0x9f: {  	_ =	swait.ge [sflag:s22], s20  }
0xa0: {  	s5 =	ssub.s32 $0x0, s20;
	[sflag:s22] =	ssyncset.done $0x0  }
0xa1: {  	[sflag:s22] =	ssyncadd.s32 s5;
	_ =	sdelay $0x1  }
0xa2: {  	s23 =	simm.s32 $0x1B8B  }
0xa3: {  	_ =	swait.ge [sflag:s23], $0x1  }
0xa4: {  	[sflag:s23] =	ssyncset.done $0x0  }
0xa5: {  	s25 =	simm.s32 $0x1B8E;
	s24 =	sld [smem:$0x3FFE];
	[sflag:s23] =	ssyncadd.s32 $0xFFFFFFFF  }
0xa6: {  	s26 =	simm.s32 $execute0_lowered;
	[smem:$0x3FD2] =	sst s25  }
0xa7: {  	s6 =	sshll.u32 s26, $0x1;
	_ =	strace $0x80000049;
	[dreg:$0x1] =	wrdreg $0xFFFFFFFF  }
0xa8: {  	s28 =	simm.s32 $_size_execute0_lowered;
	s4 =	sadd.s32 s4, s6;
	[dreg:$0x0] =	wrdreg $0x0  }
0xa9: {  	s6 =	sshll.u32 s28, $0x1;
	[dreg:$0x2] =	wrdreg s4  }
0xaa: {  	[dreg:$0x3] =	wrdreg s6  }
0xab: {  	[dreg:$0x4] =	wrdreg $0xC0  }
0xac: {  	_ =	task [dreg:s8], $0x5FFFF  }
0xad: {  	[dreg:$0x1] =	wrdreg $0xFFFFFFFF  }
0xae: {  	[dreg:$0x0] =	wrdreg $0x60  }
0xaf: {  	[dreg:$0x2] =	wrdreg s2  }
0xb0: {  	[dreg:$0x3] =	wrdreg s24  }
0xb1: {  	[dreg:$0x4] =	wrdreg s18  }
0xb2: {  	[dreg:$0x5] =	wrdreg $0x13800  }
0xb3: {  	[dreg:$0x6] =	wrdreg $0x9  }
0xb4: {  	_ =	task.clear_ibuf [dreg:s8], $0x7FFFF;
	_ =	strace $0x90000049  }
0xb5: {  	s29 =	simm.s32 $0x9;
	_ =	strace $0x8000004B  }
0xb6: {  	_ =	swait.ge [sflag:s29], $0x1  }
0xb7: {  	[sflag:s29] =	ssyncadd.s32 $0xFFFFFFFF  }
0xb8: {  	_ =	strace $0x9000004B  }
0xb9: {  	_ =	sfence  }
0xba: {  	s30 =	sld [smem:$0x0];
	_ =	sdelay $0x2  }
0xbb: {  	s31 =	sshll.u32 s1, $0xD;
	s1 =	sshrl.u32 s1, $0x2  }
0xbc: {  	s3 =	sand.u32 $0x4000, s31;
	s1 =	sadd.s32 s1, s30  }
0xbd: {  	s0 =	sor.u32 s3, s0;
	s1 =	sshll.u32 s1, $0x11  }
0xbe: {  	s0 =	sor.u32 s1, s0  }
0xbf: {  	s0 =	sadd.s32 $0x8F2B, s0  }
0xc0: {  	[sflag:s0] =	ssyncadd.remote.s32 $0x1  }
0xc1: {  	_ =	sfence.sel $0xFFFF  }
0xc2: {  	[dreg:$0x0] =	wrdreg $0xFFFFFFFF;
	(pc) =	sbr.abs _section_cstart, $3  }
0xc3: {  	[dreg:$0x1] =	wrdreg $0xFFFFFFFF  }
0xc4: {  	_ =	task.clear_ibuf [dreg:s8], $0x2FFFF;
	_ =	strace $0x9FFFFFFF  }
0xc5: {  	(tm) =	ssettm $0x7FFFFFFF  }
tec
execute0_lowered:
.L_overlay_start_1:
0x0: {  	(tag) =	ssettag $0x1  }
0x1: {  	s1 =	rddreg [dreg:$0x0]  }
0x2: {  	s0 =	rddreg [dreg:$0x1]  }
0x3: {  	s2 =	rddreg [dreg:$0x2]  }
0x4: {  	s22 =	rddreg [dreg:$0x3];
	s3 =	srdreg.scid  }
0x5: {  	s5 =	simm.s32 $0x0;
	s24 =	stileid.u32;
	s17 =	simm.s32 $0x9  }
0x6: {  	s19 =	simm.s32 $0x180;
	s20 =	simm.s32 $0xA;
	s21 =	simm.s32 $0x100  }
0x7: {  	s31 =	simm.s32 $0x1;
	s18 =	simm.s32 $0x5;
	s9 =	simm.s32 $0x6  }
0x8: {  	s10 =	simm.s32 $0x1EAC0;
	s3 =	sand.u32 $0x1, s3;
	s28 =	sadd.s32 $0x30E200, s0  }
0x9: {  	v0 =	vlaneseq.u32;
	[smem:$0x7FF] =	sst s5;
	s8 =	sadd.s32 $0xE00, s0;
	s23 =	sadd.s32 $0x187A00, s0  }
0xa: {  	s0 =	sadd.s32 $0x187800, s0;
	v0 =	vmul.u32 $0xA, v0;
	s4 =	sshll.u32 s3, $0x4;
	_ =	strace $0x8000004A  }
0xb: {  	[dreg:$0x6] =	wrdreg s23;
	s3 =	ssub.s32 $0x2, s3;
	s4 =	sor.u32 s24, s4  }
0xc: {  	v2 =	vimm.s32 $0x0;
	[dreg:$0x7] =	wrdreg s0;
	s26 =	sshrl.u32 s3, $0x1;
	v1 =	vor.u32 $0x1, v0;
	s6 =	smul.u32 $0x30D40, s4  }
0xd: {  	s23 =	simm.s32 $0x2BF0;
	[dreg:$0x5] =	wrdreg s28;
	v3 =	vadd.s32 $0x2, v0;
	v4 =	vadd.s32 $0x3, v0;
	v11 =	vor.u32 $0xF00, v0;
	s0 =	ssub.s32 s3, s26  }
0xe: {  	v5 =	vadd.s32 $0x4, v0;
	v6 =	vadd.s32 $0x5, v0;
	v12 =	vor.u32 $0xF01, v0;
	s26 =	simm.s32 $0x4;
	[tilespmem:$0x1FFB0] =	vst v11;
	s0 =	smax.u32 s0, $0x1;
	s25 =	sshrl.u32 s6, $0x3  }
0xf: {  	v7 =	vadd.s32 $0x6, v0;
	v8 =	vadd.s32 $0x7, v0;
	v13 =	vadd.s32 $0xF02, v0;
	[tilespmem:$0x1FFC0] =	vst v12;
	s14 =	sadd.s32 $0x7D0, s6;
	[dreg:$0xb] =	wrdreg s0;
	s7 =	sadd.s32 s8, s25  }
0x10: {  	v9 =	vadd.s32 $0x8, v0;
	v10 =	vadd.s32 $0x9, v0;
	v14 =	vadd.s32 $0xF03, v0;
	[tilespmem:$0x1FFD0] =	vst v13;
	s15 =	sadd.s32 $0xFA0, s6;
	s30 =	sadd.s32 s1, s25;
	[dreg:$0x8] =	wrdreg s7  }
0x11: {  	v15 =	vadd.s32 $0xF04, v0;
	v16 =	vadd.s32 $0xF05, v0;
	v17 =	vadd.s32 $0xF06, v0;
	[tilespmem:$0x1FFE0] =	vst v14;
	s0 =	simm.s32 $0x3;
	s29 =	sadd.s32 $0xC3500, s7;
	[dreg:$0xa] =	wrdreg s30  }
0x12: {  	v18 =	vadd.s32 $0xF07, v0;
	v19 =	vadd.s32 $0xF08, v0;
	v20 =	vadd.s32 $0xF09, v0;
	[tilespmem:$0x1FFF0] =	vst v15;
	s25 =	simm.s32 $0x2;
	s7 =	simm.s32 $0x0;
	[dreg:$0x9] =	wrdreg s29  }
.LBB2_1:
0x13: {  	[dreg:$0xc] =	wrdreg s7  }
0x14: {  	s3 =	rddreg [dreg:$0x6]  }
0x15: {  	[tilespmem:s5], [sflag:$0x9] =	stream.linear.gather [hbm4b:s3+s5], $0x80, $0x38;
	[tilespmem:$0x1F2F0] =	vst v63  }
0x16: {  	_ =	swait.ge [sflag:s17], $0x80  }
0x17: {  	[sflag:s17] =	ssyncset.done $0x0  }
0x18: {  	s4 =	simm.s32 $0x80;
	s30 =	rddreg [dreg:$0x7];
	[sflag:s17] =	ssyncadd.s32 $0xFFFFFF80  }
0x19: {  	[tilespmem:s4], [sflag:$0x9] =	stream.linear.gather [hbm4b:s30+s5], $0x80, $0x38;
	[tilespmem:$0x1F2F0] =	vst v63  }
0x1a: {  	_ =	swait.ge [sflag:s17], $0x80  }
0x1b: {  	[sflag:s17] =	ssyncset.done $0x0  }
0x1c: {  	[sflag:s17] =	ssyncadd.s32 $0xFFFFFF80  }
0x1d: {  	v21 =	vld [tilespmem:$0x80];
	_ =	sdelay $0x7  }
0x1e: {  	v21 =	vld.idx.msk [tilespmem:v21+s5+$0x0], $0xffff  }
.Ltmp0:
0x1f: {  	_ = 	snop;
	(pc) =	sbr.rel .LBB2_2-.Ltmp0, $2  }
0x20: {  	_ =	sdelay $0x2  }
0x21: {  	s3 =	simm.s32 $0x0;
	[tilespmem:$0x100] =	vst v21  }
.LBB2_6:
0x22: {  	s3 =	sadd.s32 $0x1, s3  }
0x23: {  	p0 =	sne.s32 s3, $0x10  }
.Ltmp1:
0x24: {  	_ = 	snop;
	(pc) =	sbr.rel @!p0 .LBB2_7-.Ltmp1, $1  }
0x25: {  	_ =	sdelay $0x3  }
.LBB2_2:
0x26: {  	s4 =	sshll.u32 s3, $0x4  }
0x27: {  	s4 =	sor.u32 s24, s4  }
0x28: {  	p0 =	sgt.u32 s4, $0xF9  }
.Ltmp2:
0x29: {  	_ = 	snop;
	(pc) =	sbr.rel @p0 .LBB2_6-.Ltmp2, $1  }
0x2a: {  	_ =	sdelay $0x3  }
0x2b: {  	s7 =	simm.s32 $0x0  }
0x2c: {  	v21 =	vmov s7  }
0x2d: {  	v21 =	vmul.u32 $0xA, v21  }
0x2e: {  	s11 =	simm.s32 $0x10  }
0x2f: {  	s12 =	smul.u32 $0x1F4, s4;
	v22 =	vmov s11;
	v21 =	vbroadcast v21, $0x0  }
0x30: {  	v22 =	vmul.u32 $0xA, v22  }
0x31: {  	s7 =	sadd.s32 s28, s12;
	v23 =	vadd.s32 v0, v21  }
0x32: {  	[tilespmem:s19], [sflag:$0xA] =	stream.linear.gather [hbm4b:s7+s5], $0xFA0, $0x38;
	v22 =	vbroadcast v22, $0x0;
	v24 =	vadd.s32 v1, v21;
	[tilespmem:$0x1F2F0] =	vst v63  }
0x33: {  	_ =	swait.ge [sflag:s20], $0xFA0;
	v25 =	vadd.s32 v3, v21  }
0x34: {  	[sflag:s20] =	ssyncset.done $0x0;
	v26 =	vadd.s32 v0, v22  }
0x35: {  	[sflag:s20] =	ssyncadd.s32 $0xFFFFF060;
	v27 =	vadd.s32 v4, v21  }
0x36: {  	v28 =	vadd.s32 v1, v22;
	v23 =	vld.idx.msk [tilespmem:v23+s19+$0x0], $0xffff  }
0x37: {  	v29 =	vadd.s32 v5, v21;
	v24 =	vld.idx.msk [tilespmem:v24+s19+$0x0], $0xffff  }
0x38: {  	v30 =	vadd.s32 v3, v22;
	v25 =	vld.idx.msk [tilespmem:v25+s19+$0x0], $0xffff  }
0x39: {  	v26 =	vld.idx.msk [tilespmem:v26+s19+$0x0], $0xffff  }
0x3a: {  	s13 =	simm.s32 $0x30;
	v31 =	vadd.s32 v6, v21;
	v27 =	vld.idx.msk [tilespmem:v27+s19+$0x0], $0xffff  }
0x3b: {  	v49 =	vmov s13;
	v28 =	vld.idx.msk [tilespmem:v28+s19+$0x0], $0xffff  }
0x3c: {  	v32 =	vadd.s32 v4, v22;
	v33 =	vadd.s32 v7, v21;
	v29 =	vld.idx.msk [tilespmem:v29+s19+$0x0], $0xffff;
	vm1 =	vgt.f32 v24, v23  }
0x3d: {  	v34 =	vadd.s32 v6, v22;
	v35 =	vadd.s32 v7, v22;
	v30 =	vld.idx.msk [tilespmem:v30+s19+$0x0], $0xffff;
	v23 =	vsel vm1, v24, v23  }
0x3e: {  	v36 =	vadd.s32 v8, v21;
	v37 =	vadd.s32 v9, v22;
	vm2 =	vgt.f32 v25, v23  }
0x3f: {  	v38 =	vadd.s32 v9, v21;
	v21 =	vadd.s32 v10, v21;
	v31 =	vld.idx.msk [tilespmem:v31+s19+$0x0], $0xffff;
	v23 =	vsel vm2, v25, v23  }
0x40: {  	vm0 =	vgt.f32 v28, v26;
	v24 =	vadd.s32 v5, v22;
	vm3 =	vgt.f32 v27, v23  }
0x41: {  	v26 =	vsel vm0, v28, v26;
	v28 =	vsel vm0, $0x1, v2;
	v23 =	vsel vm3, v27, v23;
	v27 =	vld.idx.msk [tilespmem:v33+s19+$0x0], $0xffff  }
0x42: {  	v50 =	vsel vm1, $0x1, v2;
	vm0 =	vgt.f32 v30, v26;
	vm4 =	vgt.f32 v29, v23  }
0x43: {  	s16 =	simm.s32 $0x20;
	v25 =	vadd.s32 v8, v22;
	v22 =	vadd.s32 v10, v22;
	v23 =	vsel vm4, v29, v23;
	v29 =	vld.idx.msk [tilespmem:v36+s19+$0x0], $0xffff  }
0x44: {  	v26 =	vsel vm0, v30, v26;
	v30 =	vmov s16;
	vm5 =	vgt.f32 v31, v23  }
0x45: {  	v28 =	vsel vm0, $0x2, v28;
	v30 =	vmul.u32 $0xA, v30;
	v23 =	vsel vm5, v31, v23  }
0x46: {  	v38 =	vld.idx.msk [tilespmem:v38+s19+$0x0], $0xffff;
	v33 =	vmul.u32 $0xA, v49;
	v31 =	vsel vm2, $0x2, v50;
	vm1 =	vgt.f32 v27, v23  }
0x47: {  	v31 =	vsel vm3, $0x3, v31;
	v23 =	vsel vm1, v27, v23;
	v27 =	vbroadcast v30, $0x0  }
0x48: {  	v21 =	vld.idx.msk [tilespmem:v21+s19+$0x0], $0xffff;
	v30 =	vsel vm4, $0x4, v31;
	v31 =	vbroadcast v33, $0x0;
	vm2 =	vgt.f32 v29, v23  }
0x49: {  	v32 =	vld.idx.msk [tilespmem:v32+s19+$0x0], $0xffff;
	v30 =	vsel vm5, $0x5, v30;
	v23 =	vsel vm2, v29, v23;
	v29 =	vadd.s32 v0, v27  }
0x4a: {  	v30 =	vsel vm1, $0x6, v30;
	v51 =	vadd.s32 v1, v27;
	v52 =	vadd.s32 v3, v27  }
0x4b: {  	v24 =	vld.idx.msk [tilespmem:v24+s19+$0x0], $0xffff;
	v53 =	vadd.s32 v3, v31;
	v39 =	vadd.s32 v4, v31;
	vm1 =	vgt.f32 v38, v23  }
0x4c: {  	v34 =	vld.idx.msk [tilespmem:v34+s19+$0x0], $0xffff;
	v40 =	vadd.s32 v5, v31;
	v30 =	vsel vm2, $0x7, v30;
	v23 =	vsel vm1, v38, v23  }
0x4d: {  	v35 =	vld.idx.msk [tilespmem:v35+s19+$0x0], $0xffff;
	v41 =	vadd.s32 v4, v27;
	v30 =	vsel vm1, $0x8, v30;
	vm1 =	vgt.f32 v21, v23  }
0x4e: {  	v37 =	vld.idx.msk [tilespmem:v37+s19+$0x0], $0xffff;
	v42 =	vadd.s32 v6, v31;
	v30 =	vsel vm1, $0x9, v30;
	vm1 =	vgt.f32 v32, v26  }
0x4f: {  	v43 =	vadd.s32 v7, v31;
	v21 =	vadd.s32 v0, v31;
	v29 =	vld.idx.msk [tilespmem:v29+s19+$0x0], $0xffff;
	v26 =	vsel vm1, v32, v26  }
0x50: {  	v55 =	vadd.s32 v8, v31;
	v23 =	vadd.s32 v1, v31;
	v54 =	vld.idx.msk [tilespmem:v51+s19+$0x0], $0xffff;
	vm2 =	vgt.f32 v24, v26  }
0x51: {  	v25 =	vld.idx.msk [tilespmem:v25+s19+$0x0], $0xffff;
	v44 =	vadd.s32 v5, v27;
	v45 =	vadd.s32 v9, v31;
	v24 =	vsel vm2, v24, v26  }
0x52: {  	v62 =	vadd.s32 v6, v27;
	v28 =	vsel vm1, $0x3, v28;
	v26 =	vld.idx.msk [tilespmem:v52+s19+$0x0], $0xffff;
	vm0 =	vgt.f32 v34, v24  }
0x53: {  	v46 =	vadd.s32 v7, v27;
	v63 =	vld.idx.msk [tilespmem:v41+s19+$0x0], $0xffff;
	v28 =	vsel vm2, $0x4, v28;
	v24 =	vsel vm0, v34, v24  }
0x54: {  	v48 =	vadd.s32 v8, v27;
	v21 =	vld.idx.msk [tilespmem:v21+s19+$0x0], $0xffff;
	v28 =	vsel vm0, $0x5, v28;
	vm0 =	vgt.f32 v35, v24  }
0x55: {  	v31 =	vadd.s32 v10, v31;
	v23 =	vld.idx.msk [tilespmem:v23+s19+$0x0], $0xffff;
	vm2 =	vgt.f32 v54, v29;
	v24 =	vsel vm0, v35, v24  }
0x56: {  	v47 =	vld.idx.msk [tilespmem:v44+s19+$0x0], $0xffff;
	v28 =	vsel vm0, $0x6, v28;
	v29 =	vsel vm2, v54, v29;
	vm0 =	vgt.f32 v25, v24  }
0x57: {  	v22 =	vld.idx.msk [tilespmem:v22+s19+$0x0], $0xffff;
	v56 =	vsel vm2, $0x1, v2;
	vm3 =	vgt.f32 v26, v29;
	v24 =	vsel vm0, v25, v24  }
0x58: {  	v38 =	vld.idx.msk [tilespmem:v53+s19+$0x0], $0xffff;
	v25 =	vsel vm0, $0x7, v28;
	v26 =	vsel vm3, v26, v29;
	vm0 =	vgt.f32 v37, v24  }
0x59: {  	v28 =	vld.idx.msk [tilespmem:v62+s19+$0x0], $0xffff;
	v29 =	vadd.s32 v9, v27;
	vm4 =	vgt.f32 v63, v26;
	v24 =	vsel vm0, v37, v24  }
0x5a: {  	v25 =	vsel vm0, $0x8, v25;
	v26 =	vsel vm4, v63, v26;
	vm0 =	vgt.f32 v23, v21  }
0x5b: {  	s29 =	simm.s32 $0x50;
	v49 =	vld.idx.msk [tilespmem:v46+s19+$0x0], $0xffff;
	v27 =	vadd.s32 v10, v27;
	vm5 =	vgt.f32 v47, v26;
	v21 =	vsel vm0, v23, v21  }
0x5c: {  	v50 =	vsel vm0, $0x1, v2;
	vm0 =	vgt.f32 v22, v24;
	v22 =	vmov s29  }
0x5d: {  	s30 =	simm.s32 $0x40;
	v23 =	vld.idx.msk [tilespmem:v48+s19+$0x0], $0xffff;
	v26 =	vsel vm5, v47, v26;
	vm1 =	vgt.f32 v38, v21;
	v22 =	vmul.u32 $0xA, v22  }
0x5e: {  	vm6 =	vgt.f32 v28, v26;
	v21 =	vsel vm1, v38, v21;
	v24 =	vld.idx.msk [tilespmem:v29+s19+$0x0], $0xffff;
	v29 =	vmov s30  }
0x5f: {  	v57 =	vld.idx.msk [tilespmem:v39+s19+$0x0], $0xffff;
	v34 =	vsel vm1, $0x2, v50;
	v26 =	vsel vm6, v28, v26;
	v29 =	vmul.u32 $0xA, v29  }
0x60: {  	v28 =	vld.idx.msk [tilespmem:v30+s21+$0x0], $0xffff;
	v30 =	vsel vm3, $0x2, v56;
	v22 =	vbroadcast v22, $0x0;
	vm2 =	vgt.f32 v49, v26  }
0x61: {  	v59 =	vld.idx.msk [tilespmem:v42+s19+$0x0], $0xffff;
	v30 =	vsel vm4, $0x3, v30;
	v26 =	vsel vm2, v49, v26;
	v29 =	vbroadcast v29, $0x0  }
0x62: {  	v27 =	vld.idx.msk [tilespmem:v27+s19+$0x0], $0xffff;
	v30 =	vsel vm5, $0x4, v30;
	v63 =	vadd.s32 v1, v22;
	vm3 =	vgt.f32 v23, v26  }
0x63: {  	v42 =	vld.idx.msk [tilespmem:v31+s19+$0x0], $0xffff;
	v31 =	vadd.s32 v3, v22;
	v23 =	vsel vm3, v23, v26;
	v26 =	vadd.s32 v0, v29  }
0x64: {  	v58 =	vld.idx.msk [tilespmem:v40+s19+$0x0], $0xffff;
	v52 =	vadd.s32 v4, v22;
	v30 =	vsel vm6, $0x5, v30;
	v61 =	vadd.s32 v1, v29  }
0x65: {  	v60 =	vld.idx.msk [tilespmem:v43+s19+$0x0], $0xffff;
	v53 =	vadd.s32 v5, v22;
	v30 =	vsel vm2, $0x6, v30;
	vm2 =	vgt.f32 v24, v23  }
0x66: {  	v33 =	vld.idx.msk [tilespmem:v55+s19+$0x0], $0xffff;
	v62 =	vadd.s32 v3, v29;
	v30 =	vsel vm3, $0x7, v30;
	v23 =	vsel vm2, v24, v23  }
0x67: {  	v24 =	vsel vm2, $0x8, v30;
	v30 =	vld.idx.msk [tilespmem:v45+s19+$0x0], $0xffff;
	vm2 =	vgt.f32 v27, v23;
	v27 =	vadd.s32 v0, v22  }
0x68: {  	v47 =	vadd.s32 v6, v22;
	v51 =	vsel vm2, $0x9, v24;
	vm2 =	vgt.f32 v57, v21;
	v54 =	vld.idx.msk [tilespmem:v26+s19+$0x0], $0xffff  }
0x69: {  	v46 =	vadd.s32 v4, v29;
	v35 =	vadd.s32 v10, v29;
	v21 =	vsel vm2, v57, v21;
	v55 =	vld.idx.msk [tilespmem:v61+s19+$0x0], $0xffff  }
0x6a: {  	v23 =	vadd.s32 v9, v22;
	v40 =	vld.idx.msk [tilespmem:v63+s19+$0x0], $0xffff;
	v24 =	vadd.s32 v8, v22;
	vm3 =	vgt.f32 v58, v21  }
0x6b: {  	v26 =	vadd.s32 v7, v22;
	v56 =	vld.idx.msk [tilespmem:v62+s19+$0x0], $0xffff;
	v57 =	vadd.s32 v5, v29;
	v21 =	vsel vm3, v58, v21  }
0x6c: {  	v61 =	vadd.s32 v8, v29;
	vm1 =	vgt.f32 v59, v21;
	v48 =	vld.idx.msk [tilespmem:v27+s19+$0x0], $0xffff;
	v27 =	vsel vm2, $0x3, v34  }
0x6d: {  	v32 =	vld.idx.msk [tilespmem:v31+s19+$0x0], $0xffff;
	v58 =	vadd.s32 v6, v29;
	v21 =	vsel vm1, v59, v21;
	v27 =	vsel vm3, $0x4, v27  }
0x6e: {  	v59 =	vld.idx.msk [tilespmem:v46+s19+$0x0], $0xffff;
	vm3 =	vgt.f32 v60, v21;
	v27 =	vsel vm1, $0x5, v27;
	vm2 =	vgt.f32 v55, v54  }
0x6f: {  	v41 =	vld.idx.msk [tilespmem:v51+s21+$0x0], $0xffff;
	v36 =	vsel vm3, v60, v21;
	v60 =	vadd.s32 v7, v29;
	v21 =	vsel vm0, $0x9, v25  }
0x70: {  	v39 =	vld.idx.msk [tilespmem:v57+s19+$0x0], $0xffff;
	v25 =	vsel vm3, $0x6, v27;
	v27 =	vsel vm2, v55, v54;
	vm0 =	vgt.f32 v33, v36  }
0x71: {  	v34 =	vld.idx.msk [tilespmem:v61+s19+$0x0], $0xffff;
	vm3 =	vgt.f32 v56, v27;
	v62 =	vsel vm0, v33, v36;
	v25 =	vsel vm0, $0x7, v25  }
0x72: {  	v31 =	vld.idx.msk [tilespmem:v58+s19+$0x0], $0xffff;
	v38 =	vsel vm3, v56, v27;
	v36 =	vadd.s32 v9, v29;
	vm0 =	vgt.f32 v30, v62  }
0x73: {  	s7 =	simm.s32 $0x1190;
	v22 =	vadd.s32 v10, v22;
	v27 =	vld.idx.msk [tilespmem:v52+s19+$0x0], $0xffff;
	vm4 =	vgt.f32 v59, v38;
	v63 =	vsel vm0, v30, v62  }
0x74: {  	s11 =	simm.s32 $0x11B0;
	[tilespmem:s7+$0xFFFFFFF0] =	vst v28;
	v25 =	vsel vm0, $0x8, v25;
	v28 =	vsel vm4, v59, v38;
	vm0 =	vgt.f32 v40, v48;
	v33 =	vld.idx.msk [tilespmem:v60+s19+$0x0], $0xffff  }
0x75: {  	v29 =	vld.idx.msk [tilespmem:v53+s19+$0x0], $0xffff;
	[tilespmem:s11+$0xFFFFFFF0] =	vst v41;
	vm5 =	vgt.f32 v39, v28;
	v38 =	vsel vm0, v40, v48;
	v30 =	vsel vm0, $0x1, v2  }
0x76: {  	s13 =	simm.s32 $0x70;
	s12 =	simm.s32 $0x4;
	vm0 =	vgt.f32 v42, v63;
	v37 =	vsel vm5, v39, v28;
	vm1 =	vgt.f32 v32, v38;
	v28 =	vld.idx.msk [tilespmem:v47+s19+$0x0], $0xffff  }
.LBB2_4:
0x77: {  	s16 =	sadd.s32 $0xFFFFFFF0, s13;
	v39 =	vmov s13;
	vm6 =	vgt.f32 v31, v37;
	v36 =	vld.idx.msk [tilespmem:v36+s19+$0x0], $0xffff;
	v32 =	vsel vm1, v32, v38  }
0x78: {  	s12 =	sadd.s32 $0x2, s12;
	v40 =	vsel vm2, $0x1, v2;
	v38 =	vmov s16;
	v31 =	vsel vm6, v31, v37;
	v37 =	vld.idx.msk [tilespmem:v26+s19+$0x0], $0xffff  }
0x79: {  	p0 =	slt.u32 s12, $0x16;
	v26 =	vmul.u32 $0xA, v38;
	v38 =	vsel vm3, $0x2, v40;
	vm2 =	vgt.f32 v33, v31;
	v35 =	vld.idx.msk [tilespmem:v35+s19+$0x0], $0xffff  }
0x7a: {  	v39 =	vmul.u32 $0xA, v39;
	v38 =	vsel vm4, $0x3, v38;
	v31 =	vsel vm2, v33, v31;
	v33 =	vld.idx.msk [tilespmem:v24+s19+$0x0], $0xffff  }
0x7b: {  	v40 =	vbroadcast v26, $0x0;
	v24 =	vsel vm5, $0x4, v38;
	vm3 =	vgt.f32 v34, v31;
	v38 =	vld.idx.msk [tilespmem:v23+s19+$0x0], $0xffff  }
0x7c: {  	v39 =	vbroadcast v39, $0x0;
	v23 =	vsel vm6, $0x5, v24;
	v24 =	vsel vm3, v34, v31;
	v41 =	vld.idx.msk [tilespmem:v22+s19+$0x0], $0xffff  }
0x7d: {  	v22 =	vadd.s32 v0, v40;
	v23 =	vsel vm2, $0x6, v23;
	vm2 =	vgt.f32 v36, v24;
	v21 =	vld.idx.msk [tilespmem:v21+s21+$0x0], $0xffff  }
0x7e: {  	v26 =	vadd.s32 v1, v40;
	v23 =	vsel vm3, $0x7, v23;
	v24 =	vsel vm2, v36, v24  }
0x7f: {  	v31 =	vadd.s32 v3, v40;
	v23 =	vsel vm2, $0x8, v23;
	vm2 =	vgt.f32 v35, v24  }
0x80: {  	v34 =	vadd.s32 v0, v39;
	v35 =	vadd.s32 v1, v39;
	v36 =	vsel vm2, $0x9, v23  }
0x81: {  	v42 =	vadd.s32 v3, v39;
	v43 =	vadd.s32 v4, v39;
	v44 =	vadd.s32 v5, v39  }
0x82: {  	v47 =	vadd.s32 v6, v39;
	v46 =	vadd.s32 v4, v40;
	vm2 =	vgt.f32 v27, v32;
	v45 =	vld.idx.msk [tilespmem:v22+s19+$0x0], $0xffff  }
0x83: {  	v24 =	vadd.s32 v8, v39;
	v27 =	vsel vm2, v27, v32;
	v48 =	vld.idx.msk [tilespmem:v26+s19+$0x0], $0xffff;
	v26 =	vadd.s32 v7, v39  }
0x84: {  	v23 =	vadd.s32 v9, v39;
	vm3 =	vgt.f32 v29, v27;
	v49 =	vld.idx.msk [tilespmem:v31+s19+$0x0], $0xffff;
	v31 =	vadd.s32 v5, v40  }
0x85: {  	v30 =	vsel vm1, $0x2, v30;
	v22 =	vadd.s32 v10, v39;
	v27 =	vsel vm3, v29, v27;
	v36 =	vld.idx.msk [tilespmem:v36+s21+$0x0], $0xffff;
	[tilespmem:s7+$0x0] =	vst v21;
	s7 =	smov.u32 s11  }
0x86: {  	v29 =	vadd.s32 v6, v40;
	vm1 =	vgt.f32 v28, v27;
	v21 =	vsel vm2, $0x3, v30;
	v39 =	vld.idx.msk [tilespmem:v34+s19+$0x0], $0xffff  }
0x87: {  	v27 =	vsel vm1, v28, v27;
	v32 =	vsel vm3, $0x4, v21;
	v21 =	vsel vm0, $0x9, v25;
	v30 =	vld.idx.msk [tilespmem:v46+s19+$0x0], $0xffff  }
0x88: {  	v25 =	vadd.s32 v7, v40;
	vm0 =	vgt.f32 v37, v27;
	v32 =	vsel vm1, $0x5, v32;
	v28 =	vld.idx.msk [tilespmem:v35+s19+$0x0], $0xffff  }
0x89: {  	v27 =	vsel vm0, v37, v27;
	vm2 =	vgt.f32 v48, v45;
	v34 =	vsel vm0, $0x6, v32;
	v46 =	vld.idx.msk [tilespmem:v31+s19+$0x0], $0xffff  }
0x8a: {  	s11 =	sadd.s32 $0x20, s11;
	v37 =	vadd.s32 v8, v40;
	vm0 =	vgt.f32 v33, v27;
	v35 =	vsel vm2, v48, v45;
	v32 =	vld.idx.msk [tilespmem:v42+s19+$0x0], $0xffff  }
0x8b: {  	v34 =	vsel vm0, $0x7, v34;
	vm3 =	vgt.f32 v49, v35;
	v31 =	vld.idx.msk [tilespmem:v29+s19+$0x0], $0xffff;
	[tilespmem:s11+$0xFFFFFFF0] =	vst v36;
	v29 =	vsel vm0, v33, v27  }
.Ltmp3:
0x8c: {  	v35 =	vsel vm3, v49, v35;
	v36 =	vadd.s32 v9, v40;
	v27 =	vld.idx.msk [tilespmem:v43+s19+$0x0], $0xffff;
	vm0 =	vgt.f32 v38, v29;
	(pc) =	sbr.rel @p0 .LBB2_4-.Ltmp3, $4  }
0x8d: {  	vm4 =	vgt.f32 v30, v35;
	v33 =	vld.idx.msk [tilespmem:v25+s19+$0x0], $0xffff;
	v42 =	vsel vm0, v38, v29;
	v25 =	vsel vm0, $0x8, v34  }
0x8e: {  	v43 =	vsel vm4, v30, v35;
	v35 =	vadd.s32 v10, v40;
	vm0 =	vgt.f32 v28, v39;
	v29 =	vld.idx.msk [tilespmem:v44+s19+$0x0], $0xffff  }
0x8f: {  	vm5 =	vgt.f32 v46, v43;
	v38 =	vsel vm0, v28, v39;
	v30 =	vsel vm0, $0x1, v2;
	v34 =	vld.idx.msk [tilespmem:v37+s19+$0x0], $0xffff  }
0x90: {  	s13 =	sadd.s32 $0x20, s13;
	vm0 =	vgt.f32 v41, v42;
	v37 =	vsel vm5, v46, v43;
	vm1 =	vgt.f32 v32, v38;
	v28 =	vld.idx.msk [tilespmem:v47+s19+$0x0], $0xffff  }
0x91: {  	_ =	sdelay $0x1  }
0x92: {  	v32 =	vsel vm1, v32, v38  }
0x93: {  	vm6 =	vgt.f32 v31, v37;
	v51 =	vsel vm2, $0x1, v2;
	vm11 =	vgt.f32 v27, v32  }
0x94: {  	v26 =	vld.idx.msk [tilespmem:v26+s19+$0x0], $0xffff;
	v55 =	vsel vm1, $0x2, v30;
	v59 =	vsel vm0, $0x9, v25;
	v27 =	vsel vm11, v27, v32  }
0x95: {  	v36 =	vld.idx.msk [tilespmem:v36+s19+$0x0], $0xffff;
	v31 =	vsel vm6, v31, v37;
	v52 =	vsel vm3, $0x2, v51;
	vm13 =	vgt.f32 v29, v27  }
0x96: {  	v24 =	vld.idx.msk [tilespmem:v24+s19+$0x0], $0xffff;
	vm12 =	vgt.f32 v33, v31;
	v53 =	vsel vm4, $0x3, v52;
	v27 =	vsel vm13, v29, v27  }
0x97: {  	v31 =	vsel vm12, v33, v31;
	v32 =	vsel vm5, $0x4, v53;
	vm15 =	vgt.f32 v28, v27  }
0x98: {  	v23 =	vld.idx.msk [tilespmem:v23+s19+$0x0], $0xffff;
	vm14 =	vgt.f32 v34, v31;
	v32 =	vsel vm6, $0x5, v32;
	v27 =	vsel vm15, v28, v27  }
0x99: {  	v54 =	vld.idx.msk [tilespmem:v35+s19+$0x0], $0xffff;
	v31 =	vsel vm14, v34, v31;
	v32 =	vsel vm12, $0x6, v32;
	vm10 =	vgt.f32 v26, v27  }
0x9a: {  	v22 =	vld.idx.msk [tilespmem:v22+s19+$0x0], $0xffff;
	vm9 =	vgt.f32 v36, v31;
	v28 =	vsel vm11, $0x3, v55;
	v26 =	vsel vm10, v26, v27  }
0x9b: {  	v56 =	vsel vm14, $0x7, v32;
	v28 =	vsel vm13, $0x4, v28;
	vm11 =	vgt.f32 v24, v26  }
0x9c: {  	v57 =	vsel vm9, v36, v31;
	v28 =	vsel vm15, $0x5, v28;
	v24 =	vsel vm11, v24, v26  }
0x9d: {  	v30 =	vsel vm9, $0x8, v56;
	v58 =	vsel vm10, $0x6, v28;
	vm13 =	vgt.f32 v23, v24  }
0x9e: {  	vm12 =	vgt.f32 v54, v57;
	v26 =	vsel vm11, $0x7, v58;
	v23 =	vsel vm13, v23, v24  }
0x9f: {  	v27 =	vsel vm12, $0x9, v30;
	v60 =	vsel vm13, $0x8, v26;
	vm14 =	vgt.f32 v22, v23  }
0xa0: {  	v22 =	vsel vm14, $0x9, v60;
	_ =	sdelay $0x1  }
0xa1: {  	v21 =	vld.idx.msk [tilespmem:v21+s21+$0x0], $0xffff  }
0xa2: {  	v24 =	vld.idx.msk [tilespmem:v59+s21+$0x0], $0xffff  }
0xa3: {  	v23 =	vld.idx.msk [tilespmem:v27+s21+$0x0], $0xffff  }
0xa4: {  	v22 =	vld.idx.msk [tilespmem:v22+s21+$0x0], $0xffff;
	_ =	sdelay $0x1  }
0xa5: {  	[tilespmem:s7+$0x0] =	vst v21  }
0xa6: {  	s29 =	sadd.s32 $0x20, s11;
	[tilespmem:s11+$0x0] =	vst v24  }
0xa7: {  	[tilespmem:s29+$0xFFFFFFF0] =	vst v23  }
0xa8: {  	[tilespmem:s29+$0x0] =	vst v22  }
0xa9: {  	v21 =	vld.idx.msk [tilespmem:v11+s19+$0x0], $0xffff  }
0xaa: {  	v22 =	vld.idx.msk [tilespmem:v12+s19+$0x0], $0xffff;
	_ =	sdelay $0x1  }
0xab: {  	v23 =	vld.idx.msk [tilespmem:v13+s19+$0x0], $0xffff;
	_ =	sdelay $0x1  }
0xac: {  	v24 =	vld.idx.msk [tilespmem:v14+s19+$0x0], $0xffff  }
0xad: {  	vm15 =	vgt.f32 v22, v21  }
0xae: {  	v21 =	vsel vm15, v22, v21;
	v22 =	vld.idx.msk [tilespmem:v15+s19+$0x0], $0xffff  }
0xaf: {  	vm8 =	vgt.f32 v23, v21  }
0xb0: {  	v21 =	vsel vm8, v23, v21;
	v23 =	vld.idx.msk [tilespmem:v16+s19+$0x0], $0xffff  }
0xb1: {  	vm9 =	vgt.f32 v24, v21  }
0xb2: {  	v61 =	vld.idx.msk [tilespmem:v17+s19+$0x0], $0xffff;
	v21 =	vsel vm9, v24, v21  }
0xb3: {  	vm10 =	vgt.f32 v22, v21  }
0xb4: {  	v21 =	vsel vm10, v22, v21;
	v22 =	vld.idx.msk [tilespmem:v18+s19+$0x0], $0xffff  }
0xb5: {  	vm11 =	vgt.f32 v23, v21  }
0xb6: {  	v62 =	vsel vm15, $0x1, v2;
	v21 =	vsel vm11, v23, v21;
	v23 =	vld.idx.msk [tilespmem:v19+s19+$0x0], $0xffff  }
0xb7: {  	v25 =	vsel vm8, $0x2, v62;
	vm12 =	vgt.f32 v61, v21  }
0xb8: {  	v63 =	vld.idx.msk [tilespmem:v20+s19+$0x0], $0xffff;
	v25 =	vsel vm9, $0x3, v25;
	v21 =	vsel vm12, v61, v21  }
0xb9: {  	v25 =	vsel vm10, $0x4, v25;
	vm13 =	vgt.f32 v22, v21  }
0xba: {  	v25 =	vsel vm11, $0x5, v25;
	v21 =	vsel vm13, v22, v21  }
0xbb: {  	v22 =	vsel vm12, $0x6, v25;
	vm14 =	vgt.f32 v23, v21  }
0xbc: {  	v22 =	vsel vm13, $0x7, v22;
	v21 =	vsel vm14, v23, v21  }
0xbd: {  	v22 =	vsel vm14, $0x8, v22;
	vm15 =	vgt.f32 v63, v21  }
0xbe: {  	v21 =	vsel vm15, $0x9, v22;
	_ =	sdelay $0x4  }
0xbf: {  	v21 =	vld.idx.msk [tilespmem:v21+s21+$0x0], $0xffff;
	_ =	sdelay $0x1  }
0xc0: {  	s4 =	smul.u32 $0x640, s4;
	_ =	sdelay $0x1  }
0xc1: {  	s4 =	sshra.s32 s4, $0x2  }
.Ltmp4:
0xc2: {  	s30 =	simm.s32 $0x1180;
	s4 =	sadd.s32 s4, s22;
	[tilespmem:$0x1300] =	vst v21;
	(pc) =	sbr.rel .LBB2_6-.Ltmp4, $4  }
0xc3: {  	[spmem:s4] =	stream.linear.scatter [tilespmem:s30], [sflag:$0x9], $0x190, $0x38;
	[tilespmem:$0x1F2F0] =	vst v63  }
0xc4: {  	_ =	swait.ge [sflag:s17], $0x190  }
0xc5: {  	[sflag:s17] =	ssyncset.done $0x0  }
0xc6: {  	[sflag:s17] =	ssyncadd.s32 $0xFFFFFE70  }
.LBB2_7:
0xc7: {  	[bflag:$0x0] =	sbarrier.arrive $0xFFFF  }
0xc8: {  	[tilespmem:s23], [sflag:$0x9] =	stream.linear.gather [spmem:s22], $0x18700, $0x38;
	[tilespmem:$0x1F2F0] =	vst v63  }
0xc9: {  	_ =	swait.ge [sflag:s17], $0x18700  }
0xca: {  	s11 =	simm.s32 $0x0;
	[sflag:s17] =	ssyncset.done $0x0  }
0xcb: {  	s4 =	simm.s32 $0x1B2F0;
	s3 =	rddreg [dreg:$0x8];
	[sflag:s17] =	ssyncadd.s32 $0xFFFE7900  }
0xcc: {  	[tilespmem:s4], [sflag:$0x1] =	stream.linear.gather [hbm4b:s3+s11], $0x7D0, $0x38;
	[tilespmem:$0x1F2F0] =	vst v63  }
0xcd: {  	s28 =	simm.s32 $0x1C2F0;
	s24 =	rddreg [dreg:$0x9]  }
0xce: {  	[tilespmem:s28], [sflag:$0x3] =	stream.linear.gather [hbm4b:s24+s11], $0x7D0, $0x38;
	[tilespmem:$0x1F2F0] =	vst v63  }
0xcf: {  	s30 =	simm.s32 $0x1D2F0;
	s29 =	rddreg [dreg:$0xa]  }
0xd0: {  	[tilespmem:s30], [sflag:$0x5] =	stream.linear.gather [hbm4b:s29+s11], $0x7D0, $0x38;
	[tilespmem:$0x1F2F0] =	vst v63  }
.LBB2_8:
0xd1: {  	s13 =	smul.u32 $0xFA0, s11;
	_ =	sdelay $0x1  }
0xd2: {  	s3 =	sadd.s32 s13, s14  }
0xd3: {  	s12 =	sshrl.u32 s3, $0x3  }
0xd4: {  	s4 =	simm.s32 $0x1BAC0;
	s3 =	sadd.s32 s8, s12  }
0xd5: {  	[tilespmem:s4], [sflag:$0x2] =	stream.linear.gather [hbm4b:s3+s5], $0x7D0, $0x38;
	[tilespmem:$0x1F2F0] =	vst v63  }
0xd6: {  	s24 =	simm.s32 $0x1CAC0;
	s3 =	sadd.s32 $0xC3500, s3  }
0xd7: {  	[tilespmem:s24], [sflag:$0x4] =	stream.linear.gather [hbm4b:s3+s5], $0x7D0, $0x38;
	[tilespmem:$0x1F2F0] =	vst v63  }
0xd8: {  	s16 =	simm.s32 $0x1DAC0;
	s7 =	sadd.s32 s1, s12  }
0xd9: {  	[tilespmem:s16], [sflag:$0x6] =	stream.linear.gather [hbm4b:s7+s5], $0x7D0, $0x38;
	[tilespmem:$0x1F2F0] =	vst v63  }
0xda: {  	_ =	swait.ge [sflag:s31], $0x7D0  }
0xdb: {  	[sflag:s31] =	ssyncset.done $0x0  }
0xdc: {  	[sflag:s31] =	ssyncadd.s32 $0xFFFFF830  }
0xdd: {  	_ =	swait.ge [sflag:s0], $0x7D0  }
0xde: {  	[sflag:s0] =	ssyncset.done $0x0  }
0xdf: {  	[sflag:s0] =	ssyncadd.s32 $0xFFFFF830  }
0xe0: {  	_ =	swait.ge [sflag:s18], $0x7D0  }
0xe1: {  	p0 =	seq.s32 s11, $0x0;
	[sflag:s18] =	ssyncset.done $0x0  }
0xe2: {  	s3 =	simm.s32 @!p0 $0x7;
	[sflag:s18] =	ssyncadd.s32 $0xFFFFF830  }
0xe3: {  	_ =	swait.ge @!p0 [sflag:s3], $0x7D0  }
0xe4: {  	[sflag:s3] =	ssyncset.done @!p0 $0x0  }
0xe5: {  	s22 =	simm.s32 $0x1B330;
	[sflag:s3] =	ssyncadd.s32 @!p0 $0xFFFFF830  }
0xe6: {  	s24 =	simm.s32 $0x1C330;
	v21 =	vld [tilespmem:s22+$0x30]  }
0xe7: {  	v22 =	vld [tilespmem:s24+$0x30];
	_ =	sdelay $0x1  }
0xe8: {  	v23 =	vld [tilespmem:s24+$0xFFFFFFC0]  }
0xe9: {  	v24 =	vld [tilespmem:s22+$0xFFFFFFD0]  }
0xea: {  	v25 =	vld [tilespmem:s24+$0xFFFFFFD0]  }
0xeb: {  	v26 =	vld [tilespmem:s22+$0xFFFFFFE0]  }
0xec: {  	v27 =	vld [tilespmem:s24+$0xFFFFFFE0]  }
0xed: {  	v21 =	vld.idx.msk [tilespmem:v21+s23+$0x0], $0xffff  }
0xee: {  	v22 =	vld.idx.msk [tilespmem:v22+s23+$0x0], $0xffff  }
0xef: {  	v34 =	vld [tilespmem:s22+$0xFFFFFFC0]  }
0xf0: {  	v28 =	vld [tilespmem:s22+$0xFFFFFFF0]  }
0xf1: {  	v29 =	vld [tilespmem:s24+$0xFFFFFFF0]  }
0xf2: {  	v30 =	vld [tilespmem:s22+$0x0]  }
0xf3: {  	v31 =	vld [tilespmem:s24+$0x0];
	v21 =	vadd.f32 v22, v21  }
0xf4: {  	v32 =	vld [tilespmem:s22+$0x10]  }
0xf5: {  	v33 =	vld [tilespmem:s24+$0x10];
	v21 =	vmul.f32 $5.000000000e-01, v21  }
0xf6: {  	v23 =	vld.idx.msk [tilespmem:v23+s23+$0x0], $0xffff  }
0xf7: {  	v36 =	vld.idx.msk [tilespmem:v34+s23+$0x0], $0xffff;
	(erf) = vrcp.f32 v21  }
0xf8: {  	v21 =	vld.idx.msk [tilespmem:v24+s23+$0x0], $0xffff  }
0xf9: {  	v24 =	vld.idx.msk [tilespmem:v25+s23+$0x0], $0xffff  }
0xfa: {  	v25 =	vld.idx.msk [tilespmem:v26+s23+$0x0], $0xffff  }
0xfb: {  	s4 =	simm.s32 $0x1D330;
	v26 =	vld.idx.msk [tilespmem:v27+s23+$0x0], $0xffff  }
0xfc: {  	v27 =	vld [tilespmem:s4+$0x30]  }
0xfd: {  	v22 =	vld [tilespmem:s22+$0x20]  }
0xfe: {  	v35 =	vld [tilespmem:s24+$0x20];
	v21 =	vadd.f32 v24, v21  }
0xff: {  	v28 =	vld.idx.msk [tilespmem:v28+s23+$0x0], $0xffff  }
0x100: {  	v24 =	vld.idx.msk [tilespmem:v29+s23+$0x0], $0xffff;
	v25 =	vadd.f32 v26, v25;
	v21 =	vmul.f32 $5.000000000e-01, v21;
	v26 =	vpop (erf)  }
0x101: {  	v29 =	vld.idx.msk [tilespmem:v30+s23+$0x0], $0xffff;
	v63 =	vmul.f32 v26, v27  }
0x102: {  	v30 =	vld.idx.msk [tilespmem:v31+s23+$0x0], $0xffff;
	(erf) = vrcp.f32 v21;
	v21 =	vadd.f32 v23, v36  }
0x103: {  	v25 =	vmul.f32 $5.000000000e-01, v25;
	v26 =	vld.idx.msk [tilespmem:v32+s23+$0x0], $0xffff;
	v23 =	vand.u32 $0x7FFFFF, v63  }
0x104: {  	v27 =	vld.idx.msk [tilespmem:v33+s23+$0x0], $0xffff;
	v21 =	vmul.f32 $5.000000000e-01, v21;
	v23 =	vor.u32 $0x3F800000, v23  }
0x105: {  	v22 =	vld.idx.msk [tilespmem:v22+s23+$0x0], $0xffff;
	v24 =	vadd.f32 v24, v28;
	(erf) = vrcp.f32 v25;
	v12 =	vadd.f32 $-1.000000000e+00, v23  }
0x106: {  	v25 =	vld.idx.msk [tilespmem:v35+s23+$0x0], $0xffff;
	(erf) = vrcp.f32 v21  }
0x107: {  	v23 =	vmul.f32 $5.000000000e-01, v24;
	v28 =	vmul.f32 $0.0e+00, v12  }
0x108: {  	v24 =	vadd.f32 v30, v29  }
0x109: {  	v21 =	vld [tilespmem:s4+$0xFFFFFFD0];
	v26 =	vadd.f32 v27, v26;
	(erf) = vrcp.f32 v23;
	v27 =	vadd.f32 $-2.288060500e-03, v28  }
0x10a: {  	v24 =	vmul.f32 $5.000000000e-01, v24  }
0x10b: {  	v34 =	vshra.s32 v63, $0x17;
	v22 =	vadd.f32 v25, v22;
	v23 =	vld [tilespmem:s4+$0xFFFFFFE0];
	v26 =	vmul.f32 $5.000000000e-01, v26  }
0x10c: {  	v34 =	vadd.s32 $0xFFFFFF81, v34;
	v25 =	vld [tilespmem:s4+$0xFFFFFFC0];
	(erf) = vrcp.f32 v24;
	v24 =	vmul.f32 v27, v12  }
0x10d: {  	v34 =	vcvt.s32.f32 v34;
	v22 =	vmul.f32 $5.000000000e-01, v22;
	v27 =	vpop (erf)  }
0x10e: {  	(erf) = vrcp.f32 v26;
	v26 =	vld [tilespmem:s4+$0xFFFFFFF0];
	v24 =	vadd.f32 $1.514537260e-02, v24;
	v27 =	vmul.f32 v27, v21  }
0x10f: {  	v34 =	vmul.f32 $6.931471820e-01, v34;
	(erf) = vrcp.f32 v22;
	v21 =	vpop (erf)  }
0x110: {  	v23 =	vmul.f32 v21, v23;
	v24 =	vmul.f32 v24, v12;
	v29 =	vpop (erf);
	v22 =	vand.u32 $0x7FFFFF, v27  }
0x111: {  	v21 =	vshra.s32 v27, $0x17;
	v29 =	vmul.f32 v29, v25;
	v27 =	vor.u32 $0x3F800000, v22  }
0x112: {  	v13 =	vpop (erf);
	v22 =	vshra.s32 v23, $0x17;
	v23 =	vand.u32 $0x7FFFFF, v23;
	v31 =	vadd.f32 $-4.713346440e-02, v24  }
0x113: {  	v14 =	vmul.f32 v13, v26;
	v21 =	vadd.s32 $0xFFFFFF81, v21;
	v25 =	vor.u32 $0x3F800000, v23  }
0x114: {  	v28 =	vld [tilespmem:s4+$0x0];
	v23 =	vadd.f32 $-1.000000000e+00, v27;
	v26 =	vand.u32 $0x7FFFFF, v29;
	v22 =	vadd.s32 $0xFFFFFF81, v22  }
0x115: {  	v21 =	vcvt.s32.f32 v21;
	v24 =	vadd.f32 $-1.000000000e+00, v25;
	v25 =	vshra.s32 v29, $0x17  }
0x116: {  	v29 =	vmul.f32 v31, v12;
	v26 =	vor.u32 $0x3F800000, v26;
	v31 =	vand.u32 $0x7FFFFF, v14  }
0x117: {  	v33 =	vshra.s32 v14, $0x17;
	v22 =	vcvt.s32.f32 v22;
	v50 =	vmul.f32 $0.0e+00, v23  }
0x118: {  	v30 =	vld [tilespmem:s4+$0x10];
	v27 =	vpop (erf);
	v25 =	vadd.s32 $0xFFFFFF81, v25;
	v33 =	vadd.s32 $0xFFFFFF81, v33;
	v21 =	vmul.f32 $6.931471820e-01, v21  }
0x119: {  	v48 =	vmul.f32 v27, v28;
	v27 =	vadd.f32 $-1.000000000e+00, v26;
	v26 =	vor.u32 $0x3F800000, v31  }
0x11a: {  	v47 =	vld [tilespmem:s4+$0x20];
	v28 =	vadd.f32 $9.470379350e-02, v29;
	v39 =	vmul.f32 $0.0e+00, v24;
	v25 =	vcvt.s32.f32 v25  }
0x11b: {  	v33 =	vcvt.s32.f32 v33;
	v22 =	vmul.f32 $6.931471820e-01, v22;
	v26 =	vadd.f32 $-1.000000000e+00, v26  }
0x11c: {  	v29 =	vpop (erf);
	v37 =	vand.u32 $0x7FFFFF, v48;
	v38 =	vmul.f32 $0.0e+00, v27;
	v39 =	vadd.f32 $-2.288060500e-03, v39  }
0x11d: {  	v36 =	vshra.s32 v48, $0x17;
	v25 =	vmul.f32 $6.931471820e-01, v25;
	v31 =	vmul.f32 v29, v30  }
0x11e: {  	v29 =	vor.u32 $0x3F800000, v37;
	v30 =	vmul.f32 v28, v12;
	v49 =	vpop (erf);
	v41 =	vmul.f32 $0.0e+00, v26  }
0x11f: {  	v37 =	vadd.f32 $-2.288060500e-03, v50;
	v28 =	vadd.f32 $-1.000000000e+00, v29;
	v32 =	vmul.f32 v49, v47  }
0x120: {  	v38 =	vadd.f32 $-2.288060500e-03, v38;
	v39 =	vmul.f32 v39, v24;
	v29 =	vand.u32 $0x7FFFFF, v31  }
0x121: {  	v30 =	vadd.f32 $-1.451764550e-01, v30;
	v41 =	vadd.f32 $-2.288060500e-03, v41;
	v37 =	vmul.f32 v37, v23  }
0x122: {  	v31 =	vshra.s32 v31, $0x17;
	v29 =	vor.u32 $0x3F800000, v29;
	v40 =	vand.u32 $0x7FFFFF, v32  }
0x123: {  	v43 =	vmul.f32 $0.0e+00, v28;
	v38 =	vmul.f32 v38, v27;
	v39 =	vadd.f32 $1.514537260e-02, v39  }
0x124: {  	v32 =	vshra.s32 v32, $0x17;
	v31 =	vadd.s32 $0xFFFFFF81, v31;
	v29 =	vadd.f32 $-1.000000000e+00, v29  }
0x125: {  	v40 =	vor.u32 $0x3F800000, v40;
	v42 =	vmul.f32 v30, v12;
	v41 =	vmul.f32 v41, v26  }
0x126: {  	v37 =	vadd.f32 $1.514537260e-02, v37;
	v32 =	vadd.s32 $0xFFFFFF81, v32;
	v31 =	vcvt.s32.f32 v31  }
0x127: {  	v30 =	vadd.f32 $-1.000000000e+00, v40;
	v43 =	vadd.f32 $-2.288060500e-03, v43;
	v39 =	vmul.f32 v39, v24  }
0x128: {  	v38 =	vadd.f32 $1.514537260e-02, v38;
	v32 =	vcvt.s32.f32 v32;
	v44 =	vmul.f32 $0.0e+00, v29  }
0x129: {  	v51 =	vadd.f32 $1.933763770e-01, v42;
	v37 =	vmul.f32 v37, v23;
	v52 =	vmul.f32 $0.0e+00, v30  }
0x12a: {  	v41 =	vadd.f32 $1.514537260e-02, v41;
	v43 =	vmul.f32 v43, v28;
	v38 =	vmul.f32 v38, v27  }
0x12b: {  	v39 =	vadd.f32 $-4.713346440e-02, v39;
	v40 =	vmul.f32 v51, v12;
	v44 =	vadd.f32 $-2.288060500e-03, v44  }
0x12c: {  	v37 =	vadd.f32 $-4.713346440e-02, v37;
	v41 =	vmul.f32 v41, v26;
	v42 =	vadd.f32 $-2.288060500e-03, v52  }
0x12d: {  	v43 =	vadd.f32 $1.514537260e-02, v43;
	v38 =	vadd.f32 $-4.713346440e-02, v38;
	v39 =	vmul.f32 v39, v24  }
0x12e: {  	v40 =	vadd.f32 $-2.486582100e-01, v40;
	v44 =	vmul.f32 v44, v29;
	v37 =	vmul.f32 v37, v23  }
0x12f: {  	v41 =	vadd.f32 $-4.713346440e-02, v41;
	v42 =	vmul.f32 v42, v30;
	v43 =	vmul.f32 v43, v28  }
0x130: {  	v38 =	vmul.f32 v38, v27;
	v39 =	vadd.f32 $9.470379350e-02, v39;
	v44 =	vadd.f32 $1.514537260e-02, v44  }
0x131: {  	v40 =	vmul.f32 v40, v12;
	v37 =	vadd.f32 $9.470379350e-02, v37;
	v42 =	vadd.f32 $1.514537260e-02, v42  }
0x132: {  	v41 =	vmul.f32 v41, v26;
	v43 =	vadd.f32 $-4.713346440e-02, v43;
	v38 =	vadd.f32 $9.470379350e-02, v38  }
0x133: {  	v57 =	vmul.f32 v39, v24;
	v40 =	vadd.f32 $3.331669270e-01, v40;
	v44 =	vmul.f32 v44, v29  }
0x134: {  	v41 =	vadd.f32 $9.470379350e-02, v41;
	v37 =	vmul.f32 v37, v23;
	v42 =	vmul.f32 v42, v30  }
0x135: {  	v43 =	vmul.f32 v43, v28;
	v38 =	vmul.f32 v38, v27;
	v44 =	vadd.f32 $-4.713346440e-02, v44  }
0x136: {  	v40 =	vmul.f32 v40, v12;
	v37 =	vadd.f32 $-1.451764550e-01, v37;
	v42 =	vadd.f32 $-4.713346440e-02, v42  }
0x137: {  	v58 =	vmul.f32 v41, v26;
	v54 =	vadd.f32 $9.470379350e-02, v43;
	v56 =	vadd.f32 $-1.451764550e-01, v38  }
0x138: {  	v38 =	vadd.f32 $-1.451764550e-01, v57;
	v40 =	vadd.f32 $-4.999887650e-01, v40;
	v44 =	vmul.f32 v44, v29  }
0x139: {  	v39 =	vadd.f32 $-1.451764550e-01, v58;
	v37 =	vmul.f32 v37, v23;
	v59 =	vmul.f32 v54, v28  }
0x13a: {  	v38 =	vmul.f32 v38, v24;
	v40 =	vmul.f32 v40, v12;
	v55 =	vadd.f32 $9.470379350e-02, v44  }
0x13b: {  	v37 =	vadd.f32 $1.933763770e-01, v37;
	v39 =	vmul.f32 v39, v26;
	v41 =	vadd.f32 $-1.451764550e-01, v59  }
0x13c: {  	v53 =	vmul.f32 v42, v30;
	v62 =	vadd.f32 $1.933763770e-01, v38;
	v40 =	vadd.f32 $9.999996420e-01, v40  }
0x13d: {  	v60 =	vmul.f32 v55, v29;
	v39 =	vadd.f32 $1.933763770e-01, v39;
	v37 =	vmul.f32 v37, v23  }
0x13e: {  	v63 =	vmul.f32 v41, v28;
	v35 =	vmul.f32 v40, v12;
	v40 =	vadd.f32 $9.470379350e-02, v53  }
0x13f: {  	v42 =	vadd.f32 $-1.451764550e-01, v60;
	v39 =	vmul.f32 v39, v26;
	v37 =	vadd.f32 $-2.486582100e-01, v37  }
0x140: {  	v38 =	vadd.f32 $1.933763770e-01, v63;
	v35 =	vadd.f32 $2.413903740e-09, v35;
	v40 =	vmul.f32 v40, v30  }
0x141: {  	v12 =	vmul.f32 v42, v29;
	v39 =	vadd.f32 $-2.486582100e-01, v39;
	v37 =	vmul.f32 v37, v23  }
0x142: {  	v38 =	vmul.f32 v38, v28;
	v34 =	vadd.f32 v35, v34;
	v35 =	vmul.f32 v56, v27  }
0x143: {  	v40 =	vadd.f32 $-1.451764550e-01, v40;
	v41 =	vadd.f32 $1.933763770e-01, v12;
	v39 =	vmul.f32 v39, v26  }
0x144: {  	v37 =	vadd.f32 $3.331669270e-01, v37;
	v38 =	vadd.f32 $-2.486582100e-01, v38;
	v34 =	vmax.f32 v34, $-1.800000000e+01  }
0x145: {  	v35 =	vadd.f32 $1.933763770e-01, v35;
	v40 =	vmul.f32 v40, v30;
	v41 =	vmul.f32 v41, v29  }
0x146: {  	v37 =	vmul.f32 v37, v23;
	v34 =	vmin.f32 v34, $1.800000000e+01;
	v38 =	vmul.f32 v38, v28  }
0x147: {  	v39 =	vadd.f32 $3.331669270e-01, v39;
	v61 =	vmul.f32 $9.182999730e-01, v34;
	v34 =	vmul.f32 $-3.660800220e+00, v34  }
0x148: {  	v35 =	vmul.f32 v35, v27;
	v40 =	vadd.f32 $1.933763770e-01, v40;
	v41 =	vadd.f32 $-2.486582100e-01, v41  }
0x149: {  	v39 =	vmul.f32 v39, v26;
	v37 =	vadd.f32 $-4.999887650e-01, v37;
	v43 =	vmul.f32 $1.442695020e+00, v61  }
0x14a: {  	v38 =	vadd.f32 $3.331669270e-01, v38;
	v34 =	vmul.f32 $1.442695020e+00, v34;
	v40 =	vmul.f32 v40, v30  }
0x14b: {  	v35 =	vadd.f32 $-2.486582100e-01, v35;
	v41 =	vmul.f32 v41, v29;
	v37 =	vmul.f32 v37, v23  }
0x14c: {  	v39 =	vadd.f32 $-4.999887650e-01, v39;
	v38 =	vmul.f32 v38, v28;
	(erf) = vpow2.f32 v43  }
0x14d: {  	v46 =	vadd.s32 $0xFFFFFF81, v36;
	v35 =	vmul.f32 v35, v27;
	(erf) = vpow2.f32 v34  }
0x14e: {  	v40 =	vadd.f32 $-2.486582100e-01, v40;
	v41 =	vadd.f32 $3.331669270e-01, v41;
	v39 =	vmul.f32 v39, v26  }
0x14f: {  	v37 =	vadd.f32 $9.999996420e-01, v37;
	v34 =	vmul.f32 v62, v24;
	v38 =	vadd.f32 $-4.999887650e-01, v38  }
0x150: {  	v35 =	vadd.f32 $3.331669270e-01, v35;
	v40 =	vmul.f32 v40, v30;
	v41 =	vmul.f32 v41, v29  }
0x151: {  	v39 =	vadd.f32 $9.999996420e-01, v39;
	v23 =	vmul.f32 v37, v23;
	v34 =	vadd.f32 $-2.486582100e-01, v34  }
0x152: {  	v38 =	vmul.f32 v38, v28;
	v35 =	vmul.f32 v35, v27;
	v40 =	vadd.f32 $3.331669270e-01, v40  }
0x153: {  	v41 =	vadd.f32 $-4.999887650e-01, v41;
	v26 =	vmul.f32 v39, v26;
	v23 =	vadd.f32 $2.413903740e-09, v23  }
0x154: {  	v14 =	vmul.f32 v34, v24;
	v38 =	vadd.f32 $9.999996420e-01, v38;
	v35 =	vadd.f32 $-4.999887650e-01, v35  }
0x155: {  	v40 =	vmul.f32 v40, v30;
	v41 =	vmul.f32 v41, v29;
	v26 =	vadd.f32 $2.413903740e-09, v26;
	v13 =	vpop (erf)  }
0x156: {  	v21 =	vadd.f32 v23, v21;
	v23 =	vmul.f32 $6.931471820e-01, v31;
	v35 =	vmul.f32 v35, v27;
	v44 =	vpop (erf)  }
0x157: {  	v43 =	vadd.f32 $3.331669270e-01, v14;
	v42 =	vmul.f32 $1.080500010e+00, v13;
	v34 =	vadd.f32 $1.000000000e+00, v44  }
0x158: {  	v28 =	vmul.f32 v38, v28;
	v40 =	vadd.f32 $-4.999887650e-01, v40;
	v35 =	vadd.f32 $9.999996420e-01, v35  }
0x159: {  	v21 =	vmax.f32 v21, $-1.800000000e+01;
	v45 =	vmul.f32 v43, v24;
	v42 =	vadd.f32 v42, v34  }
0x15a: {  	v41 =	vadd.f32 $9.999996420e-01, v41;
	v21 =	vmin.f32 v21, $1.800000000e+01;
	v27 =	vmul.f32 v35, v27  }
0x15b: {  	v40 =	vmul.f32 v40, v30;
	(erf) = vrcp.f32 v42;
	v42 =	vadd.f32 $-4.999887650e-01, v45  }
0x15c: {  	v49 =	vmul.f32 $9.182999730e-01, v21;
	v35 =	vcvt.s32.f32 v46;
	v27 =	vadd.f32 $2.413903740e-09, v27  }
0x15d: {  	v28 =	vadd.f32 $2.413903740e-09, v28;
	v21 =	vmul.f32 $-3.660800220e+00, v21;
	v42 =	vmul.f32 v42, v24  }
0x15e: {  	s16 =	simm.s32 $0x1C3B0;
	v47 =	vmul.f32 $6.931471820e-01, v35;
	v25 =	vadd.f32 v27, v25;
	v27 =	vmul.f32 $6.931471820e-01, v33  }
0x15f: {  	s7 =	simm.s32 $0x1B3B0;
	v31 =	vld [tilespmem:s16+$0x30];
	v29 =	vmul.f32 v41, v29;
	v40 =	vadd.f32 $9.999996420e-01, v40;
	v42 =	vadd.f32 $9.999996420e-01, v42  }
0x160: {  	v21 =	vmul.f32 $1.442695020e+00, v21;
	v26 =	vadd.f32 v26, v27;
	v27 =	vadd.f32 v28, v47;
	v28 =	vld [tilespmem:s7+$0x30]  }
0x161: {  	v30 =	vmul.f32 v40, v30;
	v25 =	vmax.f32 v25, $-1.800000000e+01;
	v24 =	vmul.f32 v42, v24  }
0x162: {  	v33 =	vmul.f32 $1.442695020e+00, v49;
	v25 =	vmin.f32 v25, $1.800000000e+01;
	v26 =	vmax.f32 v26, $-1.800000000e+01  }
0x163: {  	v51 =	vld [tilespmem:s16+$0xFFFFFFC0];
	v27 =	vmax.f32 v27, $-1.800000000e+01;
	v48 =	vmul.f32 $9.182999730e-01, v25;
	v24 =	vadd.f32 $2.413903740e-09, v24  }
0x164: {  	v55 =	vld [tilespmem:s16+$0xFFFFFFD0];
	v25 =	vmul.f32 $-3.660800220e+00, v25;
	v26 =	vmin.f32 v26, $1.800000000e+01;
	v27 =	vmin.f32 v27, $1.800000000e+01  }
0x165: {  	v53 =	vld [tilespmem:s7+$0xFFFFFFD0];
	v52 =	vmul.f32 $9.182999730e-01, v26;
	v26 =	vmul.f32 $-3.660800220e+00, v26;
	v22 =	vadd.f32 v24, v22  }
0x166: {  	v56 =	vld [tilespmem:s7+$0xFFFFFFE0];
	v54 =	vmul.f32 $9.182999730e-01, v27;
	v27 =	vmul.f32 $-3.660800220e+00, v27  }
0x167: {  	v31 =	vld.idx.msk [tilespmem:v31+s23+$0x0], $0xffff;
	v24 =	vmul.f32 $6.931471820e-01, v32;
	v32 =	vmul.f32 $1.442695020e+00, v48;
	v22 =	vmax.f32 v22, $-1.800000000e+01  }
0x168: {  	v25 =	vmul.f32 $1.442695020e+00, v25;
	v26 =	vmul.f32 $1.442695020e+00, v26;
	v28 =	vld.idx.msk [tilespmem:v28+s23+$0x0], $0xffff;
	v22 =	vmin.f32 v22, $1.800000000e+01  }
0x169: {  	v57 =	vld [tilespmem:s16+$0xFFFFFFE0];
	(erf) = vpow2.f32 v32;
	v50 =	vmul.f32 $9.182999730e-01, v22  }
0x16a: {  	v58 =	vld [tilespmem:s7+$0xFFFFFFF0];
	(erf) = vpow2.f32 v25;
	v22 =	vmul.f32 $-3.660800220e+00, v22  }
0x16b: {  	v59 =	vld [tilespmem:s16+$0xFFFFFFF0];
	(erf) = vpow2.f32 v33;
	v25 =	vmul.f32 $1.442695020e+00, v50  }
0x16c: {  	v60 =	vld [tilespmem:s16+$0x0];
	(erf) = vpow2.f32 v21;
	v21 =	vadd.f32 $2.413903740e-09, v29;
	v22 =	vmul.f32 $1.442695020e+00, v22  }
0x16d: {  	v63 =	vld.idx.msk [tilespmem:v53+s23+$0x0], $0xffff;
	v29 =	vmul.f32 $1.442695020e+00, v52;
	v28 =	vadd.f32 v31, v28;
	(erf) = vpow2.f32 v25  }
0x16e: {  	v21 =	vadd.f32 v21, v23;
	v23 =	vmul.f32 $1.442695020e+00, v27;
	v27 =	vld [tilespmem:s7+$0x10];
	(erf) = vpow2.f32 v22  }
0x16f: {  	v41 =	vld.idx.msk [tilespmem:v56+s23+$0x0], $0xffff;
	v25 =	vadd.f32 $2.413903740e-09, v30;
	v22 =	vmul.f32 $1.442695020e+00, v54;
	(erf) = vpow2.f32 v29  }
0x170: {  	v40 =	vld.idx.msk [tilespmem:v55+s23+$0x0], $0xffff;
	v21 =	vmax.f32 v21, $-1.800000000e+01;
	(erf) = vpow2.f32 v26;
	v26 =	vmul.f32 $5.000000000e-01, v28  }
0x171: {  	v24 =	vadd.f32 v25, v24;
	v25 =	vld [tilespmem:s16+$0x10];
	v21 =	vmin.f32 v21, $1.800000000e+01  }
0x172: {  	v49 =	vld.idx.msk [tilespmem:v51+s23+$0x0], $0xffff;
	v35 =	vpop (erf);
	v29 =	vmul.f32 $9.182999730e-01, v21;
	(erf) = vpow2.f32 v22  }
0x173: {  	v42 =	vld.idx.msk [tilespmem:v59+s23+$0x0], $0xffff;
	v28 =	vpop (erf);
	v21 =	vmul.f32 $-3.660800220e+00, v21;
	(erf) = vpow2.f32 v23  }
0x174: {  	v31 =	vld [tilespmem:s7+$0xFFFFFFC0];
	v23 =	vmax.f32 v24, $-1.800000000e+01;
	v29 =	vmul.f32 $1.442695020e+00, v29;
	(erf) = vrcp.f32 v26;
	v26 =	vpop (erf)  }
0x175: {  	v30 =	vld [tilespmem:s7+$0x0];
	v21 =	vmul.f32 $1.442695020e+00, v21;
	v23 =	vmin.f32 v23, $1.800000000e+01;
	v61 =	vpop (erf)  }
0x176: {  	v62 =	vmul.f32 $9.182999730e-01, v23;
	(erf) = vpow2.f32 v29;
	v27 =	vld.idx.msk [tilespmem:v27+s23+$0x0], $0xffff;
	v12 =	vpop (erf)  }
0x177: {  	s22 =	simm.s32 $0x1D3B0;
	v23 =	vmul.f32 $-3.660800220e+00, v23;
	(erf) = vpow2.f32 v21;
	v21 =	vld.idx.msk [tilespmem:v57+s23+$0x0], $0xffff;
	v45 =	vpop (erf)  }
0x178: {  	v28 =	vmul.f32 $1.080500010e+00, v28;
	v36 =	vadd.f32 $1.000000000e+00, v26;
	v26 =	vld [tilespmem:s22+$0x30];
	v46 =	vmul.f32 $1.442695020e+00, v62;
	v47 =	vpop (erf)  }
0x179: {  	v40 =	vadd.f32 v40, v63;
	v23 =	vmul.f32 $1.442695020e+00, v23;
	v25 =	vld.idx.msk [tilespmem:v25+s23+$0x0], $0xffff;
	v29 =	vpop (erf)  }
0x17a: {  	v22 =	vld [tilespmem:s7+$0x20];
	v39 =	vmul.f32 $1.080500010e+00, v61;
	v28 =	vadd.f32 v28, v36;
	(erf) = vpow2.f32 v46;
	v13 =	vpop (erf)  }
0x17b: {  	v24 =	vld [tilespmem:s16+$0x20];
	v37 =	vadd.f32 $1.000000000e+00, v12;
	v45 =	vmul.f32 $1.080500010e+00, v45;
	v14 =	vpop (erf);
	(erf) = vpow2.f32 v23  }
0x17c: {  	v38 =	vadd.f32 $1.000000000e+00, v47;
	v21 =	vadd.f32 v21, v41;
	v50 =	vpop (erf);
	(erf) = vrcp.f32 v28;
	v28 =	vld.idx.msk [tilespmem:v31+s23+$0x0], $0xffff  }
0x17d: {  	v33 =	vld.idx.msk [tilespmem:v58+s23+$0x0], $0xffff;
	v29 =	vmul.f32 $1.080500010e+00, v29;
	v23 =	vadd.f32 v39, v37;
	v39 =	vadd.f32 $1.000000000e+00, v13;
	v31 =	vpop (erf)  }
0x17e: {  	v21 =	vmul.f32 $5.000000000e-01, v21;
	v25 =	vadd.f32 v25, v27;
	v48 =	vmul.f32 v31, v26  }
0x17f: {  	(erf) = vrcp.f32 v23;
	v23 =	vld.idx.msk [tilespmem:v30+s23+$0x0], $0xffff;
	v30 =	vmul.f32 $1.080500010e+00, v14;
	v26 =	vadd.f32 v45, v38  }
0x180: {  	v47 =	vld.idx.msk [tilespmem:v60+s23+$0x0], $0xffff;
	v31 =	vmul.f32 $5.000000000e-01, v40;
	v40 =	vadd.f32 $1.000000000e+00, v50;
	v52 =	vand.u32 $0x7FFFFF, v48  }
0x181: {  	(erf) = vrcp.f32 v26;
	v26 =	vor.u32 $0x3F800000, v52;
	v28 =	vadd.f32 v49, v28  }
0x182: {  	(erf) = vrcp.f32 v31;
	v51 =	vadd.f32 $-1.000000000e+00, v26;
	v26 =	vld.idx.msk [tilespmem:v22+s23+$0x0], $0xffff;
	v22 =	vadd.f32 v42, v33  }
0x183: {  	v29 =	vadd.f32 v29, v39;
	v25 =	vmul.f32 $5.000000000e-01, v25;
	v30 =	vadd.f32 v30, v40  }
0x184: {  	v24 =	vld.idx.msk [tilespmem:v24+s23+$0x0], $0xffff;
	v48 =	vshra.s32 v48, $0x17;
	(erf) = vrcp.f32 v21;
	v21 =	vpop (erf);
	v28 =	vmul.f32 $5.000000000e-01, v28  }
0x185: {  	v23 =	vadd.f32 v47, v23;
	v53 =	vpop (erf);
	v31 =	vmul.f32 $0.0e+00, v51;
	v54 =	vmul.f32 $5.000000000e-01, v22  }
0x186: {  	v48 =	vadd.s32 $0xFFFFFF81, v48;
	v55 =	vmul.f32 $1.080500010e+00, v21;
	(erf) = vrcp.f32 v28;
	v22 =	vpop (erf)  }
0x187: {  	v23 =	vmul.f32 $5.000000000e-01, v23;
	v28 =	vadd.f32 $-2.288060500e-03, v31;
	v31 =	vld [tilespmem:s22+$0xFFFFFFD0];
	(erf) = vrcp.f32 v54;
	v21 =	vpop (erf)  }
0x188: {  	v48 =	vcvt.s32.f32 v48;
	v41 =	vadd.f32 $1.000000000e+00, v53;
	(erf) = vrcp.f32 v29;
	v42 =	vpop (erf)  }
0x189: {  	v27 =	vld [tilespmem:s22+$0xFFFFFFE0];
	v24 =	vadd.f32 v24, v26;
	v28 =	vmul.f32 v28, v51;
	(erf) = vrcp.f32 v23;
	v43 =	vpop (erf)  }
0x18a: {  	v48 =	vmul.f32 $6.931471820e-01, v48;
	(erf) = vrcp.f32 v30;
	v44 =	vpop (erf)  }
0x18b: {  	v26 =	vld [tilespmem:s22+$0xFFFFFFC0];
	v24 =	vmul.f32 $5.000000000e-01, v24;
	v23 =	vadd.f32 $1.514537260e-02, v28;
	v28 =	vadd.f32 v55, v41;
	v29 =	vpop (erf)  }
0x18c: {  	(erf) = vrcp.f32 v25;
	v25 =	vmul.f32 v29, v31  }
0x18d: {  	v29 =	vpop (erf);
	v23 =	vmul.f32 v23, v51;
	(erf) = vrcp.f32 v28  }
0x18e: {  	v31 =	vld [tilespmem:s22+$0xFFFFFFF0];
	v28 =	vmul.f32 v29, v27;
	(erf) = vrcp.f32 v24  }
0x18f: {  	v24 =	vand.u32 $0x7FFFFF, v25;
	v23 =	vadd.f32 $-4.713346440e-02, v23;
	v27 =	vshra.s32 v25, $0x17;
	v29 =	vpop (erf)  }
0x190: {  	v24 =	vor.u32 $0x3F800000, v24;
	v25 =	vand.u32 $0x7FFFFF, v28;
	v26 =	vmul.f32 v29, v26  }
0x191: {  	v30 =	vshra.s32 v28, $0x17;
	v27 =	vadd.s32 $0xFFFFFF81, v27;
	v25 =	vor.u32 $0x3F800000, v25  }
0x192: {  	v56 =	vld [tilespmem:s22+$0x0];
	v58 =	vpop (erf);
	v23 =	vmul.f32 v23, v51;
	v28 =	vadd.f32 $-1.000000000e+00, v24;
	v30 =	vadd.s32 $0xFFFFFF81, v30  }
0x193: {  	v27 =	vcvt.s32.f32 v27;
	v29 =	vadd.f32 $-1.000000000e+00, v25;
	v52 =	vmul.f32 v58, v31  }
0x194: {  	v24 =	vand.u32 $0x7FFFFF, v26;
	v31 =	vshra.s32 v26, $0x17;
	v30 =	vcvt.s32.f32 v30  }
0x195: {  	v57 =	vld [tilespmem:s22+$0x10];
	v46 =	vpop (erf);
	v23 =	vadd.f32 $9.470379350e-02, v23;
	v61 =	vmul.f32 $0.0e+00, v28;
	v31 =	vadd.s32 $0xFFFFFF81, v31  }
0x196: {  	v24 =	vor.u32 $0x3F800000, v24;
	v27 =	vmul.f32 $6.931471820e-01, v27;
	v25 =	vpop (erf);
	v31 =	vcvt.s32.f32 v31  }
0x197: {  	v32 =	vadd.f32 $-1.000000000e+00, v24;
	v30 =	vmul.f32 $6.931471820e-01, v30;
	v49 =	vmul.f32 v25, v56  }
0x198: {  	v47 =	vpop (erf);
	v25 =	vand.u32 $0x7FFFFF, v52;
	v26 =	vmul.f32 v23, v51;
	v56 =	vmul.f32 $0.0e+00, v29  }
0x199: {  	v24 =	vpop (erf);
	v25 =	vor.u32 $0x3F800000, v25;
	v54 =	vmul.f32 $0.0e+00, v32;
	v31 =	vmul.f32 $6.931471820e-01, v31  }
0x19a: {  	v53 =	vld [tilespmem:s22+$0x20];
	v59 =	vand.u32 $0x7FFFFF, v49;
	v23 =	vmul.f32 v24, v57;
	v33 =	vadd.f32 $-1.000000000e+00, v25  }
0x19b: {  	v25 =	vadd.f32 $-1.451764550e-01, v26;
	v56 =	vadd.f32 $-2.288060500e-03, v56;
	v49 =	vshra.s32 v49, $0x17  }
0x19c: {  	v24 =	vor.u32 $0x3F800000, v59;
	v54 =	vadd.f32 $-2.288060500e-03, v54;
	v49 =	vadd.s32 $0xFFFFFF81, v49  }
0x19d: {  	v45 =	vpop (erf);
	v50 =	vadd.f32 $-1.000000000e+00, v24;
	v60 =	vmul.f32 v25, v51;
	v57 =	vmul.f32 $0.0e+00, v33  }
0x19e: {  	v26 =	vpop (erf);
	v55 =	vand.u32 $0x7FFFFF, v23;
	v56 =	vmul.f32 v56, v29;
	v49 =	vcvt.s32.f32 v49  }
0x19f: {  	v24 =	vmul.f32 v26, v53;
	v26 =	vor.u32 $0x3F800000, v55;
	v55 =	vadd.f32 $-2.288060500e-03, v61  }
0x1a0: {  	v54 =	vmul.f32 v54, v32;
	v25 =	vadd.f32 $-1.000000000e+00, v26;
	v53 =	vadd.f32 $1.933763770e-01, v60  }
0x1a1: {  	v58 =	vmul.f32 $0.0e+00, v50;
	v57 =	vadd.f32 $-2.288060500e-03, v57;
	v56 =	vadd.f32 $1.514537260e-02, v56  }
0x1a2: {  	v49 =	vmul.f32 $6.931471820e-01, v49;
	v26 =	vand.u32 $0x7FFFFF, v24;
	v55 =	vmul.f32 v55, v28  }
0x1a3: {  	v54 =	vadd.f32 $1.514537260e-02, v54;
	v26 =	vor.u32 $0x3F800000, v26;
	v59 =	vmul.f32 $0.0e+00, v25  }
0x1a4: {  	v53 =	vmul.f32 v53, v51;
	v58 =	vadd.f32 $-2.288060500e-03, v58;
	v57 =	vmul.f32 v57, v33  }
0x1a5: {  	v56 =	vmul.f32 v56, v29;
	v26 =	vadd.f32 $-1.000000000e+00, v26;
	v55 =	vadd.f32 $1.514537260e-02, v55  }
0x1a6: {  	v54 =	vmul.f32 v54, v32;
	v53 =	vadd.f32 $-2.486582100e-01, v53;
	v59 =	vadd.f32 $-2.288060500e-03, v59  }
0x1a7: {  	v58 =	vmul.f32 v58, v50;
	v57 =	vadd.f32 $1.514537260e-02, v57;
	v56 =	vadd.f32 $-4.713346440e-02, v56  }
0x1a8: {  	v60 =	vmul.f32 $0.0e+00, v26;
	v55 =	vmul.f32 v55, v28;
	v54 =	vadd.f32 $-4.713346440e-02, v54  }
0x1a9: {  	v53 =	vmul.f32 v53, v51;
	v59 =	vmul.f32 v59, v25;
	v58 =	vadd.f32 $1.514537260e-02, v58  }
0x1aa: {  	v57 =	vmul.f32 v57, v33;
	v62 =	vmul.f32 v56, v29;
	v60 =	vadd.f32 $-2.288060500e-03, v60  }
0x1ab: {  	v55 =	vadd.f32 $-4.713346440e-02, v55;
	v54 =	vmul.f32 v54, v32;
	v53 =	vadd.f32 $3.331669270e-01, v53  }
0x1ac: {  	v59 =	vadd.f32 $1.514537260e-02, v59;
	v58 =	vmul.f32 v58, v50;
	v57 =	vadd.f32 $-4.713346440e-02, v57  }
0x1ad: {  	v60 =	vmul.f32 v60, v26;
	v55 =	vmul.f32 v55, v28;
	v54 =	vadd.f32 $9.470379350e-02, v54  }
0x1ae: {  	v53 =	vmul.f32 v53, v51;
	v59 =	vmul.f32 v59, v25;
	v58 =	vadd.f32 $-4.713346440e-02, v58  }
0x1af: {  	v57 =	vmul.f32 v57, v33;
	v60 =	vadd.f32 $1.514537260e-02, v60;
	v55 =	vadd.f32 $9.470379350e-02, v55  }
0x1b0: {  	v54 =	vmul.f32 v54, v32;
	v53 =	vadd.f32 $-4.999887650e-01, v53;
	v59 =	vadd.f32 $-4.713346440e-02, v59  }
0x1b1: {  	v58 =	vmul.f32 v58, v50;
	v12 =	vadd.f32 $9.470379350e-02, v57;
	v60 =	vmul.f32 v60, v26  }
0x1b2: {  	v55 =	vmul.f32 v55, v28;
	v54 =	vadd.f32 $-1.451764550e-01, v54;
	v53 =	vmul.f32 v53, v51  }
0x1b3: {  	v59 =	vmul.f32 v59, v25;
	v13 =	vadd.f32 $9.470379350e-02, v58;
	v63 =	vadd.f32 $-4.713346440e-02, v60  }
0x1b4: {  	v55 =	vadd.f32 $-1.451764550e-01, v55;
	v54 =	vmul.f32 v54, v32;
	v53 =	vadd.f32 $9.999996420e-01, v53  }
0x1b5: {  	v14 =	vadd.f32 $9.470379350e-02, v59;
	v57 =	vmul.f32 v13, v50;
	v56 =	vmul.f32 v63, v26  }
0x1b6: {  	v55 =	vmul.f32 v55, v28;
	v54 =	vadd.f32 $1.933763770e-01, v54;
	v51 =	vmul.f32 v53, v51  }
0x1b7: {  	v53 =	vadd.f32 $9.470379350e-02, v62;
	v57 =	vadd.f32 $-1.451764550e-01, v57;
	v13 =	vmul.f32 v14, v25  }
0x1b8: {  	v55 =	vadd.f32 $1.933763770e-01, v55;
	v62 =	vmul.f32 v54, v32;
	v51 =	vadd.f32 $2.413903740e-09, v51  }
0x1b9: {  	v52 =	vshra.s32 v52, $0x17;
	v53 =	vmul.f32 v53, v29;
	v57 =	vmul.f32 v57, v50  }
0x1ba: {  	v56 =	vadd.f32 $9.470379350e-02, v56;
	v63 =	vmul.f32 v55, v28;
	v48 =	vadd.f32 v51, v48  }
0x1bb: {  	v51 =	vmul.f32 v12, v33;
	v53 =	vadd.f32 $-1.451764550e-01, v53;
	v12 =	vadd.f32 $1.933763770e-01, v57  }
0x1bc: {  	v56 =	vmul.f32 v56, v26;
	v54 =	vadd.f32 $-2.486582100e-01, v63;
	v48 =	vmax.f32 v48, $-1.800000000e+01  }
0x1bd: {  	v53 =	vmul.f32 v53, v29;
	v55 =	vmul.f32 v12, v50;
	v48 =	vmin.f32 v48, $1.800000000e+01  }
0x1be: {  	v51 =	vadd.f32 $-1.451764550e-01, v51;
	v54 =	vmul.f32 v54, v28;
	v60 =	vmul.f32 $9.182999730e-01, v48  }
0x1bf: {  	v48 =	vmul.f32 $-3.660800220e+00, v48;
	v61 =	vadd.f32 $1.933763770e-01, v53;
	v53 =	vadd.f32 $-2.486582100e-01, v62  }
0x1c0: {  	v51 =	vmul.f32 v51, v33;
	v55 =	vadd.f32 $-2.486582100e-01, v55;
	v59 =	vmul.f32 $1.442695020e+00, v60  }
0x1c1: {  	v54 =	vadd.f32 $3.331669270e-01, v54;
	v48 =	vmul.f32 $1.442695020e+00, v48;
	v53 =	vmul.f32 v53, v32  }
0x1c2: {  	v51 =	vadd.f32 $1.933763770e-01, v51;
	v55 =	vmul.f32 v55, v50;
	(erf) = vpow2.f32 v59  }
0x1c3: {  	v57 =	vadd.f32 $-1.451764550e-01, v13;
	(erf) = vpow2.f32 v48;
	v48 =	vmul.f32 v61, v29  }
0x1c4: {  	v54 =	vmul.f32 v54, v28;
	v51 =	vmul.f32 v51, v33;
	v53 =	vadd.f32 $3.331669270e-01, v53  }
0x1c5: {  	v12 =	vmul.f32 v57, v25;
	v55 =	vadd.f32 $3.331669270e-01, v55;
	v48 =	vadd.f32 $-2.486582100e-01, v48  }
0x1c6: {  	v54 =	vadd.f32 $-4.999887650e-01, v54;
	v51 =	vadd.f32 $-2.486582100e-01, v51;
	v53 =	vmul.f32 v53, v32  }
0x1c7: {  	v52 =	vadd.s32 $0xFFFFFF81, v52;
	v55 =	vmul.f32 v55, v50;
	v48 =	vmul.f32 v48, v29  }
0x1c8: {  	v54 =	vmul.f32 v54, v28;
	v51 =	vmul.f32 v51, v33;
	v53 =	vadd.f32 $-4.999887650e-01, v53  }
0x1c9: {  	v62 =	vcvt.s32.f32 v52;
	v55 =	vadd.f32 $-4.999887650e-01, v55;
	v60 =	vadd.f32 $3.331669270e-01, v48  }
0x1ca: {  	v54 =	vadd.f32 $9.999996420e-01, v54;
	v51 =	vadd.f32 $3.331669270e-01, v51;
	v53 =	vmul.f32 v53, v32  }
0x1cb: {  	v55 =	vmul.f32 v55, v50;
	v59 =	vmul.f32 v60, v29  }
0x1cc: {  	v28 =	vmul.f32 v54, v28;
	v51 =	vmul.f32 v51, v33;
	v53 =	vadd.f32 $9.999996420e-01, v53  }
0x1cd: {  	v63 =	vmul.f32 $6.931471820e-01, v62;
	v55 =	vadd.f32 $9.999996420e-01, v55;
	v14 =	vpop (erf);
	v59 =	vadd.f32 $-4.999887650e-01, v59  }
0x1ce: {  	v28 =	vadd.f32 $2.413903740e-09, v28;
	v61 =	vpop (erf);
	v51 =	vadd.f32 $-4.999887650e-01, v51;
	v32 =	vmul.f32 v53, v32  }
0x1cf: {  	v58 =	vmul.f32 $1.080500010e+00, v14;
	v48 =	vadd.f32 $1.000000000e+00, v61;
	v59 =	vmul.f32 v59, v29  }
0x1d0: {  	v27 =	vadd.f32 v28, v27;
	v51 =	vmul.f32 v51, v33;
	v32 =	vadd.f32 $2.413903740e-09, v32  }
0x1d1: {  	v50 =	vmul.f32 v55, v50;
	v58 =	vadd.f32 v58, v48;
	v59 =	vadd.f32 $9.999996420e-01, v59  }
0x1d2: {  	v27 =	vmax.f32 v27, $-1.800000000e+01;
	v51 =	vadd.f32 $9.999996420e-01, v51;
	v31 =	vadd.f32 v32, v31  }
0x1d3: {  	s24 =	simm.s32 $0x1B430;
	v27 =	vmin.f32 v27, $1.800000000e+01;
	(erf) = vrcp.f32 v58;
	v29 =	vmul.f32 v59, v29  }
0x1d4: {  	s16 =	simm.s32 $0x1C430;
	v13 =	vld [tilespmem:s24+$0x30];
	v58 =	vmul.f32 $9.182999730e-01, v27;
	v33 =	vmul.f32 v51, v33;
	v31 =	vmax.f32 v31, $-1.800000000e+01  }
0x1d5: {  	v14 =	vld [tilespmem:s16+$0x30];
	v27 =	vmul.f32 $-3.660800220e+00, v27;
	v31 =	vmin.f32 v31, $1.800000000e+01;
	v29 =	vadd.f32 $2.413903740e-09, v29  }
0x1d6: {  	v50 =	vadd.f32 $2.413903740e-09, v50;
	v33 =	vadd.f32 $2.413903740e-09, v33;
	v57 =	vmul.f32 $9.182999730e-01, v31  }
0x1d7: {  	v27 =	vmul.f32 $1.442695020e+00, v27;
	v31 =	vmul.f32 $-3.660800220e+00, v31;
	v28 =	vadd.f32 v29, v30  }
0x1d8: {  	v29 =	vadd.f32 v33, v63;
	v30 =	vadd.f32 v50, v49;
	v49 =	vmul.f32 $1.442695020e+00, v57  }
0x1d9: {  	v31 =	vmul.f32 $1.442695020e+00, v31;
	v50 =	vmul.f32 $1.442695020e+00, v58  }
0x1da: {  	v28 =	vmax.f32 v28, $-1.800000000e+01;
	v29 =	vmax.f32 v29, $-1.800000000e+01;
	(erf) = vpow2.f32 v49  }
0x1db: {  	v30 =	vmax.f32 v30, $-1.800000000e+01;
	v28 =	vmin.f32 v28, $1.800000000e+01;
	(erf) = vpow2.f32 v31  }
0x1dc: {  	v32 =	vld.idx.msk [tilespmem:v13+s23+$0x0], $0xffff;
	v29 =	vmin.f32 v29, $1.800000000e+01;
	v59 =	vmul.f32 $9.182999730e-01, v28;
	v28 =	vmul.f32 $-3.660800220e+00, v28  }
0x1dd: {  	v33 =	vld.idx.msk [tilespmem:v14+s23+$0x0], $0xffff;
	v30 =	vmin.f32 v30, $1.800000000e+01;
	v60 =	vmul.f32 $9.182999730e-01, v29;
	v29 =	vmul.f32 $-3.660800220e+00, v29  }
0x1de: {  	v61 =	vmul.f32 $9.182999730e-01, v30;
	v30 =	vmul.f32 $-3.660800220e+00, v30  }
0x1df: {  	(erf) = vpow2.f32 v50;
	v31 =	vmul.f32 $1.442695020e+00, v59  }
0x1e0: {  	(erf) = vpow2.f32 v27;
	v28 =	vmul.f32 $1.442695020e+00, v28  }
0x1e1: {  	v27 =	vmul.f32 $1.442695020e+00, v60;
	(erf) = vpow2.f32 v31  }
0x1e2: {  	v29 =	vmul.f32 $1.442695020e+00, v29;
	v31 =	vadd.f32 v33, v32;
	(erf) = vpow2.f32 v28  }
0x1e3: {  	v28 =	vmul.f32 $1.442695020e+00, v61;
	(erf) = vpow2.f32 v27  }
0x1e4: {  	(erf) = vpow2.f32 v29;
	v29 =	vmul.f32 $5.000000000e-01, v31  }
0x1e5: {  	v30 =	vmul.f32 $1.442695020e+00, v30;
	v27 =	vadd.f32 $-1.451764550e-01, v56  }
0x1e6: {  	v52 =	vpop (erf);
	(erf) = vpow2.f32 v28  }
0x1e7: {  	v27 =	vmul.f32 v27, v26;
	v28 =	vpop (erf);
	(erf) = vpow2.f32 v30  }
0x1e8: {  	v30 =	vadd.f32 $1.933763770e-01, v12;
	(erf) = vrcp.f32 v29;
	v29 =	vpop (erf)  }
0x1e9: {  	v27 =	vadd.f32 $1.933763770e-01, v27;
	v31 =	vpop (erf)  }
0x1ea: {  	v30 =	vmul.f32 v30, v25;
	v49 =	vpop (erf)  }
0x1eb: {  	v27 =	vmul.f32 v27, v26;
	v50 =	vpop (erf)  }
0x1ec: {  	s22 =	simm.s32 $0x1D430;
	v30 =	vadd.f32 $-2.486582100e-01, v30;
	v51 =	vpop (erf)  }
0x1ed: {  	v62 =	vld [tilespmem:s22+$0x30];
	v27 =	vadd.f32 $-2.486582100e-01, v27;
	v53 =	vpop (erf)  }
0x1ee: {  	v30 =	vmul.f32 v30, v25;
	v54 =	vpop (erf)  }
0x1ef: {  	v27 =	vmul.f32 v27, v26;
	v55 =	vpop (erf)  }
0x1f0: {  	v30 =	vadd.f32 $3.331669270e-01, v30;
	v56 =	vpop (erf)  }
0x1f1: {  	v27 =	vadd.f32 $3.331669270e-01, v27;
	v63 =	vpop (erf)  }
0x1f2: {  	v30 =	vmul.f32 v30, v25;
	v33 =	vmul.f32 v63, v62  }
0x1f3: {  	v27 =	vmul.f32 v27, v26  }
0x1f4: {  	v30 =	vadd.f32 $-4.999887650e-01, v30;
	v32 =	vand.u32 $0x7FFFFF, v33  }
0x1f5: {  	v27 =	vadd.f32 $-4.999887650e-01, v27;
	v32 =	vor.u32 $0x3F800000, v32  }
0x1f6: {  	v30 =	vmul.f32 v30, v25;
	v32 =	vadd.f32 $-1.000000000e+00, v32  }
0x1f7: {  	v23 =	vshra.s32 v23, $0x17;
	v27 =	vmul.f32 v27, v26  }
0x1f8: {  	v23 =	vadd.s32 $0xFFFFFF81, v23;
	v30 =	vadd.f32 $9.999996420e-01, v30;
	v12 =	vmul.f32 $0.0e+00, v32  }
0x1f9: {  	v23 =	vcvt.s32.f32 v23;
	v27 =	vadd.f32 $9.999996420e-01, v27  }
0x1fa: {  	v24 =	vshra.s32 v24, $0x17;
	v25 =	vmul.f32 v30, v25;
	v30 =	vadd.f32 $-2.288060500e-03, v12  }
0x1fb: {  	v24 =	vadd.s32 $0xFFFFFF81, v24;
	v23 =	vmul.f32 $6.931471820e-01, v23;
	v26 =	vmul.f32 v27, v26  }
0x1fc: {  	v24 =	vcvt.s32.f32 v24;
	v13 =	vld [tilespmem:s16+$0xFFFFFFE0];
	v25 =	vadd.f32 $2.413903740e-09, v25;
	v27 =	vmul.f32 v30, v32  }
0x1fd: {  	v57 =	vld [tilespmem:s24+$0xFFFFFFD0];
	v26 =	vadd.f32 $2.413903740e-09, v26  }
0x1fe: {  	v24 =	vmul.f32 $6.931471820e-01, v24;
	v23 =	vadd.f32 v25, v23;
	v25 =	vld [tilespmem:s16+$0xFFFFFFD0];
	v27 =	vadd.f32 $1.514537260e-02, v27  }
0x1ff: {  	v22 =	vmul.f32 $1.080500010e+00, v22;
	v14 =	vld [tilespmem:s24+$0xFFFFFFC0]  }
0x200: {  	v28 =	vmul.f32 $1.080500010e+00, v28;
	v24 =	vadd.f32 v26, v24;
	v26 =	vld [tilespmem:s24+$0xFFFFFFE0];
	v27 =	vmul.f32 v27, v32  }
0x201: {  	v31 =	vmul.f32 $1.080500010e+00, v31;
	v50 =	vmul.f32 $1.080500010e+00, v50;
	v30 =	vld [tilespmem:s16+$0xFFFFFFC0];
	v23 =	vmax.f32 v23, $-1.800000000e+01  }
0x202: {  	v24 =	vmax.f32 v24, $-1.800000000e+01;
	v23 =	vmin.f32 v23, $1.800000000e+01;
	v27 =	vadd.f32 $-4.713346440e-02, v27  }
0x203: {  	v24 =	vmin.f32 v24, $1.800000000e+01;
	v12 =	vmul.f32 $9.182999730e-01, v23;
	v23 =	vmul.f32 $-3.660800220e+00, v23  }
0x204: {  	v58 =	vld.idx.msk [tilespmem:v13+s23+$0x0], $0xffff;
	v61 =	vmul.f32 $9.182999730e-01, v24;
	v27 =	vmul.f32 v27, v32  }
0x205: {  	v21 =	vadd.f32 $1.000000000e+00, v21;
	v57 =	vld.idx.msk [tilespmem:v57+s23+$0x0], $0xffff;
	v24 =	vmul.f32 $-3.660800220e+00, v24;
	v60 =	vmul.f32 $1.442695020e+00, v12  }
0x206: {  	v62 =	vmul.f32 $1.442695020e+00, v23;
	v61 =	vmul.f32 $1.442695020e+00, v61;
	v25 =	vld.idx.msk [tilespmem:v25+s23+$0x0], $0xffff;
	v27 =	vadd.f32 $9.470379350e-02, v27  }
0x207: {  	v13 =	vld.idx.msk [tilespmem:v14+s23+$0x0], $0xffff;
	v23 =	vadd.f32 $1.000000000e+00, v29;
	v24 =	vmul.f32 $1.442695020e+00, v24;
	(erf) = vpow2.f32 v60  }
0x208: {  	v29 =	vadd.f32 v22, v21;
	v26 =	vld.idx.msk [tilespmem:v26+s23+$0x0], $0xffff;
	(erf) = vpow2.f32 v62;
	v27 =	vmul.f32 v27, v32  }
0x209: {  	v22 =	vadd.f32 $1.000000000e+00, v49;
	v30 =	vld.idx.msk [tilespmem:v30+s23+$0x0], $0xffff;
	v28 =	vadd.f32 v28, v23;
	(erf) = vpow2.f32 v61  }
0x20a: {  	(erf) = vpow2.f32 v24;
	v24 =	vadd.f32 $1.000000000e+00, v51;
	v27 =	vadd.f32 $-1.451764550e-01, v27  }
0x20b: {  	v14 =	vld [tilespmem:s16+$0xFFFFFFF0];
	v31 =	vadd.f32 v31, v22;
	(erf) = vrcp.f32 v28;
	v25 =	vadd.f32 v25, v57  }
0x20c: {  	v11 =	vld [tilespmem:s22+$0xFFFFFFC0];
	(erf) = vrcp.f32 v29;
	v28 =	vadd.f32 v50, v24;
	v27 =	vmul.f32 v27, v32  }
0x20d: {  	v29 =	vld [tilespmem:s24+$0xFFFFFFF0];
	(erf) = vrcp.f32 v31;
	v26 =	vadd.f32 v58, v26;
	v25 =	vmul.f32 $5.000000000e-01, v25  }
0x20e: {  	v57 =	vld [tilespmem:s16+$0x0];
	(erf) = vrcp.f32 v28;
	v28 =	vadd.f32 v30, v13;
	v27 =	vadd.f32 $1.933763770e-01, v27  }
0x20f: {  	v30 =	vld [tilespmem:s24+$0x0];
	v26 =	vmul.f32 $5.000000000e-01, v26;
	(erf) = vrcp.f32 v25  }
0x210: {  	v59 =	vld [tilespmem:s16+$0x10];
	v25 =	vmul.f32 $5.000000000e-01, v28;
	v27 =	vmul.f32 v27, v32  }
0x211: {  	v62 =	vld [tilespmem:s16+$0x20];
	v58 =	vpop (erf);
	(erf) = vrcp.f32 v26  }
0x212: {  	v61 =	vld [tilespmem:s24+$0x20];
	v60 =	vpop (erf);
	(erf) = vrcp.f32 v25;
	v26 =	vadd.f32 $-2.486582100e-01, v27  }
0x213: {  	v51 =	vld.idx.msk [tilespmem:v14+s23+$0x0], $0xffff;
	v49 =	vpop (erf)  }
0x214: {  	v28 =	vld [tilespmem:s24+$0x10];
	v50 =	vpop (erf);
	v25 =	vmul.f32 v26, v32  }
0x215: {  	v63 =	vld.idx.msk [tilespmem:v29+s23+$0x0], $0xffff;
	v31 =	vpop (erf)  }
0x216: {  	v57 =	vld.idx.msk [tilespmem:v57+s23+$0x0], $0xffff;
	v27 =	vpop (erf);
	v25 =	vadd.f32 $3.331669270e-01, v25  }
0x217: {  	v38 =	vmul.f32 v44, v38;
	v39 =	vmul.f32 v46, v39;
	v12 =	vld.idx.msk [tilespmem:v30+s23+$0x0], $0xffff;
	v29 =	vpop (erf)  }
0x218: {  	v52 =	vmul.f32 v52, v48;
	v30 =	vpop (erf);
	v25 =	vmul.f32 v25, v32  }
0x219: {  	v48 =	vmul.f32 v42, v36;
	v53 =	vmul.f32 $1.080500010e+00, v53;
	v13 =	vpop (erf)  }
0x21a: {  	v14 =	vadd.f32 $-4.999887650e-01, v25;
	v25 =	vadd.f32 $1.000000000e+00, v54;
	v54 =	vmul.f32 $1.080500010e+00, v55;
	v55 =	vpop (erf)  }
0x21b: {  	v59 =	vld.idx.msk [tilespmem:v59+s23+$0x0], $0xffff;
	v33 =	vshra.s32 v33, $0x17;
	v26 =	vadd.f32 $1.000000000e+00, v56;
	v56 =	vadd.f32 v51, v63;
	v63 =	vpop (erf)  }
0x21c: {  	v12 =	vadd.f32 v57, v12;
	v14 =	vmul.f32 v14, v32;
	v51 =	vmul.f32 v63, v11;
	v11 =	vld.idx.msk [tilespmem:v28+s23+$0x0], $0xffff  }
0x21d: {  	v33 =	vadd.s32 $0xFFFFFF81, v33;
	v56 =	vmul.f32 $5.000000000e-01, v56;
	v28 =	vadd.f32 $1.000000000e+00, v60;
	v60 =	vld.idx.msk [tilespmem:v61+s23+$0x0], $0xffff  }
0x21e: {  	v12 =	vmul.f32 $5.000000000e-01, v12;
	v61 =	vld.idx.msk [tilespmem:v62+s23+$0x0], $0xffff;
	v14 =	vadd.f32 $9.999996420e-01, v14;
	v57 =	vand.u32 $0x7FFFFF, v51  }
0x21f: {  	(erf) = vrcp.f32 v56;
	v53 =	vadd.f32 v53, v25;
	v57 =	vor.u32 $0x3F800000, v57  }
0x220: {  	v14 =	vmul.f32 v14, v32;
	v32 =	vcvt.s32.f32 v33;
	v62 =	vadd.f32 $-1.000000000e+00, v57  }
0x221: {  	v54 =	vadd.f32 v54, v26;
	(erf) = vrcp.f32 v53;
	v53 =	vmul.f32 v35, v34  }
0x222: {  	v35 =	vld [tilespmem:s22+$0xFFFFFFE0];
	v14 =	vadd.f32 $2.413903740e-09, v14;
	v32 =	vmul.f32 $6.931471820e-01, v32;
	v63 =	vmul.f32 $0.0e+00, v62  }
0x223: {  	v33 =	vmul.f32 $1.080500010e+00, v58;
	v11 =	vadd.f32 v59, v11;
	v60 =	vadd.f32 v61, v60  }
0x224: {  	(erf) = vrcp.f32 v12;
	v14 =	vadd.f32 v14, v32;
	v61 =	vadd.f32 $-2.288060500e-03, v63  }
0x225: {  	v42 =	vmul.f32 v43, v37;
	(erf) = vrcp.f32 v54;
	v33 =	vadd.f32 v33, v28  }
0x226: {  	v11 =	vmul.f32 $5.000000000e-01, v11;
	v14 =	vmax.f32 v14, $-1.800000000e+01;
	v12 =	vmul.f32 v61, v62  }
0x227: {  	v44 =	vmul.f32 v55, v35;
	v32 =	vmul.f32 $5.000000000e-01, v60;
	v14 =	vmin.f32 v14, $1.800000000e+01  }
0x228: {  	(erf) = vrcp.f32 v11;
	v11 =	vmul.f32 $9.182999730e-01, v14;
	v12 =	vadd.f32 $1.514537260e-02, v12  }
0x229: {  	v63 =	vld [tilespmem:s22+$0xFFFFFFD0];
	(erf) = vrcp.f32 v33;
	v14 =	vmul.f32 $-3.660800220e+00, v14  }
0x22a: {  	v11 =	vmul.f32 $1.442695020e+00, v11;
	v12 =	vmul.f32 v12, v62  }
0x22b: {  	(erf) = vrcp.f32 v32;
	v14 =	vmul.f32 $1.442695020e+00, v14  }
0x22c: {  	v37 =	vmul.f32 v47, v40;
	v55 =	vand.u32 $0x7FFFFF, v44;
	(erf) = vpow2.f32 v11  }
0x22d: {  	v36 =	vld [tilespmem:s22+$0xFFFFFFF0];
	v44 =	vshra.s32 v44, $0x17;
	v11 =	vadd.f32 $-4.713346440e-02, v12;
	(erf) = vpow2.f32 v14  }
0x22e: {  	v40 =	vmul.f32 v45, v41;
	v57 =	vld [tilespmem:s22+$0x0];
	v44 =	vadd.s32 $0xFFFFFF81, v44;
	v43 =	vmul.f32 v13, v63;
	v12 =	vpop (erf)  }
0x22f: {  	v44 =	vcvt.s32.f32 v44;
	v11 =	vmul.f32 v11, v62;
	v32 =	vpop (erf)  }
0x230: {  	v49 =	vmul.f32 $1.080500010e+00, v49;
	v59 =	vand.u32 $0x7FFFFF, v43;
	v43 =	vshra.s32 v43, $0x17;
	v14 =	vpop (erf)  }
0x231: {  	v44 =	vmul.f32 $6.931471820e-01, v44;
	v43 =	vadd.s32 $0xFFFFFF81, v43;
	v11 =	vadd.f32 $9.470379350e-02, v11;
	v33 =	vpop (erf)  }
0x232: {  	v35 =	vor.u32 $0x3F800000, v59;
	v43 =	vcvt.s32.f32 v43;
	v46 =	vmul.f32 v12, v36;
	v56 =	vpop (erf)  }
0x233: {  	v36 =	vor.u32 $0x3F800000, v55;
	v47 =	vmul.f32 v14, v57;
	v11 =	vmul.f32 v11, v62;
	v34 =	vpop (erf)  }
0x234: {  	v43 =	vmul.f32 $6.931471820e-01, v43;
	v36 =	vadd.f32 $-1.000000000e+00, v36;
	v55 =	vand.u32 $0x7FFFFF, v46;
	v58 =	vpop (erf)  }
0x235: {  	v46 =	vshra.s32 v46, $0x17;
	v57 =	vand.u32 $0x7FFFFF, v47;
	v11 =	vadd.f32 $-1.451764550e-01, v11;
	v60 =	vpop (erf)  }
0x236: {  	v46 =	vadd.s32 $0xFFFFFF81, v46;
	v47 =	vshra.s32 v47, $0x17;
	v41 =	vor.u32 $0x3F800000, v57;
	v61 =	vpop (erf)  }
0x237: {  	v11 =	vmul.f32 v11, v62;
	v63 =	vmul.f32 $1.080500010e+00, v60;
	v60 =	vld [tilespmem:s22+$0x10];
	v13 =	vadd.f32 $1.000000000e+00, v61  }
0x238: {  	v46 =	vcvt.s32.f32 v46;
	v47 =	vadd.s32 $0xFFFFFF81, v47;
	v57 =	vadd.f32 $-1.000000000e+00, v41  }
0x239: {  	v41 =	vmul.f32 $0.0e+00, v36;
	v11 =	vadd.f32 $1.933763770e-01, v11;
	v61 =	vadd.f32 v63, v13;
	v63 =	vld [tilespmem:s22+$0x20]  }
0x23a: {  	v35 =	vadd.f32 $-1.000000000e+00, v35;
	v47 =	vcvt.s32.f32 v47;
	v46 =	vmul.f32 $6.931471820e-01, v46  }
0x23b: {  	v11 =	vmul.f32 v11, v62;
	(erf) = vrcp.f32 v61  }
0x23c: {  	v14 =	vor.u32 $0x3F800000, v55;
	v45 =	vmul.f32 v56, v60;
	v60 =	vmul.f32 $0.0e+00, v35  }
0x23d: {  	v47 =	vmul.f32 $6.931471820e-01, v47;
	v56 =	vadd.f32 $-1.000000000e+00, v14;
	v11 =	vadd.f32 $-2.486582100e-01, v11  }
0x23e: {  	v59 =	vand.u32 $0x7FFFFF, v45;
	v12 =	vadd.f32 $-2.288060500e-03, v60;
	v54 =	vmul.f32 v58, v63  }
0x23f: {  	v60 =	vmul.f32 $0.0e+00, v57;
	v45 =	vshra.s32 v45, $0x17;
	v11 =	vmul.f32 v11, v62  }
0x240: {  	v14 =	vor.u32 $0x3F800000, v59;
	v12 =	vmul.f32 v12, v35;
	v61 =	vand.u32 $0x7FFFFF, v54  }
0x241: {  	v58 =	vadd.f32 $-1.000000000e+00, v14;
	v11 =	vadd.f32 $3.331669270e-01, v11;
	v14 =	vor.u32 $0x3F800000, v61  }
0x242: {  	v59 =	vmul.f32 $0.0e+00, v56;
	v45 =	vadd.s32 $0xFFFFFF81, v45;
	v12 =	vadd.f32 $1.514537260e-02, v12  }
0x243: {  	v45 =	vcvt.s32.f32 v45;
	v11 =	vmul.f32 v11, v62  }
0x244: {  	v61 =	vadd.f32 $-2.288060500e-03, v41;
	v55 =	vadd.f32 $-1.000000000e+00, v14;
	v12 =	vmul.f32 v12, v35;
	v14 =	vpop (erf)  }
0x245: {  	v11 =	vadd.f32 $-4.999887650e-01, v11;
	v41 =	vmul.f32 v14, v13;
	v13 =	vmul.f32 $0.0e+00, v58  }
0x246: {  	v14 =	vadd.f32 $-2.288060500e-03, v59;
	v59 =	vadd.f32 $-2.288060500e-03, v60;
	v60 =	vmul.f32 v61, v36  }
0x247: {  	v12 =	vadd.f32 $-4.713346440e-02, v12;
	v61 =	vmul.f32 $0.0e+00, v55;
	v11 =	vmul.f32 v11, v62  }
0x248: {  	v13 =	vadd.f32 $-2.288060500e-03, v13;
	v14 =	vmul.f32 v14, v56;
	v59 =	vmul.f32 v59, v57  }
0x249: {  	v60 =	vadd.f32 $1.514537260e-02, v60;
	v12 =	vmul.f32 v12, v35;
	v61 =	vadd.f32 $-2.288060500e-03, v61  }
0x24a: {  	v11 =	vadd.f32 $9.999996420e-01, v11;
	v13 =	vmul.f32 v13, v58;
	v14 =	vadd.f32 $1.514537260e-02, v14  }
0x24b: {  	v59 =	vadd.f32 $1.514537260e-02, v59;
	v60 =	vmul.f32 v60, v36;
	v12 =	vadd.f32 $9.470379350e-02, v12  }
0x24c: {  	v61 =	vmul.f32 v61, v55;
	v11 =	vmul.f32 v11, v62;
	v13 =	vadd.f32 $1.514537260e-02, v13  }
0x24d: {  	v14 =	vmul.f32 v14, v56;
	v59 =	vmul.f32 v59, v57;
	v60 =	vadd.f32 $-4.713346440e-02, v60  }
0x24e: {  	v12 =	vmul.f32 v12, v35;
	v61 =	vadd.f32 $1.514537260e-02, v61;
	v11 =	vadd.f32 $2.413903740e-09, v11  }
0x24f: {  	v13 =	vmul.f32 v13, v58;
	v14 =	vadd.f32 $-4.713346440e-02, v14;
	v59 =	vadd.f32 $-4.713346440e-02, v59  }
0x250: {  	v60 =	vmul.f32 v60, v36;
	v12 =	vadd.f32 $-1.451764550e-01, v12;
	v61 =	vmul.f32 v61, v55  }
0x251: {  	v13 =	vadd.f32 $-4.713346440e-02, v13;
	v14 =	vmul.f32 v14, v56;
	v59 =	vmul.f32 v59, v57  }
0x252: {  	v60 =	vadd.f32 $9.470379350e-02, v60;
	v12 =	vmul.f32 v12, v35;
	v61 =	vadd.f32 $-4.713346440e-02, v61  }
0x253: {  	v13 =	vmul.f32 v13, v58;
	v14 =	vadd.f32 $9.470379350e-02, v14;
	v59 =	vadd.f32 $9.470379350e-02, v59  }
0x254: {  	v60 =	vmul.f32 v60, v36;
	v12 =	vadd.f32 $1.933763770e-01, v12;
	v61 =	vmul.f32 v61, v55  }
0x255: {  	v13 =	vadd.f32 $9.470379350e-02, v13;
	v14 =	vmul.f32 v14, v56;
	v59 =	vmul.f32 v59, v57  }
0x256: {  	v60 =	vadd.f32 $-1.451764550e-01, v60;
	v12 =	vmul.f32 v12, v35;
	v61 =	vadd.f32 $9.470379350e-02, v61  }
0x257: {  	v13 =	vmul.f32 v13, v58;
	v14 =	vadd.f32 $-1.451764550e-01, v14;
	v59 =	vadd.f32 $-1.451764550e-01, v59  }
0x258: {  	v60 =	vmul.f32 v60, v36;
	v12 =	vadd.f32 $-2.486582100e-01, v12;
	v61 =	vmul.f32 v61, v55  }
0x259: {  	v13 =	vadd.f32 $-1.451764550e-01, v13;
	v14 =	vmul.f32 v14, v56;
	v59 =	vmul.f32 v59, v57  }
0x25a: {  	v60 =	vadd.f32 $1.933763770e-01, v60;
	v12 =	vmul.f32 v12, v35;
	v61 =	vadd.f32 $-1.451764550e-01, v61  }
0x25b: {  	v13 =	vmul.f32 v13, v58;
	v14 =	vadd.f32 $1.933763770e-01, v14;
	v59 =	vadd.f32 $1.933763770e-01, v59  }
0x25c: {  	v60 =	vmul.f32 v60, v36;
	v12 =	vadd.f32 $3.331669270e-01, v12;
	v61 =	vmul.f32 v61, v55  }
0x25d: {  	v13 =	vadd.f32 $1.933763770e-01, v13;
	v14 =	vmul.f32 v14, v56;
	v59 =	vmul.f32 v59, v57  }
0x25e: {  	v60 =	vadd.f32 $-2.486582100e-01, v60;
	v12 =	vmul.f32 v12, v35;
	v61 =	vadd.f32 $1.933763770e-01, v61  }
0x25f: {  	v13 =	vmul.f32 v13, v58;
	v14 =	vadd.f32 $-2.486582100e-01, v14;
	v59 =	vadd.f32 $-2.486582100e-01, v59  }
0x260: {  	v60 =	vmul.f32 v60, v36;
	v12 =	vadd.f32 $-4.999887650e-01, v12;
	v61 =	vmul.f32 v61, v55  }
0x261: {  	v13 =	vadd.f32 $-2.486582100e-01, v13;
	v14 =	vmul.f32 v14, v56;
	v59 =	vmul.f32 v59, v57  }
0x262: {  	v60 =	vadd.f32 $3.331669270e-01, v60;
	v12 =	vmul.f32 v12, v35;
	v61 =	vadd.f32 $-2.486582100e-01, v61  }
0x263: {  	v13 =	vmul.f32 v13, v58;
	v14 =	vadd.f32 $3.331669270e-01, v14;
	v59 =	vadd.f32 $3.331669270e-01, v59  }
0x264: {  	v60 =	vmul.f32 v60, v36;
	v12 =	vadd.f32 $9.999996420e-01, v12;
	v61 =	vmul.f32 v61, v55  }
0x265: {  	v13 =	vadd.f32 $3.331669270e-01, v13;
	v14 =	vmul.f32 v14, v56;
	v59 =	vmul.f32 v59, v57  }
0x266: {  	v60 =	vadd.f32 $-4.999887650e-01, v60;
	v12 =	vmul.f32 v12, v35;
	v35 =	vadd.f32 $1.000000000e+00, v50  }
0x267: {  	v50 =	vadd.f32 $3.331669270e-01, v61;
	v13 =	vmul.f32 v13, v58;
	v14 =	vadd.f32 $-4.999887650e-01, v14  }
0x268: {  	v61 =	vshra.s32 v54, $0x17;
	v59 =	vadd.f32 $-4.999887650e-01, v59;
	v60 =	vmul.f32 v60, v36  }
0x269: {  	v12 =	vadd.f32 $2.413903740e-09, v12;
	v13 =	vadd.f32 $-4.999887650e-01, v13;
	v14 =	vmul.f32 v14, v56  }
0x26a: {  	v50 =	vmul.f32 v50, v55;
	v59 =	vmul.f32 v59, v57;
	v60 =	vadd.f32 $9.999996420e-01, v60  }
0x26b: {  	v12 =	vadd.f32 v12, v43;
	v13 =	vmul.f32 v13, v58;
	v14 =	vadd.f32 $9.999996420e-01, v14  }
0x26c: {  	v60 =	vmul.f32 v60, v36;
	v62 =	vadd.f32 $9.999996420e-01, v59;
	v36 =	vadd.f32 v49, v35  }
0x26d: {  	v59 =	vshra.s32 v51, $0x17;
	v51 =	vadd.s32 $0xFFFFFF81, v61;
	v12 =	vmax.f32 v12, $-1.800000000e+01  }
0x26e: {  	v51 =	vcvt.s32.f32 v51;
	v12 =	vmin.f32 v12, $1.800000000e+01;
	v13 =	vadd.f32 $9.999996420e-01, v13  }
0x26f: {  	v14 =	vmul.f32 v14, v56;
	v63 =	vmul.f32 v62, v57;
	v62 =	vadd.f32 $2.413903740e-09, v60  }
0x270: {  	v43 =	vmul.f32 $-3.660800220e+00, v12;
	v13 =	vmul.f32 v13, v58;
	v58 =	vadd.f32 $-4.999887650e-01, v50  }
0x271: {  	v56 =	vmul.f32 $6.931471820e-01, v51;
	v50 =	vadd.s32 $0xFFFFFF81, v59;
	v14 =	vadd.f32 $2.413903740e-09, v14  }
0x272: {  	v63 =	vadd.f32 $2.413903740e-09, v63;
	v44 =	vadd.f32 v62, v44;
	v49 =	vmul.f32 v58, v55  }
0x273: {  	v50 =	vcvt.s32.f32 v50;
	v13 =	vadd.f32 $2.413903740e-09, v13;
	v14 =	vadd.f32 v14, v46  }
0x274: {  	s7 =	simm.s32 $0x1E330;
	v57 =	vadd.f32 v63, v47;
	v58 =	vmax.f32 v44, $-1.800000000e+01;
	v49 =	vadd.f32 $9.999996420e-01, v49  }
0x275: {  	[tilespmem:s7+$0xFFFFFFE0] =	vst v38;
	v46 =	vmul.f32 $9.182999730e-01, v12;
	v50 =	vmul.f32 $6.931471820e-01, v50;
	v61 =	vmin.f32 v58, $1.800000000e+01  }
0x276: {  	s4 =	simm.s32 $0x1E3B0;
	[tilespmem:s7+$0xFFFFFFF0] =	vst v39;
	v14 =	vmax.f32 v14, $-1.800000000e+01;
	v60 =	vmax.f32 v57, $-1.800000000e+01;
	v49 =	vmul.f32 v49, v55  }
0x277: {  	s28 =	simm.s32 $0x1E430;
	[tilespmem:s4+$0x30] =	vst v52;
	v44 =	vmul.f32 $9.182999730e-01, v61;
	v11 =	vadd.f32 v11, v50;
	v50 =	vmul.f32 $6.931471820e-01, v45  }
0x278: {  	[tilespmem:s7+$0xFFFFFFC0] =	vst v48;
	v39 =	vmul.f32 $-3.660800220e+00, v61;
	v63 =	vmin.f32 v60, $1.800000000e+01;
	v49 =	vadd.f32 $2.413903740e-09, v49  }
0x279: {  	[tilespmem:s28+$0x30] =	vst v41;
	v41 =	vmul.f32 $9.182999730e-01, v63;
	v11 =	vmax.f32 v11, $-1.800000000e+01;
	v13 =	vadd.f32 v13, v50  }
0x27a: {  	[tilespmem:s7+$0x0] =	vst v37;
	v37 =	vmul.f32 $-3.660800220e+00, v63;
	v11 =	vmin.f32 v11, $1.800000000e+01;
	v59 =	vadd.f32 v49, v56  }
0x27b: {  	[tilespmem:s7+$0xFFFFFFD0] =	vst v42;
	v13 =	vmax.f32 v13, $-1.800000000e+01;
	v45 =	vmul.f32 $9.182999730e-01, v11;
	v42 =	vmul.f32 $-3.660800220e+00, v11  }
0x27c: {  	s30 =	simm.s32 $0x1B4B0;
	[tilespmem:s7+$0x10] =	vst v40;
	v11 =	vmin.f32 v14, $1.800000000e+01;
	v47 =	vmin.f32 v13, $1.800000000e+01;
	v62 =	vmax.f32 v59, $-1.800000000e+01  }
0x27d: {  	s29 =	simm.s32 $0x10;
	s3 =	sadd.s32 s6, s13;
	[tilespmem:s7+$0x30] =	vst v53;
	v40 =	vmul.f32 $9.182999730e-01, v11;
	v38 =	vmul.f32 $-3.660800220e+00, v11;
	v48 =	vmin.f32 v62, $1.800000000e+01  }
.LBB2_9:
0x27e: {  	v11 =	vld [tilespmem:s30+$0x30];
	v12 =	vmul.f32 $9.182999730e-01, v47;
	v13 =	vmul.f32 $-3.660800220e+00, v47;
	s16 =	sadd.s32 $0x80, s16  }
0x27f: {  	v47 =	vmul.f32 $9.182999730e-01, v48;
	v48 =	vmul.f32 $-3.660800220e+00, v48;
	v14 =	vld [tilespmem:s16+$0x30]  }
0x280: {  	s29 =	sadd.s32 $0x8, s29;
	v45 =	vmul.f32 $1.442695020e+00, v45;
	v42 =	vmul.f32 $1.442695020e+00, v42;
	v49 =	vld [tilespmem:s16+$0xFFFFFFC0]  }
0x281: {  	v46 =	vmul.f32 $1.442695020e+00, v46;
	v43 =	vmul.f32 $1.442695020e+00, v43;
	p1 =	slt.u32 s29, $0x70;
	v50 =	vld [tilespmem:s30+$0xFFFFFFD0]  }
0x282: {  	v44 =	vmul.f32 $1.442695020e+00, v44;
	v39 =	vmul.f32 $1.442695020e+00, v39;
	v51 =	vld [tilespmem:s16+$0xFFFFFFD0]  }
0x283: {  	v40 =	vmul.f32 $1.442695020e+00, v40;
	v38 =	vmul.f32 $1.442695020e+00, v38;
	v52 =	vld [tilespmem:s30+$0xFFFFFFE0]  }
0x284: {  	v41 =	vmul.f32 $1.442695020e+00, v41;
	v37 =	vmul.f32 $1.442695020e+00, v37;
	v53 =	vld [tilespmem:s16+$0xFFFFFFE0]  }
0x285: {  	v12 =	vmul.f32 $1.442695020e+00, v12;
	v13 =	vmul.f32 $1.442695020e+00, v13;
	v54 =	vld [tilespmem:s30+$0xFFFFFFF0]  }
0x286: {  	v47 =	vmul.f32 $1.442695020e+00, v47;
	v48 =	vmul.f32 $1.442695020e+00, v48;
	v11 =	vld.idx.msk [tilespmem:v11+s23+$0x0], $0xffff  }
0x287: {  	v23 =	vmul.f32 v31, v23;
	v14 =	vld.idx.msk [tilespmem:v14+s23+$0x0], $0xffff;
	(erf) = vpow2.f32 v45  }
0x288: {  	v22 =	vmul.f32 v29, v22;
	v31 =	vld [tilespmem:s16+$0xFFFFFFF0];
	(erf) = vpow2.f32 v42  }
0x289: {  	v29 =	vld [tilespmem:s30+$0x0];
	(erf) = vpow2.f32 v46;
	[tilespmem:s4+$0xFFFFFFC0] =	vst v23;
	v23 =	vmul.f32 v30, v24  }
0x28a: {  	v30 =	vld [tilespmem:s16+$0x0];
	(erf) = vpow2.f32 v43;
	[tilespmem:s4+$0xFFFFFFD0] =	vst v22;
	v22 =	vmul.f32 v32, v25  }
0x28b: {  	v32 =	vld [tilespmem:s30+$0x10];
	(erf) = vpow2.f32 v44;
	[tilespmem:s4+$0xFFFFFFE0] =	vst v23;
	v23 =	vmul.f32 v33, v26  }
0x28c: {  	v33 =	vld [tilespmem:s16+$0x10];
	(erf) = vpow2.f32 v39;
	[tilespmem:s4+$0xFFFFFFF0] =	vst v22;
	v22 =	vmul.f32 v34, v28  }
0x28d: {  	v11 =	vadd.f32 v14, v11;
	v14 =	vmul.f32 v27, v21;
	v21 =	vmovc v35;
	v28 =	vld [tilespmem:s30+$0x20];
	(erf) = vpow2.f32 v40;
	[tilespmem:s4+$0x0] =	vst v23  }
0x28e: {  	v27 =	vld [tilespmem:s16+$0x20];
	(erf) = vpow2.f32 v38;
	[tilespmem:s4+$0x10] =	vst v22  }
0x28f: {  	v11 =	vmul.f32 $5.000000000e-01, v11;
	v25 =	vld [tilespmem:s30+$0xFFFFFFC0];
	(erf) = vpow2.f32 v41;
	[tilespmem:s7+$0x20] =	vst v14;
	s7 =	smov.u32 s4;
	s4 =	smov.u32 s28  }
0x290: {  	v14 =	vld.idx.msk [tilespmem:v49+s23+$0x0], $0xffff;
	v22 =	vpop (erf);
	(erf) = vpow2.f32 v37  }
0x291: {  	v26 =	vld.idx.msk [tilespmem:v50+s23+$0x0], $0xffff;
	(erf) = vrcp.f32 v11;
	v11 =	vmul.f32 $1.080500010e+00, v22;
	v22 =	vpop (erf)  }
0x292: {  	v34 =	vld.idx.msk [tilespmem:v51+s23+$0x0], $0xffff;
	v23 =	vadd.f32 $1.000000000e+00, v22;
	v22 =	vpop (erf);
	(erf) = vpow2.f32 v12  }
0x293: {  	v12 =	vld.idx.msk [tilespmem:v52+s23+$0x0], $0xffff;
	v24 =	vmul.f32 $1.080500010e+00, v22;
	v22 =	vpop (erf);
	(erf) = vpow2.f32 v13  }
0x294: {  	v13 =	vld.idx.msk [tilespmem:v53+s23+$0x0], $0xffff;
	v15 =	vadd.f32 v11, v23;
	v22 =	vadd.f32 $1.000000000e+00, v22;
	v35 =	vpop (erf);
	(erf) = vpow2.f32 v47  }
0x295: {  	s22 =	sadd.s32 $0x80, s22;
	v37 =	vld.idx.msk [tilespmem:v54+s23+$0x0], $0xffff;
	v35 =	vmul.f32 $1.080500010e+00, v35;
	v38 =	vpop (erf);
	(erf) = vpow2.f32 v48  }
0x296: {  	v39 =	vld [tilespmem:s22+$0x30];
	v40 =	vadd.f32 v24, v22;
	v24 =	vadd.f32 $1.000000000e+00, v38;
	(erf) = vrcp.f32 v15;
	v11 =	vpop (erf)  }
0x297: {  	v38 =	vld.idx.msk [tilespmem:v25+s23+$0x0], $0xffff;
	v11 =	vmul.f32 $1.080500010e+00, v11;
	v25 =	vpop (erf);
	(erf) = vrcp.f32 v36  }
0x298: {  	v26 =	vadd.f32 v34, v26;
	v31 =	vld.idx.msk [tilespmem:v31+s23+$0x0], $0xffff;
	v25 =	vadd.f32 $1.000000000e+00, v25;
	(erf) = vrcp.f32 v40;
	v34 =	vpop (erf)  }
0x299: {  	v15 =	vadd.f32 v35, v24;
	v29 =	vld.idx.msk [tilespmem:v29+s23+$0x0], $0xffff;
	v34 =	vmul.f32 $1.080500010e+00, v34;
	v36 =	vpop (erf)  }
0x29a: {  	v40 =	vmul.f32 $5.000000000e-01, v26;
	v12 =	vadd.f32 v13, v12;
	v13 =	vld.idx.msk [tilespmem:v30+s23+$0x0], $0xffff;
	v30 =	vpop (erf);
	v26 =	vadd.f32 $1.000000000e+00, v36  }
0x29b: {  	v11 =	vadd.f32 v11, v25;
	v32 =	vld.idx.msk [tilespmem:v32+s23+$0x0], $0xffff;
	v50 =	vmul.f32 v30, v39;
	(erf) = vrcp.f32 v15;
	v30 =	vpop (erf)  }
0x29c: {  	v15 =	vmul.f32 $5.000000000e-01, v12;
	v33 =	vld.idx.msk [tilespmem:v33+s23+$0x0], $0xffff;
	(erf) = vrcp.f32 v40;
	v34 =	vadd.f32 v34, v26;
	v35 =	vpop (erf)  }
0x29d: {  	v14 =	vadd.f32 v14, v38;
	v36 =	vld.idx.msk [tilespmem:v28+s23+$0x0], $0xffff;
	v38 =	vand.u32 $0x7FFFFF, v50;
	v28 =	vadd.f32 $1.000000000e+00, v35;
	v39 =	vpop (erf)  }
0x29e: {  	v35 =	vadd.f32 v31, v37;
	v37 =	vld.idx.msk [tilespmem:v27+s23+$0x0], $0xffff;
	v42 =	vor.u32 $0x3F800000, v38;
	(erf) = vrcp.f32 v15;
	v12 =	vpop (erf)  }
0x29f: {  	v30 =	vmul.f32 $1.080500010e+00, v30;
	v14 =	vmul.f32 $5.000000000e-01, v14;
	v38 =	vld [tilespmem:s22+$0xFFFFFFC0];
	v51 =	vadd.f32 $-1.000000000e+00, v42;
	v31 =	vpop (erf)  }
0x2a0: {  	v41 =	vmul.f32 $5.000000000e-01, v35;
	v13 =	vadd.f32 v13, v29;
	v35 =	vadd.f32 $1.000000000e+00, v12;
	v40 =	vld [tilespmem:s22+$0xFFFFFFD0];
	v27 =	vpop (erf)  }
0x2a1: {  	v12 =	vld [tilespmem:s22+$0xFFFFFFE0];
	v42 =	vmul.f32 $0.0e+00, v51;
	(erf) = vrcp.f32 v14;
	v14 =	vadd.f32 v30, v28;
	v29 =	vpop (erf)  }
0x2a2: {  	v13 =	vmul.f32 $5.000000000e-01, v13;
	v15 =	vadd.f32 v33, v32;
	v43 =	vld [tilespmem:s22+$0xFFFFFFF0];
	(erf) = vrcp.f32 v41  }
0x2a3: {  	v39 =	vmul.f32 $1.080500010e+00, v39;
	v33 =	vld [tilespmem:s22+$0x0];
	v32 =	vadd.f32 $-2.288060500e-03, v42;
	(erf) = vrcp.f32 v11  }
0x2a4: {  	v11 =	vmul.f32 $5.000000000e-01, v15;
	v15 =	vadd.f32 v37, v36;
	v44 =	vld [tilespmem:s22+$0x10];
	(erf) = vrcp.f32 v13;
	v30 =	vpop (erf)  }
0x2a5: {  	v36 =	vadd.f32 v39, v35;
	v13 =	vld [tilespmem:s22+$0x20];
	v32 =	vmul.f32 v32, v51;
	v41 =	vpop (erf);
	(erf) = vrcp.f32 v34  }
0x2a6: {  	v50 =	vshra.s32 v50, $0x17;
	v34 =	vmul.f32 $5.000000000e-01, v15;
	(erf) = vrcp.f32 v11  }
0x2a7: {  	v11 =	vmul.f32 v41, v40;
	v15 =	vadd.f32 $1.514537260e-02, v32;
	v37 =	vpop (erf);
	(erf) = vrcp.f32 v14  }
0x2a8: {  	v50 =	vadd.s32 $0xFFFFFF81, v50;
	v12 =	vmul.f32 v37, v12;
	(erf) = vrcp.f32 v34  }
0x2a9: {  	v37 =	vshra.s32 v11, $0x17;
	v11 =	vand.u32 $0x7FFFFF, v11;
	v14 =	vmul.f32 v15, v51  }
0x2aa: {  	v11 =	vor.u32 $0x3F800000, v11;
	v40 =	vshra.s32 v12, $0x17;
	v12 =	vand.u32 $0x7FFFFF, v12;
	v32 =	vpop (erf)  }
0x2ab: {  	v15 =	vmul.f32 v32, v38;
	v12 =	vor.u32 $0x3F800000, v12;
	v14 =	vadd.f32 $-4.713346440e-02, v14;
	v32 =	vpop (erf)  }
0x2ac: {  	v39 =	vadd.f32 $-1.000000000e+00, v11;
	v38 =	vadd.f32 $-1.000000000e+00, v12;
	v11 =	vmul.f32 v32, v43;
	v32 =	vpop (erf)  }
0x2ad: {  	v43 =	vshra.s32 v15, $0x17;
	v12 =	vand.u32 $0x7FFFFF, v15;
	v14 =	vmul.f32 v14, v51;
	v34 =	vpop (erf)  }
0x2ae: {  	v12 =	vor.u32 $0x3F800000, v12;
	v42 =	vand.u32 $0x7FFFFF, v11;
	v52 =	vmul.f32 v34, v33;
	v33 =	vpop (erf)  }
0x2af: {  	v41 =	vadd.f32 $-1.000000000e+00, v12;
	v12 =	vor.u32 $0x3F800000, v42;
	v14 =	vadd.f32 $9.470379350e-02, v14;
	v34 =	vpop (erf)  }
0x2b0: {  	v42 =	vadd.f32 $-1.000000000e+00, v12;
	v12 =	vand.u32 $0x7FFFFF, v52;
	v47 =	vmul.f32 v34, v44;
	v34 =	vpop (erf)  }
0x2b1: {  	v49 =	vmul.f32 $0.0e+00, v41;
	v12 =	vor.u32 $0x3F800000, v12;
	v14 =	vmul.f32 v14, v51;
	v45 =	vpop (erf)  }
0x2b2: {  	v44 =	vadd.f32 $-1.000000000e+00, v12;
	v12 =	vand.u32 $0x7FFFFF, v47;
	v48 =	vmul.f32 v45, v13  }
0x2b3: {  	v13 =	vmul.f32 $0.0e+00, v39;
	v12 =	vor.u32 $0x3F800000, v12;
	v14 =	vadd.f32 $-1.451764550e-01, v14  }
0x2b4: {  	v53 =	vmul.f32 $0.0e+00, v38;
	v45 =	vadd.f32 $-1.000000000e+00, v12;
	v12 =	vand.u32 $0x7FFFFF, v48  }
0x2b5: {  	v54 =	vmul.f32 $0.0e+00, v42;
	v12 =	vor.u32 $0x3F800000, v12;
	v14 =	vmul.f32 v14, v51  }
0x2b6: {  	v55 =	vmul.f32 $0.0e+00, v44;
	v56 =	vmul.f32 $0.0e+00, v45;
	v46 =	vadd.f32 $-1.000000000e+00, v12  }
0x2b7: {  	v12 =	vadd.f32 $-2.288060500e-03, v49;
	v49 =	vshra.s32 v11, $0x17;
	v11 =	vadd.f32 $1.933763770e-01, v14  }
0x2b8: {  	v13 =	vadd.f32 $-2.288060500e-03, v13;
	v14 =	vadd.f32 $-2.288060500e-03, v53;
	v53 =	vmul.f32 $0.0e+00, v46  }
0x2b9: {  	v54 =	vadd.f32 $-2.288060500e-03, v54;
	v55 =	vadd.f32 $-2.288060500e-03, v55;
	v11 =	vmul.f32 v11, v51  }
0x2ba: {  	v12 =	vmul.f32 v12, v41;
	v56 =	vadd.f32 $-2.288060500e-03, v56;
	v53 =	vadd.f32 $-2.288060500e-03, v53  }
0x2bb: {  	v13 =	vmul.f32 v13, v39;
	v14 =	vmul.f32 v14, v38;
	v11 =	vadd.f32 $-2.486582100e-01, v11  }
0x2bc: {  	v54 =	vmul.f32 v54, v42;
	v55 =	vmul.f32 v55, v44;
	v12 =	vadd.f32 $1.514537260e-02, v12  }
0x2bd: {  	v13 =	vadd.f32 $1.514537260e-02, v13;
	v56 =	vmul.f32 v56, v45;
	v11 =	vmul.f32 v11, v51  }
0x2be: {  	v54 =	vadd.f32 $1.514537260e-02, v54;
	v14 =	vadd.f32 $1.514537260e-02, v14;
	v53 =	vmul.f32 v53, v46  }
0x2bf: {  	v55 =	vadd.f32 $1.514537260e-02, v55;
	v12 =	vmul.f32 v12, v41;
	v11 =	vadd.f32 $3.331669270e-01, v11  }
0x2c0: {  	v13 =	vmul.f32 v13, v39;
	v56 =	vadd.f32 $1.514537260e-02, v56;
	v53 =	vadd.f32 $1.514537260e-02, v53  }
0x2c1: {  	v14 =	vmul.f32 v14, v38;
	v12 =	vadd.f32 $-4.713346440e-02, v12;
	v11 =	vmul.f32 v11, v51  }
0x2c2: {  	v54 =	vmul.f32 v54, v42;
	v13 =	vadd.f32 $-4.713346440e-02, v13;
	v55 =	vmul.f32 v55, v44  }
0x2c3: {  	v56 =	vmul.f32 v56, v45;
	v53 =	vmul.f32 v53, v46;
	v11 =	vadd.f32 $-4.999887650e-01, v11  }
0x2c4: {  	v54 =	vadd.f32 $-4.713346440e-02, v54;
	v14 =	vadd.f32 $-4.713346440e-02, v14;
	v12 =	vmul.f32 v12, v41  }
0x2c5: {  	v55 =	vadd.f32 $-4.713346440e-02, v55;
	v56 =	vadd.f32 $-4.713346440e-02, v56;
	v11 =	vmul.f32 v11, v51  }
0x2c6: {  	v13 =	vmul.f32 v13, v39;
	v14 =	vmul.f32 v14, v38;
	v53 =	vadd.f32 $-4.713346440e-02, v53  }
0x2c7: {  	v50 =	vcvt.s32.f32 v50;
	v54 =	vmul.f32 v54, v42;
	v11 =	vadd.f32 $9.999996420e-01, v11  }
0x2c8: {  	v55 =	vmul.f32 v55, v44;
	v56 =	vmul.f32 v56, v45  }
0x2c9: {  	v50 =	vmul.f32 $6.931471820e-01, v50;
	v12 =	vadd.f32 $9.470379350e-02, v12;
	v11 =	vmul.f32 v11, v51  }
0x2ca: {  	v13 =	vadd.f32 $9.470379350e-02, v13;
	v14 =	vadd.f32 $9.470379350e-02, v14;
	v51 =	vmul.f32 v53, v46  }
0x2cb: {  	v37 =	vadd.s32 $0xFFFFFF81, v37;
	v53 =	vadd.f32 $9.470379350e-02, v54;
	v11 =	vadd.f32 $2.413903740e-09, v11  }
0x2cc: {  	v12 =	vmul.f32 v12, v41;
	v54 =	vadd.f32 $9.470379350e-02, v55;
	v55 =	vadd.f32 $9.470379350e-02, v56  }
0x2cd: {  	v13 =	vmul.f32 v13, v39;
	v51 =	vadd.f32 $9.470379350e-02, v51;
	v11 =	vadd.f32 v11, v50  }
0x2ce: {  	v14 =	vmul.f32 v14, v38;
	v12 =	vadd.f32 $-1.451764550e-01, v12;
	v50 =	vmul.f32 v53, v42  }
0x2cf: {  	v53 =	vmul.f32 v54, v44;
	v54 =	vmul.f32 v55, v45;
	v11 =	vmax.f32 v11, $-1.800000000e+01  }
0x2d0: {  	v13 =	vadd.f32 $-1.451764550e-01, v13;
	v51 =	vmul.f32 v51, v46;
	v11 =	vmin.f32 v11, $1.800000000e+01  }
0x2d1: {  	v14 =	vadd.f32 $-1.451764550e-01, v14;
	v50 =	vadd.f32 $-1.451764550e-01, v50;
	v55 =	vmul.f32 $9.182999730e-01, v11  }
0x2d2: {  	v53 =	vadd.f32 $-1.451764550e-01, v53;
	v54 =	vadd.f32 $-1.451764550e-01, v54;
	v11 =	vmul.f32 $-3.660800220e+00, v11  }
0x2d3: {  	v12 =	vmul.f32 v12, v41;
	v51 =	vadd.f32 $-1.451764550e-01, v51;
	v55 =	vmul.f32 $1.442695020e+00, v55  }
0x2d4: {  	v52 =	vshra.s32 v52, $0x17;
	v13 =	vmul.f32 v13, v39;
	v11 =	vmul.f32 $1.442695020e+00, v11  }
0x2d5: {  	v14 =	vmul.f32 v14, v38;
	v12 =	vadd.f32 $1.933763770e-01, v12;
	(erf) = vpow2.f32 v55  }
0x2d6: {  	v13 =	vadd.f32 $1.933763770e-01, v13;
	v50 =	vmul.f32 v50, v42;
	(erf) = vpow2.f32 v11  }
0x2d7: {  	v11 =	vadd.f32 $1.933763770e-01, v14;
	v14 =	vmul.f32 v53, v44;
	v53 =	vmul.f32 v54, v45  }
0x2d8: {  	v12 =	vmul.f32 v12, v41;
	v51 =	vmul.f32 v51, v46;
	v50 =	vadd.f32 $1.933763770e-01, v50  }
0x2d9: {  	v13 =	vmul.f32 v13, v39;
	v14 =	vadd.f32 $1.933763770e-01, v14;
	v53 =	vadd.f32 $1.933763770e-01, v53  }
0x2da: {  	v51 =	vadd.f32 $1.933763770e-01, v51;
	v50 =	vmul.f32 v50, v42;
	v11 =	vmul.f32 v11, v38  }
0x2db: {  	v12 =	vadd.f32 $-2.486582100e-01, v12;
	v14 =	vmul.f32 v14, v44;
	v53 =	vmul.f32 v53, v45  }
0x2dc: {  	v13 =	vadd.f32 $-2.486582100e-01, v13;
	v51 =	vmul.f32 v51, v46;
	v11 =	vadd.f32 $-2.486582100e-01, v11  }
0x2dd: {  	v12 =	vmul.f32 v12, v41;
	v50 =	vadd.f32 $-2.486582100e-01, v50;
	v14 =	vadd.f32 $-2.486582100e-01, v14  }
0x2de: {  	v13 =	vmul.f32 v13, v39;
	v51 =	vadd.f32 $-2.486582100e-01, v51;
	v53 =	vadd.f32 $-2.486582100e-01, v53;
	v54 =	vpop (erf)  }
0x2df: {  	v12 =	vadd.f32 $3.331669270e-01, v12;
	v50 =	vmul.f32 v50, v42;
	v11 =	vmul.f32 v11, v38;
	v55 =	vpop (erf)  }
0x2e0: {  	v14 =	vmul.f32 v14, v44;
	v54 =	vmul.f32 $1.080500010e+00, v54;
	v55 =	vadd.f32 $1.000000000e+00, v55  }
0x2e1: {  	v13 =	vadd.f32 $3.331669270e-01, v13;
	v51 =	vmul.f32 v51, v46;
	v53 =	vmul.f32 v53, v45  }
0x2e2: {  	v12 =	vmul.f32 v12, v41;
	v11 =	vadd.f32 $3.331669270e-01, v11;
	v54 =	vadd.f32 v54, v55  }
0x2e3: {  	v13 =	vmul.f32 v13, v39;
	v50 =	vadd.f32 $3.331669270e-01, v50;
	v14 =	vadd.f32 $3.331669270e-01, v14  }
0x2e4: {  	v51 =	vadd.f32 $3.331669270e-01, v51;
	v53 =	vadd.f32 $3.331669270e-01, v53;
	(erf) = vrcp.f32 v54  }
0x2e5: {  	v12 =	vadd.f32 $-4.999887650e-01, v12;
	v50 =	vmul.f32 v50, v42;
	v11 =	vmul.f32 v11, v38  }
0x2e6: {  	v13 =	vadd.f32 $-4.999887650e-01, v13;
	v14 =	vmul.f32 v14, v44;
	v53 =	vmul.f32 v53, v45  }
0x2e7: {  	v51 =	vmul.f32 v51, v46;
	v50 =	vadd.f32 $-4.999887650e-01, v50;
	v11 =	vadd.f32 $-4.999887650e-01, v11  }
0x2e8: {  	v12 =	vmul.f32 v12, v41;
	v14 =	vadd.f32 $-4.999887650e-01, v14;
	v53 =	vadd.f32 $-4.999887650e-01, v53  }
0x2e9: {  	v13 =	vmul.f32 v13, v39;
	v51 =	vadd.f32 $-4.999887650e-01, v51;
	v11 =	vmul.f32 v11, v38  }
0x2ea: {  	v12 =	vadd.f32 $9.999996420e-01, v12;
	v50 =	vmul.f32 v50, v42;
	v14 =	vmul.f32 v14, v44  }
0x2eb: {  	v13 =	vadd.f32 $9.999996420e-01, v13;
	v51 =	vmul.f32 v51, v46;
	v53 =	vmul.f32 v53, v45  }
0x2ec: {  	v47 =	vshra.s32 v47, $0x17;
	v50 =	vadd.f32 $9.999996420e-01, v50;
	v11 =	vadd.f32 $9.999996420e-01, v11  }
0x2ed: {  	v48 =	vshra.s32 v48, $0x17;
	v14 =	vadd.f32 $9.999996420e-01, v14;
	v53 =	vadd.f32 $9.999996420e-01, v53;
	v54 =	vpop (erf)  }
0x2ee: {  	v43 =	vadd.s32 $0xFFFFFF81, v43;
	v51 =	vadd.f32 $9.999996420e-01, v51;
	v54 =	vmul.f32 v54, v55  }
0x2ef: {  	s28 =	sadd.s32 $0x80, s28;
	v37 =	vcvt.s32.f32 v37;
	v40 =	vadd.s32 $0xFFFFFF81, v40;
	v49 =	vadd.s32 $0xFFFFFF81, v49  }
0x2f0: {  	s24 =	simm.s32 $0x0;
	v52 =	vadd.s32 $0xFFFFFF81, v52;
	v47 =	vadd.s32 $0xFFFFFF81, v47;
	v48 =	vadd.s32 $0xFFFFFF81, v48;
	[tilespmem:s28+$0x30] =	vst v54  }
0x2f1: {  	v13 =	vmul.f32 v13, v39;
	v12 =	vmul.f32 v12, v41  }
0x2f2: {  	v11 =	vmul.f32 v11, v38;
	v38 =	vmul.f32 v50, v42  }
0x2f3: {  	v12 =	vadd.f32 $2.413903740e-09, v12;
	v14 =	vmul.f32 v14, v44;
	v39 =	vmul.f32 v53, v45  }
0x2f4: {  	v41 =	vcvt.s32.f32 v43;
	v13 =	vadd.f32 $2.413903740e-09, v13;
	v42 =	vmul.f32 v51, v46  }
0x2f5: {  	v40 =	vcvt.s32.f32 v40;
	v37 =	vmul.f32 $6.931471820e-01, v37;
	v11 =	vadd.f32 $2.413903740e-09, v11  }
0x2f6: {  	v43 =	vcvt.s32.f32 v49;
	v38 =	vadd.f32 $2.413903740e-09, v38;
	v44 =	vcvt.s32.f32 v52  }
0x2f7: {  	v46 =	vcvt.s32.f32 v48;
	v45 =	vcvt.s32.f32 v47;
	v14 =	vadd.f32 $2.413903740e-09, v14  }
0x2f8: {  	v41 =	vmul.f32 $6.931471820e-01, v41;
	v42 =	vadd.f32 $2.413903740e-09, v42;
	v39 =	vadd.f32 $2.413903740e-09, v39  }
0x2f9: {  	v40 =	vmul.f32 $6.931471820e-01, v40;
	v13 =	vadd.f32 v13, v37  }
0x2fa: {  	v12 =	vadd.f32 v12, v41;
	v41 =	vmul.f32 $6.931471820e-01, v43;
	v43 =	vmul.f32 $6.931471820e-01, v44  }
0x2fb: {  	v13 =	vmax.f32 v13, $-1.800000000e+01;
	v37 =	vmul.f32 $6.931471820e-01, v45;
	v44 =	vmul.f32 $6.931471820e-01, v46  }
0x2fc: {  	v12 =	vmax.f32 v12, $-1.800000000e+01;
	v11 =	vadd.f32 v11, v40;
	v38 =	vadd.f32 v38, v41  }
0x2fd: {  	v13 =	vmin.f32 v13, $1.800000000e+01;
	v14 =	vadd.f32 v14, v43;
	v37 =	vadd.f32 v39, v37  }
0x2fe: {  	v11 =	vmax.f32 v11, $-1.800000000e+01;
	v38 =	vmax.f32 v38, $-1.800000000e+01;
	v39 =	vadd.f32 v42, v44  }
0x2ff: {  	v12 =	vmin.f32 v12, $1.800000000e+01;
	v14 =	vmax.f32 v14, $-1.800000000e+01;
	v37 =	vmax.f32 v37, $-1.800000000e+01  }
0x300: {  	v45 =	vmul.f32 $9.182999730e-01, v12;
	v11 =	vmin.f32 v11, $1.800000000e+01;
	v39 =	vmax.f32 v39, $-1.800000000e+01  }
0x301: {  	v38 =	vmin.f32 v38, $1.800000000e+01;
	v14 =	vmin.f32 v14, $1.800000000e+01;
	v47 =	vmin.f32 v37, $1.800000000e+01  }
.Ltmp5:
0x302: {  	v42 =	vmul.f32 $-3.660800220e+00, v12;
	v48 =	vmin.f32 v39, $1.800000000e+01;
	(pc) =	sbr.rel @p1 .LBB2_9-.Ltmp5, $4  }
0x303: {  	v46 =	vmul.f32 $9.182999730e-01, v13;
	v43 =	vmul.f32 $-3.660800220e+00, v13  }
0x304: {  	v44 =	vmul.f32 $9.182999730e-01, v11;
	v39 =	vmul.f32 $-3.660800220e+00, v11  }
0x305: {  	v40 =	vmul.f32 $9.182999730e-01, v38;
	v38 =	vmul.f32 $-3.660800220e+00, v38  }
0x306: {  	s30 =	sadd.s32 $0x80, s30;
	v41 =	vmul.f32 $9.182999730e-01, v14;
	v37 =	vmul.f32 $-3.660800220e+00, v14  }
0x307: {  	v11 =	vmul.f32 $9.182999730e-01, v47;
	v12 =	vmul.f32 $-3.660800220e+00, v47  }
0x308: {  	v13 =	vmul.f32 $9.182999730e-01, v48;
	v14 =	vmul.f32 $1.442695020e+00, v45  }
0x309: {  	v50 =	vmul.f32 $-3.660800220e+00, v48;
	v42 =	vmul.f32 $1.442695020e+00, v42  }
0x30a: {  	v46 =	vmul.f32 $1.442695020e+00, v46;
	(erf) = vpow2.f32 v14  }
0x30b: {  	v51 =	vmul.f32 $1.442695020e+00, v43;
	(erf) = vpow2.f32 v42  }
0x30c: {  	v52 =	vmul.f32 $1.442695020e+00, v44;
	(erf) = vpow2.f32 v46  }
0x30d: {  	v39 =	vmul.f32 $1.442695020e+00, v39;
	(erf) = vpow2.f32 v51  }
0x30e: {  	v53 =	vmul.f32 $1.442695020e+00, v40;
	(erf) = vpow2.f32 v52  }
0x30f: {  	v38 =	vmul.f32 $1.442695020e+00, v38;
	(erf) = vpow2.f32 v39  }
0x310: {  	v54 =	vmul.f32 $1.442695020e+00, v41;
	(erf) = vpow2.f32 v53  }
0x311: {  	v55 =	vmul.f32 $1.442695020e+00, v37;
	(erf) = vpow2.f32 v38  }
0x312: {  	v11 =	vmul.f32 $1.442695020e+00, v11;
	(erf) = vpow2.f32 v54  }
0x313: {  	v12 =	vmul.f32 $1.442695020e+00, v12;
	v56 =	vpop (erf);
	(erf) = vpow2.f32 v55  }
0x314: {  	v13 =	vmul.f32 $1.442695020e+00, v13;
	v57 =	vpop (erf);
	(erf) = vpow2.f32 v11  }
0x315: {  	v11 =	vmul.f32 $1.442695020e+00, v50;
	v58 =	vpop (erf);
	(erf) = vpow2.f32 v12  }
0x316: {  	v59 =	vpop (erf);
	(erf) = vpow2.f32 v13  }
0x317: {  	v14 =	vadd.f32 $1.000000000e+00, v57;
	v60 =	vpop (erf);
	(erf) = vpow2.f32 v11;
	v11 =	vmul.f32 $1.080500010e+00, v56;
	_ =	sdelay $0x1  }
0x318: {  	v61 =	vpop (erf);
	v11 =	vadd.f32 v11, v14  }
0x319: {  	v62 =	vpop (erf)  }
0x31a: {  	v23 =	vmul.f32 v31, v23;
	v63 =	vpop (erf)  }
0x31b: {  	v22 =	vmul.f32 v29, v22;
	v38 =	vmul.f32 $1.080500010e+00, v58;
	v12 =	vadd.f32 $1.000000000e+00, v59;
	v44 =	vpop (erf)  }
0x31c: {  	v13 =	vmul.f32 $1.080500010e+00, v60;
	v37 =	vadd.f32 $1.000000000e+00, v61;
	(erf) = vrcp.f32 v11;
	v11 =	vpop (erf)  }
0x31d: {  	v45 =	vadd.f32 v38, v12;
	v47 =	vmul.f32 $1.080500010e+00, v62;
	v48 =	vadd.f32 $1.000000000e+00, v63;
	v46 =	vpop (erf)  }
0x31e: {  	v13 =	vadd.f32 v13, v37;
	v50 =	vmul.f32 $1.080500010e+00, v44;
	(erf) = vrcp.f32 v36;
	v49 =	vpop (erf)  }
0x31f: {  	v38 =	vadd.f32 v47, v48;
	(erf) = vrcp.f32 v45;
	v11 =	vadd.f32 $1.000000000e+00, v11;
	v51 =	vpop (erf)  }
0x320: {  	v36 =	vmul.f32 $1.080500010e+00, v46;
	(erf) = vrcp.f32 v13;
	v31 =	vadd.f32 $1.000000000e+00, v49;
	v52 =	vpop (erf)  }
0x321: {  	v53 =	vadd.f32 v50, v11;
	v41 =	vmul.f32 $1.080500010e+00, v51;
	v54 =	vadd.f32 $1.000000000e+00, v52  }
0x322: {  	[tilespmem:s4+$0xFFFFFFC0] =	vst v23;
	(erf) = vrcp.f32 v38;
	v36 =	vadd.f32 v36, v31  }
0x323: {  	[tilespmem:s4+$0xFFFFFFD0] =	vst v22;
	v22 =	vmul.f32 v32, v25;
	(erf) = vrcp.f32 v53;
	v23 =	vadd.f32 v41, v54  }
0x324: {  	(erf) = vrcp.f32 v36  }
0x325: {  	[tilespmem:s4+$0xFFFFFFF0] =	vst v22;
	v22 =	vmul.f32 v34, v28  }
0x326: {  	v55 =	vmul.f32 v30, v24;
	(erf) = vrcp.f32 v23  }
0x327: {  	[tilespmem:s4+$0x10] =	vst v22;
	v57 =	vmul.f32 v27, v21;
	v23 =	vpop (erf)  }
0x328: {  	[tilespmem:s4+$0xFFFFFFE0] =	vst v55;
	v56 =	vmul.f32 v33, v26;
	v21 =	vpop (erf)  }
0x329: {  	[tilespmem:s7+$0x20] =	vst v57;
	v14 =	vmul.f32 v23, v14;
	v22 =	vpop (erf)  }
0x32a: {  	[tilespmem:s4+$0x0] =	vst v56;
	v58 =	vpop (erf);
	v12 =	vmul.f32 v22, v12  }
0x32b: {  	[tilespmem:s28+$0xFFFFFFC0] =	vst v14;
	v22 =	vpop (erf);
	v13 =	vmul.f32 v58, v37  }
0x32c: {  	v59 =	vpop (erf);
	[tilespmem:s28+$0xFFFFFFD0] =	vst v12;
	v60 =	vmul.f32 v22, v48  }
0x32d: {  	v22 =	vpop (erf);
	[tilespmem:s28+$0xFFFFFFE0] =	vst v13;
	v11 =	vmul.f32 v59, v11  }
0x32e: {  	[tilespmem:s28+$0xFFFFFFF0] =	vst v60;
	v61 =	vmul.f32 v22, v31  }
0x32f: {  	v62 =	vpop (erf);
	[tilespmem:s28+$0x0] =	vst v11;
	v11 =	vmul.f32 v21, v35  }
0x330: {  	v63 =	vmul.f32 v62, v54;
	[tilespmem:s28+$0x10] =	vst v61  }
0x331: {  	[tilespmem:s4+$0x20] =	vst v11  }
0x332: {  	[tilespmem:s28+$0x20] =	vst v63  }
.LBB2_11:
0x333: {  	s4 =	sshra.s32 s24, $0x2  }
0x334: {  	v11 =	vld [tilespmem:s4+$0x1BA70]  }
0x335: {  	v12 =	vld [tilespmem:s4+$0x1CA70];
	_ =	sdelay $0x6  }
0x336: {  	v11 =	vld.idx.msk [tilespmem:v11+s23+$0x0], $0xffff  }
0x337: {  	v12 =	vld.idx.msk [tilespmem:v12+s23+$0x0], $0xffff;
	_ =	sdelay $0x4  }
0x338: {  	v11 =	vadd.f32 v12, v11;
	_ =	sdelay $0x1  }
0x339: {  	v11 =	vmul.f32 $5.000000000e-01, v11;
	_ =	sdelay $0x1  }
0x33a: {  	(erf) = vrcp.f32 v11;
	_ =	sdelay $0x4  }
0x33b: {  	v11 =	vld [tilespmem:s4+$0x1DA70];
	_ =	sdelay $0x3  }
0x33c: {  	v61 =	vpop (erf)  }
0x33d: {  	v11 =	vmul.f32 v61, v11;
	_ =	sdelay $0x1  }
0x33e: {  	v12 =	vand.u32 $0x7FFFFF, v11  }
0x33f: {  	v12 =	vor.u32 $0x3F800000, v12  }
0x340: {  	v12 =	vadd.f32 $-1.000000000e+00, v12;
	_ =	sdelay $0x1  }
0x341: {  	v13 =	vmul.f32 $0.0e+00, v12;
	_ =	sdelay $0x1  }
0x342: {  	v13 =	vadd.f32 $-2.288060500e-03, v13;
	_ =	sdelay $0x1  }
0x343: {  	v13 =	vmul.f32 v13, v12;
	_ =	sdelay $0x1  }
0x344: {  	v13 =	vadd.f32 $1.514537260e-02, v13;
	_ =	sdelay $0x1  }
0x345: {  	v13 =	vmul.f32 v13, v12;
	_ =	sdelay $0x1  }
0x346: {  	v13 =	vadd.f32 $-4.713346440e-02, v13;
	_ =	sdelay $0x1  }
0x347: {  	v13 =	vmul.f32 v13, v12;
	_ =	sdelay $0x1  }
0x348: {  	v13 =	vadd.f32 $9.470379350e-02, v13;
	_ =	sdelay $0x1  }
0x349: {  	v13 =	vmul.f32 v13, v12;
	_ =	sdelay $0x1  }
0x34a: {  	v13 =	vadd.f32 $-1.451764550e-01, v13;
	_ =	sdelay $0x1  }
0x34b: {  	v13 =	vmul.f32 v13, v12;
	_ =	sdelay $0x1  }
0x34c: {  	v13 =	vadd.f32 $1.933763770e-01, v13;
	_ =	sdelay $0x1  }
0x34d: {  	v13 =	vmul.f32 v13, v12;
	_ =	sdelay $0x1  }
0x34e: {  	v13 =	vadd.f32 $-2.486582100e-01, v13;
	_ =	sdelay $0x1  }
0x34f: {  	v13 =	vmul.f32 v13, v12;
	_ =	sdelay $0x1  }
0x350: {  	v13 =	vadd.f32 $3.331669270e-01, v13;
	_ =	sdelay $0x1  }
0x351: {  	v13 =	vmul.f32 v13, v12;
	_ =	sdelay $0x1  }
0x352: {  	v13 =	vadd.f32 $-4.999887650e-01, v13;
	_ =	sdelay $0x1  }
0x353: {  	v13 =	vmul.f32 v13, v12;
	_ =	sdelay $0x1  }
0x354: {  	v11 =	vshra.s32 v11, $0x17;
	v13 =	vadd.f32 $9.999996420e-01, v13  }
0x355: {  	v11 =	vadd.s32 $0xFFFFFF81, v11  }
0x356: {  	v11 =	vcvt.s32.f32 v11;
	v12 =	vmul.f32 v13, v12;
	_ =	sdelay $0x1  }
0x357: {  	v11 =	vmul.f32 $6.931471820e-01, v11;
	v12 =	vadd.f32 $2.413903740e-09, v12;
	_ =	sdelay $0x1  }
0x358: {  	v11 =	vadd.f32 v12, v11;
	_ =	sdelay $0x1  }
0x359: {  	v11 =	vmax.f32 v11, $-1.800000000e+01  }
0x35a: {  	v11 =	vmin.f32 v11, $1.800000000e+01  }
0x35b: {  	v62 =	vmul.f32 $9.182999730e-01, v11  }
0x35c: {  	v11 =	vmul.f32 $-3.660800220e+00, v11  }
0x35d: {  	v12 =	vmul.f32 $1.442695020e+00, v62  }
0x35e: {  	v11 =	vmul.f32 $1.442695020e+00, v11  }
0x35f: {  	(erf) = vpow2.f32 v12  }
0x360: {  	(erf) = vpow2.f32 v11;
	_ =	sdelay $0x7  }
0x361: {  	v11 =	vpop (erf)  }
0x362: {  	v63 =	vpop (erf)  }
0x363: {  	v11 =	vmul.f32 $1.080500010e+00, v11;
	v12 =	vadd.f32 $1.000000000e+00, v63;
	_ =	sdelay $0x1  }
0x364: {  	v11 =	vadd.f32 v11, v12;
	_ =	sdelay $0x1  }
0x365: {  	(erf) = vrcp.f32 v11;
	_ =	sdelay $0x6  }
0x366: {  	p1 =	sne.s32 s24, $0x100  }
.Ltmp6:
0x367: {  	_ = 	snop;
	(pc) =	sbr.rel @p1 .LBB2_11-.Ltmp6, $3  }
0x368: {  	v11 =	vpop (erf)  }
0x369: {  	v11 =	vmul.f32 v11, v12;
	_ =	sdelay $0x1  }
0x36a: {  	s24 =	sadd.s32 $0x40, s24;
	[tilespmem:s4+$0x1EA70] =	vst v11  }
0x36b: {  	s3 =	sshrl.u32 s3, $0x3  }
0x36c: {  	s4 =	simm.s32 $0x1E2F0;
	p1 =	seq.s32 s11, $0x31;
	s3 =	sadd.s32 s2, s3  }
0x36d: {  	[hbm4b:s3+s5] =	stream.linear.scatter [tilespmem:s4], [sflag:$0x7], $0x7D0, $0x38;
	[tilespmem:$0x1F2F0] =	vst v63  }
0x36e: {  	s3 =	sadd.s32 @!p1 s13, s15  }
0x36f: {  	s3 =	sshrl.u32 @!p1 s3, $0x3  }
0x370: {  	s7 =	simm.s32 @!p1 $0x0;
	s13 =	simm.s32 @!p1 $0x1B2F0;
	s4 =	sadd.s32 @!p1 s8, s3  }
0x371: {  	[tilespmem:s13], [sflag:$0x1] =	stream.linear.gather @!p1 [hbm4b:s4+s7], $0x7D0, $0x38;
	[tilespmem:$0x1F2F0] =	vst v63  }
0x372: {  	s4 =	sadd.s32 @!p1 $0xC3500, s4;
	s13 =	simm.s32 @!p1 $0x1C2F0  }
0x373: {  	[tilespmem:s13], [sflag:$0x3] =	stream.linear.gather @!p1 [hbm4b:s4+s7], $0x7D0, $0x38;
	[tilespmem:$0x1F2F0] =	vst v63  }
0x374: {  	s3 =	sadd.s32 @!p1 s1, s3;
	s4 =	simm.s32 @!p1 $0x1D2F0  }
0x375: {  	[tilespmem:s4], [sflag:$0x5] =	stream.linear.gather @!p1 [hbm4b:s3+s7], $0x7D0, $0x38;
	[tilespmem:$0x1F2F0] =	vst v63  }
0x376: {  	_ =	swait.ge [sflag:s25], $0x7D0  }
0x377: {  	[sflag:s25] =	ssyncset.done $0x0  }
0x378: {  	[sflag:s25] =	ssyncadd.s32 $0xFFFFF830  }
0x379: {  	_ =	swait.ge [sflag:s26], $0x7D0  }
0x37a: {  	[sflag:s26] =	ssyncset.done $0x0  }
0x37b: {  	[sflag:s26] =	ssyncadd.s32 $0xFFFFF830  }
0x37c: {  	_ =	swait.ge [sflag:s9], $0x7D0  }
0x37d: {  	[sflag:s9] =	ssyncset.done $0x0  }
0x37e: {  	s3 =	simm.s32 @!p0 $0x8;
	[sflag:s9] =	ssyncadd.s32 $0xFFFFF830  }
0x37f: {  	_ =	swait.ge @!p0 [sflag:s3], $0x7D0  }
0x380: {  	[sflag:s3] =	ssyncset.done @!p0 $0x0  }
0x381: {  	s7 =	simm.s32 $0x1BB30;
	[sflag:s3] =	ssyncadd.s32 @!p0 $0xFFFFF830  }
0x382: {  	s13 =	simm.s32 $0x1CB30;
	v11 =	vld [tilespmem:s7+$0x0]  }
0x383: {  	v12 =	vld [tilespmem:s13+$0x0]  }
0x384: {  	v13 =	vld [tilespmem:s13+$0xFFFFFF90]  }
0x385: {  	v14 =	vld [tilespmem:s7+$0xFFFFFFA0]  }
0x386: {  	v21 =	vld [tilespmem:s13+$0xFFFFFFA0]  }
0x387: {  	v22 =	vld [tilespmem:s7+$0xFFFFFFB0]  }
0x388: {  	v23 =	vld [tilespmem:s13+$0xFFFFFFB0]  }
0x389: {  	v24 =	vld [tilespmem:s7+$0xFFFFFFC0]  }
0x38a: {  	v25 =	vld [tilespmem:s13+$0xFFFFFFC0]  }
0x38b: {  	v26 =	vld [tilespmem:s7+$0xFFFFFFD0]  }
0x38c: {  	v11 =	vld.idx.msk [tilespmem:v11+s23+$0x0], $0xffff  }
0x38d: {  	v12 =	vld.idx.msk [tilespmem:v12+s23+$0x0], $0xffff  }
0x38e: {  	v27 =	vld [tilespmem:s13+$0xFFFFFFD0]  }
0x38f: {  	v28 =	vld [tilespmem:s7+$0xFFFFFFE0]  }
0x390: {  	v29 =	vld [tilespmem:s13+$0xFFFFFFE0]  }
0x391: {  	v43 =	vld [tilespmem:s7+$0xFFFFFFF0]  }
0x392: {  	v30 =	vld [tilespmem:s13+$0xFFFFFFF0];
	v11 =	vadd.f32 v12, v11  }
0x393: {  	v31 =	vld [tilespmem:s7+$0xFFFFFF90]  }
0x394: {  	v13 =	vld.idx.msk [tilespmem:v13+s23+$0x0], $0xffff;
	v11 =	vmul.f32 $5.000000000e-01, v11  }
0x395: {  	v44 =	vld.idx.msk [tilespmem:v21+s23+$0x0], $0xffff  }
0x396: {  	(erf) = vrcp.f32 v11;
	v11 =	vld.idx.msk [tilespmem:v14+s23+$0x0], $0xffff  }
0x397: {  	v21 =	vld.idx.msk [tilespmem:v22+s23+$0x0], $0xffff  }
0x398: {  	s16 =	simm.s32 $0x1DB30;
	v22 =	vld.idx.msk [tilespmem:v23+s23+$0x0], $0xffff  }
0x399: {  	v23 =	vld [tilespmem:s16+$0x0]  }
0x39a: {  	v24 =	vld.idx.msk [tilespmem:v24+s23+$0x0], $0xffff  }
0x39b: {  	v31 =	vld.idx.msk [tilespmem:v31+s23+$0x0], $0xffff;
	v11 =	vadd.f32 v44, v11  }
0x39c: {  	v45 =	vld.idx.msk [tilespmem:v25+s23+$0x0], $0xffff  }
0x39d: {  	v25 =	vld.idx.msk [tilespmem:v26+s23+$0x0], $0xffff;
	v21 =	vadd.f32 v22, v21;
	v11 =	vmul.f32 $5.000000000e-01, v11  }
0x39e: {  	v26 =	vld.idx.msk [tilespmem:v27+s23+$0x0], $0xffff  }
0x39f: {  	v12 =	vld.idx.msk [tilespmem:v43+s23+$0x0], $0xffff;
	v21 =	vmul.f32 $5.000000000e-01, v21;
	v22 =	vpop (erf);
	(erf) = vrcp.f32 v11  }
0x3a0: {  	v11 =	vadd.f32 v13, v31;
	v34 =	vmul.f32 v22, v23;
	v22 =	vld.idx.msk [tilespmem:v28+s23+$0x0], $0xffff  }
0x3a1: {  	v14 =	vadd.f32 v45, v24;
	v23 =	vld.idx.msk [tilespmem:v29+s23+$0x0], $0xffff;
	(erf) = vrcp.f32 v21  }
0x3a2: {  	v21 =	vld.idx.msk [tilespmem:v30+s23+$0x0], $0xffff;
	v11 =	vmul.f32 $5.000000000e-01, v11;
	v46 =	vand.u32 $0x7FFFFF, v34  }
0x3a3: {  	v48 =	vadd.f32 v26, v25;
	v47 =	vmul.f32 $5.000000000e-01, v14;
	v13 =	vor.u32 $0x3F800000, v46  }
0x3a4: {  	v34 =	vshra.s32 v34, $0x17;
	(erf) = vrcp.f32 v11;
	v11 =	vld [tilespmem:s16+$0xFFFFFFA0];
	v35 =	vadd.f32 $-1.000000000e+00, v13  }
0x3a5: {  	v14 =	vmul.f32 $5.000000000e-01, v48;
	v34 =	vadd.s32 $0xFFFFFF81, v34;
	(erf) = vrcp.f32 v47  }
0x3a6: {  	v49 =	vld [tilespmem:s16+$0xFFFFFFB0];
	v34 =	vcvt.s32.f32 v34;
	v22 =	vadd.f32 v23, v22;
	v24 =	vmul.f32 $0.0e+00, v35  }
0x3a7: {  	v12 =	vadd.f32 v21, v12;
	(erf) = vrcp.f32 v14  }
0x3a8: {  	v34 =	vmul.f32 $6.931471820e-01, v34;
	v22 =	vmul.f32 $5.000000000e-01, v22;
	v23 =	vadd.f32 $-2.288060500e-03, v24;
	v21 =	vpop (erf)  }
0x3a9: {  	v12 =	vmul.f32 $5.000000000e-01, v12;
	v11 =	vmul.f32 v21, v11  }
0x3aa: {  	(erf) = vrcp.f32 v22;
	v21 =	vpop (erf);
	v50 =	vmul.f32 v23, v35;
	v23 =	vld [tilespmem:s16+$0xFFFFFF90]  }
0x3ab: {  	v25 =	vld [tilespmem:s16+$0xFFFFFFC0];
	v13 =	vmul.f32 v21, v49;
	v21 =	vshra.s32 v11, $0x17;
	v11 =	vand.u32 $0x7FFFFF, v11  }
0x3ac: {  	v51 =	vld [tilespmem:s16+$0xFFFFFFD0];
	(erf) = vrcp.f32 v12;
	v14 =	vadd.f32 $1.514537260e-02, v50;
	v11 =	vor.u32 $0x3F800000, v11  }
0x3ad: {  	v22 =	vshra.s32 v13, $0x17;
	v13 =	vand.u32 $0x7FFFFF, v13;
	v21 =	vadd.s32 $0xFFFFFF81, v21  }
0x3ae: {  	v24 =	vpop (erf);
	v22 =	vadd.s32 $0xFFFFFF81, v22;
	v21 =	vcvt.s32.f32 v21;
	v14 =	vmul.f32 v14, v35  }
0x3af: {  	v13 =	vor.u32 $0x3F800000, v13;
	v27 =	vpop (erf);
	v22 =	vcvt.s32.f32 v22;
	v26 =	vmul.f32 v24, v23  }
0x3b0: {  	v23 =	vadd.f32 $-1.000000000e+00, v11;
	v24 =	vadd.f32 $-1.000000000e+00, v13;
	v11 =	vmul.f32 v27, v25;
	v27 =	vpop (erf)  }
0x3b1: {  	v21 =	vmul.f32 $6.931471820e-01, v21;
	v14 =	vadd.f32 $-4.713346440e-02, v14;
	v12 =	vmul.f32 v27, v51  }
0x3b2: {  	v22 =	vmul.f32 $6.931471820e-01, v22;
	v25 =	vshra.s32 v26, $0x17;
	v26 =	vand.u32 $0x7FFFFF, v26  }
0x3b3: {  	v28 =	vld [tilespmem:s16+$0xFFFFFFE0];
	v29 =	vand.u32 $0x7FFFFF, v11;
	v53 =	vmul.f32 $0.0e+00, v23;
	v36 =	vmul.f32 $0.0e+00, v24  }
0x3b4: {  	v54 =	vshra.s32 v11, $0x17;
	v14 =	vmul.f32 v14, v35;
	v26 =	vor.u32 $0x3F800000, v26  }
0x3b5: {  	v30 =	vand.u32 $0x7FFFFF, v12;
	v12 =	vshra.s32 v12, $0x17;
	v25 =	vadd.s32 $0xFFFFFF81, v25  }
0x3b6: {  	v52 =	vld [tilespmem:s16+$0xFFFFFFF0];
	v27 =	vadd.f32 $-1.000000000e+00, v26;
	v26 =	vor.u32 $0x3F800000, v29;
	v13 =	vadd.f32 $-2.288060500e-03, v53  }
0x3b7: {  	v55 =	vadd.f32 $-2.288060500e-03, v36;
	v12 =	vadd.s32 $0xFFFFFF81, v12;
	v25 =	vcvt.s32.f32 v25;
	v29 =	vpop (erf)  }
0x3b8: {  	v14 =	vadd.f32 $9.470379350e-02, v14;
	v12 =	vcvt.s32.f32 v12;
	v31 =	vmul.f32 v29, v28  }
0x3b9: {  	v26 =	vadd.f32 $-1.000000000e+00, v26;
	v33 =	vmul.f32 $0.0e+00, v27;
	v13 =	vmul.f32 v13, v23  }
0x3ba: {  	v28 =	vor.u32 $0x3F800000, v30;
	v29 =	vpop (erf);
	v25 =	vmul.f32 $6.931471820e-01, v25;
	v14 =	vmul.f32 v14, v35  }
0x3bb: {  	v28 =	vadd.f32 $-1.000000000e+00, v28;
	v32 =	vmul.f32 v29, v52;
	v37 =	vmul.f32 $0.0e+00, v26  }
0x3bc: {  	v12 =	vmul.f32 $6.931471820e-01, v12;
	v30 =	vand.u32 $0x7FFFFF, v31;
	v40 =	vadd.f32 $-2.288060500e-03, v33  }
0x3bd: {  	v13 =	vadd.f32 $1.514537260e-02, v13;
	v31 =	vshra.s32 v31, $0x17;
	v29 =	vor.u32 $0x3F800000, v30  }
0x3be: {  	v14 =	vadd.f32 $-1.451764550e-01, v14;
	v30 =	vand.u32 $0x7FFFFF, v32;
	v38 =	vmul.f32 $0.0e+00, v28  }
0x3bf: {  	v37 =	vadd.f32 $-2.288060500e-03, v37;
	v29 =	vadd.f32 $-1.000000000e+00, v29;
	v40 =	vmul.f32 v40, v27  }
0x3c0: {  	v30 =	vor.u32 $0x3F800000, v30;
	v13 =	vmul.f32 v13, v23;
	v14 =	vmul.f32 v14, v35  }
0x3c1: {  	v30 =	vadd.f32 $-1.000000000e+00, v30;
	v38 =	vadd.f32 $-2.288060500e-03, v38;
	v37 =	vmul.f32 v37, v26  }
0x3c2: {  	v39 =	vmul.f32 $0.0e+00, v29;
	v40 =	vadd.f32 $1.514537260e-02, v40;
	v13 =	vadd.f32 $-4.713346440e-02, v13  }
0x3c3: {  	v11 =	vadd.f32 $1.933763770e-01, v14;
	v56 =	vmul.f32 $0.0e+00, v30;
	v14 =	vmul.f32 v55, v24  }
0x3c4: {  	v38 =	vmul.f32 v38, v28;
	v37 =	vadd.f32 $1.514537260e-02, v37;
	v39 =	vadd.f32 $-2.288060500e-03, v39  }
0x3c5: {  	v40 =	vmul.f32 v40, v27;
	v13 =	vmul.f32 v13, v23;
	v36 =	vadd.f32 $-2.288060500e-03, v56  }
0x3c6: {  	v11 =	vmul.f32 v11, v35;
	v14 =	vadd.f32 $1.514537260e-02, v14;
	v38 =	vadd.f32 $1.514537260e-02, v38  }
0x3c7: {  	v37 =	vmul.f32 v37, v26;
	v39 =	vmul.f32 v39, v29;
	v40 =	vadd.f32 $-4.713346440e-02, v40  }
0x3c8: {  	v13 =	vadd.f32 $9.470379350e-02, v13;
	v11 =	vadd.f32 $-2.486582100e-01, v11;
	v36 =	vmul.f32 v36, v30  }
0x3c9: {  	v14 =	vmul.f32 v14, v24;
	v38 =	vmul.f32 v38, v28;
	v37 =	vadd.f32 $-4.713346440e-02, v37  }
0x3ca: {  	v39 =	vadd.f32 $1.514537260e-02, v39;
	v40 =	vmul.f32 v40, v27;
	v11 =	vmul.f32 v11, v35  }
0x3cb: {  	v13 =	vmul.f32 v13, v23;
	v36 =	vadd.f32 $1.514537260e-02, v36;
	v14 =	vadd.f32 $-4.713346440e-02, v14  }
0x3cc: {  	v38 =	vadd.f32 $-4.713346440e-02, v38;
	v37 =	vmul.f32 v37, v26;
	v11 =	vadd.f32 $3.331669270e-01, v11  }
0x3cd: {  	v39 =	vmul.f32 v39, v29;
	v40 =	vadd.f32 $9.470379350e-02, v40;
	v36 =	vmul.f32 v36, v30  }
0x3ce: {  	v13 =	vadd.f32 $-1.451764550e-01, v13;
	v14 =	vmul.f32 v14, v24;
	v11 =	vmul.f32 v11, v35  }
0x3cf: {  	v38 =	vmul.f32 v38, v28;
	v58 =	vadd.f32 $9.470379350e-02, v37;
	v39 =	vadd.f32 $-4.713346440e-02, v39  }
0x3d0: {  	v13 =	vmul.f32 v13, v23;
	v36 =	vadd.f32 $-4.713346440e-02, v36;
	v11 =	vadd.f32 $-4.999887650e-01, v11  }
0x3d1: {  	v59 =	vmul.f32 v40, v27;
	v14 =	vadd.f32 $9.470379350e-02, v14;
	v39 =	vmul.f32 v39, v29  }
0x3d2: {  	v13 =	vadd.f32 $1.933763770e-01, v13;
	v57 =	vmul.f32 v36, v30;
	v11 =	vmul.f32 v11, v35  }
0x3d3: {  	v38 =	vadd.f32 $9.470379350e-02, v38;
	v14 =	vmul.f32 v14, v24;
	v36 =	vmul.f32 v58, v26  }
0x3d4: {  	v39 =	vadd.f32 $9.470379350e-02, v39;
	v13 =	vmul.f32 v13, v23;
	v11 =	vadd.f32 $9.999996420e-01, v11  }
0x3d5: {  	v61 =	vmul.f32 v38, v28;
	v14 =	vadd.f32 $-1.451764550e-01, v14;
	v36 =	vadd.f32 $-1.451764550e-01, v36  }
0x3d6: {  	v62 =	vmul.f32 v39, v29;
	v13 =	vadd.f32 $-2.486582100e-01, v13;
	v11 =	vmul.f32 v11, v35  }
0x3d7: {  	v37 =	vadd.f32 $-1.451764550e-01, v61;
	v14 =	vmul.f32 v14, v24;
	v36 =	vmul.f32 v36, v26  }
0x3d8: {  	v38 =	vadd.f32 $-1.451764550e-01, v62;
	v13 =	vmul.f32 v13, v23;
	v11 =	vadd.f32 $2.413903740e-09, v11  }
0x3d9: {  	v40 =	vmul.f32 v37, v28;
	v35 =	vadd.f32 $9.470379350e-02, v57;
	v36 =	vadd.f32 $1.933763770e-01, v36  }
0x3da: {  	v41 =	vmul.f32 v38, v29;
	v13 =	vadd.f32 $3.331669270e-01, v13;
	v11 =	vadd.f32 v11, v34  }
0x3db: {  	v60 =	vadd.f32 $-1.451764550e-01, v59;
	v35 =	vmul.f32 v35, v30;
	v36 =	vmul.f32 v36, v26  }
0x3dc: {  	v37 =	vadd.f32 $1.933763770e-01, v41;
	v13 =	vmul.f32 v13, v23;
	v11 =	vmax.f32 v11, $-1.800000000e+01  }
0x3dd: {  	v34 =	vmul.f32 v60, v27;
	v35 =	vadd.f32 $-1.451764550e-01, v35;
	v11 =	vmin.f32 v11, $1.800000000e+01  }
0x3de: {  	v36 =	vadd.f32 $-2.486582100e-01, v36;
	v37 =	vmul.f32 v37, v29;
	v63 =	vmul.f32 $9.182999730e-01, v11  }
0x3df: {  	v13 =	vadd.f32 $-4.999887650e-01, v13;
	v35 =	vmul.f32 v35, v30;
	v11 =	vmul.f32 $-3.660800220e+00, v11  }
0x3e0: {  	v34 =	vadd.f32 $1.933763770e-01, v34;
	v36 =	vmul.f32 v36, v26;
	v39 =	vmul.f32 $1.442695020e+00, v63  }
0x3e1: {  	v33 =	vadd.s32 $0xFFFFFF81, v54;
	v13 =	vmul.f32 v13, v23;
	v11 =	vmul.f32 $1.442695020e+00, v11  }
0x3e2: {  	v37 =	vadd.f32 $-2.486582100e-01, v37;
	v34 =	vmul.f32 v34, v27;
	(erf) = vpow2.f32 v39  }
0x3e3: {  	v35 =	vadd.f32 $1.933763770e-01, v35;
	v36 =	vadd.f32 $3.331669270e-01, v36;
	(erf) = vpow2.f32 v11  }
0x3e4: {  	v37 =	vmul.f32 v37, v29;
	v13 =	vadd.f32 $9.999996420e-01, v13;
	v11 =	vadd.f32 $1.933763770e-01, v14  }
0x3e5: {  	v34 =	vadd.f32 $-2.486582100e-01, v34;
	v35 =	vmul.f32 v35, v30;
	v14 =	vadd.f32 $1.933763770e-01, v40  }
0x3e6: {  	v36 =	vmul.f32 v36, v26;
	v37 =	vadd.f32 $3.331669270e-01, v37;
	v11 =	vmul.f32 v11, v24  }
0x3e7: {  	v13 =	vmul.f32 v13, v23;
	v23 =	vadd.s32 $0xFFFFFF81, v31;
	v14 =	vmul.f32 v14, v28  }
0x3e8: {  	v34 =	vmul.f32 v34, v27;
	v35 =	vadd.f32 $-2.486582100e-01, v35;
	v11 =	vadd.f32 $-2.486582100e-01, v11  }
0x3e9: {  	v36 =	vadd.f32 $-4.999887650e-01, v36;
	v23 =	vcvt.s32.f32 v23;
	v14 =	vadd.f32 $-2.486582100e-01, v14  }
0x3ea: {  	v37 =	vmul.f32 v37, v29;
	v43 =	vadd.f32 $3.331669270e-01, v34;
	v11 =	vmul.f32 v11, v24  }
0x3eb: {  	v13 =	vadd.f32 $2.413903740e-09, v13;
	v35 =	vmul.f32 v35, v30;
	v14 =	vmul.f32 v14, v28;
	v42 =	vpop (erf)  }
0x3ec: {  	v36 =	vmul.f32 v36, v26;
	v39 =	vmul.f32 v43, v27;
	v11 =	vadd.f32 $3.331669270e-01, v11;
	v44 =	vpop (erf)  }
0x3ed: {  	v14 =	vadd.f32 $3.331669270e-01, v14;
	v38 =	vmul.f32 $1.080500010e+00, v42;
	v34 =	vadd.f32 $1.000000000e+00, v44  }
0x3ee: {  	v37 =	vadd.f32 $-4.999887650e-01, v37;
	v35 =	vadd.f32 $3.331669270e-01, v35;
	v11 =	vmul.f32 v11, v24  }
0x3ef: {  	v45 =	vadd.f32 $-4.999887650e-01, v39;
	v14 =	vmul.f32 v14, v28;
	v38 =	vadd.f32 v38, v34  }
0x3f0: {  	v13 =	vadd.f32 v13, v21;
	v35 =	vmul.f32 v35, v30;
	v11 =	vadd.f32 $-4.999887650e-01, v11  }
0x3f1: {  	v14 =	vadd.f32 $-4.999887650e-01, v14;
	(erf) = vrcp.f32 v38;
	v38 =	vmul.f32 v45, v27  }
0x3f2: {  	v21 =	vmul.f32 $6.931471820e-01, v23;
	v35 =	vadd.f32 $-4.999887650e-01, v35;
	v11 =	vmul.f32 v11, v24  }
0x3f3: {  	v37 =	vmul.f32 v37, v29;
	v14 =	vmul.f32 v14, v28;
	v38 =	vadd.f32 $9.999996420e-01, v38  }
0x3f4: {  	v36 =	vadd.f32 $9.999996420e-01, v36;
	v35 =	vmul.f32 v35, v30;
	v11 =	vadd.f32 $9.999996420e-01, v11  }
0x3f5: {  	v37 =	vadd.f32 $9.999996420e-01, v37;
	v14 =	vadd.f32 $9.999996420e-01, v14;
	v27 =	vmul.f32 v38, v27  }
0x3f6: {  	v35 =	vadd.f32 $9.999996420e-01, v35;
	v11 =	vmul.f32 v11, v24;
	v24 =	vmul.f32 v36, v26  }
0x3f7: {  	v32 =	vshra.s32 v32, $0x17;
	v14 =	vmul.f32 v14, v28;
	v28 =	vmul.f32 v37, v29  }
0x3f8: {  	v29 =	vmul.f32 v35, v30;
	v30 =	vcvt.s32.f32 v33;
	v27 =	vadd.f32 $2.413903740e-09, v27  }
0x3f9: {  	v26 =	vadd.s32 $0xFFFFFF81, v32;
	v11 =	vadd.f32 $2.413903740e-09, v11;
	v24 =	vadd.f32 $2.413903740e-09, v24  }
0x3fa: {  	v14 =	vadd.f32 $2.413903740e-09, v14;
	v25 =	vadd.f32 v27, v25;
	v27 =	vmul.f32 $6.931471820e-01, v30  }
0x3fb: {  	s22 =	simm.s32 $0x1BBB0;
	v13 =	vmax.f32 v13, $-1.800000000e+01;
	v26 =	vcvt.s32.f32 v26;
	v11 =	vadd.f32 v11, v22  }
0x3fc: {  	s24 =	simm.s32 $0x1CBB0;
	v13 =	vmin.f32 v13, $1.800000000e+01;
	v12 =	vadd.f32 v14, v12;
	v23 =	vadd.f32 v24, v27;
	v24 =	vld [tilespmem:s22+$0x0]  }
0x3fd: {  	v22 =	vmul.f32 $6.931471820e-01, v26;
	v46 =	vmax.f32 v25, $-1.800000000e+01;
	v11 =	vmax.f32 v11, $-1.800000000e+01;
	v25 =	vld [tilespmem:s24+$0x0]  }
0x3fe: {  	v50 =	vld [tilespmem:s24+$0xFFFFFFA0];
	v12 =	vmax.f32 v12, $-1.800000000e+01;
	v27 =	vmul.f32 $9.182999730e-01, v13;
	v14 =	vmin.f32 v46, $1.800000000e+01  }
0x3ff: {  	v48 =	vld [tilespmem:s22+$0xFFFFFFA0];
	v13 =	vmul.f32 $-3.660800220e+00, v13;
	v11 =	vmin.f32 v11, $1.800000000e+01;
	v26 =	vmul.f32 $9.182999730e-01, v14  }
0x400: {  	v51 =	vld [tilespmem:s22+$0xFFFFFFB0];
	v12 =	vmin.f32 v12, $1.800000000e+01;
	v14 =	vmul.f32 $-3.660800220e+00, v14;
	v30 =	vmul.f32 $9.182999730e-01, v11  }
0x401: {  	v55 =	vld [tilespmem:s24+$0xFFFFFFD0];
	v11 =	vmul.f32 $-3.660800220e+00, v11;
	v49 =	vmul.f32 $9.182999730e-01, v12  }
0x402: {  	v56 =	vld [tilespmem:s22+$0xFFFFFFF0];
	v23 =	vmax.f32 v23, $-1.800000000e+01;
	v12 =	vmul.f32 $-3.660800220e+00, v12;
	v27 =	vmul.f32 $1.442695020e+00, v27  }
0x403: {  	v58 =	vld [tilespmem:s24+$0xFFFFFFF0];
	v13 =	vmul.f32 $1.442695020e+00, v13;
	v23 =	vmin.f32 v23, $1.800000000e+01;
	v26 =	vmul.f32 $1.442695020e+00, v26  }
0x404: {  	v47 =	vmul.f32 $9.182999730e-01, v23;
	v14 =	vmul.f32 $1.442695020e+00, v14;
	v24 =	vld.idx.msk [tilespmem:v24+s23+$0x0], $0xffff  }
0x405: {  	v23 =	vmul.f32 $-3.660800220e+00, v23;
	(erf) = vpow2.f32 v26;
	v25 =	vld.idx.msk [tilespmem:v25+s23+$0x0], $0xffff  }
0x406: {  	v41 =	vld.idx.msk [tilespmem:v50+s23+$0x0], $0xffff;
	v52 =	vmul.f32 $1.442695020e+00, v30;
	(erf) = vpow2.f32 v14  }
0x407: {  	v31 =	vld [tilespmem:s24+$0xFFFFFF90];
	v11 =	vmul.f32 $1.442695020e+00, v11;
	(erf) = vpow2.f32 v27  }
0x408: {  	v43 =	vld.idx.msk [tilespmem:v51+s23+$0x0], $0xffff;
	v53 =	vadd.f32 $2.413903740e-09, v28;
	v12 =	vmul.f32 $1.442695020e+00, v12;
	(erf) = vpow2.f32 v13  }
0x409: {  	v33 =	vld.idx.msk [tilespmem:v48+s23+$0x0], $0xffff;
	v54 =	vadd.f32 $2.413903740e-09, v29;
	v28 =	vmul.f32 $1.442695020e+00, v47;
	(erf) = vpow2.f32 v52  }
0x40a: {  	v29 =	vld [tilespmem:s22+$0xFFFFFFD0];
	v23 =	vmul.f32 $1.442695020e+00, v23;
	(erf) = vpow2.f32 v11;
	v24 =	vadd.f32 v25, v24  }
0x40b: {  	v30 =	vld [tilespmem:s24+$0xFFFFFFC0];
	v13 =	vadd.f32 v53, v21;
	v11 =	vmul.f32 $1.442695020e+00, v49;
	(erf) = vpow2.f32 v28  }
0x40c: {  	v26 =	vld [tilespmem:s24+$0xFFFFFFB0];
	(erf) = vpow2.f32 v23;
	v23 =	vmul.f32 $5.000000000e-01, v24  }
0x40d: {  	v14 =	vadd.f32 v54, v22;
	v22 =	vld [tilespmem:s24+$0xFFFFFFE0];
	(erf) = vpow2.f32 v11;
	v11 =	vmax.f32 v13, $-1.800000000e+01  }
0x40e: {  	v35 =	vpop (erf);
	v27 =	vld [tilespmem:s22+$0xFFFFFFC0];
	v11 =	vmin.f32 v11, $1.800000000e+01  }
0x40f: {  	v21 =	vld [tilespmem:s22+$0xFFFFFFE0];
	v57 =	vmax.f32 v14, $-1.800000000e+01;
	(erf) = vpow2.f32 v12;
	v25 =	vmul.f32 $9.182999730e-01, v11;
	v24 =	vpop (erf)  }
0x410: {  	v14 =	vld.idx.msk [tilespmem:v58+s23+$0x0], $0xffff;
	v12 =	vmin.f32 v57, $1.800000000e+01;
	v11 =	vmul.f32 $-3.660800220e+00, v11;
	(erf) = vrcp.f32 v23;
	v23 =	vpop (erf)  }
0x411: {  	v28 =	vld [tilespmem:s22+$0xFFFFFF90];
	v60 =	vmul.f32 $9.182999730e-01, v12;
	v25 =	vmul.f32 $1.442695020e+00, v25;
	v59 =	vpop (erf)  }
0x412: {  	s29 =	simm.s32 $0x1DBB0;
	v13 =	vld.idx.msk [tilespmem:v56+s23+$0x0], $0xffff;
	v12 =	vmul.f32 $-3.660800220e+00, v12;
	v11 =	vmul.f32 $1.442695020e+00, v11;
	v36 =	vadd.f32 $1.000000000e+00, v23;
	v61 =	vpop (erf)  }
0x413: {  	(erf) = vpow2.f32 v25;
	v23 =	vld [tilespmem:s29+$0x0];
	v38 =	vmul.f32 $1.080500010e+00, v59;
	v42 =	vpop (erf);
	v37 =	vadd.f32 $1.000000000e+00, v61  }
0x414: {  	v39 =	vmul.f32 $1.442695020e+00, v60;
	(erf) = vpow2.f32 v11;
	v11 =	vld.idx.msk [tilespmem:v26+s23+$0x0], $0xffff;
	v44 =	vpop (erf)  }
0x415: {  	v24 =	vmul.f32 $1.080500010e+00, v24;
	v63 =	vadd.f32 v38, v37;
	v38 =	vadd.f32 $1.000000000e+00, v44;
	v44 =	vld.idx.msk [tilespmem:v29+s23+$0x0], $0xffff  }
0x416: {  	v33 =	vadd.f32 v41, v33;
	v12 =	vmul.f32 $1.442695020e+00, v12;
	v25 =	vpop (erf);
	v29 =	vld.idx.msk [tilespmem:v55+s23+$0x0], $0xffff  }
0x417: {  	v31 =	vld.idx.msk [tilespmem:v31+s23+$0x0], $0xffff;
	v24 =	vadd.f32 v24, v36;
	(erf) = vpow2.f32 v39;
	v42 =	vmul.f32 $1.080500010e+00, v42;
	v26 =	vpop (erf)  }
0x418: {  	v30 =	vld.idx.msk [tilespmem:v30+s23+$0x0], $0xffff;
	v13 =	vadd.f32 v14, v13;
	v25 =	vmul.f32 $1.080500010e+00, v25;
	v62 =	vpop (erf);
	(erf) = vpow2.f32 v12  }
0x419: {  	v39 =	vadd.f32 $1.000000000e+00, v26;
	v11 =	vadd.f32 v11, v43;
	v45 =	vpop (erf);
	(erf) = vrcp.f32 v24;
	v24 =	vld.idx.msk [tilespmem:v28+s23+$0x0], $0xffff  }
0x41a: {  	v27 =	vld.idx.msk [tilespmem:v27+s23+$0x0], $0xffff;
	v26 =	vmul.f32 $1.080500010e+00, v62;
	v28 =	vpop (erf);
	(erf) = vrcp.f32 v63;
	v40 =	vadd.f32 $1.000000000e+00, v45  }
0x41b: {  	v48 =	vmul.f32 v28, v23;
	v23 =	vadd.f32 v42, v38;
	v12 =	vadd.f32 v29, v44  }
0x41c: {  	v47 =	vld.idx.msk [tilespmem:v21+s23+$0x0], $0xffff;
	v11 =	vmul.f32 $5.000000000e-01, v11;
	v28 =	vmul.f32 $5.000000000e-01, v33;
	v26 =	vadd.f32 v26, v40  }
0x41d: {  	v46 =	vand.u32 $0x7FFFFF, v48;
	(erf) = vrcp.f32 v23;
	v23 =	vld.idx.msk [tilespmem:v22+s23+$0x0], $0xffff;
	v12 =	vmul.f32 $5.000000000e-01, v12  }
0x41e: {  	v21 =	vor.u32 $0x3F800000, v46;
	(erf) = vrcp.f32 v28;
	v22 =	vadd.f32 v31, v24  }
0x41f: {  	v51 =	vadd.f32 $-1.000000000e+00, v21;
	v21 =	vadd.f32 v30, v27;
	(erf) = vrcp.f32 v11  }
0x420: {  	v48 =	vshra.s32 v48, $0x17;
	v24 =	vpop (erf);
	v11 =	vadd.f32 v25, v39;
	v25 =	vmul.f32 $5.000000000e-01, v22  }
0x421: {  	v48 =	vadd.s32 $0xFFFFFF81, v48;
	v28 =	vpop (erf);
	v27 =	vmul.f32 $0.0e+00, v51;
	v30 =	vmul.f32 $5.000000000e-01, v21  }
0x422: {  	v24 =	vmul.f32 $1.080500010e+00, v24;
	v22 =	vpop (erf);
	(erf) = vrcp.f32 v25;
	v23 =	vadd.f32 v23, v47  }
0x423: {  	v48 =	vcvt.s32.f32 v48;
	v25 =	vadd.f32 $-2.288060500e-03, v27;
	v21 =	vpop (erf);
	v27 =	vld [tilespmem:s29+$0xFFFFFFA0];
	(erf) = vrcp.f32 v30  }
0x424: {  	v41 =	vadd.f32 $1.000000000e+00, v28;
	v28 =	vld [tilespmem:s29+$0xFFFFFFB0];
	v42 =	vpop (erf);
	(erf) = vrcp.f32 v11;
	v23 =	vmul.f32 $5.000000000e-01, v23  }
0x425: {  	v11 =	vmul.f32 v25, v51;
	v43 =	vpop (erf);
	(erf) = vrcp.f32 v12  }
0x426: {  	v13 =	vmul.f32 $5.000000000e-01, v13;
	v54 =	vadd.f32 v24, v41;
	v44 =	vpop (erf);
	(erf) = vrcp.f32 v26  }
0x427: {  	v53 =	vld [tilespmem:s29+$0xFFFFFF90];
	v48 =	vmul.f32 $6.931471820e-01, v48;
	v11 =	vadd.f32 $1.514537260e-02, v11;
	v24 =	vpop (erf);
	(erf) = vrcp.f32 v23  }
0x428: {  	v23 =	vmul.f32 v24, v27;
	v24 =	vpop (erf);
	(erf) = vrcp.f32 v54  }
0x429: {  	v11 =	vmul.f32 v11, v51;
	v55 =	vmul.f32 v24, v28  }
0x42a: {  	v25 =	vld [tilespmem:s29+$0xFFFFFFC0];
	(erf) = vrcp.f32 v13;
	v56 =	vand.u32 $0x7FFFFF, v23;
	v27 =	vshra.s32 v23, $0x17  }
0x42b: {  	v11 =	vadd.f32 $-4.713346440e-02, v11;
	v13 =	vor.u32 $0x3F800000, v56;
	v23 =	vand.u32 $0x7FFFFF, v55;
	v26 =	vpop (erf)  }
0x42c: {  	v30 =	vshra.s32 v55, $0x17;
	v27 =	vadd.s32 $0xFFFFFF81, v27;
	v12 =	vmul.f32 v26, v53  }
0x42d: {  	v23 =	vor.u32 $0x3F800000, v23;
	v28 =	vadd.f32 $-1.000000000e+00, v13;
	v30 =	vadd.s32 $0xFFFFFF81, v30  }
0x42e: {  	v26 =	vpop (erf);
	v27 =	vcvt.s32.f32 v27;
	v11 =	vmul.f32 v11, v51;
	v29 =	vadd.f32 $-1.000000000e+00, v23  }
0x42f: {  	v24 =	vld [tilespmem:s29+$0xFFFFFFD0];
	v13 =	vmul.f32 v26, v25;
	v30 =	vcvt.s32.f32 v30;
	v58 =	vand.u32 $0x7FFFFF, v12  }
0x430: {  	v31 =	vshra.s32 v12, $0x17;
	v53 =	vmul.f32 $0.0e+00, v28;
	v27 =	vmul.f32 $6.931471820e-01, v27  }
0x431: {  	v57 =	vld [tilespmem:s29+$0xFFFFFFE0];
	v11 =	vadd.f32 $9.470379350e-02, v11;
	v59 =	vor.u32 $0x3F800000, v58;
	v60 =	vand.u32 $0x7FFFFF, v13  }
0x432: {  	v46 =	vpop (erf);
	v54 =	vmul.f32 $0.0e+00, v29;
	v52 =	vshra.s32 v13, $0x17;
	v31 =	vadd.s32 $0xFFFFFF81, v31  }
0x433: {  	v23 =	vpop (erf);
	v32 =	vadd.f32 $-1.000000000e+00, v59;
	v14 =	vor.u32 $0x3F800000, v60;
	v11 =	vmul.f32 v11, v51  }
0x434: {  	v49 =	vmul.f32 v23, v24;
	v47 =	vpop (erf);
	v13 =	vadd.f32 $-2.288060500e-03, v53;
	v33 =	vadd.f32 $-1.000000000e+00, v14  }
0x435: {  	v30 =	vmul.f32 $6.931471820e-01, v30;
	v61 =	vpop (erf);
	v14 =	vadd.f32 $-2.288060500e-03, v54;
	v11 =	vadd.f32 $-1.451764550e-01, v11  }
0x436: {  	v25 =	vld [tilespmem:s29+$0xFFFFFFF0];
	v24 =	vand.u32 $0x7FFFFF, v49;
	v23 =	vmul.f32 v61, v57;
	v63 =	vmul.f32 $0.0e+00, v32  }
0x437: {  	v13 =	vmul.f32 v13, v28;
	v62 =	vor.u32 $0x3F800000, v24;
	v11 =	vmul.f32 v11, v51  }
0x438: {  	v55 =	vmul.f32 $0.0e+00, v33;
	v14 =	vmul.f32 v14, v29;
	v50 =	vadd.f32 $-1.000000000e+00, v62  }
0x439: {  	v45 =	vpop (erf);
	v57 =	vand.u32 $0x7FFFFF, v23;
	v59 =	vadd.f32 $-2.288060500e-03, v63;
	v11 =	vadd.f32 $1.933763770e-01, v11  }
0x43a: {  	v13 =	vadd.f32 $1.514537260e-02, v13;
	v24 =	vpop (erf);
	v12 =	vor.u32 $0x3F800000, v57;
	v61 =	vadd.f32 $-2.288060500e-03, v55  }
0x43b: {  	v14 =	vadd.f32 $1.514537260e-02, v14;
	v24 =	vmul.f32 v24, v25;
	v11 =	vmul.f32 v11, v51  }
0x43c: {  	v25 =	vadd.f32 $-1.000000000e+00, v12;
	v56 =	vmul.f32 $0.0e+00, v50;
	v13 =	vmul.f32 v13, v28  }
0x43d: {  	v54 =	vmul.f32 v61, v33;
	v14 =	vmul.f32 v14, v29;
	v11 =	vadd.f32 $-2.486582100e-01, v11  }
0x43e: {  	v58 =	vand.u32 $0x7FFFFF, v24;
	v62 =	vadd.f32 $-2.288060500e-03, v56;
	v13 =	vadd.f32 $-4.713346440e-02, v13  }
0x43f: {  	v12 =	vor.u32 $0x3F800000, v58;
	v54 =	vadd.f32 $1.514537260e-02, v54;
	v11 =	vmul.f32 v11, v51  }
0x440: {  	v57 =	vmul.f32 $0.0e+00, v25;
	v14 =	vadd.f32 $-4.713346440e-02, v14;
	v26 =	vadd.f32 $-1.000000000e+00, v12  }
0x441: {  	v12 =	vmul.f32 v59, v32;
	v55 =	vmul.f32 v62, v50;
	v11 =	vadd.f32 $3.331669270e-01, v11  }
0x442: {  	v52 =	vadd.s32 $0xFFFFFF81, v52;
	v13 =	vmul.f32 v13, v28;
	v54 =	vmul.f32 v54, v33  }
0x443: {  	v63 =	vadd.f32 $-2.288060500e-03, v57;
	v14 =	vmul.f32 v14, v29;
	v11 =	vmul.f32 v11, v51  }
0x444: {  	v60 =	vmul.f32 $0.0e+00, v26;
	v12 =	vadd.f32 $1.514537260e-02, v12;
	v55 =	vadd.f32 $1.514537260e-02, v55  }
0x445: {  	v56 =	vmul.f32 v63, v25;
	v13 =	vadd.f32 $9.470379350e-02, v13;
	v11 =	vadd.f32 $-4.999887650e-01, v11  }
0x446: {  	v54 =	vadd.f32 $-4.713346440e-02, v54;
	v14 =	vadd.f32 $9.470379350e-02, v14;
	v12 =	vmul.f32 v12, v32  }
0x447: {  	v53 =	vadd.f32 $-2.288060500e-03, v60;
	v55 =	vmul.f32 v55, v50;
	v11 =	vmul.f32 v11, v51  }
0x448: {  	v56 =	vadd.f32 $1.514537260e-02, v56;
	v13 =	vmul.f32 v13, v28;
	v59 =	vmul.f32 v54, v33  }
0x449: {  	v14 =	vmul.f32 v14, v29;
	v12 =	vadd.f32 $-4.713346440e-02, v12;
	v11 =	vadd.f32 $9.999996420e-01, v11  }
0x44a: {  	v53 =	vmul.f32 v53, v26;
	v56 =	vmul.f32 v56, v25;
	v13 =	vadd.f32 $-1.451764550e-01, v13  }
0x44b: {  	v55 =	vadd.f32 $-4.713346440e-02, v55;
	v12 =	vmul.f32 v12, v32;
	v11 =	vmul.f32 v11, v51  }
0x44c: {  	v62 =	vadd.f32 $9.470379350e-02, v59;
	v53 =	vadd.f32 $1.514537260e-02, v53;
	v13 =	vmul.f32 v13, v28  }
0x44d: {  	v60 =	vmul.f32 v55, v50;
	v12 =	vadd.f32 $9.470379350e-02, v12;
	v11 =	vadd.f32 $2.413903740e-09, v11  }
0x44e: {  	v14 =	vadd.f32 $-1.451764550e-01, v14;
	v53 =	vmul.f32 v53, v26;
	v13 =	vadd.f32 $1.933763770e-01, v13  }
0x44f: {  	v63 =	vadd.f32 $9.470379350e-02, v60;
	v12 =	vmul.f32 v12, v32;
	v11 =	vadd.f32 v11, v48  }
0x450: {  	v14 =	vmul.f32 v14, v29;
	v58 =	vadd.f32 $-4.713346440e-02, v53;
	v13 =	vmul.f32 v13, v28  }
0x451: {  	v53 =	vmul.f32 v63, v50;
	v12 =	vadd.f32 $-1.451764550e-01, v12;
	v11 =	vmax.f32 v11, $-1.800000000e+01  }
0x452: {  	v13 =	vadd.f32 $-2.486582100e-01, v13;
	v51 =	vmul.f32 v58, v26;
	v11 =	vmin.f32 v11, $1.800000000e+01  }
0x453: {  	v56 =	vadd.f32 $-4.713346440e-02, v56;
	v12 =	vmul.f32 v12, v32;
	v58 =	vmul.f32 $9.182999730e-01, v11  }
0x454: {  	v53 =	vadd.f32 $-1.451764550e-01, v53;
	v13 =	vmul.f32 v13, v28;
	v11 =	vmul.f32 $-3.660800220e+00, v11  }
0x455: {  	v12 =	vadd.f32 $1.933763770e-01, v12;
	v48 =	vmul.f32 v62, v33;
	v55 =	vmul.f32 $1.442695020e+00, v58  }
0x456: {  	v53 =	vmul.f32 v53, v50;
	v13 =	vadd.f32 $3.331669270e-01, v13;
	v11 =	vmul.f32 $1.442695020e+00, v11  }
0x457: {  	v12 =	vmul.f32 v12, v32;
	v48 =	vadd.f32 $-1.451764550e-01, v48;
	(erf) = vpow2.f32 v55  }
0x458: {  	v13 =	vmul.f32 v13, v28;
	(erf) = vpow2.f32 v11;
	v11 =	vadd.f32 $1.933763770e-01, v14  }
0x459: {  	v60 =	vadd.f32 $1.933763770e-01, v53;
	v12 =	vadd.f32 $-2.486582100e-01, v12;
	v48 =	vmul.f32 v48, v33  }
0x45a: {  	v61 =	vmul.f32 v56, v25;
	v13 =	vadd.f32 $-4.999887650e-01, v13;
	v11 =	vmul.f32 v11, v29  }
0x45b: {  	v12 =	vmul.f32 v12, v32;
	v59 =	vadd.f32 $1.933763770e-01, v48;
	v48 =	vmul.f32 v60, v50  }
0x45c: {  	v57 =	vadd.f32 $9.470379350e-02, v61;
	v13 =	vmul.f32 v13, v28;
	v11 =	vadd.f32 $-2.486582100e-01, v11  }
0x45d: {  	v12 =	vadd.f32 $3.331669270e-01, v12;
	v48 =	vadd.f32 $-2.486582100e-01, v48;
	v14 =	vmul.f32 v59, v33  }
0x45e: {  	v61 =	vmul.f32 v57, v25;
	v13 =	vadd.f32 $9.999996420e-01, v13;
	v11 =	vmul.f32 v11, v29  }
0x45f: {  	v12 =	vmul.f32 v12, v32;
	v48 =	vmul.f32 v48, v50;
	v14 =	vadd.f32 $-2.486582100e-01, v14  }
0x460: {  	v51 =	vadd.f32 $9.470379350e-02, v51;
	v13 =	vmul.f32 v13, v28;
	v11 =	vadd.f32 $3.331669270e-01, v11  }
0x461: {  	v12 =	vadd.f32 $-4.999887650e-01, v12;
	v60 =	vadd.f32 $3.331669270e-01, v48;
	v14 =	vmul.f32 v14, v33  }
0x462: {  	v53 =	vadd.f32 $-1.451764550e-01, v61;
	v13 =	vadd.f32 $2.413903740e-09, v13;
	v11 =	vmul.f32 v11, v29  }
0x463: {  	v12 =	vmul.f32 v12, v32;
	v61 =	vmul.f32 v60, v50;
	v14 =	vadd.f32 $3.331669270e-01, v14  }
0x464: {  	v49 =	vshra.s32 v49, $0x17;
	v13 =	vadd.f32 v13, v27;
	v11 =	vadd.f32 $-4.999887650e-01, v11  }
0x465: {  	v12 =	vadd.f32 $9.999996420e-01, v12;
	v55 =	vadd.f32 $-4.999887650e-01, v61;
	v14 =	vmul.f32 v14, v33  }
0x466: {  	v51 =	vmul.f32 v51, v26;
	v13 =	vmax.f32 v13, $-1.800000000e+01;
	v11 =	vmul.f32 v11, v29  }
0x467: {  	v62 =	vpop (erf);
	v12 =	vmul.f32 v12, v32;
	v55 =	vmul.f32 v55, v50;
	v14 =	vadd.f32 $-4.999887650e-01, v14  }
0x468: {  	v63 =	vpop (erf);
	v54 =	vmul.f32 $1.080500010e+00, v62;
	v62 =	vadd.s32 $0xFFFFFF81, v49;
	v11 =	vadd.f32 $9.999996420e-01, v11  }
0x469: {  	v48 =	vadd.f32 $1.000000000e+00, v63;
	v55 =	vadd.f32 $9.999996420e-01, v55;
	v14 =	vmul.f32 v14, v33  }
0x46a: {  	v12 =	vadd.f32 $2.413903740e-09, v12;
	v11 =	vmul.f32 v11, v29;
	v29 =	vcvt.s32.f32 v31  }
0x46b: {  	v32 =	vcvt.s32.f32 v62;
	v28 =	vmul.f32 v55, v50;
	v14 =	vadd.f32 $9.999996420e-01, v14  }
0x46c: {  	v54 =	vadd.f32 v54, v48;
	v31 =	vcvt.s32.f32 v52;
	v29 =	vmul.f32 $6.931471820e-01, v29  }
0x46d: {  	v28 =	vadd.f32 $2.413903740e-09, v28;
	v14 =	vmul.f32 v14, v33;
	v11 =	vadd.f32 $2.413903740e-09, v11  }
0x46e: {  	v12 =	vadd.f32 v12, v29;
	v29 =	vmul.f32 $6.931471820e-01, v31;
	v31 =	vmul.f32 $6.931471820e-01, v32  }
0x46f: {  	s30 =	simm.s32 $0x1BC30;
	v13 =	vmin.f32 v13, $1.800000000e+01;
	v14 =	vadd.f32 $2.413903740e-09, v14;
	v11 =	vadd.f32 v11, v30  }
0x470: {  	s13 =	simm.s32 $0x1CC30;
	v63 =	vmul.f32 v53, v25;
	(erf) = vrcp.f32 v54;
	v27 =	vadd.f32 v28, v31;
	v28 =	vld [tilespmem:s30+$0x0]  }
0x471: {  	v14 =	vadd.f32 v14, v29;
	v12 =	vmax.f32 v12, $-1.800000000e+01;
	v11 =	vmax.f32 v11, $-1.800000000e+01;
	v29 =	vld [tilespmem:s13+$0x0]  }
0x472: {  	v31 =	vmul.f32 $9.182999730e-01, v13;
	v13 =	vmul.f32 $-3.660800220e+00, v13;
	v12 =	vmin.f32 v12, $1.800000000e+01  }
0x473: {  	v11 =	vmin.f32 v11, $1.800000000e+01;
	v30 =	vmul.f32 $9.182999730e-01, v12;
	v12 =	vmul.f32 $-3.660800220e+00, v12  }
0x474: {  	v14 =	vmax.f32 v14, $-1.800000000e+01;
	v53 =	vmul.f32 $9.182999730e-01, v11;
	v11 =	vmul.f32 $-3.660800220e+00, v11  }
0x475: {  	v31 =	vmul.f32 $1.442695020e+00, v31;
	v13 =	vmul.f32 $1.442695020e+00, v13;
	v14 =	vmin.f32 v14, $1.800000000e+01  }
0x476: {  	v27 =	vmax.f32 v27, $-1.800000000e+01;
	v54 =	vmul.f32 $9.182999730e-01, v14;
	v30 =	vmul.f32 $1.442695020e+00, v30  }
0x477: {  	v27 =	vmin.f32 v27, $1.800000000e+01;
	v14 =	vmul.f32 $-3.660800220e+00, v14;
	v12 =	vmul.f32 $1.442695020e+00, v12  }
0x478: {  	v55 =	vmul.f32 $9.182999730e-01, v27;
	(erf) = vpow2.f32 v30;
	v28 =	vld.idx.msk [tilespmem:v28+s23+$0x0], $0xffff  }
0x479: {  	v27 =	vmul.f32 $-3.660800220e+00, v27;
	(erf) = vpow2.f32 v12;
	v29 =	vld.idx.msk [tilespmem:v29+s23+$0x0], $0xffff  }
0x47a: {  	v56 =	vmul.f32 $1.442695020e+00, v53;
	(erf) = vpow2.f32 v31  }
0x47b: {  	v11 =	vmul.f32 $1.442695020e+00, v11;
	(erf) = vpow2.f32 v13  }
0x47c: {  	v57 =	vmul.f32 $1.442695020e+00, v54;
	(erf) = vpow2.f32 v56  }
0x47d: {  	v58 =	vmul.f32 $1.442695020e+00, v14;
	(erf) = vpow2.f32 v11  }
0x47e: {  	v11 =	vmul.f32 $1.442695020e+00, v55;
	(erf) = vpow2.f32 v57;
	v59 =	vadd.f32 v29, v28  }
0x47f: {  	v27 =	vmul.f32 $1.442695020e+00, v27;
	(erf) = vpow2.f32 v58  }
0x480: {  	v60 =	vadd.f32 $-1.451764550e-01, v51;
	v53 =	vpop (erf);
	(erf) = vpow2.f32 v11;
	v61 =	vmul.f32 $5.000000000e-01, v59  }
0x481: {  	v62 =	vadd.f32 $1.933763770e-01, v63;
	v13 =	vpop (erf);
	(erf) = vpow2.f32 v27  }
0x482: {  	v11 =	vmul.f32 v60, v26;
	v63 =	vpop (erf);
	(erf) = vrcp.f32 v61  }
0x483: {  	v14 =	vmul.f32 v62, v25;
	v27 =	vpop (erf)  }
0x484: {  	v11 =	vadd.f32 $1.933763770e-01, v11;
	v28 =	vpop (erf)  }
0x485: {  	v14 =	vadd.f32 $-2.486582100e-01, v14;
	v29 =	vpop (erf)  }
0x486: {  	s16 =	simm.s32 $0x1DC30;
	v11 =	vmul.f32 v11, v26;
	v30 =	vpop (erf)  }
0x487: {  	v31 =	vld [tilespmem:s16+$0x0];
	v14 =	vmul.f32 v14, v25;
	v51 =	vpop (erf)  }
0x488: {  	v11 =	vadd.f32 $-2.486582100e-01, v11;
	v52 =	vpop (erf)  }
0x489: {  	v14 =	vadd.f32 $3.331669270e-01, v14;
	v54 =	vpop (erf)  }
0x48a: {  	v11 =	vmul.f32 v11, v26;
	v55 =	vpop (erf)  }
0x48b: {  	v14 =	vmul.f32 v14, v25;
	v59 =	vpop (erf)  }
0x48c: {  	v11 =	vadd.f32 $3.331669270e-01, v11;
	v33 =	vmul.f32 v59, v31  }
0x48d: {  	v14 =	vadd.f32 $-4.999887650e-01, v14  }
0x48e: {  	v11 =	vmul.f32 v11, v26;
	v31 =	vand.u32 $0x7FFFFF, v33  }
0x48f: {  	v14 =	vmul.f32 v14, v25;
	v31 =	vor.u32 $0x3F800000, v31  }
0x490: {  	v11 =	vadd.f32 $-4.999887650e-01, v11;
	v32 =	vadd.f32 $-1.000000000e+00, v31  }
0x491: {  	v23 =	vshra.s32 v23, $0x17;
	v14 =	vadd.f32 $9.999996420e-01, v14  }
0x492: {  	v23 =	vadd.s32 $0xFFFFFF81, v23;
	v11 =	vmul.f32 v11, v26;
	v31 =	vmul.f32 $0.0e+00, v32  }
0x493: {  	v23 =	vcvt.s32.f32 v23;
	v24 =	vshra.s32 v24, $0x17;
	v14 =	vmul.f32 v14, v25  }
0x494: {  	v24 =	vadd.s32 $0xFFFFFF81, v24;
	v11 =	vadd.f32 $9.999996420e-01, v11;
	v25 =	vadd.f32 $-2.288060500e-03, v31  }
0x495: {  	v23 =	vmul.f32 $6.931471820e-01, v23;
	v24 =	vcvt.s32.f32 v24;
	v14 =	vadd.f32 $2.413903740e-09, v14  }
0x496: {  	v49 =	vld [tilespmem:s13+$0xFFFFFFB0];
	v11 =	vmul.f32 v11, v26;
	v25 =	vmul.f32 v25, v32  }
0x497: {  	v14 =	vadd.f32 v14, v23;
	v23 =	vld [tilespmem:s13+$0xFFFFFFA0]  }
0x498: {  	v24 =	vmul.f32 $6.931471820e-01, v24;
	v11 =	vadd.f32 $2.413903740e-09, v11;
	v25 =	vadd.f32 $1.514537260e-02, v25  }
0x499: {  	v31 =	vld [tilespmem:s30+$0xFFFFFFA0]  }
0x49a: {  	v14 =	vmax.f32 v14, $-1.800000000e+01;
	v11 =	vadd.f32 v11, v24;
	v24 =	vld [tilespmem:s30+$0xFFFFFFB0];
	v25 =	vmul.f32 v25, v32  }
0x49b: {  	v22 =	vmul.f32 $1.080500010e+00, v22;
	v21 =	vadd.f32 $1.000000000e+00, v21;
	v14 =	vmin.f32 v14, $1.800000000e+01;
	v26 =	vld [tilespmem:s13+$0xFFFFFF90]  }
0x49c: {  	v50 =	vld [tilespmem:s30+$0xFFFFFF90];
	v60 =	vmul.f32 $9.182999730e-01, v14;
	v25 =	vadd.f32 $-4.713346440e-02, v25  }
0x49d: {  	v62 =	vadd.f32 v22, v21  }
0x49e: {  	v49 =	vld.idx.msk [tilespmem:v49+s23+$0x0], $0xffff;
	v56 =	vmul.f32 $1.442695020e+00, v60;
	v11 =	vmax.f32 v11, $-1.800000000e+01;
	v25 =	vmul.f32 v25, v32  }
0x49f: {  	v13 =	vmul.f32 $1.080500010e+00, v13;
	v14 =	vmul.f32 $-3.660800220e+00, v14;
	v58 =	vld.idx.msk [tilespmem:v23+s23+$0x0], $0xffff;
	v11 =	vmin.f32 v11, $1.800000000e+01  }
0x4a0: {  	(erf) = vpow2.f32 v56;
	v56 =	vld [tilespmem:s13+$0xFFFFFFD0];
	v61 =	vmul.f32 $9.182999730e-01, v11;
	v25 =	vadd.f32 $9.470379350e-02, v25  }
0x4a1: {  	v14 =	vmul.f32 $1.442695020e+00, v14;
	v23 =	vadd.f32 $1.000000000e+00, v63;
	v11 =	vmul.f32 $-3.660800220e+00, v11;
	v31 =	vld.idx.msk [tilespmem:v31+s23+$0x0], $0xffff  }
0x4a2: {  	v22 =	vadd.f32 $1.000000000e+00, v28;
	v57 =	vmul.f32 $1.442695020e+00, v61;
	v63 =	vld.idx.msk [tilespmem:v24+s23+$0x0], $0xffff;
	v24 =	vmul.f32 v25, v32  }
0x4a3: {  	(erf) = vpow2.f32 v14;
	v13 =	vadd.f32 v13, v23;
	v26 =	vld.idx.msk [tilespmem:v26+s23+$0x0], $0xffff;
	v11 =	vmul.f32 $1.442695020e+00, v11  }
0x4a4: {  	(erf) = vpow2.f32 v57;
	v25 =	vmul.f32 $1.080500010e+00, v27;
	v27 =	vld.idx.msk [tilespmem:v50+s23+$0x0], $0xffff;
	v28 =	vadd.f32 $-1.451764550e-01, v24  }
0x4a5: {  	v29 =	vmul.f32 $1.080500010e+00, v29;
	v14 =	vld [tilespmem:s13+$0xFFFFFFC0];
	(erf) = vpow2.f32 v11;
	v24 =	vadd.f32 $1.000000000e+00, v30  }
0x4a6: {  	(erf) = vrcp.f32 v13;
	v11 =	vadd.f32 v25, v22;
	v57 =	vmul.f32 v28, v32  }
0x4a7: {  	v59 =	vadd.f32 v58, v31;
	(erf) = vrcp.f32 v62;
	v25 =	vadd.f32 v29, v24  }
0x4a8: {  	(erf) = vrcp.f32 v11;
	v11 =	vadd.f32 v49, v63;
	v13 =	vadd.f32 $1.933763770e-01, v57  }
0x4a9: {  	v12 =	vmul.f32 $5.000000000e-01, v59;
	v28 =	vld [tilespmem:s30+$0xFFFFFFC0];
	(erf) = vrcp.f32 v25;
	v25 =	vadd.f32 v26, v27  }
0x4aa: {  	v11 =	vmul.f32 $5.000000000e-01, v11;
	v13 =	vmul.f32 v13, v32  }
0x4ab: {  	v56 =	vld.idx.msk [tilespmem:v56+s23+$0x0], $0xffff;
	(erf) = vrcp.f32 v12;
	v60 =	vmul.f32 $5.000000000e-01, v25  }
0x4ac: {  	v58 =	vpop (erf);
	v26 =	vld [tilespmem:s30+$0xFFFFFFD0];
	(erf) = vrcp.f32 v11;
	v11 =	vadd.f32 $-2.486582100e-01, v13  }
0x4ad: {  	v14 =	vld.idx.msk [tilespmem:v14+s23+$0x0], $0xffff;
	v59 =	vpop (erf);
	(erf) = vrcp.f32 v60  }
0x4ae: {  	v61 =	vld [tilespmem:s16+$0xFFFFFF90];
	v49 =	vpop (erf);
	v11 =	vmul.f32 v11, v32  }
0x4af: {  	v57 =	vld [tilespmem:s30+$0xFFFFFFE0];
	v50 =	vpop (erf)  }
0x4b0: {  	v12 =	vld [tilespmem:s30+$0xFFFFFFF0];
	v31 =	vpop (erf);
	v11 =	vadd.f32 $3.331669270e-01, v11  }
0x4b1: {  	v27 =	vpop (erf);
	v28 =	vld.idx.msk [tilespmem:v28+s23+$0x0], $0xffff  }
0x4b2: {  	v13 =	vld [tilespmem:s13+$0xFFFFFFE0];
	v29 =	vpop (erf);
	v11 =	vmul.f32 v11, v32  }
0x4b3: {  	v48 =	vmul.f32 v53, v48;
	v60 =	vld [tilespmem:s13+$0xFFFFFFF0];
	v30 =	vpop (erf)  }
0x4b4: {  	v53 =	vmul.f32 v42, v36;
	v42 =	vmul.f32 v43, v37;
	v62 =	vld.idx.msk [tilespmem:v26+s23+$0x0], $0xffff;
	v15 =	vpop (erf);
	v11 =	vadd.f32 $-4.999887650e-01, v11  }
0x4b5: {  	v37 =	vmul.f32 v44, v38;
	v25 =	vadd.f32 $1.000000000e+00, v52;
	v52 =	vmul.f32 $1.080500010e+00, v54;
	v54 =	vpop (erf)  }
0x4b6: {  	v38 =	vmul.f32 v46, v39;
	v14 =	vadd.f32 v14, v28;
	v28 =	vpop (erf);
	v11 =	vmul.f32 v11, v32  }
0x4b7: {  	v33 =	vshra.s32 v33, $0x17;
	v63 =	vmul.f32 $1.080500010e+00, v51;
	v51 =	vmul.f32 v28, v61  }
0x4b8: {  	v33 =	vadd.s32 $0xFFFFFF81, v33;
	v26 =	vadd.f32 $1.000000000e+00, v55;
	v55 =	vld.idx.msk [tilespmem:v57+s23+$0x0], $0xffff;
	v11 =	vadd.f32 $9.999996420e-01, v11  }
0x4b9: {  	v12 =	vld.idx.msk [tilespmem:v12+s23+$0x0], $0xffff;
	v56 =	vadd.f32 v56, v62;
	v28 =	vadd.f32 $1.000000000e+00, v59;
	v59 =	vand.u32 $0x7FFFFF, v51  }
0x4ba: {  	v13 =	vld.idx.msk [tilespmem:v13+s23+$0x0], $0xffff;
	v61 =	vcvt.s32.f32 v33;
	v59 =	vor.u32 $0x3F800000, v59;
	v11 =	vmul.f32 v11, v32  }
0x4bb: {  	v57 =	vadd.f32 v63, v25;
	v60 =	vld.idx.msk [tilespmem:v60+s23+$0x0], $0xffff;
	v14 =	vmul.f32 $5.000000000e-01, v14;
	v59 =	vadd.f32 $-1.000000000e+00, v59  }
0x4bc: {  	v56 =	vmul.f32 $5.000000000e-01, v56;
	v32 =	vmul.f32 $6.931471820e-01, v61;
	v11 =	vadd.f32 $2.413903740e-09, v11  }
0x4bd: {  	v52 =	vadd.f32 v52, v26;
	(erf) = vrcp.f32 v14;
	v63 =	vmul.f32 $0.0e+00, v59  }
0x4be: {  	v62 =	vmul.f32 $1.080500010e+00, v58;
	(erf) = vrcp.f32 v57;
	v11 =	vadd.f32 v11, v32  }
0x4bf: {  	v13 =	vadd.f32 v13, v55;
	(erf) = vrcp.f32 v56;
	v14 =	vadd.f32 $-2.288060500e-03, v63  }
0x4c0: {  	v12 =	vadd.f32 v60, v12;
	(erf) = vrcp.f32 v52;
	v11 =	vmax.f32 v11, $-1.800000000e+01  }
0x4c1: {  	v13 =	vmul.f32 $5.000000000e-01, v13;
	v14 =	vmul.f32 v14, v59;
	v11 =	vmin.f32 v11, $1.800000000e+01  }
0x4c2: {  	v33 =	vadd.f32 v62, v28;
	v61 =	vld [tilespmem:s16+$0xFFFFFFB0];
	v12 =	vmul.f32 $5.000000000e-01, v12;
	v55 =	vmul.f32 $9.182999730e-01, v11  }
0x4c3: {  	v60 =	vld [tilespmem:s16+$0xFFFFFFA0];
	(erf) = vrcp.f32 v13;
	v14 =	vadd.f32 $1.514537260e-02, v14;
	v11 =	vmul.f32 $-3.660800220e+00, v11  }
0x4c4: {  	(erf) = vrcp.f32 v33;
	v56 =	vmul.f32 $1.442695020e+00, v55  }
0x4c5: {  	v57 =	vmul.f32 v14, v59;
	v11 =	vmul.f32 $1.442695020e+00, v11  }
0x4c6: {  	v39 =	vmul.f32 v47, v40;
	(erf) = vrcp.f32 v12  }
0x4c7: {  	v44 =	vmul.f32 v54, v61;
	(erf) = vpow2.f32 v56;
	v58 =	vadd.f32 $-4.713346440e-02, v57  }
0x4c8: {  	v43 =	vmul.f32 v15, v60;
	(erf) = vpow2.f32 v11  }
0x4c9: {  	v60 =	vld [tilespmem:s16+$0xFFFFFFE0];
	v61 =	vand.u32 $0x7FFFFF, v44;
	v44 =	vshra.s32 v44, $0x17;
	v11 =	vpop (erf);
	v12 =	vmul.f32 v58, v59  }
0x4ca: {  	v40 =	vmul.f32 v45, v41;
	v49 =	vmul.f32 $1.080500010e+00, v49;
	v44 =	vadd.s32 $0xFFFFFF81, v44;
	v32 =	vpop (erf)  }
0x4cb: {  	v62 =	vld [tilespmem:s16+$0xFFFFFFD0];
	v57 =	vand.u32 $0x7FFFFF, v43;
	v43 =	vshra.s32 v43, $0x17;
	v13 =	vpop (erf);
	v12 =	vadd.f32 $9.470379350e-02, v12  }
0x4cc: {  	v52 =	vmul.f32 v35, v34;
	v44 =	vcvt.s32.f32 v44;
	v43 =	vadd.s32 $0xFFFFFF81, v43;
	v33 =	vpop (erf)  }
0x4cd: {  	v36 =	vld [tilespmem:s16+$0xFFFFFFC0];
	v43 =	vcvt.s32.f32 v43;
	v55 =	vpop (erf);
	v12 =	vmul.f32 v12, v59  }
0x4ce: {  	v44 =	vmul.f32 $6.931471820e-01, v44;
	v35 =	vor.u32 $0x3F800000, v57;
	v34 =	vpop (erf);
	v45 =	vmul.f32 v55, v60  }
0x4cf: {  	v35 =	vadd.f32 $-1.000000000e+00, v35;
	v43 =	vmul.f32 $6.931471820e-01, v43;
	v58 =	vpop (erf);
	v12 =	vadd.f32 $-1.451764550e-01, v12  }
0x4d0: {  	v47 =	vmul.f32 v13, v62;
	v62 =	vor.u32 $0x3F800000, v61;
	v63 =	vpop (erf);
	v41 =	vand.u32 $0x7FFFFF, v45  }
0x4d1: {  	v45 =	vshra.s32 v45, $0x17;
	v46 =	vpop (erf);
	v12 =	vmul.f32 v12, v59;
	v15 =	vmul.f32 $1.080500010e+00, v63  }
0x4d2: {  	v45 =	vadd.s32 $0xFFFFFF81, v45;
	v14 =	vadd.f32 $1.000000000e+00, v46;
	v46 =	vmul.f32 v11, v36  }
0x4d3: {  	v11 =	vld [tilespmem:s16+$0xFFFFFFF0];
	v36 =	vadd.f32 $-1.000000000e+00, v62;
	v45 =	vcvt.s32.f32 v45;
	v12 =	vadd.f32 $1.933763770e-01, v12  }
0x4d4: {  	v15 =	vadd.f32 v15, v14;
	v63 =	vand.u32 $0x7FFFFF, v46;
	v46 =	vshra.s32 v46, $0x17  }
0x4d5: {  	v12 =	vmul.f32 v12, v59;
	v13 =	vor.u32 $0x3F800000, v63;
	v63 =	vshra.s32 v51, $0x17  }
0x4d6: {  	v46 =	vadd.s32 $0xFFFFFF81, v46;
	(erf) = vrcp.f32 v15;
	v15 =	vand.u32 $0x7FFFFF, v47  }
0x4d7: {  	v56 =	vadd.f32 $-1.000000000e+00, v13;
	v13 =	vor.u32 $0x3F800000, v41;
	v46 =	vcvt.s32.f32 v46  }
0x4d8: {  	v47 =	vshra.s32 v47, $0x17;
	v54 =	vmul.f32 v58, v11;
	v11 =	vmul.f32 $0.0e+00, v35  }
0x4d9: {  	v12 =	vadd.f32 $-2.486582100e-01, v12;
	v15 =	vor.u32 $0x3F800000, v15;
	v58 =	vadd.f32 $-1.000000000e+00, v13  }
0x4da: {  	v57 =	vadd.f32 $-1.000000000e+00, v15;
	v15 =	vmul.f32 $0.0e+00, v36;
	v11 =	vadd.f32 $-2.288060500e-03, v11  }
0x4db: {  	v47 =	vadd.s32 $0xFFFFFF81, v47;
	v12 =	vmul.f32 v12, v59;
	v55 =	vand.u32 $0x7FFFFF, v54  }
0x4dc: {  	v13 =	vor.u32 $0x3F800000, v55;
	v15 =	vadd.f32 $-2.288060500e-03, v15;
	v11 =	vmul.f32 v11, v35  }
0x4dd: {  	v12 =	vadd.f32 $3.331669270e-01, v12;
	v55 =	vadd.f32 $-1.000000000e+00, v13;
	v13 =	vmul.f32 $0.0e+00, v58  }
0x4de: {  	v60 =	vmul.f32 $0.0e+00, v56;
	v15 =	vmul.f32 v15, v36;
	v11 =	vadd.f32 $1.514537260e-02, v11  }
0x4df: {  	v47 =	vcvt.s32.f32 v47;
	v12 =	vmul.f32 v12, v59;
	v13 =	vadd.f32 $-2.288060500e-03, v13  }
0x4e0: {  	v61 =	vmul.f32 $0.0e+00, v57;
	v15 =	vadd.f32 $1.514537260e-02, v15;
	v41 =	vpop (erf);
	v11 =	vmul.f32 v11, v35  }
0x4e1: {  	v12 =	vadd.f32 $-4.999887650e-01, v12;
	v13 =	vmul.f32 v13, v58;
	v41 =	vmul.f32 v41, v14  }
0x4e2: {  	v14 =	vadd.f32 $-2.288060500e-03, v60;
	v60 =	vadd.f32 $-2.288060500e-03, v61;
	v15 =	vmul.f32 v15, v36  }
0x4e3: {  	v12 =	vmul.f32 v12, v59;
	v11 =	vadd.f32 $-4.713346440e-02, v11;
	v13 =	vadd.f32 $1.514537260e-02, v13  }
0x4e4: {  	v14 =	vmul.f32 v14, v56;
	v60 =	vmul.f32 v60, v57;
	v15 =	vadd.f32 $-4.713346440e-02, v15  }
0x4e5: {  	v12 =	vadd.f32 $9.999996420e-01, v12;
	v11 =	vmul.f32 v11, v35;
	v13 =	vmul.f32 v13, v58  }
0x4e6: {  	v14 =	vadd.f32 $1.514537260e-02, v14;
	v60 =	vadd.f32 $1.514537260e-02, v60;
	v15 =	vmul.f32 v15, v36  }
0x4e7: {  	v12 =	vmul.f32 v12, v59;
	v59 =	vmul.f32 $0.0e+00, v55;
	v11 =	vadd.f32 $9.470379350e-02, v11  }
0x4e8: {  	v13 =	vadd.f32 $-4.713346440e-02, v13;
	v14 =	vmul.f32 v14, v56;
	v60 =	vmul.f32 v60, v57  }
0x4e9: {  	v15 =	vadd.f32 $9.470379350e-02, v15;
	v59 =	vadd.f32 $-2.288060500e-03, v59;
	v11 =	vmul.f32 v11, v35  }
0x4ea: {  	v13 =	vmul.f32 v13, v58;
	v12 =	vadd.f32 $2.413903740e-09, v12;
	v14 =	vadd.f32 $-4.713346440e-02, v14  }
0x4eb: {  	v60 =	vadd.f32 $-4.713346440e-02, v60;
	v15 =	vmul.f32 v15, v36;
	v59 =	vmul.f32 v59, v55  }
0x4ec: {  	v11 =	vadd.f32 $-1.451764550e-01, v11;
	v13 =	vadd.f32 $9.470379350e-02, v13;
	v14 =	vmul.f32 v14, v56  }
0x4ed: {  	v60 =	vmul.f32 v60, v57;
	v15 =	vadd.f32 $-1.451764550e-01, v15;
	v59 =	vadd.f32 $1.514537260e-02, v59  }
0x4ee: {  	v11 =	vmul.f32 v11, v35;
	v13 =	vmul.f32 v13, v58;
	v14 =	vadd.f32 $9.470379350e-02, v14  }
0x4ef: {  	v60 =	vadd.f32 $9.470379350e-02, v60;
	v15 =	vmul.f32 v15, v36;
	v59 =	vmul.f32 v59, v55  }
0x4f0: {  	v11 =	vadd.f32 $1.933763770e-01, v11;
	v13 =	vadd.f32 $-1.451764550e-01, v13;
	v14 =	vmul.f32 v14, v56  }
0x4f1: {  	v60 =	vmul.f32 v60, v57;
	v15 =	vadd.f32 $1.933763770e-01, v15;
	v59 =	vadd.f32 $-4.713346440e-02, v59  }
0x4f2: {  	v11 =	vmul.f32 v11, v35;
	v13 =	vmul.f32 v13, v58;
	v14 =	vadd.f32 $-1.451764550e-01, v14  }
0x4f3: {  	v60 =	vadd.f32 $-1.451764550e-01, v60;
	v15 =	vmul.f32 v15, v36;
	v59 =	vmul.f32 v59, v55  }
0x4f4: {  	v11 =	vadd.f32 $-2.486582100e-01, v11;
	v13 =	vadd.f32 $1.933763770e-01, v13;
	v14 =	vmul.f32 v14, v56  }
0x4f5: {  	v60 =	vmul.f32 v60, v57;
	v15 =	vadd.f32 $-2.486582100e-01, v15;
	v59 =	vadd.f32 $9.470379350e-02, v59  }
0x4f6: {  	v11 =	vmul.f32 v11, v35;
	v13 =	vmul.f32 v13, v58;
	v14 =	vadd.f32 $1.933763770e-01, v14  }
0x4f7: {  	v60 =	vadd.f32 $1.933763770e-01, v60;
	v15 =	vmul.f32 v15, v36;
	v59 =	vmul.f32 v59, v55  }
0x4f8: {  	v11 =	vadd.f32 $3.331669270e-01, v11;
	v13 =	vadd.f32 $-2.486582100e-01, v13;
	v14 =	vmul.f32 v14, v56  }
0x4f9: {  	v60 =	vmul.f32 v60, v57;
	v15 =	vadd.f32 $3.331669270e-01, v15;
	v59 =	vadd.f32 $-1.451764550e-01, v59  }
0x4fa: {  	v11 =	vmul.f32 v11, v35;
	v13 =	vmul.f32 v13, v58;
	v14 =	vadd.f32 $-2.486582100e-01, v14  }
0x4fb: {  	v60 =	vadd.f32 $-2.486582100e-01, v60;
	v15 =	vmul.f32 v15, v36;
	v59 =	vmul.f32 v59, v55  }
0x4fc: {  	v11 =	vadd.f32 $-4.999887650e-01, v11;
	v13 =	vadd.f32 $3.331669270e-01, v13;
	v14 =	vmul.f32 v14, v56  }
0x4fd: {  	v60 =	vmul.f32 v60, v57;
	v15 =	vadd.f32 $-4.999887650e-01, v15;
	v59 =	vadd.f32 $1.933763770e-01, v59  }
0x4fe: {  	v11 =	vmul.f32 v11, v35;
	v13 =	vmul.f32 v13, v58;
	v14 =	vadd.f32 $3.331669270e-01, v14  }
0x4ff: {  	v60 =	vadd.f32 $3.331669270e-01, v60;
	v15 =	vmul.f32 v15, v36;
	v59 =	vmul.f32 v59, v55  }
0x500: {  	v11 =	vadd.f32 $9.999996420e-01, v11;
	v13 =	vadd.f32 $-4.999887650e-01, v13;
	v14 =	vmul.f32 v14, v56  }
0x501: {  	v60 =	vmul.f32 v60, v57;
	v15 =	vadd.f32 $9.999996420e-01, v15;
	v59 =	vadd.f32 $-2.486582100e-01, v59  }
0x502: {  	v11 =	vmul.f32 v11, v35;
	v35 =	vadd.f32 $1.000000000e+00, v50;
	v13 =	vmul.f32 v13, v58  }
0x503: {  	v46 =	vmul.f32 $6.931471820e-01, v46;
	v14 =	vadd.f32 $-4.999887650e-01, v14;
	v60 =	vadd.f32 $-4.999887650e-01, v60  }
0x504: {  	v15 =	vmul.f32 v15, v36;
	v59 =	vmul.f32 v59, v55;
	v13 =	vadd.f32 $9.999996420e-01, v13  }
0x505: {  	v36 =	vadd.f32 v49, v35;
	v11 =	vadd.f32 $2.413903740e-09, v11;
	v14 =	vmul.f32 v14, v56  }
0x506: {  	v60 =	vmul.f32 v60, v57;
	v15 =	vadd.f32 $2.413903740e-09, v15;
	v59 =	vadd.f32 $3.331669270e-01, v59  }
0x507: {  	v13 =	vmul.f32 v13, v58;
	v11 =	vadd.f32 v11, v43;
	v14 =	vadd.f32 $9.999996420e-01, v14  }
0x508: {  	v47 =	vmul.f32 $6.931471820e-01, v47;
	v60 =	vadd.f32 $9.999996420e-01, v60;
	v15 =	vadd.f32 v15, v44  }
0x509: {  	v50 =	vmul.f32 v59, v55;
	v13 =	vadd.f32 $2.413903740e-09, v13;
	v59 =	vmul.f32 $6.931471820e-01, v45  }
0x50a: {  	v11 =	vmax.f32 v11, $-1.800000000e+01;
	v14 =	vmul.f32 v14, v56;
	v61 =	vmul.f32 v60, v57  }
0x50b: {  	v57 =	vshra.s32 v54, $0x17;
	v15 =	vmax.f32 v15, $-1.800000000e+01;
	v62 =	vadd.f32 $-4.999887650e-01, v50  }
0x50c: {  	v11 =	vmin.f32 v11, $1.800000000e+01;
	v50 =	vadd.s32 $0xFFFFFF81, v63;
	v51 =	vadd.s32 $0xFFFFFF81, v57  }
0x50d: {  	v13 =	vadd.f32 v13, v59;
	v15 =	vmin.f32 v15, $1.800000000e+01;
	v49 =	vmul.f32 v62, v55  }
0x50e: {  	s4 =	simm.s32 $0x1EB30;
	v43 =	vmul.f32 $-3.660800220e+00, v11;
	v50 =	vcvt.s32.f32 v50;
	v14 =	vadd.f32 $2.413903740e-09, v14  }
0x50f: {  	[tilespmem:s4+$0xFFFFFFB0] =	vst v37;
	v58 =	vadd.f32 $2.413903740e-09, v61;
	v51 =	vcvt.s32.f32 v51;
	v49 =	vadd.f32 $9.999996420e-01, v49  }
0x510: {  	[tilespmem:s4+$0xFFFFFFE0] =	vst v40;
	v40 =	vmul.f32 $9.182999730e-01, v15;
	v37 =	vmul.f32 $-3.660800220e+00, v15;
	v13 =	vmax.f32 v13, $-1.800000000e+01  }
0x511: {  	v50 =	vmul.f32 $6.931471820e-01, v50;
	v14 =	vadd.f32 v14, v46;
	v49 =	vmul.f32 v49, v55  }
0x512: {  	[tilespmem:s4+$0xFFFFFF90] =	vst v53;
	v60 =	vmul.f32 $6.931471820e-01, v51;
	v61 =	vadd.f32 v58, v47;
	v46 =	vmul.f32 $9.182999730e-01, v11  }
0x513: {  	[tilespmem:s4+$0xFFFFFFA0] =	vst v42;
	v47 =	vmin.f32 v13, $1.800000000e+01;
	v14 =	vmax.f32 v14, $-1.800000000e+01;
	v49 =	vadd.f32 $2.413903740e-09, v49  }
0x514: {  	[tilespmem:s4+$0xFFFFFFC0] =	vst v38;
	v12 =	vadd.f32 v12, v50;
	v44 =	vmax.f32 v61, $-1.800000000e+01;
	v63 =	vmin.f32 v14, $1.800000000e+01  }
0x515: {  	s7 =	simm.s32 $0x1EC30;
	[tilespmem:s4+$0xFFFFFFD0] =	vst v39;
	v11 =	vmin.f32 v44, $1.800000000e+01;
	v44 =	vmul.f32 $9.182999730e-01, v63;
	v62 =	vadd.f32 v49, v60  }
0x516: {  	s3 =	simm.s32 $0x1EBB0;
	[tilespmem:s7+$0x0] =	vst v41;
	v12 =	vmax.f32 v12, $-1.800000000e+01;
	v38 =	vmul.f32 $-3.660800220e+00, v63;
	v41 =	vmul.f32 $9.182999730e-01, v11  }
0x517: {  	s28 =	simm.s32 $0x1BCB0;
	[tilespmem:s3+$0x0] =	vst v48;
	v39 =	vmul.f32 $-3.660800220e+00, v11;
	v12 =	vmin.f32 v12, $1.800000000e+01;
	v49 =	vmax.f32 v62, $-1.800000000e+01  }
0x518: {  	s22 =	simm.s32 $0x10;
	[tilespmem:s4+$0x0] =	vst v52;
	v45 =	vmul.f32 $9.182999730e-01, v12;
	v42 =	vmul.f32 $-3.660800220e+00, v12;
	v48 =	vmin.f32 v49, $1.800000000e+01  }
.LBB2_13:
0x519: {  	v11 =	vld [tilespmem:s28+$0x0];
	v12 =	vmul.f32 $9.182999730e-01, v47;
	v13 =	vmul.f32 $-3.660800220e+00, v47;
	s13 =	sadd.s32 $0x80, s13  }
0x51a: {  	v15 =	vmul.f32 $9.182999730e-01, v48;
	v47 =	vmul.f32 $-3.660800220e+00, v48;
	v14 =	vld [tilespmem:s13+$0x0]  }
0x51b: {  	s22 =	sadd.s32 $0x8, s22;
	v45 =	vmul.f32 $1.442695020e+00, v45;
	v42 =	vmul.f32 $1.442695020e+00, v42;
	v48 =	vld [tilespmem:s13+$0xFFFFFF90]  }
0x51c: {  	v46 =	vmul.f32 $1.442695020e+00, v46;
	v43 =	vmul.f32 $1.442695020e+00, v43;
	p0 =	slt.u32 s22, $0x70;
	v49 =	vld [tilespmem:s28+$0xFFFFFFA0]  }
0x51d: {  	v40 =	vmul.f32 $1.442695020e+00, v40;
	v37 =	vmul.f32 $1.442695020e+00, v37;
	v50 =	vld [tilespmem:s13+$0xFFFFFFA0]  }
0x51e: {  	v44 =	vmul.f32 $1.442695020e+00, v44;
	v38 =	vmul.f32 $1.442695020e+00, v38;
	v51 =	vld [tilespmem:s28+$0xFFFFFFB0]  }
0x51f: {  	v41 =	vmul.f32 $1.442695020e+00, v41;
	v39 =	vmul.f32 $1.442695020e+00, v39;
	v52 =	vld [tilespmem:s13+$0xFFFFFFB0]  }
0x520: {  	v12 =	vmul.f32 $1.442695020e+00, v12;
	v13 =	vmul.f32 $1.442695020e+00, v13;
	v53 =	vld [tilespmem:s28+$0xFFFFFFC0]  }
0x521: {  	v15 =	vmul.f32 $1.442695020e+00, v15;
	v47 =	vmul.f32 $1.442695020e+00, v47;
	v11 =	vld.idx.msk [tilespmem:v11+s23+$0x0], $0xffff  }
0x522: {  	v23 =	vmul.f32 v31, v23;
	v14 =	vld.idx.msk [tilespmem:v14+s23+$0x0], $0xffff;
	(erf) = vpow2.f32 v45  }
0x523: {  	v22 =	vmul.f32 v29, v22;
	v31 =	vld [tilespmem:s13+$0xFFFFFFC0];
	(erf) = vpow2.f32 v42  }
0x524: {  	v29 =	vld [tilespmem:s28+$0xFFFFFFD0];
	(erf) = vpow2.f32 v46;
	[tilespmem:s3+$0xFFFFFF90] =	vst v23;
	v23 =	vmul.f32 v30, v24  }
0x525: {  	v30 =	vld [tilespmem:s13+$0xFFFFFFD0];
	(erf) = vpow2.f32 v43;
	[tilespmem:s3+$0xFFFFFFA0] =	vst v22;
	v22 =	vmul.f32 v32, v25  }
0x526: {  	v32 =	vld [tilespmem:s28+$0xFFFFFFE0];
	(erf) = vpow2.f32 v40;
	[tilespmem:s3+$0xFFFFFFB0] =	vst v23;
	v23 =	vmul.f32 v33, v26  }
0x527: {  	v33 =	vld [tilespmem:s13+$0xFFFFFFE0];
	(erf) = vpow2.f32 v37;
	[tilespmem:s3+$0xFFFFFFC0] =	vst v22;
	v22 =	vmul.f32 v34, v28  }
0x528: {  	v11 =	vadd.f32 v14, v11;
	v14 =	vmul.f32 v27, v21;
	v21 =	vmovc v35;
	v28 =	vld [tilespmem:s28+$0xFFFFFFF0];
	(erf) = vpow2.f32 v44;
	[tilespmem:s3+$0xFFFFFFD0] =	vst v23  }
0x529: {  	v27 =	vld [tilespmem:s13+$0xFFFFFFF0];
	(erf) = vpow2.f32 v38;
	[tilespmem:s3+$0xFFFFFFE0] =	vst v22  }
0x52a: {  	v11 =	vmul.f32 $5.000000000e-01, v11;
	v25 =	vld [tilespmem:s28+$0xFFFFFF90];
	(erf) = vpow2.f32 v41;
	[tilespmem:s4+$0xFFFFFFF0] =	vst v14;
	s4 =	smov.u32 s3;
	s3 =	smov.u32 s7  }
0x52b: {  	v14 =	vld.idx.msk [tilespmem:v48+s23+$0x0], $0xffff;
	v22 =	vpop (erf);
	(erf) = vpow2.f32 v39  }
0x52c: {  	v26 =	vld.idx.msk [tilespmem:v49+s23+$0x0], $0xffff;
	(erf) = vrcp.f32 v11;
	v11 =	vmul.f32 $1.080500010e+00, v22;
	v22 =	vpop (erf)  }
0x52d: {  	v34 =	vld.idx.msk [tilespmem:v50+s23+$0x0], $0xffff;
	v23 =	vadd.f32 $1.000000000e+00, v22;
	v22 =	vpop (erf);
	(erf) = vpow2.f32 v12  }
0x52e: {  	v12 =	vld.idx.msk [tilespmem:v51+s23+$0x0], $0xffff;
	v24 =	vmul.f32 $1.080500010e+00, v22;
	v22 =	vpop (erf);
	(erf) = vpow2.f32 v13  }
0x52f: {  	v13 =	vld.idx.msk [tilespmem:v52+s23+$0x0], $0xffff;
	v40 =	vadd.f32 v11, v23;
	v22 =	vadd.f32 $1.000000000e+00, v22;
	v35 =	vpop (erf);
	(erf) = vpow2.f32 v15  }
0x530: {  	s16 =	sadd.s32 $0x80, s16;
	v15 =	vld.idx.msk [tilespmem:v53+s23+$0x0], $0xffff;
	v35 =	vmul.f32 $1.080500010e+00, v35;
	v37 =	vpop (erf);
	(erf) = vpow2.f32 v47  }
0x531: {  	v38 =	vld [tilespmem:s16+$0x0];
	v39 =	vadd.f32 v24, v22;
	v24 =	vadd.f32 $1.000000000e+00, v37;
	(erf) = vrcp.f32 v40;
	v11 =	vpop (erf)  }
0x532: {  	v37 =	vld.idx.msk [tilespmem:v25+s23+$0x0], $0xffff;
	v11 =	vmul.f32 $1.080500010e+00, v11;
	v25 =	vpop (erf);
	(erf) = vrcp.f32 v36  }
0x533: {  	v26 =	vadd.f32 v34, v26;
	v31 =	vld.idx.msk [tilespmem:v31+s23+$0x0], $0xffff;
	v25 =	vadd.f32 $1.000000000e+00, v25;
	(erf) = vrcp.f32 v39;
	v34 =	vpop (erf)  }
0x534: {  	v40 =	vadd.f32 v35, v24;
	v29 =	vld.idx.msk [tilespmem:v29+s23+$0x0], $0xffff;
	v34 =	vmul.f32 $1.080500010e+00, v34;
	v36 =	vpop (erf)  }
0x535: {  	v39 =	vmul.f32 $5.000000000e-01, v26;
	v12 =	vadd.f32 v13, v12;
	v13 =	vld.idx.msk [tilespmem:v30+s23+$0x0], $0xffff;
	v30 =	vpop (erf);
	v26 =	vadd.f32 $1.000000000e+00, v36  }
0x536: {  	v11 =	vadd.f32 v11, v25;
	v32 =	vld.idx.msk [tilespmem:v32+s23+$0x0], $0xffff;
	v50 =	vmul.f32 v30, v38;
	(erf) = vrcp.f32 v40;
	v30 =	vpop (erf)  }
0x537: {  	v40 =	vmul.f32 $5.000000000e-01, v12;
	v33 =	vld.idx.msk [tilespmem:v33+s23+$0x0], $0xffff;
	(erf) = vrcp.f32 v39;
	v34 =	vadd.f32 v34, v26;
	v35 =	vpop (erf)  }
0x538: {  	v14 =	vadd.f32 v14, v37;
	v36 =	vld.idx.msk [tilespmem:v28+s23+$0x0], $0xffff;
	v37 =	vand.u32 $0x7FFFFF, v50;
	v28 =	vadd.f32 $1.000000000e+00, v35;
	v38 =	vpop (erf)  }
0x539: {  	v15 =	vadd.f32 v31, v15;
	v39 =	vld.idx.msk [tilespmem:v27+s23+$0x0], $0xffff;
	v42 =	vor.u32 $0x3F800000, v37;
	(erf) = vrcp.f32 v40;
	v12 =	vpop (erf)  }
0x53a: {  	v30 =	vmul.f32 $1.080500010e+00, v30;
	v14 =	vmul.f32 $5.000000000e-01, v14;
	v41 =	vld [tilespmem:s16+$0xFFFFFF90];
	v51 =	vadd.f32 $-1.000000000e+00, v42;
	v31 =	vpop (erf)  }
0x53b: {  	v15 =	vmul.f32 $5.000000000e-01, v15;
	v13 =	vadd.f32 v13, v29;
	v35 =	vadd.f32 $1.000000000e+00, v12;
	v37 =	vld [tilespmem:s16+$0xFFFFFFA0];
	v27 =	vpop (erf)  }
0x53c: {  	v12 =	vld [tilespmem:s16+$0xFFFFFFB0];
	v40 =	vmul.f32 $0.0e+00, v51;
	(erf) = vrcp.f32 v14;
	v14 =	vadd.f32 v30, v28;
	v29 =	vpop (erf)  }
0x53d: {  	v13 =	vmul.f32 $5.000000000e-01, v13;
	v43 =	vadd.f32 v33, v32;
	v42 =	vld [tilespmem:s16+$0xFFFFFFC0];
	(erf) = vrcp.f32 v15  }
0x53e: {  	v33 =	vmul.f32 $1.080500010e+00, v38;
	v15 =	vld [tilespmem:s16+$0xFFFFFFD0];
	v32 =	vadd.f32 $-2.288060500e-03, v40;
	(erf) = vrcp.f32 v11  }
0x53f: {  	v11 =	vmul.f32 $5.000000000e-01, v43;
	v38 =	vadd.f32 v39, v36;
	v44 =	vld [tilespmem:s16+$0xFFFFFFE0];
	(erf) = vrcp.f32 v13;
	v30 =	vpop (erf)  }
0x540: {  	v36 =	vadd.f32 v33, v35;
	v13 =	vld [tilespmem:s16+$0xFFFFFFF0];
	v32 =	vmul.f32 v32, v51;
	v39 =	vpop (erf);
	(erf) = vrcp.f32 v34  }
0x541: {  	v50 =	vshra.s32 v50, $0x17;
	v33 =	vmul.f32 $5.000000000e-01, v38;
	(erf) = vrcp.f32 v11  }
0x542: {  	v11 =	vmul.f32 v39, v37;
	v38 =	vadd.f32 $1.514537260e-02, v32;
	v34 =	vpop (erf);
	(erf) = vrcp.f32 v14  }
0x543: {  	v50 =	vadd.s32 $0xFFFFFF81, v50;
	v12 =	vmul.f32 v34, v12;
	(erf) = vrcp.f32 v33  }
0x544: {  	v37 =	vshra.s32 v11, $0x17;
	v11 =	vand.u32 $0x7FFFFF, v11;
	v14 =	vmul.f32 v38, v51  }
0x545: {  	v11 =	vor.u32 $0x3F800000, v11;
	v40 =	vshra.s32 v12, $0x17;
	v12 =	vand.u32 $0x7FFFFF, v12;
	v32 =	vpop (erf)  }
0x546: {  	v34 =	vmul.f32 v32, v41;
	v12 =	vor.u32 $0x3F800000, v12;
	v14 =	vadd.f32 $-4.713346440e-02, v14;
	v32 =	vpop (erf)  }
0x547: {  	v39 =	vadd.f32 $-1.000000000e+00, v11;
	v38 =	vadd.f32 $-1.000000000e+00, v12;
	v11 =	vmul.f32 v32, v42;
	v32 =	vpop (erf)  }
0x548: {  	v43 =	vshra.s32 v34, $0x17;
	v12 =	vand.u32 $0x7FFFFF, v34;
	v14 =	vmul.f32 v14, v51;
	v33 =	vpop (erf)  }
0x549: {  	v12 =	vor.u32 $0x3F800000, v12;
	v45 =	vand.u32 $0x7FFFFF, v11;
	v52 =	vmul.f32 v33, v15;
	v33 =	vpop (erf)  }
0x54a: {  	v41 =	vadd.f32 $-1.000000000e+00, v12;
	v12 =	vor.u32 $0x3F800000, v45;
	v14 =	vadd.f32 $9.470379350e-02, v14;
	v15 =	vpop (erf)  }
0x54b: {  	v42 =	vadd.f32 $-1.000000000e+00, v12;
	v12 =	vand.u32 $0x7FFFFF, v52;
	v47 =	vmul.f32 v15, v44;
	v34 =	vpop (erf)  }
0x54c: {  	v15 =	vmul.f32 $0.0e+00, v41;
	v12 =	vor.u32 $0x3F800000, v12;
	v14 =	vmul.f32 v14, v51;
	v45 =	vpop (erf)  }
0x54d: {  	v44 =	vadd.f32 $-1.000000000e+00, v12;
	v12 =	vand.u32 $0x7FFFFF, v47;
	v48 =	vmul.f32 v45, v13  }
0x54e: {  	v13 =	vmul.f32 $0.0e+00, v39;
	v12 =	vor.u32 $0x3F800000, v12;
	v14 =	vadd.f32 $-1.451764550e-01, v14  }
0x54f: {  	v53 =	vmul.f32 $0.0e+00, v38;
	v45 =	vadd.f32 $-1.000000000e+00, v12;
	v12 =	vand.u32 $0x7FFFFF, v48  }
0x550: {  	v54 =	vmul.f32 $0.0e+00, v42;
	v12 =	vor.u32 $0x3F800000, v12;
	v14 =	vmul.f32 v14, v51  }
0x551: {  	v55 =	vmul.f32 $0.0e+00, v44;
	v56 =	vmul.f32 $0.0e+00, v45;
	v46 =	vadd.f32 $-1.000000000e+00, v12  }
0x552: {  	v49 =	vshra.s32 v11, $0x17;
	v12 =	vadd.f32 $-2.288060500e-03, v15;
	v11 =	vadd.f32 $1.933763770e-01, v14  }
0x553: {  	v13 =	vadd.f32 $-2.288060500e-03, v13;
	v14 =	vadd.f32 $-2.288060500e-03, v53;
	v15 =	vmul.f32 $0.0e+00, v46  }
0x554: {  	v53 =	vadd.f32 $-2.288060500e-03, v54;
	v54 =	vadd.f32 $-2.288060500e-03, v55;
	v11 =	vmul.f32 v11, v51  }
0x555: {  	v12 =	vmul.f32 v12, v41;
	v55 =	vadd.f32 $-2.288060500e-03, v56;
	v15 =	vadd.f32 $-2.288060500e-03, v15  }
0x556: {  	v13 =	vmul.f32 v13, v39;
	v14 =	vmul.f32 v14, v38;
	v11 =	vadd.f32 $-2.486582100e-01, v11  }
0x557: {  	v53 =	vmul.f32 v53, v42;
	v54 =	vmul.f32 v54, v44;
	v12 =	vadd.f32 $1.514537260e-02, v12  }
0x558: {  	v13 =	vadd.f32 $1.514537260e-02, v13;
	v55 =	vmul.f32 v55, v45;
	v11 =	vmul.f32 v11, v51  }
0x559: {  	v14 =	vadd.f32 $1.514537260e-02, v14;
	v53 =	vadd.f32 $1.514537260e-02, v53;
	v15 =	vmul.f32 v15, v46  }
0x55a: {  	v54 =	vadd.f32 $1.514537260e-02, v54;
	v12 =	vmul.f32 v12, v41;
	v11 =	vadd.f32 $3.331669270e-01, v11  }
0x55b: {  	v13 =	vmul.f32 v13, v39;
	v55 =	vadd.f32 $1.514537260e-02, v55;
	v15 =	vadd.f32 $1.514537260e-02, v15  }
0x55c: {  	v14 =	vmul.f32 v14, v38;
	v12 =	vadd.f32 $-4.713346440e-02, v12;
	v11 =	vmul.f32 v11, v51  }
0x55d: {  	v13 =	vadd.f32 $-4.713346440e-02, v13;
	v53 =	vmul.f32 v53, v42;
	v54 =	vmul.f32 v54, v44  }
0x55e: {  	v55 =	vmul.f32 v55, v45;
	v15 =	vmul.f32 v15, v46;
	v11 =	vadd.f32 $-4.999887650e-01, v11  }
0x55f: {  	v14 =	vadd.f32 $-4.713346440e-02, v14;
	v53 =	vadd.f32 $-4.713346440e-02, v53;
	v12 =	vmul.f32 v12, v41  }
0x560: {  	v54 =	vadd.f32 $-4.713346440e-02, v54;
	v55 =	vadd.f32 $-4.713346440e-02, v55;
	v11 =	vmul.f32 v11, v51  }
0x561: {  	v13 =	vmul.f32 v13, v39;
	v14 =	vmul.f32 v14, v38;
	v15 =	vadd.f32 $-4.713346440e-02, v15  }
0x562: {  	v50 =	vcvt.s32.f32 v50;
	v53 =	vmul.f32 v53, v42;
	v11 =	vadd.f32 $9.999996420e-01, v11  }
0x563: {  	v54 =	vmul.f32 v54, v44;
	v55 =	vmul.f32 v55, v45  }
0x564: {  	v50 =	vmul.f32 $6.931471820e-01, v50;
	v12 =	vadd.f32 $9.470379350e-02, v12;
	v11 =	vmul.f32 v11, v51  }
0x565: {  	v13 =	vadd.f32 $9.470379350e-02, v13;
	v14 =	vadd.f32 $9.470379350e-02, v14;
	v15 =	vmul.f32 v15, v46  }
0x566: {  	v37 =	vadd.s32 $0xFFFFFF81, v37;
	v51 =	vadd.f32 $9.470379350e-02, v53;
	v11 =	vadd.f32 $2.413903740e-09, v11  }
0x567: {  	v12 =	vmul.f32 v12, v41;
	v53 =	vadd.f32 $9.470379350e-02, v54;
	v54 =	vadd.f32 $9.470379350e-02, v55  }
0x568: {  	v13 =	vmul.f32 v13, v39;
	v15 =	vadd.f32 $9.470379350e-02, v15;
	v11 =	vadd.f32 v11, v50  }
0x569: {  	v14 =	vmul.f32 v14, v38;
	v12 =	vadd.f32 $-1.451764550e-01, v12;
	v50 =	vmul.f32 v51, v42  }
0x56a: {  	v51 =	vmul.f32 v53, v44;
	v53 =	vmul.f32 v54, v45;
	v11 =	vmax.f32 v11, $-1.800000000e+01  }
0x56b: {  	v13 =	vadd.f32 $-1.451764550e-01, v13;
	v15 =	vmul.f32 v15, v46;
	v11 =	vmin.f32 v11, $1.800000000e+01  }
0x56c: {  	v14 =	vadd.f32 $-1.451764550e-01, v14;
	v50 =	vadd.f32 $-1.451764550e-01, v50;
	v54 =	vmul.f32 $9.182999730e-01, v11  }
0x56d: {  	v51 =	vadd.f32 $-1.451764550e-01, v51;
	v53 =	vadd.f32 $-1.451764550e-01, v53;
	v11 =	vmul.f32 $-3.660800220e+00, v11  }
0x56e: {  	v12 =	vmul.f32 v12, v41;
	v15 =	vadd.f32 $-1.451764550e-01, v15;
	v54 =	vmul.f32 $1.442695020e+00, v54  }
0x56f: {  	v52 =	vshra.s32 v52, $0x17;
	v13 =	vmul.f32 v13, v39;
	v11 =	vmul.f32 $1.442695020e+00, v11  }
0x570: {  	v14 =	vmul.f32 v14, v38;
	v12 =	vadd.f32 $1.933763770e-01, v12;
	(erf) = vpow2.f32 v54  }
0x571: {  	v13 =	vadd.f32 $1.933763770e-01, v13;
	v50 =	vmul.f32 v50, v42;
	(erf) = vpow2.f32 v11  }
0x572: {  	v11 =	vadd.f32 $1.933763770e-01, v14;
	v14 =	vmul.f32 v51, v44;
	v51 =	vmul.f32 v53, v45  }
0x573: {  	v12 =	vmul.f32 v12, v41;
	v15 =	vmul.f32 v15, v46;
	v50 =	vadd.f32 $1.933763770e-01, v50  }
0x574: {  	v13 =	vmul.f32 v13, v39;
	v14 =	vadd.f32 $1.933763770e-01, v14;
	v51 =	vadd.f32 $1.933763770e-01, v51  }
0x575: {  	v15 =	vadd.f32 $1.933763770e-01, v15;
	v50 =	vmul.f32 v50, v42;
	v11 =	vmul.f32 v11, v38  }
0x576: {  	v12 =	vadd.f32 $-2.486582100e-01, v12;
	v14 =	vmul.f32 v14, v44;
	v51 =	vmul.f32 v51, v45  }
0x577: {  	v13 =	vadd.f32 $-2.486582100e-01, v13;
	v15 =	vmul.f32 v15, v46;
	v11 =	vadd.f32 $-2.486582100e-01, v11  }
0x578: {  	v12 =	vmul.f32 v12, v41;
	v50 =	vadd.f32 $-2.486582100e-01, v50;
	v14 =	vadd.f32 $-2.486582100e-01, v14  }
0x579: {  	v13 =	vmul.f32 v13, v39;
	v15 =	vadd.f32 $-2.486582100e-01, v15;
	v51 =	vadd.f32 $-2.486582100e-01, v51;
	v53 =	vpop (erf)  }
0x57a: {  	v12 =	vadd.f32 $3.331669270e-01, v12;
	v50 =	vmul.f32 v50, v42;
	v11 =	vmul.f32 v11, v38;
	v54 =	vpop (erf)  }
0x57b: {  	v14 =	vmul.f32 v14, v44;
	v53 =	vmul.f32 $1.080500010e+00, v53;
	v54 =	vadd.f32 $1.000000000e+00, v54  }
0x57c: {  	v13 =	vadd.f32 $3.331669270e-01, v13;
	v15 =	vmul.f32 v15, v46;
	v51 =	vmul.f32 v51, v45  }
0x57d: {  	v12 =	vmul.f32 v12, v41;
	v11 =	vadd.f32 $3.331669270e-01, v11;
	v53 =	vadd.f32 v53, v54  }
0x57e: {  	v13 =	vmul.f32 v13, v39;
	v50 =	vadd.f32 $3.331669270e-01, v50;
	v14 =	vadd.f32 $3.331669270e-01, v14  }
0x57f: {  	v15 =	vadd.f32 $3.331669270e-01, v15;
	v51 =	vadd.f32 $3.331669270e-01, v51;
	(erf) = vrcp.f32 v53  }
0x580: {  	v12 =	vadd.f32 $-4.999887650e-01, v12;
	v50 =	vmul.f32 v50, v42;
	v11 =	vmul.f32 v11, v38  }
0x581: {  	v13 =	vadd.f32 $-4.999887650e-01, v13;
	v14 =	vmul.f32 v14, v44;
	v51 =	vmul.f32 v51, v45  }
0x582: {  	v15 =	vmul.f32 v15, v46;
	v50 =	vadd.f32 $-4.999887650e-01, v50;
	v11 =	vadd.f32 $-4.999887650e-01, v11  }
0x583: {  	v12 =	vmul.f32 v12, v41;
	v14 =	vadd.f32 $-4.999887650e-01, v14;
	v51 =	vadd.f32 $-4.999887650e-01, v51  }
0x584: {  	v13 =	vmul.f32 v13, v39;
	v15 =	vadd.f32 $-4.999887650e-01, v15;
	v11 =	vmul.f32 v11, v38  }
0x585: {  	v12 =	vadd.f32 $9.999996420e-01, v12;
	v50 =	vmul.f32 v50, v42;
	v14 =	vmul.f32 v14, v44  }
0x586: {  	v13 =	vadd.f32 $9.999996420e-01, v13;
	v15 =	vmul.f32 v15, v46;
	v51 =	vmul.f32 v51, v45  }
0x587: {  	v47 =	vshra.s32 v47, $0x17;
	v50 =	vadd.f32 $9.999996420e-01, v50;
	v11 =	vadd.f32 $9.999996420e-01, v11  }
0x588: {  	v48 =	vshra.s32 v48, $0x17;
	v14 =	vadd.f32 $9.999996420e-01, v14;
	v51 =	vadd.f32 $9.999996420e-01, v51;
	v53 =	vpop (erf)  }
0x589: {  	v43 =	vadd.s32 $0xFFFFFF81, v43;
	v15 =	vadd.f32 $9.999996420e-01, v15;
	v53 =	vmul.f32 v53, v54  }
0x58a: {  	s7 =	sadd.s32 $0x80, s7;
	v37 =	vcvt.s32.f32 v37;
	v40 =	vadd.s32 $0xFFFFFF81, v40;
	v49 =	vadd.s32 $0xFFFFFF81, v49  }
0x58b: {  	s24 =	simm.s32 $0x0;
	v52 =	vadd.s32 $0xFFFFFF81, v52;
	v47 =	vadd.s32 $0xFFFFFF81, v47;
	v48 =	vadd.s32 $0xFFFFFF81, v48;
	[tilespmem:s7+$0x0] =	vst v53  }
0x58c: {  	v13 =	vmul.f32 v13, v39;
	v12 =	vmul.f32 v12, v41  }
0x58d: {  	v11 =	vmul.f32 v11, v38;
	v38 =	vmul.f32 v50, v42  }
0x58e: {  	v12 =	vadd.f32 $2.413903740e-09, v12;
	v14 =	vmul.f32 v14, v44;
	v39 =	vmul.f32 v51, v45  }
0x58f: {  	v41 =	vcvt.s32.f32 v43;
	v13 =	vadd.f32 $2.413903740e-09, v13;
	v15 =	vmul.f32 v15, v46  }
0x590: {  	v40 =	vcvt.s32.f32 v40;
	v37 =	vmul.f32 $6.931471820e-01, v37;
	v11 =	vadd.f32 $2.413903740e-09, v11  }
0x591: {  	v43 =	vcvt.s32.f32 v52;
	v42 =	vcvt.s32.f32 v49;
	v38 =	vadd.f32 $2.413903740e-09, v38  }
0x592: {  	v44 =	vcvt.s32.f32 v47;
	v45 =	vcvt.s32.f32 v48;
	v14 =	vadd.f32 $2.413903740e-09, v14  }
0x593: {  	v41 =	vmul.f32 $6.931471820e-01, v41;
	v15 =	vadd.f32 $2.413903740e-09, v15;
	v39 =	vadd.f32 $2.413903740e-09, v39  }
0x594: {  	v40 =	vmul.f32 $6.931471820e-01, v40;
	v13 =	vadd.f32 v13, v37  }
0x595: {  	v12 =	vadd.f32 v12, v41;
	v41 =	vmul.f32 $6.931471820e-01, v42;
	v42 =	vmul.f32 $6.931471820e-01, v43  }
0x596: {  	v13 =	vmax.f32 v13, $-1.800000000e+01;
	v37 =	vmul.f32 $6.931471820e-01, v44;
	v43 =	vmul.f32 $6.931471820e-01, v45  }
0x597: {  	v12 =	vmax.f32 v12, $-1.800000000e+01;
	v11 =	vadd.f32 v11, v40;
	v38 =	vadd.f32 v38, v41  }
0x598: {  	v13 =	vmin.f32 v13, $1.800000000e+01;
	v14 =	vadd.f32 v14, v42;
	v37 =	vadd.f32 v39, v37  }
0x599: {  	v11 =	vmax.f32 v11, $-1.800000000e+01;
	v38 =	vmax.f32 v38, $-1.800000000e+01;
	v15 =	vadd.f32 v15, v43  }
0x59a: {  	v12 =	vmin.f32 v12, $1.800000000e+01;
	v14 =	vmax.f32 v14, $-1.800000000e+01;
	v37 =	vmax.f32 v37, $-1.800000000e+01  }
0x59b: {  	v45 =	vmul.f32 $9.182999730e-01, v12;
	v11 =	vmin.f32 v11, $1.800000000e+01;
	v15 =	vmax.f32 v15, $-1.800000000e+01  }
0x59c: {  	v38 =	vmin.f32 v38, $1.800000000e+01;
	v14 =	vmin.f32 v14, $1.800000000e+01;
	v47 =	vmin.f32 v37, $1.800000000e+01  }
.Ltmp7:
0x59d: {  	v42 =	vmul.f32 $-3.660800220e+00, v12;
	v48 =	vmin.f32 v15, $1.800000000e+01;
	(pc) =	sbr.rel @p0 .LBB2_13-.Ltmp7, $4  }
0x59e: {  	v46 =	vmul.f32 $9.182999730e-01, v13;
	v43 =	vmul.f32 $-3.660800220e+00, v13  }
0x59f: {  	v40 =	vmul.f32 $9.182999730e-01, v11;
	v37 =	vmul.f32 $-3.660800220e+00, v11  }
0x5a0: {  	v44 =	vmul.f32 $9.182999730e-01, v38;
	v38 =	vmul.f32 $-3.660800220e+00, v38  }
0x5a1: {  	s28 =	sadd.s32 $0x80, s28;
	v41 =	vmul.f32 $9.182999730e-01, v14;
	v39 =	vmul.f32 $-3.660800220e+00, v14  }
0x5a2: {  	v11 =	vmul.f32 $9.182999730e-01, v47;
	v12 =	vmul.f32 $-3.660800220e+00, v47  }
0x5a3: {  	v13 =	vmul.f32 $9.182999730e-01, v48;
	v14 =	vmul.f32 $1.442695020e+00, v45  }
0x5a4: {  	v15 =	vmul.f32 $-3.660800220e+00, v48;
	v42 =	vmul.f32 $1.442695020e+00, v42  }
0x5a5: {  	v53 =	vmul.f32 $1.442695020e+00, v46;
	(erf) = vpow2.f32 v14  }
0x5a6: {  	v54 =	vmul.f32 $1.442695020e+00, v43;
	(erf) = vpow2.f32 v42  }
0x5a7: {  	v40 =	vmul.f32 $1.442695020e+00, v40;
	(erf) = vpow2.f32 v53  }
0x5a8: {  	v37 =	vmul.f32 $1.442695020e+00, v37;
	(erf) = vpow2.f32 v54  }
0x5a9: {  	v55 =	vmul.f32 $1.442695020e+00, v44;
	(erf) = vpow2.f32 v40  }
0x5aa: {  	v38 =	vmul.f32 $1.442695020e+00, v38;
	(erf) = vpow2.f32 v37  }
0x5ab: {  	v56 =	vmul.f32 $1.442695020e+00, v41;
	(erf) = vpow2.f32 v55  }
0x5ac: {  	v57 =	vmul.f32 $1.442695020e+00, v39;
	(erf) = vpow2.f32 v38  }
0x5ad: {  	v11 =	vmul.f32 $1.442695020e+00, v11;
	(erf) = vpow2.f32 v56  }
0x5ae: {  	v12 =	vmul.f32 $1.442695020e+00, v12;
	v58 =	vpop (erf);
	(erf) = vpow2.f32 v57  }
0x5af: {  	v13 =	vmul.f32 $1.442695020e+00, v13;
	v59 =	vpop (erf);
	(erf) = vpow2.f32 v11  }
0x5b0: {  	v11 =	vmul.f32 $1.442695020e+00, v15;
	v15 =	vpop (erf);
	(erf) = vpow2.f32 v12  }
0x5b1: {  	v60 =	vpop (erf);
	(erf) = vpow2.f32 v13  }
0x5b2: {  	v14 =	vadd.f32 $1.000000000e+00, v59;
	v61 =	vpop (erf);
	(erf) = vpow2.f32 v11;
	v11 =	vmul.f32 $1.080500010e+00, v58;
	_ =	sdelay $0x1  }
0x5b3: {  	v15 =	vmul.f32 $1.080500010e+00, v15;
	v12 =	vadd.f32 $1.000000000e+00, v60;
	v62 =	vpop (erf);
	v11 =	vadd.f32 v11, v14  }
0x5b4: {  	v63 =	vpop (erf)  }
0x5b5: {  	v15 =	vadd.f32 v15, v12;
	v44 =	vpop (erf)  }
0x5b6: {  	v23 =	vmul.f32 v31, v23;
	v45 =	vpop (erf)  }
0x5b7: {  	v13 =	vmul.f32 $1.080500010e+00, v61;
	v46 =	vadd.f32 $1.000000000e+00, v62;
	(erf) = vrcp.f32 v11;
	v11 =	vpop (erf)  }
0x5b8: {  	v48 =	vmul.f32 $1.080500010e+00, v63;
	v49 =	vadd.f32 $1.000000000e+00, v44;
	(erf) = vrcp.f32 v36;
	v47 =	vpop (erf)  }
0x5b9: {  	v22 =	vmul.f32 v29, v22;
	v13 =	vadd.f32 v13, v46;
	(erf) = vrcp.f32 v15;
	v15 =	vpop (erf)  }
0x5ba: {  	v50 =	vmul.f32 $1.080500010e+00, v45;
	v37 =	vadd.f32 v48, v49;
	v11 =	vadd.f32 $1.000000000e+00, v11;
	v51 =	vpop (erf)  }
0x5bb: {  	v36 =	vmul.f32 $1.080500010e+00, v47;
	(erf) = vrcp.f32 v13;
	v15 =	vadd.f32 $1.000000000e+00, v15;
	v52 =	vpop (erf)  }
0x5bc: {  	v53 =	vadd.f32 v50, v11;
	v40 =	vmul.f32 $1.080500010e+00, v51;
	v54 =	vadd.f32 $1.000000000e+00, v52  }
0x5bd: {  	[tilespmem:s3+$0xFFFFFF90] =	vst v23;
	(erf) = vrcp.f32 v37;
	v36 =	vadd.f32 v36, v15  }
0x5be: {  	[tilespmem:s3+$0xFFFFFFA0] =	vst v22;
	v22 =	vmul.f32 v32, v25;
	(erf) = vrcp.f32 v53;
	v23 =	vadd.f32 v40, v54  }
0x5bf: {  	(erf) = vrcp.f32 v36  }
0x5c0: {  	[tilespmem:s3+$0xFFFFFFC0] =	vst v22;
	v22 =	vmul.f32 v34, v28  }
0x5c1: {  	v55 =	vmul.f32 v30, v24;
	(erf) = vrcp.f32 v23  }
0x5c2: {  	[tilespmem:s3+$0xFFFFFFE0] =	vst v22;
	v56 =	vmul.f32 v33, v26;
	v23 =	vpop (erf)  }
0x5c3: {  	[tilespmem:s3+$0xFFFFFFB0] =	vst v55;
	v57 =	vmul.f32 v27, v21;
	v21 =	vpop (erf)  }
0x5c4: {  	[tilespmem:s3+$0xFFFFFFD0] =	vst v56;
	v14 =	vmul.f32 v23, v14;
	v22 =	vpop (erf)  }
0x5c5: {  	[tilespmem:s4+$0xFFFFFFF0] =	vst v57;
	v58 =	vpop (erf);
	v12 =	vmul.f32 v22, v12  }
0x5c6: {  	[tilespmem:s7+$0xFFFFFF90] =	vst v14;
	v22 =	vpop (erf);
	v13 =	vmul.f32 v58, v46  }
0x5c7: {  	v59 =	vpop (erf);
	[tilespmem:s7+$0xFFFFFFA0] =	vst v12;
	v60 =	vmul.f32 v22, v49  }
0x5c8: {  	v22 =	vpop (erf);
	[tilespmem:s7+$0xFFFFFFB0] =	vst v13;
	v11 =	vmul.f32 v59, v11  }
0x5c9: {  	[tilespmem:s7+$0xFFFFFFC0] =	vst v60;
	v61 =	vmul.f32 v22, v15  }
0x5ca: {  	v62 =	vpop (erf);
	[tilespmem:s7+$0xFFFFFFD0] =	vst v11;
	v11 =	vmul.f32 v21, v35  }
0x5cb: {  	v63 =	vmul.f32 v62, v54;
	[tilespmem:s7+$0xFFFFFFE0] =	vst v61  }
0x5cc: {  	[tilespmem:s3+$0xFFFFFFF0] =	vst v11  }
0x5cd: {  	[tilespmem:s7+$0xFFFFFFF0] =	vst v63  }
.LBB2_15:
0x5ce: {  	s3 =	sshra.s32 s24, $0x2  }
0x5cf: {  	v11 =	vld [tilespmem:s3+$0x1C240]  }
0x5d0: {  	v12 =	vld [tilespmem:s3+$0x1D240];
	_ =	sdelay $0x6  }
0x5d1: {  	v11 =	vld.idx.msk [tilespmem:v11+s23+$0x0], $0xffff  }
0x5d2: {  	v12 =	vld.idx.msk [tilespmem:v12+s23+$0x0], $0xffff;
	_ =	sdelay $0x4  }
0x5d3: {  	v11 =	vadd.f32 v12, v11;
	_ =	sdelay $0x1  }
0x5d4: {  	v11 =	vmul.f32 $5.000000000e-01, v11;
	_ =	sdelay $0x1  }
0x5d5: {  	(erf) = vrcp.f32 v11;
	_ =	sdelay $0x4  }
0x5d6: {  	v11 =	vld [tilespmem:s3+$0x1E240];
	_ =	sdelay $0x3  }
0x5d7: {  	v61 =	vpop (erf)  }
0x5d8: {  	v11 =	vmul.f32 v61, v11;
	_ =	sdelay $0x1  }
0x5d9: {  	v12 =	vand.u32 $0x7FFFFF, v11  }
0x5da: {  	v12 =	vor.u32 $0x3F800000, v12  }
0x5db: {  	v12 =	vadd.f32 $-1.000000000e+00, v12;
	_ =	sdelay $0x1  }
0x5dc: {  	v13 =	vmul.f32 $0.0e+00, v12;
	_ =	sdelay $0x1  }
0x5dd: {  	v13 =	vadd.f32 $-2.288060500e-03, v13;
	_ =	sdelay $0x1  }
0x5de: {  	v13 =	vmul.f32 v13, v12;
	_ =	sdelay $0x1  }
0x5df: {  	v13 =	vadd.f32 $1.514537260e-02, v13;
	_ =	sdelay $0x1  }
0x5e0: {  	v13 =	vmul.f32 v13, v12;
	_ =	sdelay $0x1  }
0x5e1: {  	v13 =	vadd.f32 $-4.713346440e-02, v13;
	_ =	sdelay $0x1  }
0x5e2: {  	v13 =	vmul.f32 v13, v12;
	_ =	sdelay $0x1  }
0x5e3: {  	v13 =	vadd.f32 $9.470379350e-02, v13;
	_ =	sdelay $0x1  }
0x5e4: {  	v13 =	vmul.f32 v13, v12;
	_ =	sdelay $0x1  }
0x5e5: {  	v13 =	vadd.f32 $-1.451764550e-01, v13;
	_ =	sdelay $0x1  }
0x5e6: {  	v13 =	vmul.f32 v13, v12;
	_ =	sdelay $0x1  }
0x5e7: {  	v13 =	vadd.f32 $1.933763770e-01, v13;
	_ =	sdelay $0x1  }
0x5e8: {  	v13 =	vmul.f32 v13, v12;
	_ =	sdelay $0x1  }
0x5e9: {  	v13 =	vadd.f32 $-2.486582100e-01, v13;
	_ =	sdelay $0x1  }
0x5ea: {  	v13 =	vmul.f32 v13, v12;
	_ =	sdelay $0x1  }
0x5eb: {  	v13 =	vadd.f32 $3.331669270e-01, v13;
	_ =	sdelay $0x1  }
0x5ec: {  	v13 =	vmul.f32 v13, v12;
	_ =	sdelay $0x1  }
0x5ed: {  	v13 =	vadd.f32 $-4.999887650e-01, v13;
	_ =	sdelay $0x1  }
0x5ee: {  	v13 =	vmul.f32 v13, v12;
	_ =	sdelay $0x1  }
0x5ef: {  	v11 =	vshra.s32 v11, $0x17;
	v13 =	vadd.f32 $9.999996420e-01, v13  }
0x5f0: {  	v11 =	vadd.s32 $0xFFFFFF81, v11  }
0x5f1: {  	v11 =	vcvt.s32.f32 v11;
	v12 =	vmul.f32 v13, v12;
	_ =	sdelay $0x1  }
0x5f2: {  	v11 =	vmul.f32 $6.931471820e-01, v11;
	v12 =	vadd.f32 $2.413903740e-09, v12;
	_ =	sdelay $0x1  }
0x5f3: {  	v11 =	vadd.f32 v12, v11;
	_ =	sdelay $0x1  }
0x5f4: {  	v11 =	vmax.f32 v11, $-1.800000000e+01  }
0x5f5: {  	v11 =	vmin.f32 v11, $1.800000000e+01  }
0x5f6: {  	v62 =	vmul.f32 $9.182999730e-01, v11  }
0x5f7: {  	v11 =	vmul.f32 $-3.660800220e+00, v11  }
0x5f8: {  	v12 =	vmul.f32 $1.442695020e+00, v62  }
0x5f9: {  	v11 =	vmul.f32 $1.442695020e+00, v11  }
0x5fa: {  	(erf) = vpow2.f32 v12  }
0x5fb: {  	(erf) = vpow2.f32 v11;
	_ =	sdelay $0x7  }
0x5fc: {  	v11 =	vpop (erf)  }
0x5fd: {  	v63 =	vpop (erf)  }
0x5fe: {  	v11 =	vmul.f32 $1.080500010e+00, v11;
	v12 =	vadd.f32 $1.000000000e+00, v63;
	_ =	sdelay $0x1  }
0x5ff: {  	v11 =	vadd.f32 v11, v12;
	_ =	sdelay $0x1  }
0x600: {  	(erf) = vrcp.f32 v11;
	_ =	sdelay $0x6  }
0x601: {  	p0 =	sne.s32 s24, $0x100  }
.Ltmp8:
0x602: {  	_ = 	snop;
	(pc) =	sbr.rel @p0 .LBB2_15-.Ltmp8, $3  }
0x603: {  	v11 =	vpop (erf)  }
0x604: {  	v11 =	vmul.f32 v11, v12;
	_ =	sdelay $0x1  }
0x605: {  	s24 =	sadd.s32 $0x40, s24;
	[tilespmem:s3+$0x1F240] =	vst v11  }
0x606: {  	s11 =	sadd.s32 $0x1, s11  }
0x607: {  	p0 =	sne.s32 s11, $0x32  }
.Ltmp9:
0x608: {  	_ = 	snop;
	(pc) =	sbr.rel @p0 .LBB2_8-.Ltmp9, $3  }
0x609: {  	_ =	sdelay $0x1  }
0x60a: {  	s3 =	sadd.s32 s2, s12  }
0x60b: {  	[hbm4b:s3+s5] =	stream.linear.scatter [tilespmem:s10], [sflag:$0x8], $0x7D0, $0x38;
	[tilespmem:$0x1F2F0] =	vst v63  }
0x60c: {  	s3 =	simm.s32 $0x7  }
0x60d: {  	_ =	swait.ge [sflag:s3], $0x7D0  }
0x60e: {  	[sflag:s3] =	ssyncset.done $0x0  }
0x60f: {  	s4 =	simm.s32 $0x8;
	[sflag:s3] =	ssyncadd.s32 $0xFFFFF830  }
0x610: {  	_ =	swait.ge [sflag:s4], $0x7D0  }
0x611: {  	s7 =	rddreg [dreg:$0xc]  }
0x612: {  	s30 =	rddreg [dreg:$0xb];
	s7 =	sadd.s32 $0x1, s7  }
0x613: {  	p0 =	sne.s32 s7, s30  }
.Ltmp10:
0x614: {  	v11 =	vld [tilespmem:$0x1FFB0];
	(pc) =	sbr.rel @p0 .LBB2_1-.Ltmp10, $4  }
0x615: {  	v12 =	vld [tilespmem:$0x1FFC0]  }
0x616: {  	[sflag:s4] =	ssyncset.done $0x0;
	v13 =	vld [tilespmem:$0x1FFD0]  }
0x617: {  	s28 =	rddreg [dreg:$0x5];
	v14 =	vld [tilespmem:$0x1FFE0];
	[sflag:s4] =	ssyncadd.s32 $0xFFFFF830  }
0x618: {  	s24 =	stileid.u32;
	v15 =	vld [tilespmem:$0x1FFF0];
	s22 =	rddreg [dreg:$0x3]  }
0x619: {  	_ =	sfence.sel $0x180000  }
0x61a: {  	[bflag:$0x0] =	sbarrier.arrive $0xFFFF  }
0x61b: {  	_ =	strace $0x9000004A  }
0x61c: {  	[bflag:$0x2] =	sbarrier.arrive $0xFFFF  }
0x61d: {  	p0 =	sne.s32 s24, $0x0;
	s0 =	rddreg [dreg:$0x4]  }
0x61e: {  	s0 =	sadd.s32 @!p0 $0x100000, s0  }
0x61f: {  	[sflag:s0] =	ssyncadd.tile.s32 @!p0 $0x1;
	_ =	shalt  }
.Lfunc_end2:
_tile_overlayer_lowered:
.L_overlay_start_2:
0x620: {  	(tag) =	ssettag $0x2  }
0x621: {  	s0 =	rddreg [dreg:$0x0];
	s2 =	stileid.u32  }
0x622: {  	s1 =	rddreg [dreg:$0x1];
	p0 =	sne.s32 s2, $0x0  }
0x623: {  	s3 =	rddreg [dreg:$0x2];
	[bflag:$0x3] =	sbarrier.arrive $0xFFFF;
	s2 =	simm.s32 @!p0 $0x1C09  }
0x624: {  	[timem:s3], [sflag:s2] =	dma.local @!p0 [hbm:s0], s1  }
0x625: {  	s0 =	simm.s32 @!p0 $0x9  }
0x626: {  	_ =	swait.ge @!p0 [sflag:s0], s1  }
0x627: {  	s1 =	ssub.s32 @!p0 $0x0, s1;
	[sflag:s0] =	ssyncset.done @!p0 $0x0  }
0x628: {  	[sflag:s0] =	ssyncadd.s32 @!p0 s1  }
0x629: {  	[bflag:$0x3] =	sbarrier.arrive $0xFFFF  }
0x62a: {  	_ =	shalt  }

// kernel: sparse-core-data-format-call.cloned.1.call-start
scs
called_computation_lowered:
.L_overlay_start_0:
0x0: {  	s2 =	sld [smem:$0x3FD9]  }
0x1: {  	s3 =	sld [smem:$0x3FFE];
	_ =	sdelay $0x1  }
0x2: {  	s1 =	srdreg.scid  }
0x3: {  	s0 =	sand.u32 $0x1, s1  }
0x4: {  	s18 =	sshll.u32 s0, $0xA;
	s2 =	sadd.s32 s3, s2  }
0x5: {  	s2 =	sadd.s32 s2, s18  }
0x6: {  	[smem:$0x3FC4] =	sst s2  }
0x7: {  	_ = 	snop  }
0x8: {  	s2 =	sld [smem:$0x3FC7];
	(tm) =	ssettm $0x1  }
0x9: {  	s19 =	sld [smem:$0x3FFB];
	_ =	sdelay $0x3  }
0xa: {  	_ =	strace s19  }
0xb: {  	s3 =	sld [smem:$0x3FFC];
	_ =	sdelay $0x3  }
0xc: {  	_ =	strace s3  }
0xd: {  	s3 =	sld [smem:$0x3FFD];
	_ =	sdelay $0x3  }
0xe: {  	_ =	strace s3  }
0xf: {  	_ =	strace $0x8FFFFFFF  }
0x10: {  	s20 =	sld [smem:$0x3FDB];
	_ =	sdelay $0x1  }
0x11: {  	s4 =	simm.s32 $_scs_section_size  }
0x12: {  	s5 =	simm.s32 $_size__tile_overlayer_lowered;
	s6 =	simm.s32 $_tile_overlayer_lowered  }
0x13: {  	s23 =	simm.s32 $0x1BFF;
	s22 =	sshll.u32 s6, $0x1;
	s3 =	sadd.s32 s4, s20  }
0x14: {  	s7 =	simm.s32 $0x0;
	s21 =	sshll.u32 s5, $0x1;
	s5 =	sadd.s32 s22, s3  }
0x15: {  	[timem:s7], [sflag:s23] =	dma.local [hbm:s5], s21  }
0x16: {  	_ =	swait.ge [sflag:s23], s21  }
0x17: {  	s4 =	ssub.s32 $0x0, s21;
	[sflag:s23] =	ssyncset.done $0x0  }
0x18: {  	[sflag:s23] =	ssyncadd.s32 s4;
	_ =	sdelay $0x1  }
0x19: {  	s24 =	simm.s32 $0x1B8B  }
0x1a: {  	_ =	swait.ge [sflag:s24], $0x1  }
0x1b: {  	[sflag:s24] =	ssyncset.done $0x0  }
0x1c: {  	s26 =	simm.s32 $0x1B8E;
	s25 =	sld [smem:$0x3FFE];
	[sflag:s24] =	ssyncadd.s32 $0xFFFFFFFF  }
0x1d: {  	s27 =	simm.s32 $execute0_lowered;
	[smem:$0x3FD2] =	sst s26  }
0x1e: {  	s5 =	sshll.u32 s27, $0x1;
	_ =	strace $0x80000046;
	[dreg:$0x1] =	wrdreg $0xFFFFFFFF  }
0x1f: {  	s28 =	simm.s32 $_size_execute0_lowered;
	s3 =	sadd.s32 s3, s5;
	[dreg:$0x0] =	wrdreg $0x0  }
0x20: {  	s5 =	sshll.u32 s28, $0x1;
	[dreg:$0x2] =	wrdreg s3  }
0x21: {  	[dreg:$0x3] =	wrdreg s5  }
0x22: {  	[dreg:$0x4] =	wrdreg $0xC0  }
0x23: {  	_ =	task [dreg:s7], $0x5FFFF  }
0x24: {  	[dreg:$0x1] =	wrdreg $0xFFFFFFFF  }
0x25: {  	[dreg:$0x0] =	wrdreg $0x60  }
0x26: {  	[dreg:$0x2] =	wrdreg s2  }
0x27: {  	[dreg:$0x3] =	wrdreg s25  }
0x28: {  	[dreg:$0x4] =	wrdreg $0x9  }
0x29: {  	_ =	task.clear_ibuf [dreg:s7], $0x5FFFF;
	_ =	strace $0x90000046  }
0x2a: {  	s29 =	simm.s32 $0x9;
	_ =	strace $0x80000048  }
0x2b: {  	_ =	swait.ge [sflag:s29], $0x1  }
0x2c: {  	[sflag:s29] =	ssyncadd.s32 $0xFFFFFFFF  }
0x2d: {  	_ =	strace $0x90000048  }
0x2e: {  	_ =	sfence  }
0x2f: {  	s30 =	sld [smem:$0x0];
	_ =	sdelay $0x2  }
0x30: {  	s31 =	sshll.u32 s1, $0xD;
	s1 =	sshrl.u32 s1, $0x2  }
0x31: {  	s3 =	sand.u32 $0x4000, s31;
	s1 =	sadd.s32 s1, s30  }
0x32: {  	s0 =	sor.u32 s3, s0;
	s1 =	sshll.u32 s1, $0x11  }
0x33: {  	s0 =	sor.u32 s1, s0  }
0x34: {  	s0 =	sadd.s32 $0x8F2B, s0  }
0x35: {  	[sflag:s0] =	ssyncadd.remote.s32 $0x1  }
0x36: {  	_ =	sfence.sel $0xFFFF  }
0x37: {  	[dreg:$0x0] =	wrdreg $0xFFFFFFFF;
	(pc) =	sbr.abs _section_cstart, $3  }
0x38: {  	[dreg:$0x1] =	wrdreg $0xFFFFFFFF  }
0x39: {  	_ =	task.clear_ibuf [dreg:s7], $0x2FFFF;
	_ =	strace $0x9FFFFFFF  }
0x3a: {  	(tm) =	ssettm $0x7FFFFFFF  }
0x3b: {  	_ =	shalt  }
tec
execute0_lowered:
.L_overlay_start_1:
0x0: {  	(tag) =	ssettag $0x1  }
0x1: {  	s0 =	stileid.u32;
	s7 =	rddreg [dreg:$0x0]  }
0x2: {  	s1 =	srdreg.scid;
	s4 =	rddreg [dreg:$0x1]  }
0x3: {  	s30 =	simm.s32 $0x2;
	s10 =	simm.s32 $0x0;
	s14 =	simm.s32 $0x0  }
0x4: {  	s15 =	simm.s32 $0x0;
	s11 =	simm.s32 $0x0;
	s13 =	simm.s32 $0x0  }
0x5: {  	s2 =	sand.u32 $0x1, s1;
	s3 =	sshll.u32 s0, $0x7;
	s1 =	rddreg [dreg:$0x2]  }
0x6: {  	_ =	strace $0x80000047;
	s5 =	ssub.s32 $0xC300, s3;
	s6 =	ssub.s32 $0x2, s2  }
.Ltmp0:
0x7: {  	s5 =	sshrl.u32 s5, $0xB;
	s8 =	sshrl.u32 s6, $0x1;
	(pc) =	sbr.rel .LBB1_1-.Ltmp0, $4  }
0x8: {  	s4 =	sadd.s32 $0xE00, s4;
	s9 =	sadd.s32 $0x1, s5;
	s6 =	ssub.s32 s6, s8  }
0x9: {  	s31 =	sshll.u32 s2, $0x4;
	s5 =	simm.s32 $0x1;
	s6 =	smul.u32 s9, s6  }
0xa: {  	s12 =	smov.u32 s3;
	s7 =	sadd.s32 s7, s31;
	[sflag:s5] =	ssyncpa.u1 $0x0  }
0xb: {  	s9 =	simm.s32 $0x0;
	[sflag:s30] =	ssyncpa.u1 $0x0;
	s8 =	sadd.s32 $0x1, s6  }
.LBB1_4:
0xc: {  	s21 =	simm.s32 $0x0  }
.LBB1_8:
0xd: {  	_ =	sdelay $0x3  }
0xe: {  	v6 =	vld [tilespmem:s18+$0xFFFFFFC0];
	[tilespmem:v0+s20+$0x30 ss:$0x1] =	vst.idx.msk @p0 $0xffff, v2  }
0xf: {  	v58 =	vld [tilespmem:s18+$0xFFFFFFD0];
	[tilespmem:v0+s20+$0x40 ss:$0x1] =	vst.idx.msk @p0 $0xffff, v3;
	s21 =	sadd.s32 @p0 $0x80, s21  }
0x10: {  	v59 =	vld [tilespmem:s18+$0xFFFFFFE0];
	[tilespmem:v0+s20+$0x50 ss:$0x1] =	vst.idx.msk @p0 $0xffff, v5;
	s19 =	smov.u32 @p0 s21  }
0x11: {  	v60 =	vld [tilespmem:s18+$0xFFFFFFF0];
	[tilespmem:v0+s20+$0x60 ss:$0x1] =	vst.idx.msk @p0 $0xffff, v4;
	s19 =	sand.u32 $0x3F80, s19  }
0x12: {  	v61 =	vld [tilespmem:s18+$0x0];
	[tilespmem:v0+s19+$0x70 ss:$0x1] =	vst.idx.msk $0xffff, v1  }
0x13: {  	v62 =	vld [tilespmem:s18+$0x10];
	[tilespmem:v0+s19+$0x0 ss:$0x1] =	vst.idx.msk $0xffff, v6  }
0x14: {  	v63 =	vld [tilespmem:s18+$0x20];
	[tilespmem:v0+s19+$0x10 ss:$0x1] =	vst.idx.msk $0xffff, v58  }
0x15: {  	[tilespmem:v0+s19+$0x20 ss:$0x1] =	vst.idx.msk $0xffff, v59  }
0x16: {  	[tilespmem:v0+s19+$0x30 ss:$0x1] =	vst.idx.msk $0xffff, v60  }
0x17: {  	[tilespmem:v0+s19+$0x40 ss:$0x1] =	vst.idx.msk $0xffff, v61  }
0x18: {  	[tilespmem:v0+s19+$0x50 ss:$0x1] =	vst.idx.msk $0xffff, v62  }
0x19: {  	[tilespmem:v0+s19+$0x60 ss:$0x1] =	vst.idx.msk $0xffff, v63  }
.LBB1_9:
0x1a: {  	s18 =	sand.u32 $0x1FFFFFF, s11  }
0x1b: {  	s19 =	smulhi.u32 $0x14F8B59, s18;
	_ =	sdelay $0x1  }
0x1c: {  	s19 =	sshrl.u32 s19, $0x8  }
0x1d: {  	s19 =	smul.u32 $0xC350, s19  }
0x1e: {  	s15 =	smul.u32 $0xC3500, s15  }
0x1f: {  	s18 =	ssub.s32 s18, s19  }
0x20: {  	s15 =	sadd.s32 s4, s15;
	s18 =	sshll.u32 s18, $0x4  }
0x21: {  	s15 =	sadd.s32 s18, s15  }
0x22: {  	[hbm4b:s15+s9] =	stream.linear.scatter [tilespmem:s17], [sflag:$0x2], s16, $0x38;
	[tilespmem:$0x10000] =	vst v63  }
.LBB1_10:
0x23: {  	p0 =	slt.u32 s13, $0x2  }
0x24: {  	p1 =	sgt.s32 @!p0 s14, $0xC2D0  }
0x25: {  	s15 =	smov.u32 s14;
	s16 =	sshra.s32 @!p0 s14, $0x1F;
	p1 =	por !p1, p0  }
0x26: {  	s14 =	sand.u32 @!p0 s16, s14;
	s15 =	simm.s32 @p1 $0xC2D0  }
0x27: {  	s14 =	ssub.s32 @!p0 s15, s14  }
0x28: {  	s14 =	sadd.s32 @!p0 $0xFFFF3D30, s14  }
0x29: {  	s15 =	sshll.u32 @!p0 s14, $0x7  }
0x2a: {  	p1 =	sgt.s32 @!p0 s14, $0x7F;
	s14 =	ssub.s32 @!p0 $0x4000, s15  }
0x2b: {  	s16 =	sadd.s32 $0x800, s12;
	p1 =	por !p1, p0;
	s14 =	sand.u32 @!p0 $0x3FFFFF80, s14  }
0x2c: {  	s14 =	simm.s32 @!p1 $0x0;
	p1 =	sgt.s32 s16, $0xC34F  }
0x2d: {  	s16 =	smov.u32 @p1 s3;
	p1 =	sne.s32 s13, s8  }
.Ltmp1:
0x2e: {  	_ = 	snop;
	(pc) =	sbr.rel @!p1 .LBB1_11-.Ltmp1, $4  }
0x2f: {  	s10 =	sadd.s32 $0x4000, s10;
	s15 =	simm.s32 @!p0 $0x2  }
0x30: {  	_ =	swait.ge @!p0 [sflag:s15], s14;
	s17 =	ssub.s32 @!p0 $0x0, s14;
	s14 =	smov.u32 s11  }
0x31: {  	s13 =	sadd.s32 $0x1, s13;
	s11 =	smov.u32 s12;
	[sflag:s15] =	ssyncset.done @!p0 $0x0  }
0x32: {  	s12 =	smov.u32 s16;
	[sflag:s15] =	ssyncadd.s32 @!p0 s17;
	s15 =	smov.u32 s2  }
.LBB1_1:
0x33: {  	p0 =	sge.u32 s13, s6  }
0x34: {  	p1 =	sgt.s32 @!p0 s12, $0xC2D0  }
0x35: {  	s16 =	smov.u32 s12;
	s17 =	sshra.s32 @!p0 s12, $0x1F;
	p1 =	por !p1, p0  }
0x36: {  	s17 =	sand.u32 @!p0 s17, s12;
	s16 =	simm.s32 @p1 $0xC2D0  }
0x37: {  	s16 =	ssub.s32 @!p0 s16, s17  }
0x38: {  	s31 =	sadd.s32 $0xFFFFFFFF, s13;
	s18 =	sxor.u32 @!p0 $0xFFFFFFFF, s13;
	s16 =	sadd.s32 @!p0 $0xFFFF3D30, s16  }
0x39: {  	s19 =	simm.s32 @!p0 $0x80;
	s20 =	simm.s32 @!p0 $0x100;
	s17 =	sshll.u32 @!p0 s16, $0x7  }
0x3a: {  	p1 =	sgt.s32 @!p0 s16, $0x7F;
	s16 =	ssub.s32 @!p0 $0x4000, s17;
	s17 =	sshll.u32 @!p0 s18, $0xE  }
0x3b: {  	p1 =	por !p1, p0;
	s18 =	sshll.u32 @!p0 s12, $0x5;
	s16 =	sand.u32 @!p0 $0x3FFFFF80, s16  }
0x3c: {  	s17 =	sand.u32 @!p0 $0x4000, s17;
	s18 =	sadd.s32 @!p0 s18, s7;
	s16 =	simm.s32 @!p1 $0x0  }
0x3d: {  	[tilespmem:s17], [sflag:$0x1] =	stream.strided.gather @!p0 [hbm4b:s18+s19], s16, s20, s19, $0x38;
	[tilespmem:$0x10000] =	vst v63  }
0x3e: {  	p0 =	sge.u32 s31, s6  }
.Ltmp2:
0x3f: {  	_ = 	snop;
	(pc) =	sbr.rel @p0 .LBB1_10-.Ltmp2, $1  }
0x40: {  	_ =	sdelay $0x3  }
0x41: {  	p0 =	sgt.s32 s11, $0xC2D0;
	s16 =	smov.u32 s11;
	s17 =	sshra.s32 s11, $0x1F  }
0x42: {  	s16 =	simm.s32 @!p0 $0xC2D0;
	s17 =	sand.u32 s17, s11  }
0x43: {  	s16 =	ssub.s32 s16, s17  }
0x44: {  	s16 =	sadd.s32 $0xFFFF3D30, s16  }
0x45: {  	s30 =	sshll.u32 s16, $0x7  }
0x46: {  	s17 =	ssub.s32 $0x4000, s30  }
0x47: {  	p0 =	sgt.s32 s16, $0x7F;
	s16 =	sand.u32 $0x3FFFFF80, s17;
	s17 =	sadd.s32 $0x80, s11  }
0x48: {  	s16 =	simm.s32 @p0 $0x0;
	p0 =	slt.s32 s17, $0xC350  }
0x49: {  	s17 =	simm.s32 @!p0 $0xC350  }
0x4a: {  	s20 =	ssub.s32 s17, s11  }
0x4b: {  	p0 =	slt.s32 s20, $0x1  }
.Ltmp3:
0x4c: {  	_ = 	snop;
	(pc) =	sbr.rel @p0 .LBB1_9-.Ltmp3, $4  }
0x4d: {  	_ = 	snop  }
0x4e: {  	s19 =	sshll.u32 s13, $0xE;
	_ =	swait.ge [sflag:s5], s16  }
0x4f: {  	s31 =	sand.u32 $0x4000, s19;
	s18 =	ssub.s32 $0x0, s16;
	[sflag:s5] =	ssyncset.done $0x0  }
0x50: {  	s17 =	sor.u32 $0x8000, s31;
	[sflag:s5] =	ssyncadd.s32 s18  }
0x51: {  	p1 =	sne.s32 s20, $0x1  }
.Ltmp4:
0x52: {  	v0 =	vmov s17;
	(pc) =	sbr.rel @!p1 .LBB1_4-.Ltmp4, $4  }
0x53: {  	_ = 	snop  }
0x54: {  	s18 =	sand.u32 $0x4000, s10  }
0x55: {  	s18 =	sor.u32 $0x40, s18  }
0x56: {  	s19 =	simm.s32 $0x0;
	s21 =	sadd.s32 $0xFFFFFFFF, s20;
	p0 =	por $0x0, $0x0;
	v1 =	vld [tilespmem:s18+$0x30]  }
0x57: {  	v4 =	vld [tilespmem:s18+$0xFFFFFFC0]  }
0x58: {  	v6 =	vld [tilespmem:s18+$0xFFFFFFD0]  }
0x59: {  	v7 =	vld [tilespmem:s18+$0xFFFFFFE0];
	p1 =	sne.s32 s21, $0x1  }
.Ltmp5:
0x5a: {  	v2 =	vld [tilespmem:s18+$0xFFFFFFF0];
	s20 =	sand.u32 $0x3F80, s19;
	(pc) =	sbr.rel @!p1 .LBB1_6-.Ltmp5, $4  }
0x5b: {  	v3 =	vld [tilespmem:s18+$0x0];
	[tilespmem:v0+s20+$0x70 ss:$0x1] =	vst.idx.msk $0xffff, v1  }
0x5c: {  	v5 =	vld [tilespmem:s18+$0x10];
	[tilespmem:v0+s20+$0x0 ss:$0x1] =	vst.idx.msk $0xffff, v4  }
0x5d: {  	v4 =	vld [tilespmem:s18+$0x20];
	[tilespmem:v0+s20+$0x10 ss:$0x1] =	vst.idx.msk $0xffff, v6;
	s18 =	sadd.s32 $0x80, s18  }
0x5e: {  	s22 =	sadd.s32 $0xFFFFFFFF, s21;
	p0 =	por $0x1, $0x1;
	s21 =	simm.s32 $0x0;
	[tilespmem:v0+s20+$0x20 ss:$0x1] =	vst.idx.msk $0xffff, v7;
	v1 =	vld [tilespmem:s18+$0x30]  }
.LBB1_7:
0x5f: {  	p1 =	sne.s32 s22, $0x1;
	v6 =	vld [tilespmem:s18+$0xFFFFFFC0];
	[tilespmem:v0+s20+$0x30 ss:$0x1] =	vst.idx.msk $0xffff, v2  }
0x60: {  	v7 =	vld [tilespmem:s18+$0xFFFFFFD0];
	[tilespmem:v0+s20+$0x40 ss:$0x1] =	vst.idx.msk $0xffff, v3  }
0x61: {  	s21 =	sadd.s32 $0x80, s21;
	v8 =	vld [tilespmem:s18+$0xFFFFFFE0];
	[tilespmem:v0+s20+$0x50 ss:$0x1] =	vst.idx.msk $0xffff, v5  }
.Ltmp6:
0x62: {  	v2 =	vld [tilespmem:s18+$0xFFFFFFF0];
	[tilespmem:v0+s20+$0x60 ss:$0x1] =	vst.idx.msk $0xffff, v4;
	s20 =	sand.u32 $0x3F80, s21;
	(pc) =	sbr.rel @p1 .LBB1_7-.Ltmp6, $4  }
0x63: {  	v3 =	vld [tilespmem:s18+$0x0];
	[tilespmem:v0+s20+$0x70 ss:$0x1] =	vst.idx.msk $0xffff, v1  }
0x64: {  	[tilespmem:v0+s20+$0x0 ss:$0x1] =	vst.idx.msk $0xffff, v6;
	v5 =	vld [tilespmem:s18+$0x10]  }
0x65: {  	[tilespmem:v0+s20+$0x10 ss:$0x1] =	vst.idx.msk $0xffff, v7;
	v4 =	vld [tilespmem:s18+$0x20];
	s18 =	sadd.s32 $0x80, s18  }
0x66: {  	s22 =	sadd.s32 $0xFFFFFFFF, s22;
	v1 =	vld [tilespmem:s18+$0x30];
	[tilespmem:v0+s20+$0x20 ss:$0x1] =	vst.idx.msk $0xffff, v8  }
.Ltmp7:
0x67: {  	_ = 	snop;
	(pc) =	sbr.rel .LBB1_8-.Ltmp7, $1  }
0x68: {  	_ =	sdelay $0x3  }
.LBB1_6:
.Ltmp8:
0x69: {  	(pc) =	sbr.rel .LBB1_8-.Ltmp8, $2  }
0x6a: {  	_ =	sdelay $0x2  }
0x6b: {  	s21 =	simm.s32 $0x0  }
.LBB1_11:
0x6c: {  	_ =	sfence.sel $0x180000  }
0x6d: {  	s2 =	simm.s32 $0x1;
	[bflag:$0x0] =	sbarrier.arrive $0xFFFF  }
0x6e: {  	s31 =	simm.s32 $0x2;
	[sflag:s2] =	ssyncpa.u1 $0x1  }
0x6f: {  	[sflag:s31] =	ssyncpa.u1 $0x1  }
0x70: {  	p0 =	sne.s32 s0, $0x0;
	_ =	strace $0x90000047  }
0x71: {  	s0 =	sadd.s32 @!p0 $0x100000, s1;
	[bflag:$0x2] =	sbarrier.arrive $0xFFFF  }
0x72: {  	[sflag:s0] =	ssyncadd.tile.s32 @!p0 $0x1;
	_ =	shalt  }
.Lfunc_end1:
_tile_overlayer_lowered:
.L_overlay_start_2:
0x73: {  	(tag) =	ssettag $0x2  }
0x74: {  	s0 =	rddreg [dreg:$0x0];
	s2 =	stileid.u32  }
0x75: {  	s1 =	rddreg [dreg:$0x1];
	p0 =	sne.s32 s2, $0x0  }
0x76: {  	s3 =	rddreg [dreg:$0x2];
	[bflag:$0x3] =	sbarrier.arrive $0xFFFF;
	s2 =	simm.s32 @!p0 $0x1C01  }
0x77: {  	[timem:s3], [sflag:s2] =	dma.local @!p0 [hbm:s0], s1  }
0x78: {  	s0 =	simm.s32 @!p0 $0x1  }
0x79: {  	_ =	swait.ge @!p0 [sflag:s0], s1  }
0x7a: {  	s1 =	ssub.s32 @!p0 $0x0, s1;
	[sflag:s0] =	ssyncset.done @!p0 $0x0  }
0x7b: {  	[sflag:s0] =	ssyncadd.s32 @!p0 s1  }
0x7c: {  	[bflag:$0x3] =	sbarrier.arrive $0xFFFF  }
0x7d: {  	_ =	shalt  }

</sc_bundles>
